<compile_context>
chip_gen: v7x
topology: tpu7x:2x2x1
jax: 0.10.2.dev20260603
libtpu: 0.0.44.dev20260713+nightly
codegen_flags: <defaults>
</compile_context>

<pallas_src>
import jax
import jax.numpy as jnp
from jax import lax
from jax.experimental import pallas as pl
from jax.experimental.pallas import tpu as pltpu
from jax.experimental.pallas import tpu_sc as plsc

V = 100000
H = 128
SEG = 2
AGE = 120
GEN = 3
ETH = 10
INS = 5
P = 512
B = 1024
S = 200
EPS = 1e-12

NC = 2
NS = 16
L = 16
NW = NC * NS
N = B * S
TPW = N // NW
CH = 80
NCHUNK = TPW // CH
KG = H // L
NCAT = SEG * GEN * ETH * INS


def _rsqrt(x):
    i = lax.bitcast_convert_type(x, jnp.int32)
    y = lax.bitcast_convert_type(jnp.int32(0x5F3759DF) - (i >> 1), jnp.float32)
    for _ in range(2):
        y = y * (1.5 - 0.5 * x * y * y)
    return y


def _sc_body(word_ids, age_ids, seg_ids, gen_ids, eth_ids, ins_ids, posi_ids,
             word_w, ac_w, posi_w, gamma, beta,
             out,
             widx, aidx, sidx, gidx, eidx, iidx, pidx, acidx,
             wrows, acrows, posi_v, gb, statsf, mrbuf,
             sem_idx, sem_gat, sem_out):
    wid = lax.axis_index("s") * NC + lax.axis_index("c")
    base = wid * TPW

    pltpu.sync_copy(gamma, gb.at[0])
    pltpu.sync_copy(beta, gb.at[1])
    pltpu.sync_copy(posi_w, posi_v)
    gvec = [gb[0, pl.ds(k * L, L)] for k in range(KG)]
    bvec = [gb[1, pl.ds(k * L, L)] for k in range(KG)]

    idx_pairs = ((word_ids, widx), (age_ids, aidx), (seg_ids, sidx),
                 (gen_ids, gidx), (eth_ids, eidx), (ins_ids, iidx),
                 (posi_ids, pidx))

    def stage_idx(g, b):
        off = base + g * CH
        for src, dst in idx_pairs:
            pltpu.async_copy(src.at[pl.ds(off, CH)], dst.at[b], sem_idx)

    def wait_idx(b):
        for src, dst in idx_pairs:
            pltpu.make_async_copy(src.at[pl.ds(0, CH)], dst.at[b], sem_idx).wait()

    def fuse_cats(b):
        for g in range(CH // L):
            sl = pl.ds(g * L, L)
            cc = ((sidx[b, sl] * GEN + gidx[b, sl]) * ETH + eidx[b, sl]) * INS \
                + iidx[b, sl]
            acidx[b, sl] = aidx[b, sl] * NCAT + cc

    def issue_gathers(b):
        pltpu.async_copy(word_w.at[widx.at[b]], wrows.at[b], sem_gat)
        pltpu.async_copy(ac_w.at[acidx.at[b]], acrows.at[b], sem_gat)

    def wait_gathers(b):
        pltpu.make_async_copy(word_w.at[pl.ds(0, CH)], wrows.at[b], sem_gat).wait()
        pltpu.make_async_copy(ac_w.at[pl.ds(0, CH)], acrows.at[b], sem_gat).wait()

    def wait_scatter(b):
        pltpu.make_async_copy(wrows.at[b], out.at[pl.ds(0, CH)], sem_out).wait()

    def compute_chunk(b):
        iota_ch = lax.iota(jnp.int32, L) * CH
        iota_l = lax.iota(jnp.int32, L)

        @plsc.parallel_loop(0, CH, unroll=2)
        def token_sum(t):
            tg = jnp.bitwise_and(t, jnp.int32(~(L - 1)))
            lane = jnp.bitwise_and(t, jnp.int32(L - 1))
            pvec = pidx[b, pl.ds(tg, L)]
            pid = jnp.take_along_axis(
                pvec, jnp.full((L,), lane, dtype=jnp.int32), axis=0)
            paddr = pid * H + iota_l
            acc = None
            acc2 = None
            for k in range(KG):
                sl = pl.ds(k * L, L)
                pk = plsc.load_gather(posi_v, [paddr + (k * L)])
                x = (wrows[b, t, sl] + acrows[b, t, sl]) + pk
                wrows[b, t, sl] = x
                acc = x if acc is None else acc + x
                acc2 = x * x if acc2 is None else acc2 + x * x
            idx_a = iota_ch + jnp.full((L,), t, dtype=jnp.int32)
            plsc.store_scatter(statsf, [idx_a], acc)
            plsc.store_scatter(statsf, [idx_a + (L * CH)], acc2)

        def group_body(g, gc):
            s = None
            s2 = None
            for lane in range(L):
                va = statsf[pl.ds(lane * CH + g * L, L)]
                s = va if s is None else s + va
            for lane in range(L):
                vb = statsf[pl.ds((L + lane) * CH + g * L, L)]
                s2 = vb if s2 is None else s2 + vb
            mean_vec = s * (1.0 / H)
            msq_vec = s2 * (1.0 / H)
            var_vec = jnp.maximum(msq_vec - mean_vec * mean_vec, 0.0) + EPS
            rstd_vec = _rsqrt(var_vec)
            mrbuf[0, pl.ds(g * L, L)] = mean_vec
            mrbuf[1, pl.ds(g * L, L)] = rstd_vec
            return gc

        lax.fori_loop(0, CH // L, group_body, 0)

        @plsc.parallel_loop(0, CH, unroll=2)
        def token_norm(t):
            tg = jnp.bitwise_and(t, jnp.int32(~(L - 1)))
            lane = jnp.bitwise_and(t, jnp.int32(L - 1))
            lane_splat = jnp.full((L,), lane, dtype=jnp.int32)
            mean_v = jnp.take_along_axis(mrbuf[0, pl.ds(tg, L)], lane_splat,
                                         axis=0)
            rstd_v = jnp.take_along_axis(mrbuf[1, pl.ds(tg, L)], lane_splat,
                                         axis=0)
            for k in range(KG):
                sl = pl.ds(k * L, L)
                xh = (wrows[b, t, sl] - mean_v) * rstd_v
                wrows[b, t, sl] = xh * gvec[k] + bvec[k]

    stage_idx(0, 0)
    wait_idx(0)
    fuse_cats(0)
    issue_gathers(0)
    stage_idx(1, 1)

    def pair_body(g2, carry):
        for bsel in range(2):
            g = g2 * 2 + bsel
            nb = 1 - bsel

            @pl.when(g + 1 < NCHUNK)
            def _prefetch():
                wait_idx(nb)
                fuse_cats(nb)

                @pl.when(g >= 1)
                def _():
                    wait_scatter(nb)

                issue_gathers(nb)

            wait_gathers(bsel)
            compute_chunk(bsel)
            pltpu.async_copy(wrows.at[bsel], out.at[pl.ds(base + g * CH, CH)],
                             sem_out)

            @pl.when(g + 2 < NCHUNK)
            def _():
                stage_idx(g + 2, bsel)
        return carry

    lax.fori_loop(0, NCHUNK // 2, pair_body, 0, unroll=False)
    wait_scatter(1)


@jax.jit
def _run(word_ids, age_ids, seg_ids, gen_ids, eth_ids, ins_ids, posi_ids,
         word_w, ac_w, posi_w, gamma, beta):
    mesh = plsc.VectorSubcoreMesh(core_axis_name="c", subcore_axis_name="s")
    f = pl.kernel(
        _sc_body,
        out_type=jax.ShapeDtypeStruct((N, H), jnp.float32),
        mesh=mesh,
        compiler_params=pltpu.CompilerParams(needs_layout_passes=False),
        scratch_types=[
            pltpu.VMEM((2, CH), jnp.int32),
            pltpu.VMEM((2, CH), jnp.int32),
            pltpu.VMEM((2, CH), jnp.int32),
            pltpu.VMEM((2, CH), jnp.int32),
            pltpu.VMEM((2, CH), jnp.int32),
            pltpu.VMEM((2, CH), jnp.int32),
            pltpu.VMEM((2, CH), jnp.int32),
            pltpu.VMEM((2, CH), jnp.int32),
            pltpu.VMEM((2, CH, H), jnp.float32),
            pltpu.VMEM((2, CH, H), jnp.float32),
            pltpu.VMEM((P * H,), jnp.float32),
            pltpu.VMEM((2, H), jnp.float32),
            pltpu.VMEM((2 * L * CH,), jnp.float32),
            pltpu.VMEM((2, CH), jnp.float32),
            pltpu.SemaphoreType.DMA,
            pltpu.SemaphoreType.DMA,
            pltpu.SemaphoreType.DMA,
        ],
    )
    return f(word_ids, age_ids, seg_ids, gen_ids, eth_ids, ins_ids, posi_ids,
             word_w, ac_w, posi_w, gamma, beta)


def kernel(word_ids, age_ids, gender_ids, ethni_ids, ins_ids, seg_ids, posi_ids,
           word_w, seg_w, age_w, gender_w, ethni_w, ins_w, posi_w, ln_gamma, ln_beta):
    cat_w = (seg_w[:, None, None, None, :] + gender_w[None, :, None, None, :]
             + ethni_w[None, None, :, None, :] + ins_w[None, None, None, :, :]
             ).reshape(NCAT, H)
    ac_w = (age_w[:, None, :] + cat_w[None, :, :]).reshape(AGE * NCAT, H)
    flat = lambda x: x.reshape(N).astype(jnp.int32)
    out = _run(flat(word_ids), flat(age_ids), flat(seg_ids), flat(gender_ids),
               flat(ethni_ids), flat(ins_ids), flat(posi_ids),
               word_w, ac_w, posi_w.reshape(P * H), ln_gamma, ln_beta)
    return out.reshape(B, S, H)

# --- scband reference (transcript-rebuilt; emitter-appended) ---
"""Pipeline reference for scband-bert-embeddings-52149492908322 (READ-ONLY COPY).

The authoritative reference and input builder live on the scoring server;
editing this copy changes nothing except your own understanding.
"""

import jax, jax.numpy as jnp
import numpy as np

V = 100000
H = 128
SEG = 2
AGE = 120
GEN = 3
ETH = 10
INS = 5
P = 512
B = 1024
S = 200
EPS = 1e-12


def _posi_table(max_pos, hidden):
    pos = np.arange(max_pos, dtype=np.float32)[:, None]
    idx = np.arange(hidden, dtype=np.float32)[None, :]
    ang = pos / np.power(10000.0, 2.0 * idx / hidden)
    tab = np.where((np.arange(hidden)[None, :] % 2) == 0, np.sin(ang), np.cos(ang))
    return jnp.asarray(tab.astype(np.float32))


def setup_inputs(seed: int = 0) -> dict:
    key = jax.random.key(seed)
    ks = jax.random.split(key, 16)
    inp = {}
    inp['word_ids'] = jax.random.randint(ks[0], (B, S), 0, V, dtype=jnp.int64) if jax.config.jax_enable_x64 else jax.random.randint(ks[0], (B, S), 0, V, dtype=jnp.int32)
    inp['age_ids'] = jax.random.randint(ks[1], (B, S), 0, AGE, dtype=jnp.int32)
    inp['gender_ids'] = jax.random.randint(ks[2], (B, S), 0, GEN, dtype=jnp.int32)
    inp['ethni_ids'] = jax.random.randint(ks[3], (B, S), 0, ETH, dtype=jnp.int32)
    inp['ins_ids'] = jax.random.randint(ks[4], (B, S), 0, INS, dtype=jnp.int32)
    inp['seg_ids'] = jax.random.randint(ks[5], (B, S), 0, SEG, dtype=jnp.int32)
    inp['posi_ids'] = jax.random.randint(ks[6], (B, S), 0, P, dtype=jnp.int32)
    inp['word_w'] = jax.random.normal(ks[7], (V, H), dtype=jnp.float32) * 0.02
    inp['seg_w'] = jax.random.normal(ks[8], (SEG, H), dtype=jnp.float32) * 0.02
    inp['age_w'] = jax.random.normal(ks[9], (AGE, H), dtype=jnp.float32) * 0.02
    inp['gender_w'] = jax.random.normal(ks[10], (GEN, H), dtype=jnp.float32) * 0.02
    inp['ethni_w'] = jax.random.normal(ks[11], (ETH, H), dtype=jnp.float32) * 0.02
    inp['ins_w'] = jax.random.normal(ks[12], (INS, H), dtype=jnp.float32) * 0.02
    inp['posi_w'] = _posi_table(P, H)
    inp['ln_gamma'] = jnp.ones((H,), dtype=jnp.float32)
    inp['ln_beta'] = jnp.zeros((H,), dtype=jnp.float32)
    return inp


def _layernorm(x, gamma, beta):
    u = jnp.mean(x, axis=-1, keepdims=True)
    v = jnp.mean((x - u) ** 2, axis=-1, keepdims=True)
    return (x - u) / jnp.sqrt(v + EPS) * gamma + beta


def reference(word_ids, age_ids, gender_ids, ethni_ids, ins_ids, seg_ids, posi_ids,
              word_w, seg_w, age_w, gender_w, ethni_w, ins_w, posi_w, ln_gamma, ln_beta):
    word_embed = jnp.take(word_w, word_ids, axis=0)
    segment_embed = jnp.take(seg_w, seg_ids, axis=0)
    age_embed = jnp.take(age_w, age_ids, axis=0)
    gender_embed = jnp.take(gender_w, gender_ids, axis=0)
    ethnicity_embed = jnp.take(ethni_w, ethni_ids, axis=0)
    ins_embed = jnp.take(ins_w, ins_ids, axis=0)
    posi_embed = jnp.take(posi_w, posi_ids, axis=0)
    # age=True branch
    embeddings = word_embed + segment_embed + age_embed + gender_embed + ethnicity_embed + ins_embed + posi_embed
    embeddings = _layernorm(embeddings, ln_gamma, ln_beta)
    # dropout is identity in eval mode
    return embeddings

if __name__ == "__main__":
    import jax
    _d = setup_inputs()
    print(jax.jit(kernel)(*tuple(_d.values())))

</pallas_src>

<mosaic_0001>
#map = affine_map<(d0, d1) -> (0)>
#map1 = affine_map<(d0, d1) -> (0, 0)>
module attributes {stable_mosaic.version = 14 : i64} {
  func.func @_sc_body(%arg0: i32, %arg1: i32, %arg2: memref<204800xi32, #tpu.memory_space<hbm>>, %arg3: memref<204800xi32, #tpu.memory_space<hbm>>, %arg4: memref<204800xi32, #tpu.memory_space<hbm>>, %arg5: memref<204800xi32, #tpu.memory_space<hbm>>, %arg6: memref<204800xi32, #tpu.memory_space<hbm>>, %arg7: memref<204800xi32, #tpu.memory_space<hbm>>, %arg8: memref<204800xi32, #tpu.memory_space<hbm>>, %arg9: memref<100000x128xf32, #tpu.memory_space<hbm>>, %arg10: memref<36000x128xf32, #tpu.memory_space<hbm>>, %arg11: memref<65536xf32, #tpu.memory_space<hbm>>, %arg12: memref<128xf32, #tpu.memory_space<hbm>>, %arg13: memref<128xf32, #tpu.memory_space<hbm>>, %arg14: memref<204800x128xf32, #tpu.memory_space<hbm>>, %arg15: memref<2x80xi32, #tpu.memory_space<vmem>>, %arg16: memref<2x80xi32, #tpu.memory_space<vmem>>, %arg17: memref<2x80xi32, #tpu.memory_space<vmem>>, %arg18: memref<2x80xi32, #tpu.memory_space<vmem>>, %arg19: memref<2x80xi32, #tpu.memory_space<vmem>>, %arg20: memref<2x80xi32, #tpu.memory_space<vmem>>, %arg21: memref<2x80xi32, #tpu.memory_space<vmem>>, %arg22: memref<2x80xi32, #tpu.memory_space<vmem>>, %arg23: memref<2x80x128xf32, #tpu.memory_space<vmem>>, %arg24: memref<2x80x128xf32, #tpu.memory_space<vmem>>, %arg25: memref<65536xf32, #tpu.memory_space<vmem>>, %arg26: memref<2x128xf32, #tpu.memory_space<vmem>>, %arg27: memref<2560xf32, #tpu.memory_space<vmem>>, %arg28: memref<2x80xf32, #tpu.memory_space<vmem>>, %arg29: memref<!tpu.dma_semaphore, #tpu.memory_space<semaphore_mem>>, %arg30: memref<!tpu.dma_semaphore, #tpu.memory_space<semaphore_mem>>, %arg31: memref<!tpu.dma_semaphore, #tpu.memory_space<semaphore_mem>>) attributes {dimension_semantics = [#tpu.dimension_semantics<core_parallel>, #tpu.dimension_semantics<subcore_parallel>], iteration_bounds = array<i64: 2, 16>, scalar_prefetch = 0 : i64, scratch_operands = 17 : i64, tpu.core_type = #tpu.core_type<sc_vector_subcore>, window_params = [{transform_indices = #map}, {transform_indices = #map}, {transform_indices = #map}, {transform_indices = #map}, {transform_indices = #map}, {transform_indices = #map}, {transform_indices = #map}, {transform_indices = #map1}, {transform_indices = #map1}, {transform_indices = #map}, {transform_indices = #map}, {transform_indices = #map}, {transform_indices = #map1}]} {
    %mul3A = arith.constant 2 : i32
    %mul3A_0 = arith.muli %arg1, %mul3A : i32
    %add3A = arith.addi %mul3A_0, %arg0 : i32
    %mul3A_1 = arith.constant 6400 : i32
    %mul3A_2 = arith.muli %add3A, %mul3A_1 : i32
    %run_scoped3A = arith.constant 0 : i32
    "tpu.region"() ({
      %run_scoped3A_515 = tpu.sem_alloc : memref<!tpu.dma_semaphore, #tpu.memory_space<semaphore_mem>>
      %dma_start3A_516 = arith.constant 0 : i32
      %dma_start3A_517 = tpu.memref_slice %arg26[%run_scoped3A, %dma_start3A_516] : memref<2x128xf32, #tpu.memory_space<vmem>> -> memref<1x128xf32, #tpu.memory_space<vmem>>
      %dma_start3A_518 = tpu.memref_squeeze %dma_start3A_517 : memref<1x128xf32, #tpu.memory_space<vmem>> -> memref<128xf32, #tpu.memory_space<vmem>>
      %dma_start3A_519 = arith.constant 0 : i32
      %dma_start3A_520 = tpu.memref_slice %arg26[%run_scoped3A, %dma_start3A_519] : memref<2x128xf32, #tpu.memory_space<vmem>> -> memref<1x128xf32, #tpu.memory_space<vmem>>
      %dma_start3A_521 = tpu.memref_squeeze %dma_start3A_520 : memref<1x128xf32, #tpu.memory_space<vmem>> -> memref<128xf32, #tpu.memory_space<vmem>>
      tpu.enqueue_dma source(%arg12 : memref<128xf32, #tpu.memory_space<hbm>>) target(%dma_start3A_521 : memref<128xf32, #tpu.memory_space<vmem>>) target_semaphore(%run_scoped3A_515 : memref<!tpu.dma_semaphore, #tpu.memory_space<semaphore_mem>>)
      %dma_wait3A_522 = arith.constant 0 : i32
      %dma_wait3A_523 = tpu.memref_slice %arg26[%run_scoped3A, %dma_wait3A_522] : memref<2x128xf32, #tpu.memory_space<vmem>> -> memref<1x128xf32, #tpu.memory_space<vmem>>
      %dma_wait3A_524 = tpu.memref_squeeze %dma_wait3A_523 : memref<1x128xf32, #tpu.memory_space<vmem>> -> memref<128xf32, #tpu.memory_space<vmem>>
      %dma_wait3A_525 = arith.constant 0 : i32
      %dma_wait3A_526 = tpu.memref_slice %arg26[%run_scoped3A, %dma_wait3A_525] : memref<2x128xf32, #tpu.memory_space<vmem>> -> memref<1x128xf32, #tpu.memory_space<vmem>>
      %dma_wait3A_527 = tpu.memref_squeeze %dma_wait3A_526 : memref<1x128xf32, #tpu.memory_space<vmem>> -> memref<128xf32, #tpu.memory_space<vmem>>
      tpu.wait_dma2 semaphore(%run_scoped3A_515 : memref<!tpu.dma_semaphore, #tpu.memory_space<semaphore_mem>>) src(%arg12 : memref<128xf32, #tpu.memory_space<hbm>>) dst(%dma_wait3A_527 : memref<128xf32, #tpu.memory_space<vmem>>)
      tpu.yield
    }) : () -> ()
    %run_scoped3A_3 = arith.constant 1 : i32
    "tpu.region"() ({
      %run_scoped3A_515 = tpu.sem_alloc : memref<!tpu.dma_semaphore, #tpu.memory_space<semaphore_mem>>
      %dma_start3A_516 = arith.constant 0 : i32
      %dma_start3A_517 = tpu.memref_slice %arg26[%run_scoped3A_3, %dma_start3A_516] : memref<2x128xf32, #tpu.memory_space<vmem>> -> memref<1x128xf32, #tpu.memory_space<vmem>>
      %dma_start3A_518 = tpu.memref_squeeze %dma_start3A_517 : memref<1x128xf32, #tpu.memory_space<vmem>> -> memref<128xf32, #tpu.memory_space<vmem>>
      %dma_start3A_519 = arith.constant 0 : i32
      %dma_start3A_520 = tpu.memref_slice %arg26[%run_scoped3A_3, %dma_start3A_519] : memref<2x128xf32, #tpu.memory_space<vmem>> -> memref<1x128xf32, #tpu.memory_space<vmem>>
      %dma_start3A_521 = tpu.memref_squeeze %dma_start3A_520 : memref<1x128xf32, #tpu.memory_space<vmem>> -> memref<128xf32, #tpu.memory_space<vmem>>
      tpu.enqueue_dma source(%arg13 : memref<128xf32, #tpu.memory_space<hbm>>) target(%dma_start3A_521 : memref<128xf32, #tpu.memory_space<vmem>>) target_semaphore(%run_scoped3A_515 : memref<!tpu.dma_semaphore, #tpu.memory_space<semaphore_mem>>)
      %dma_wait3A_522 = arith.constant 0 : i32
      %dma_wait3A_523 = tpu.memref_slice %arg26[%run_scoped3A_3, %dma_wait3A_522] : memref<2x128xf32, #tpu.memory_space<vmem>> -> memref<1x128xf32, #tpu.memory_space<vmem>>
      %dma_wait3A_524 = tpu.memref_squeeze %dma_wait3A_523 : memref<1x128xf32, #tpu.memory_space<vmem>> -> memref<128xf32, #tpu.memory_space<vmem>>
      %dma_wait3A_525 = arith.constant 0 : i32
      %dma_wait3A_526 = tpu.memref_slice %arg26[%run_scoped3A_3, %dma_wait3A_525] : memref<2x128xf32, #tpu.memory_space<vmem>> -> memref<1x128xf32, #tpu.memory_space<vmem>>
      %dma_wait3A_527 = tpu.memref_squeeze %dma_wait3A_526 : memref<1x128xf32, #tpu.memory_space<vmem>> -> memref<128xf32, #tpu.memory_space<vmem>>
      tpu.wait_dma2 semaphore(%run_scoped3A_515 : memref<!tpu.dma_semaphore, #tpu.memory_space<semaphore_mem>>) src(%arg13 : memref<128xf32, #tpu.memory_space<hbm>>) dst(%dma_wait3A_527 : memref<128xf32, #tpu.memory_space<vmem>>)
      tpu.yield
    }) : () -> ()
    "tpu.region"() ({
      %run_scoped3A_515 = tpu.sem_alloc : memref<!tpu.dma_semaphore, #tpu.memory_space<semaphore_mem>>
      tpu.enqueue_dma source(%arg11 : memref<65536xf32, #tpu.memory_space<hbm>>) target(%arg25 : memref<65536xf32, #tpu.memory_space<vmem>>) target_semaphore(%run_scoped3A_515 : memref<!tpu.dma_semaphore, #tpu.memory_space<semaphore_mem>>)
      tpu.wait_dma2 semaphore(%run_scoped3A_515 : memref<!tpu.dma_semaphore, #tpu.memory_space<semaphore_mem>>) src(%arg11 : memref<65536xf32, #tpu.memory_space<hbm>>) dst(%arg25 : memref<65536xf32, #tpu.memory_space<vmem>>)
      tpu.yield
    }) : () -> ()
    %get3A = arith.constant 0 : i32
    %get3A_4 = arith.index_cast %get3A : i32 to index
    %get3A_5 = arith.constant 0 : index
    %get3A_6 = tpu.vector_load %arg26[%get3A_4, %get3A_5] {strides = array<i32>} : memref<2x128xf32, #tpu.memory_space<vmem>>, vector<16xf32>,
    %get3A_7 = arith.constant 0 : i32
    %get3A_8 = arith.index_cast %get3A_7 : i32 to index
    %get3A_9 = arith.constant 16 : index
    %get3A_10 = tpu.vector_load %arg26[%get3A_8, %get3A_9] {strides = array<i32>} : memref<2x128xf32, #tpu.memory_space<vmem>>, vector<16xf32>,
    %get3A_11 = arith.constant 0 : i32
    %get3A_12 = arith.index_cast %get3A_11 : i32 to index
    %get3A_13 = arith.constant 32 : index
    %get3A_14 = tpu.vector_load %arg26[%get3A_12, %get3A_13] {strides = array<i32>} : memref<2x128xf32, #tpu.memory_space<vmem>>, vector<16xf32>,
    %get3A_15 = arith.constant 0 : i32
    %get3A_16 = arith.index_cast %get3A_15 : i32 to index
    %get3A_17 = arith.constant 48 : index
    %get3A_18 = tpu.vector_load %arg26[%get3A_16, %get3A_17] {strides = array<i32>} : memref<2x128xf32, #tpu.memory_space<vmem>>, vector<16xf32>,
    %get3A_19 = arith.constant 0 : i32
    %get3A_20 = arith.index_cast %get3A_19 : i32 to index
    %get3A_21 = arith.constant 64 : index
    %get3A_22 = tpu.vector_load %arg26[%get3A_20, %get3A_21] {strides = array<i32>} : memref<2x128xf32, #tpu.memory_space<vmem>>, vector<16xf32>,
    %get3A_23 = arith.constant 0 : i32
    %get3A_24 = arith.index_cast %get3A_23 : i32 to index
    %get3A_25 = arith.constant 80 : index
    %get3A_26 = tpu.vector_load %arg26[%get3A_24, %get3A_25] {strides = array<i32>} : memref<2x128xf32, #tpu.memory_space<vmem>>, vector<16xf32>,
    %get3A_27 = arith.constant 0 : i32
    %get3A_28 = arith.index_cast %get3A_27 : i32 to index
    %get3A_29 = arith.constant 96 : index
    %get3A_30 = tpu.vector_load %arg26[%get3A_28, %get3A_29] {strides = array<i32>} : memref<2x128xf32, #tpu.memory_space<vmem>>, vector<16xf32>,
    %get3A_31 = arith.constant 0 : i32
    %get3A_32 = arith.index_cast %get3A_31 : i32 to index
    %get3A_33 = arith.constant 112 : index
    %get3A_34 = tpu.vector_load %arg26[%get3A_32, %get3A_33] {strides = array<i32>} : memref<2x128xf32, #tpu.memory_space<vmem>>, vector<16xf32>,
    %get3A_35 = arith.constant 1 : i32
    %get3A_36 = arith.index_cast %get3A_35 : i32 to index
    %get3A_37 = arith.constant 0 : index
    %get3A_38 = tpu.vector_load %arg26[%get3A_36, %get3A_37] {strides = array<i32>} : memref<2x128xf32, #tpu.memory_space<vmem>>, vector<16xf32>,
    %get3A_39 = arith.constant 1 : i32
    %get3A_40 = arith.index_cast %get3A_39 : i32 to index
    %get3A_41 = arith.constant 16 : index
    %get3A_42 = tpu.vector_load %arg26[%get3A_40, %get3A_41] {strides = array<i32>} : memref<2x128xf32, #tpu.memory_space<vmem>>, vector<16xf32>,
    %get3A_43 = arith.constant 1 : i32
    %get3A_44 = arith.index_cast %get3A_43 : i32 to index
    %get3A_45 = arith.constant 32 : index
    %get3A_46 = tpu.vector_load %arg26[%get3A_44, %get3A_45] {strides = array<i32>} : memref<2x128xf32, #tpu.memory_space<vmem>>, vector<16xf32>,
    %get3A_47 = arith.constant 1 : i32
    %get3A_48 = arith.index_cast %get3A_47 : i32 to index
    %get3A_49 = arith.constant 48 : index
    %get3A_50 = tpu.vector_load %arg26[%get3A_48, %get3A_49] {strides = array<i32>} : memref<2x128xf32, #tpu.memory_space<vmem>>, vector<16xf32>,
    %get3A_51 = arith.constant 1 : i32
    %get3A_52 = arith.index_cast %get3A_51 : i32 to index
    %get3A_53 = arith.constant 64 : index
    %get3A_54 = tpu.vector_load %arg26[%get3A_52, %get3A_53] {strides = array<i32>} : memref<2x128xf32, #tpu.memory_space<vmem>>, vector<16xf32>,
    %get3A_55 = arith.constant 1 : i32
    %get3A_56 = arith.index_cast %get3A_55 : i32 to index
    %get3A_57 = arith.constant 80 : index
    %get3A_58 = tpu.vector_load %arg26[%get3A_56, %get3A_57] {strides = array<i32>} : memref<2x128xf32, #tpu.memory_space<vmem>>, vector<16xf32>,
    %get3A_59 = arith.constant 1 : i32
    %get3A_60 = arith.index_cast %get3A_59 : i32 to index
    %get3A_61 = arith.constant 96 : index
    %get3A_62 = tpu.vector_load %arg26[%get3A_60, %get3A_61] {strides = array<i32>} : memref<2x128xf32, #tpu.memory_space<vmem>>, vector<16xf32>,
    %get3A_63 = arith.constant 1 : i32
    %get3A_64 = arith.index_cast %get3A_63 : i32 to index
    %get3A_65 = arith.constant 112 : index
    %get3A_66 = tpu.vector_load %arg26[%get3A_64, %get3A_65] {strides = array<i32>} : memref<2x128xf32, #tpu.memory_space<vmem>>, vector<16xf32>,
    %add3A_67 = arith.constant 0 : i32
    %add3A_68 = arith.addi %mul3A_2, %add3A_67 : i32
    %dma_start3A = arith.constant 0 : i32
    %dma_start3A_69 = arith.constant 0 : i32
    %dma_start3A_70 = tpu.memref_slice %arg15[%dma_start3A, %dma_start3A_69] : memref<2x80xi32, #tpu.memory_space<vmem>> -> memref<1x80xi32, #tpu.memory_space<vmem>>
    %dma_start3A_71 = tpu.memref_squeeze %dma_start3A_70 : memref<1x80xi32, #tpu.memory_space<vmem>> -> memref<80xi32, #tpu.memory_space<vmem>>
    %dma_start3A_72 = tpu.memref_slice %arg2[%add3A_68] : memref<204800xi32, #tpu.memory_space<hbm>> -> memref<80xi32, #tpu.memory_space<hbm>>
    %dma_start3A_73 = arith.constant 0 : i32
    %dma_start3A_74 = tpu.memref_slice %arg15[%dma_start3A, %dma_start3A_73] : memref<2x80xi32, #tpu.memory_space<vmem>> -> memref<1x80xi32, #tpu.memory_space<vmem>>
    %dma_start3A_75 = tpu.memref_squeeze %dma_start3A_74 : memref<1x80xi32, #tpu.memory_space<vmem>> -> memref<80xi32, #tpu.memory_space<vmem>>
    %dma_start3A_76 = tpu.memref_slice %arg2[%add3A_68] : memref<204800xi32, #tpu.memory_space<hbm>> -> memref<80xi32, #tpu.memory_space<hbm>>
    tpu.enqueue_dma source(%dma_start3A_76 : memref<80xi32, #tpu.memory_space<hbm>>) target(%dma_start3A_75 : memref<80xi32, #tpu.memory_space<vmem>>) target_semaphore(%arg29 : memref<!tpu.dma_semaphore, #tpu.memory_space<semaphore_mem>>)
    %dma_start3A_77 = arith.constant 0 : i32
    %dma_start3A_78 = arith.constant 0 : i32
    %dma_start3A_79 = tpu.memref_slice %arg16[%dma_start3A_77, %dma_start3A_78] : memref<2x80xi32, #tpu.memory_space<vmem>> -> memref<1x80xi32, #tpu.memory_space<vmem>>
    %dma_start3A_80 = tpu.memref_squeeze %dma_start3A_79 : memref<1x80xi32, #tpu.memory_space<vmem>> -> memref<80xi32, #tpu.memory_space<vmem>>
    %dma_start3A_81 = tpu.memref_slice %arg3[%add3A_68] : memref<204800xi32, #tpu.memory_space<hbm>> -> memref<80xi32, #tpu.memory_space<hbm>>
    %dma_start3A_82 = arith.constant 0 : i32
    %dma_start3A_83 = tpu.memref_slice %arg16[%dma_start3A_77, %dma_start3A_82] : memref<2x80xi32, #tpu.memory_space<vmem>> -> memref<1x80xi32, #tpu.memory_space<vmem>>
    %dma_start3A_84 = tpu.memref_squeeze %dma_start3A_83 : memref<1x80xi32, #tpu.memory_space<vmem>> -> memref<80xi32, #tpu.memory_space<vmem>>
    %dma_start3A_85 = tpu.memref_slice %arg3[%add3A_68] : memref<204800xi32, #tpu.memory_space<hbm>> -> memref<80xi32, #tpu.memory_space<hbm>>
    tpu.enqueue_dma source(%dma_start3A_85 : memref<80xi32, #tpu.memory_space<hbm>>) target(%dma_start3A_84 : memref<80xi32, #tpu.memory_space<vmem>>) target_semaphore(%arg29 : memref<!tpu.dma_semaphore, #tpu.memory_space<semaphore_mem>>)
    %dma_start3A_86 = arith.constant 0 : i32
    %dma_start3A_87 = arith.constant 0 : i32
    %dma_start3A_88 = tpu.memref_slice %arg17[%dma_start3A_86, %dma_start3A_87] : memref<2x80xi32, #tpu.memory_space<vmem>> -> memref<1x80xi32, #tpu.memory_space<vmem>>
    %dma_start3A_89 = tpu.memref_squeeze %dma_start3A_88 : memref<1x80xi32, #tpu.memory_space<vmem>> -> memref<80xi32, #tpu.memory_space<vmem>>
    %dma_start3A_90 = tpu.memref_slice %arg4[%add3A_68] : memref<204800xi32, #tpu.memory_space<hbm>> -> memref<80xi32, #tpu.memory_space<hbm>>
    %dma_start3A_91 = arith.constant 0 : i32
    %dma_start3A_92 = tpu.memref_slice %arg17[%dma_start3A_86, %dma_start3A_91] : memref<2x80xi32, #tpu.memory_space<vmem>> -> memref<1x80xi32, #tpu.memory_space<vmem>>
    %dma_start3A_93 = tpu.memref_squeeze %dma_start3A_92 : memref<1x80xi32, #tpu.memory_space<vmem>> -> memref<80xi32, #tpu.memory_space<vmem>>
    %dma_start3A_94 = tpu.memref_slice %arg4[%add3A_68] : memref<204800xi32, #tpu.memory_space<hbm>> -> memref<80xi32, #tpu.memory_space<hbm>>
    tpu.enqueue_dma source(%dma_start3A_94 : memref<80xi32, #tpu.memory_space<hbm>>) target(%dma_start3A_93 : memref<80xi32, #tpu.memory_space<vmem>>) target_semaphore(%arg29 : memref<!tpu.dma_semaphore, #tpu.memory_space<semaphore_mem>>)
    %dma_start3A_95 = arith.constant 0 : i32
    %dma_start3A_96 = arith.constant 0 : i32
    %dma_start3A_97 = tpu.memref_slice %arg18[%dma_start3A_95, %dma_start3A_96] : memref<2x80xi32, #tpu.memory_space<vmem>> -> memref<1x80xi32, #tpu.memory_space<vmem>>
    %dma_start3A_98 = tpu.memref_squeeze %dma_start3A_97 : memref<1x80xi32, #tpu.memory_space<vmem>> -> memref<80xi32, #tpu.memory_space<vmem>>
    %dma_start3A_99 = tpu.memref_slice %arg5[%add3A_68] : memref<204800xi32, #tpu.memory_space<hbm>> -> memref<80xi32, #tpu.memory_space<hbm>>
    %dma_start3A_100 = arith.constant 0 : i32
    %dma_start3A_101 = tpu.memref_slice %arg18[%dma_start3A_95, %dma_start3A_100] : memref<2x80xi32, #tpu.memory_space<vmem>> -> memref<1x80xi32, #tpu.memory_space<vmem>>
    %dma_start3A_102 = tpu.memref_squeeze %dma_start3A_101 : memref<1x80xi32, #tpu.memory_space<vmem>> -> memref<80xi32, #tpu.memory_space<vmem>>
    %dma_start3A_103 = tpu.memref_slice %arg5[%add3A_68] : memref<204800xi32, #tpu.memory_space<hbm>> -> memref<80xi32, #tpu.memory_space<hbm>>
    tpu.enqueue_dma source(%dma_start3A_103 : memref<80xi32, #tpu.memory_space<hbm>>) target(%dma_start3A_102 : memref<80xi32, #tpu.memory_space<vmem>>) target_semaphore(%arg29 : memref<!tpu.dma_semaphore, #tpu.memory_space<semaphore_mem>>)
    %dma_start3A_104 = arith.constant 0 : i32
    %dma_start3A_105 = arith.constant 0 : i32
    %dma_start3A_106 = tpu.memref_slice %arg19[%dma_start3A_104, %dma_start3A_105] : memref<2x80xi32, #tpu.memory_space<vmem>> -> memref<1x80xi32, #tpu.memory_space<vmem>>
    %dma_start3A_107 = tpu.memref_squeeze %dma_start3A_106 : memref<1x80xi32, #tpu.memory_space<vmem>> -> memref<80xi32, #tpu.memory_space<vmem>>
    %dma_start3A_108 = tpu.memref_slice %arg6[%add3A_68] : memref<204800xi32, #tpu.memory_space<hbm>> -> memref<80xi32, #tpu.memory_space<hbm>>
    %dma_start3A_109 = arith.constant 0 : i32
    %dma_start3A_110 = tpu.memref_slice %arg19[%dma_start3A_104, %dma_start3A_109] : memref<2x80xi32, #tpu.memory_space<vmem>> -> memref<1x80xi32, #tpu.memory_space<vmem>>
    %dma_start3A_111 = tpu.memref_squeeze %dma_start3A_110 : memref<1x80xi32, #tpu.memory_space<vmem>> -> memref<80xi32, #tpu.memory_space<vmem>>
    %dma_start3A_112 = tpu.memref_slice %arg6[%add3A_68] : memref<204800xi32, #tpu.memory_space<hbm>> -> memref<80xi32, #tpu.memory_space<hbm>>
    tpu.enqueue_dma source(%dma_start3A_112 : memref<80xi32, #tpu.memory_space<hbm>>) target(%dma_start3A_111 : memref<80xi32, #tpu.memory_space<vmem>>) target_semaphore(%arg29 : memref<!tpu.dma_semaphore, #tpu.memory_space<semaphore_mem>>)
    %dma_start3A_113 = arith.constant 0 : i32
    %dma_start3A_114 = arith.constant 0 : i32
    %dma_start3A_115 = tpu.memref_slice %arg20[%dma_start3A_113, %dma_start3A_114] : memref<2x80xi32, #tpu.memory_space<vmem>> -> memref<1x80xi32, #tpu.memory_space<vmem>>
    %dma_start3A_116 = tpu.memref_squeeze %dma_start3A_115 : memref<1x80xi32, #tpu.memory_space<vmem>> -> memref<80xi32, #tpu.memory_space<vmem>>
    %dma_start3A_117 = tpu.memref_slice %arg7[%add3A_68] : memref<204800xi32, #tpu.memory_space<hbm>> -> memref<80xi32, #tpu.memory_space<hbm>>
    %dma_start3A_118 = arith.constant 0 : i32
    %dma_start3A_119 = tpu.memref_slice %arg20[%dma_start3A_113, %dma_start3A_118] : memref<2x80xi32, #tpu.memory_space<vmem>> -> memref<1x80xi32, #tpu.memory_space<vmem>>
    %dma_start3A_120 = tpu.memref_squeeze %dma_start3A_119 : memref<1x80xi32, #tpu.memory_space<vmem>> -> memref<80xi32, #tpu.memory_space<vmem>>
    %dma_start3A_121 = tpu.memref_slice %arg7[%add3A_68] : memref<204800xi32, #tpu.memory_space<hbm>> -> memref<80xi32, #tpu.memory_space<hbm>>
    tpu.enqueue_dma source(%dma_start3A_121 : memref<80xi32, #tpu.memory_space<hbm>>) target(%dma_start3A_120 : memref<80xi32, #tpu.memory_space<vmem>>) target_semaphore(%arg29 : memref<!tpu.dma_semaphore, #tpu.memory_space<semaphore_mem>>)
    %dma_start3A_122 = arith.constant 0 : i32
    %dma_start3A_123 = arith.constant 0 : i32
    %dma_start3A_124 = tpu.memref_slice %arg21[%dma_start3A_122, %dma_start3A_123] : memref<2x80xi32, #tpu.memory_space<vmem>> -> memref<1x80xi32, #tpu.memory_space<vmem>>
    %dma_start3A_125 = tpu.memref_squeeze %dma_start3A_124 : memref<1x80xi32, #tpu.memory_space<vmem>> -> memref<80xi32, #tpu.memory_space<vmem>>
    %dma_start3A_126 = tpu.memref_slice %arg8[%add3A_68] : memref<204800xi32, #tpu.memory_space<hbm>> -> memref<80xi32, #tpu.memory_space<hbm>>
    %dma_start3A_127 = arith.constant 0 : i32
    %dma_start3A_128 = tpu.memref_slice %arg21[%dma_start3A_122, %dma_start3A_127] : memref<2x80xi32, #tpu.memory_space<vmem>> -> memref<1x80xi32, #tpu.memory_space<vmem>>
    %dma_start3A_129 = tpu.memref_squeeze %dma_start3A_128 : memref<1x80xi32, #tpu.memory_space<vmem>> -> memref<80xi32, #tpu.memory_space<vmem>>
    %dma_start3A_130 = tpu.memref_slice %arg8[%add3A_68] : memref<204800xi32, #tpu.memory_space<hbm>> -> memref<80xi32, #tpu.memory_space<hbm>>
    tpu.enqueue_dma source(%dma_start3A_130 : memref<80xi32, #tpu.memory_space<hbm>>) target(%dma_start3A_129 : memref<80xi32, #tpu.memory_space<vmem>>) target_semaphore(%arg29 : memref<!tpu.dma_semaphore, #tpu.memory_space<semaphore_mem>>)
    %dma_wait3A = arith.constant 0 : i32
    %dma_wait3A_131 = arith.constant 0 : i32
    %dma_wait3A_132 = tpu.memref_slice %arg15[%dma_wait3A, %dma_wait3A_131] : memref<2x80xi32, #tpu.memory_space<vmem>> -> memref<1x80xi32, #tpu.memory_space<vmem>>
    %dma_wait3A_133 = tpu.memref_squeeze %dma_wait3A_132 : memref<1x80xi32, #tpu.memory_space<vmem>> -> memref<80xi32, #tpu.memory_space<vmem>>
    %dma_wait3A_134 = arith.constant 0 : i32
    %dma_wait3A_135 = tpu.memref_slice %arg2[%dma_wait3A_134] : memref<204800xi32, #tpu.memory_space<hbm>> -> memref<80xi32, #tpu.memory_space<hbm>>
    %dma_wait3A_136 = arith.constant 0 : i32
    %dma_wait3A_137 = tpu.memref_slice %arg15[%dma_wait3A, %dma_wait3A_136] : memref<2x80xi32, #tpu.memory_space<vmem>> -> memref<1x80xi32, #tpu.memory_space<vmem>>
    %dma_wait3A_138 = tpu.memref_squeeze %dma_wait3A_137 : memref<1x80xi32, #tpu.memory_space<vmem>> -> memref<80xi32, #tpu.memory_space<vmem>>
    %dma_wait3A_139 = arith.constant 0 : i32
    %dma_wait3A_140 = tpu.memref_slice %arg2[%dma_wait3A_139] : memref<204800xi32, #tpu.memory_space<hbm>> -> memref<80xi32, #tpu.memory_space<hbm>>
    tpu.wait_dma2 semaphore(%arg29 : memref<!tpu.dma_semaphore, #tpu.memory_space<semaphore_mem>>) src(%dma_wait3A_140 : memref<80xi32, #tpu.memory_space<hbm>>) dst(%dma_wait3A_138 : memref<80xi32, #tpu.memory_space<vmem>>)
    %dma_wait3A_141 = arith.constant 0 : i32
    %dma_wait3A_142 = arith.constant 0 : i32
    %dma_wait3A_143 = tpu.memref_slice %arg16[%dma_wait3A_141, %dma_wait3A_142] : memref<2x80xi32, #tpu.memory_space<vmem>> -> memref<1x80xi32, #tpu.memory_space<vmem>>
    %dma_wait3A_144 = tpu.memref_squeeze %dma_wait3A_143 : memref<1x80xi32, #tpu.memory_space<vmem>> -> memref<80xi32, #tpu.memory_space<vmem>>
    %dma_wait3A_145 = arith.constant 0 : i32
    %dma_wait3A_146 = tpu.memref_slice %arg3[%dma_wait3A_145] : memref<204800xi32, #tpu.memory_space<hbm>> -> memref<80xi32, #tpu.memory_space<hbm>>
    %dma_wait3A_147 = arith.constant 0 : i32
    %dma_wait3A_148 = tpu.memref_slice %arg16[%dma_wait3A_141, %dma_wait3A_147] : memref<2x80xi32, #tpu.memory_space<vmem>> -> memref<1x80xi32, #tpu.memory_space<vmem>>
    %dma_wait3A_149 = tpu.memref_squeeze %dma_wait3A_148 : memref<1x80xi32, #tpu.memory_space<vmem>> -> memref<80xi32, #tpu.memory_space<vmem>>
    %dma_wait3A_150 = arith.constant 0 : i32
    %dma_wait3A_151 = tpu.memref_slice %arg3[%dma_wait3A_150] : memref<204800xi32, #tpu.memory_space<hbm>> -> memref<80xi32, #tpu.memory_space<hbm>>
    tpu.wait_dma2 semaphore(%arg29 : memref<!tpu.dma_semaphore, #tpu.memory_space<semaphore_mem>>) src(%dma_wait3A_151 : memref<80xi32, #tpu.memory_space<hbm>>) dst(%dma_wait3A_149 : memref<80xi32, #tpu.memory_space<vmem>>)
    %dma_wait3A_152 = arith.constant 0 : i32
    %dma_wait3A_153 = arith.constant 0 : i32
    %dma_wait3A_154 = tpu.memref_slice %arg17[%dma_wait3A_152, %dma_wait3A_153] : memref<2x80xi32, #tpu.memory_space<vmem>> -> memref<1x80xi32, #tpu.memory_space<vmem>>
    %dma_wait3A_155 = tpu.memref_squeeze %dma_wait3A_154 : memref<1x80xi32, #tpu.memory_space<vmem>> -> memref<80xi32, #tpu.memory_space<vmem>>
    %dma_wait3A_156 = arith.constant 0 : i32
    %dma_wait3A_157 = tpu.memref_slice %arg4[%dma_wait3A_156] : memref<204800xi32, #tpu.memory_space<hbm>> -> memref<80xi32, #tpu.memory_space<hbm>>
    %dma_wait3A_158 = arith.constant 0 : i32
    %dma_wait3A_159 = tpu.memref_slice %arg17[%dma_wait3A_152, %dma_wait3A_158] : memref<2x80xi32, #tpu.memory_space<vmem>> -> memref<1x80xi32, #tpu.memory_space<vmem>>
    %dma_wait3A_160 = tpu.memref_squeeze %dma_wait3A_159 : memref<1x80xi32, #tpu.memory_space<vmem>> -> memref<80xi32, #tpu.memory_space<vmem>>
    %dma_wait3A_161 = arith.constant 0 : i32
    %dma_wait3A_162 = tpu.memref_slice %arg4[%dma_wait3A_161] : memref<204800xi32, #tpu.memory_space<hbm>> -> memref<80xi32, #tpu.memory_space<hbm>>
    tpu.wait_dma2 semaphore(%arg29 : memref<!tpu.dma_semaphore, #tpu.memory_space<semaphore_mem>>) src(%dma_wait3A_162 : memref<80xi32, #tpu.memory_space<hbm>>) dst(%dma_wait3A_160 : memref<80xi32, #tpu.memory_space<vmem>>)
    %dma_wait3A_163 = arith.constant 0 : i32
    %dma_wait3A_164 = arith.constant 0 : i32
    %dma_wait3A_165 = tpu.memref_slice %arg18[%dma_wait3A_163, %dma_wait3A_164] : memref<2x80xi32, #tpu.memory_space<vmem>> -> memref<1x80xi32, #tpu.memory_space<vmem>>
    %dma_wait3A_166 = tpu.memref_squeeze %dma_wait3A_165 : memref<1x80xi32, #tpu.memory_space<vmem>> -> memref<80xi32, #tpu.memory_space<vmem>>
    %dma_wait3A_167 = arith.constant 0 : i32
    %dma_wait3A_168 = tpu.memref_slice %arg5[%dma_wait3A_167] : memref<204800xi32, #tpu.memory_space<hbm>> -> memref<80xi32, #tpu.memory_space<hbm>>
    %dma_wait3A_169 = arith.constant 0 : i32
    %dma_wait3A_170 = tpu.memref_slice %arg18[%dma_wait3A_163, %dma_wait3A_169] : memref<2x80xi32, #tpu.memory_space<vmem>> -> memref<1x80xi32, #tpu.memory_space<vmem>>
    %dma_wait3A_171 = tpu.memref_squeeze %dma_wait3A_170 : memref<1x80xi32, #tpu.memory_space<vmem>> -> memref<80xi32, #tpu.memory_space<vmem>>
    %dma_wait3A_172 = arith.constant 0 : i32
    %dma_wait3A_173 = tpu.memref_slice %arg5[%dma_wait3A_172] : memref<204800xi32, #tpu.memory_space<hbm>> -> memref<80xi32, #tpu.memory_space<hbm>>
    tpu.wait_dma2 semaphore(%arg29 : memref<!tpu.dma_semaphore, #tpu.memory_space<semaphore_mem>>) src(%dma_wait3A_173 : memref<80xi32, #tpu.memory_space<hbm>>) dst(%dma_wait3A_171 : memref<80xi32, #tpu.memory_space<vmem>>)
    %dma_wait3A_174 = arith.constant 0 : i32
    %dma_wait3A_175 = arith.constant 0 : i32
    %dma_wait3A_176 = tpu.memref_slice %arg19[%dma_wait3A_174, %dma_wait3A_175] : memref<2x80xi32, #tpu.memory_space<vmem>> -> memref<1x80xi32, #tpu.memory_space<vmem>>
    %dma_wait3A_177 = tpu.memref_squeeze %dma_wait3A_176 : memref<1x80xi32, #tpu.memory_space<vmem>> -> memref<80xi32, #tpu.memory_space<vmem>>
    %dma_wait3A_178 = arith.constant 0 : i32
    %dma_wait3A_179 = tpu.memref_slice %arg6[%dma_wait3A_178] : memref<204800xi32, #tpu.memory_space<hbm>> -> memref<80xi32, #tpu.memory_space<hbm>>
    %dma_wait3A_180 = arith.constant 0 : i32
    %dma_wait3A_181 = tpu.memref_slice %arg19[%dma_wait3A_174, %dma_wait3A_180] : memref<2x80xi32, #tpu.memory_space<vmem>> -> memref<1x80xi32, #tpu.memory_space<vmem>>
    %dma_wait3A_182 = tpu.memref_squeeze %dma_wait3A_181 : memref<1x80xi32, #tpu.memory_space<vmem>> -> memref<80xi32, #tpu.memory_space<vmem>>
    %dma_wait3A_183 = arith.constant 0 : i32
    %dma_wait3A_184 = tpu.memref_slice %arg6[%dma_wait3A_183] : memref<204800xi32, #tpu.memory_space<hbm>> -> memref<80xi32, #tpu.memory_space<hbm>>
    tpu.wait_dma2 semaphore(%arg29 : memref<!tpu.dma_semaphore, #tpu.memory_space<semaphore_mem>>) src(%dma_wait3A_184 : memref<80xi32, #tpu.memory_space<hbm>>) dst(%dma_wait3A_182 : memref<80xi32, #tpu.memory_space<vmem>>)
    %dma_wait3A_185 = arith.constant 0 : i32
    %dma_wait3A_186 = arith.constant 0 : i32
    %dma_wait3A_187 = tpu.memref_slice %arg20[%dma_wait3A_185, %dma_wait3A_186] : memref<2x80xi32, #tpu.memory_space<vmem>> -> memref<1x80xi32, #tpu.memory_space<vmem>>
    %dma_wait3A_188 = tpu.memref_squeeze %dma_wait3A_187 : memref<1x80xi32, #tpu.memory_space<vmem>> -> memref<80xi32, #tpu.memory_space<vmem>>
    %dma_wait3A_189 = arith.constant 0 : i32
    %dma_wait3A_190 = tpu.memref_slice %arg7[%dma_wait3A_189] : memref<204800xi32, #tpu.memory_space<hbm>> -> memref<80xi32, #tpu.memory_space<hbm>>
    %dma_wait3A_191 = arith.constant 0 : i32
    %dma_wait3A_192 = tpu.memref_slice %arg20[%dma_wait3A_185, %dma_wait3A_191] : memref<2x80xi32, #tpu.memory_space<vmem>> -> memref<1x80xi32, #tpu.memory_space<vmem>>
    %dma_wait3A_193 = tpu.memref_squeeze %dma_wait3A_192 : memref<1x80xi32, #tpu.memory_space<vmem>> -> memref<80xi32, #tpu.memory_space<vmem>>
    %dma_wait3A_194 = arith.constant 0 : i32
    %dma_wait3A_195 = tpu.memref_slice %arg7[%dma_wait3A_194] : memref<204800xi32, #tpu.memory_space<hbm>> -> memref<80xi32, #tpu.memory_space<hbm>>
    tpu.wait_dma2 semaphore(%arg29 : memref<!tpu.dma_semaphore, #tpu.memory_space<semaphore_mem>>) src(%dma_wait3A_195 : memref<80xi32, #tpu.memory_space<hbm>>) dst(%dma_wait3A_193 : memref<80xi32, #tpu.memory_space<vmem>>)
    %dma_wait3A_196 = arith.constant 0 : i32
    %dma_wait3A_197 = arith.constant 0 : i32
    %dma_wait3A_198 = tpu.memref_slice %arg21[%dma_wait3A_196, %dma_wait3A_197] : memref<2x80xi32, #tpu.memory_space<vmem>> -> memref<1x80xi32, #tpu.memory_space<vmem>>
    %dma_wait3A_199 = tpu.memref_squeeze %dma_wait3A_198 : memref<1x80xi32, #tpu.memory_space<vmem>> -> memref<80xi32, #tpu.memory_space<vmem>>
    %dma_wait3A_200 = arith.constant 0 : i32
    %dma_wait3A_201 = tpu.memref_slice %arg8[%dma_wait3A_200] : memref<204800xi32, #tpu.memory_space<hbm>> -> memref<80xi32, #tpu.memory_space<hbm>>
    %dma_wait3A_202 = arith.constant 0 : i32
    %dma_wait3A_203 = tpu.memref_slice %arg21[%dma_wait3A_196, %dma_wait3A_202] : memref<2x80xi32, #tpu.memory_space<vmem>> -> memref<1x80xi32, #tpu.memory_space<vmem>>
    %dma_wait3A_204 = tpu.memref_squeeze %dma_wait3A_203 : memref<1x80xi32, #tpu.memory_space<vmem>> -> memref<80xi32, #tpu.memory_space<vmem>>
    %dma_wait3A_205 = arith.constant 0 : i32
    %dma_wait3A_206 = tpu.memref_slice %arg8[%dma_wait3A_205] : memref<204800xi32, #tpu.memory_space<hbm>> -> memref<80xi32, #tpu.memory_space<hbm>>
    tpu.wait_dma2 semaphore(%arg29 : memref<!tpu.dma_semaphore, #tpu.memory_space<semaphore_mem>>) src(%dma_wait3A_206 : memref<80xi32, #tpu.memory_space<hbm>>) dst(%dma_wait3A_204 : memref<80xi32, #tpu.memory_space<vmem>>)
    %get3A_207 = arith.constant 0 : i32
    %get3A_208 = arith.index_cast %get3A_207 : i32 to index
    %get3A_209 = arith.constant 0 : index
    %get3A_210 = tpu.vector_load %arg17[%get3A_208, %get3A_209] {strides = array<i32>} : memref<2x80xi32, #tpu.memory_space<vmem>>, vector<16xi32>,
    %mul3A_211 = arith.constant 3 : i32
    %mul3A_212 = vector.broadcast %mul3A_211 : i32 to vector<16xi32>
    %mul3A_213 = arith.muli %get3A_210, %mul3A_212 : vector<16xi32>
    %get3A_214 = arith.constant 0 : i32
    %get3A_215 = arith.index_cast %get3A_214 : i32 to index
    %get3A_216 = arith.constant 0 : index
    %get3A_217 = tpu.vector_load %arg18[%get3A_215, %get3A_216] {strides = array<i32>} : memref<2x80xi32, #tpu.memory_space<vmem>>, vector<16xi32>,
    %add3A_218 = arith.addi %mul3A_213, %get3A_217 : vector<16xi32>
    %mul3A_219 = arith.constant 10 : i32
    %mul3A_220 = vector.broadcast %mul3A_219 : i32 to vector<16xi32>
    %mul3A_221 = arith.muli %add3A_218, %mul3A_220 : vector<16xi32>
    %get3A_222 = arith.constant 0 : i32
    %get3A_223 = arith.index_cast %get3A_222 : i32 to index
    %get3A_224 = arith.constant 0 : index
    %get3A_225 = tpu.vector_load %arg19[%get3A_223, %get3A_224] {strides = array<i32>} : memref<2x80xi32, #tpu.memory_space<vmem>>, vector<16xi32>,
    %add3A_226 = arith.addi %mul3A_221, %get3A_225 : vector<16xi32>
    %mul3A_227 = arith.constant 5 : i32
    %mul3A_228 = vector.broadcast %mul3A_227 : i32 to vector<16xi32>
    %mul3A_229 = arith.muli %add3A_226, %mul3A_228 : vector<16xi32>
    %get3A_230 = arith.constant 0 : i32
    %get3A_231 = arith.index_cast %get3A_230 : i32 to index
    %get3A_232 = arith.constant 0 : index
    %get3A_233 = tpu.vector_load %arg20[%get3A_231, %get3A_232] {strides = array<i32>} : memref<2x80xi32, #tpu.memory_space<vmem>>, vector<16xi32>,
    %add3A_234 = arith.addi %mul3A_229, %get3A_233 : vector<16xi32>
    %get3A_235 = arith.constant 0 : i32
    %get3A_236 = arith.index_cast %get3A_235 : i32 to index
    %get3A_237 = arith.constant 0 : index
    %get3A_238 = tpu.vector_load %arg16[%get3A_236, %get3A_237] {strides = array<i32>} : memref<2x80xi32, #tpu.memory_space<vmem>>, vector<16xi32>,
    %mul3A_239 = arith.constant 300 : i32
    %mul3A_240 = vector.broadcast %mul3A_239 : i32 to vector<16xi32>
    %mul3A_241 = arith.muli %get3A_238, %mul3A_240 : vector<16xi32>
    %add3A_242 = arith.addi %mul3A_241, %add3A_234 : vector<16xi32>
    %swap3A = arith.constant 0 : i32
    %swap3A_243 = arith.index_cast %swap3A : i32 to index
    %swap3A_244 = arith.constant 0 : index
    %swap3A_245 = tpu.vector_load %arg22[%swap3A_243, %swap3A_244] {strides = array<i32>} : memref<2x80xi32, #tpu.memory_space<vmem>>, vector<16xi32>,
    tpu.vector_store %arg22[%swap3A_243, %swap3A_244], %add3A_242 {strides = array<i32>} : memref<2x80xi32, #tpu.memory_space<vmem>>, vector<16xi32>,
    %get3A_246 = arith.constant 0 : i32
    %get3A_247 = arith.index_cast %get3A_246 : i32 to index
    %get3A_248 = arith.constant 16 : index
    %get3A_249 = tpu.vector_load %arg17[%get3A_247, %get3A_248] {strides = array<i32>} : memref<2x80xi32, #tpu.memory_space<vmem>>, vector<16xi32>,
    %mul3A_250 = arith.constant 3 : i32
    %mul3A_251 = vector.broadcast %mul3A_250 : i32 to vector<16xi32>
    %mul3A_252 = arith.muli %get3A_249, %mul3A_251 : vector<16xi32>
    %get3A_253 = arith.constant 0 : i32
    %get3A_254 = arith.index_cast %get3A_253 : i32 to index
    %get3A_255 = arith.constant 16 : index
    %get3A_256 = tpu.vector_load %arg18[%get3A_254, %get3A_255] {strides = array<i32>} : memref<2x80xi32, #tpu.memory_space<vmem>>, vector<16xi32>,
    %add3A_257 = arith.addi %mul3A_252, %get3A_256 : vector<16xi32>
    %mul3A_258 = arith.constant 10 : i32
    %mul3A_259 = vector.broadcast %mul3A_258 : i32 to vector<16xi32>
    %mul3A_260 = arith.muli %add3A_257, %mul3A_259 : vector<16xi32>
    %get3A_261 = arith.constant 0 : i32
    %get3A_262 = arith.index_cast %get3A_261 : i32 to index
    %get3A_263 = arith.constant 16 : index
    %get3A_264 = tpu.vector_load %arg19[%get3A_262, %get3A_263] {strides = array<i32>} : memref<2x80xi32, #tpu.memory_space<vmem>>, vector<16xi32>,
    %add3A_265 = arith.addi %mul3A_260, %get3A_264 : vector<16xi32>
    %mul3A_266 = arith.constant 5 : i32
    %mul3A_267 = vector.broadcast %mul3A_266 : i32 to vector<16xi32>
    %mul3A_268 = arith.muli %add3A_265, %mul3A_267 : vector<16xi32>
    %get3A_269 = arith.constant 0 : i32
    %get3A_270 = arith.index_cast %get3A_269 : i32 to index
    %get3A_271 = arith.constant 16 : index
    %get3A_272 = tpu.vector_load %arg20[%get3A_270, %get3A_271] {strides = array<i32>} : memref<2x80xi32, #tpu.memory_space<vmem>>, vector<16xi32>,
    %add3A_273 = arith.addi %mul3A_268, %get3A_272 : vector<16xi32>
    %get3A_274 = arith.constant 0 : i32
    %get3A_275 = arith.index_cast %get3A_274 : i32 to index
    %get3A_276 = arith.constant 16 : index
    %get3A_277 = tpu.vector_load %arg16[%get3A_275, %get3A_276] {strides = array<i32>} : memref<2x80xi32, #tpu.memory_space<vmem>>, vector<16xi32>,
    %mul3A_278 = arith.constant 300 : i32
    %mul3A_279 = vector.broadcast %mul3A_278 : i32 to vector<16xi32>
    %mul3A_280 = arith.muli %get3A_277, %mul3A_279 : vector<16xi32>
    %add3A_281 = arith.addi %mul3A_280, %add3A_273 : vector<16xi32>
    %swap3A_282 = arith.constant 0 : i32
    %swap3A_283 = arith.index_cast %swap3A_282 : i32 to index
    %swap3A_284 = arith.constant 16 : index
    %swap3A_285 = tpu.vector_load %arg22[%swap3A_283, %swap3A_284] {strides = array<i32>} : memref<2x80xi32, #tpu.memory_space<vmem>>, vector<16xi32>,
    tpu.vector_store %arg22[%swap3A_283, %swap3A_284], %add3A_281 {strides = array<i32>} : memref<2x80xi32, #tpu.memory_space<vmem>>, vector<16xi32>,
    %get3A_286 = arith.constant 0 : i32
    %get3A_287 = arith.index_cast %get3A_286 : i32 to index
    %get3A_288 = arith.constant 32 : index
    %get3A_289 = tpu.vector_load %arg17[%get3A_287, %get3A_288] {strides = array<i32>} : memref<2x80xi32, #tpu.memory_space<vmem>>, vector<16xi32>,
    %mul3A_290 = arith.constant 3 : i32
    %mul3A_291 = vector.broadcast %mul3A_290 : i32 to vector<16xi32>
    %mul3A_292 = arith.muli %get3A_289, %mul3A_291 : vector<16xi32>
    %get3A_293 = arith.constant 0 : i32
    %get3A_294 = arith.index_cast %get3A_293 : i32 to index
    %get3A_295 = arith.constant 32 : index
    %get3A_296 = tpu.vector_load %arg18[%get3A_294, %get3A_295] {strides = array<i32>} : memref<2x80xi32, #tpu.memory_space<vmem>>, vector<16xi32>,
    %add3A_297 = arith.addi %mul3A_292, %get3A_296 : vector<16xi32>
    %mul3A_298 = arith.constant 10 : i32
    %mul3A_299 = vector.broadcast %mul3A_298 : i32 to vector<16xi32>
    %mul3A_300 = arith.muli %add3A_297, %mul3A_299 : vector<16xi32>
    %get3A_301 = arith.constant 0 : i32
    %get3A_302 = arith.index_cast %get3A_301 : i32 to index
    %get3A_303 = arith.constant 32 : index
    %get3A_304 = tpu.vector_load %arg19[%get3A_302, %get3A_303] {strides = array<i32>} : memref<2x80xi32, #tpu.memory_space<vmem>>, vector<16xi32>,
    %add3A_305 = arith.addi %mul3A_300, %get3A_304 : vector<16xi32>
    %mul3A_306 = arith.constant 5 : i32
    %mul3A_307 = vector.broadcast %mul3A_306 : i32 to vector<16xi32>
    %mul3A_308 = arith.muli %add3A_305, %mul3A_307 : vector<16xi32>
    %get3A_309 = arith.constant 0 : i32
    %get3A_310 = arith.index_cast %get3A_309 : i32 to index
    %get3A_311 = arith.constant 32 : index
    %get3A_312 = tpu.vector_load %arg20[%get3A_310, %get3A_311] {strides = array<i32>} : memref<2x80xi32, #tpu.memory_space<vmem>>, vector<16xi32>,
    %add3A_313 = arith.addi %mul3A_308, %get3A_312 : vector<16xi32>
    %get3A_314 = arith.constant 0 : i32
    %get3A_315 = arith.index_cast %get3A_314 : i32 to index
    %get3A_316 = arith.constant 32 : index
    %get3A_317 = tpu.vector_load %arg16[%get3A_315, %get3A_316] {strides = array<i32>} : memref<2x80xi32, #tpu.memory_space<vmem>>, vector<16xi32>,
    %mul3A_318 = arith.constant 300 : i32
    %mul3A_319 = vector.broadcast %mul3A_318 : i32 to vector<16xi32>
    %mul3A_320 = arith.muli %get3A_317, %mul3A_319 : vector<16xi32>
    %add3A_321 = arith.addi %mul3A_320, %add3A_313 : vector<16xi32>
    %swap3A_322 = arith.constant 0 : i32
    %swap3A_323 = arith.index_cast %swap3A_322 : i32 to index
    %swap3A_324 = arith.constant 32 : index
    %swap3A_325 = tpu.vector_load %arg22[%swap3A_323, %swap3A_324] {strides = array<i32>} : memref<2x80xi32, #tpu.memory_space<vmem>>, vector<16xi32>,
    tpu.vector_store %arg22[%swap3A_323, %swap3A_324], %add3A_321 {strides = array<i32>} : memref<2x80xi32, #tpu.memory_space<vmem>>, vector<16xi32>,
    %get3A_326 = arith.constant 0 : i32
    %get3A_327 = arith.index_cast %get3A_326 : i32 to index
    %get3A_328 = arith.constant 48 : index
    %get3A_329 = tpu.vector_load %arg17[%get3A_327, %get3A_328] {strides = array<i32>} : memref<2x80xi32, #tpu.memory_space<vmem>>, vector<16xi32>,
    %mul3A_330 = arith.constant 3 : i32
    %mul3A_331 = vector.broadcast %mul3A_330 : i32 to vector<16xi32>
    %mul3A_332 = arith.muli %get3A_329, %mul3A_331 : vector<16xi32>
    %get3A_333 = arith.constant 0 : i32
    %get3A_334 = arith.index_cast %get3A_333 : i32 to index
    %get3A_335 = arith.constant 48 : index
    %get3A_336 = tpu.vector_load %arg18[%get3A_334, %get3A_335] {strides = array<i32>} : memref<2x80xi32, #tpu.memory_space<vmem>>, vector<16xi32>,
    %add3A_337 = arith.addi %mul3A_332, %get3A_336 : vector<16xi32>
    %mul3A_338 = arith.constant 10 : i32
    %mul3A_339 = vector.broadcast %mul3A_338 : i32 to vector<16xi32>
    %mul3A_340 = arith.muli %add3A_337, %mul3A_339 : vector<16xi32>
    %get3A_341 = arith.constant 0 : i32
    %get3A_342 = arith.index_cast %get3A_341 : i32 to index
    %get3A_343 = arith.constant 48 : index
    %get3A_344 = tpu.vector_load %arg19[%get3A_342, %get3A_343] {strides = array<i32>} : memref<2x80xi32, #tpu.memory_space<vmem>>, vector<16xi32>,
    %add3A_345 = arith.addi %mul3A_340, %get3A_344 : vector<16xi32>
    %mul3A_346 = arith.constant 5 : i32
    %mul3A_347 = vector.broadcast %mul3A_346 : i32 to vector<16xi32>
    %mul3A_348 = arith.muli %add3A_345, %mul3A_347 : vector<16xi32>
    %get3A_349 = arith.constant 0 : i32
    %get3A_350 = arith.index_cast %get3A_349 : i32 to index
    %get3A_351 = arith.constant 48 : index
    %get3A_352 = tpu.vector_load %arg20[%get3A_350, %get3A_351] {strides = array<i32>} : memref<2x80xi32, #tpu.memory_space<vmem>>, vector<16xi32>,
    %add3A_353 = arith.addi %mul3A_348, %get3A_352 : vector<16xi32>
    %get3A_354 = arith.constant 0 : i32
    %get3A_355 = arith.index_cast %get3A_354 : i32 to index
    %get3A_356 = arith.constant 48 : index
    %get3A_357 = tpu.vector_load %arg16[%get3A_355, %get3A_356] {strides = array<i32>} : memref<2x80xi32, #tpu.memory_space<vmem>>, vector<16xi32>,
    %mul3A_358 = arith.constant 300 : i32
    %mul3A_359 = vector.broadcast %mul3A_358 : i32 to vector<16xi32>
    %mul3A_360 = arith.muli %get3A_357, %mul3A_359 : vector<16xi32>
    %add3A_361 = arith.addi %mul3A_360, %add3A_353 : vector<16xi32>
    %swap3A_362 = arith.constant 0 : i32
    %swap3A_363 = arith.index_cast %swap3A_362 : i32 to index
    %swap3A_364 = arith.constant 48 : index
    %swap3A_365 = tpu.vector_load %arg22[%swap3A_363, %swap3A_364] {strides = array<i32>} : memref<2x80xi32, #tpu.memory_space<vmem>>, vector<16xi32>,
    tpu.vector_store %arg22[%swap3A_363, %swap3A_364], %add3A_361 {strides = array<i32>} : memref<2x80xi32, #tpu.memory_space<vmem>>, vector<16xi32>,
    %get3A_366 = arith.constant 0 : i32
    %get3A_367 = arith.index_cast %get3A_366 : i32 to index
    %get3A_368 = arith.constant 64 : index
    %get3A_369 = tpu.vector_load %arg17[%get3A_367, %get3A_368] {strides = array<i32>} : memref<2x80xi32, #tpu.memory_space<vmem>>, vector<16xi32>,
    %mul3A_370 = arith.constant 3 : i32
    %mul3A_371 = vector.broadcast %mul3A_370 : i32 to vector<16xi32>
    %mul3A_372 = arith.muli %get3A_369, %mul3A_371 : vector<16xi32>
    %get3A_373 = arith.constant 0 : i32
    %get3A_374 = arith.index_cast %get3A_373 : i32 to index
    %get3A_375 = arith.constant 64 : index
    %get3A_376 = tpu.vector_load %arg18[%get3A_374, %get3A_375] {strides = array<i32>} : memref<2x80xi32, #tpu.memory_space<vmem>>, vector<16xi32>,
    %add3A_377 = arith.addi %mul3A_372, %get3A_376 : vector<16xi32>
    %mul3A_378 = arith.constant 10 : i32
    %mul3A_379 = vector.broadcast %mul3A_378 : i32 to vector<16xi32>
    %mul3A_380 = arith.muli %add3A_377, %mul3A_379 : vector<16xi32>
    %get3A_381 = arith.constant 0 : i32
    %get3A_382 = arith.index_cast %get3A_381 : i32 to index
    %get3A_383 = arith.constant 64 : index
    %get3A_384 = tpu.vector_load %arg19[%get3A_382, %get3A_383] {strides = array<i32>} : memref<2x80xi32, #tpu.memory_space<vmem>>, vector<16xi32>,
    %add3A_385 = arith.addi %mul3A_380, %get3A_384 : vector<16xi32>
    %mul3A_386 = arith.constant 5 : i32
    %mul3A_387 = vector.broadcast %mul3A_386 : i32 to vector<16xi32>
    %mul3A_388 = arith.muli %add3A_385, %mul3A_387 : vector<16xi32>
    %get3A_389 = arith.constant 0 : i32
    %get3A_390 = arith.index_cast %get3A_389 : i32 to index
    %get3A_391 = arith.constant 64 : index
    %get3A_392 = tpu.vector_load %arg20[%get3A_390, %get3A_391] {strides = array<i32>} : memref<2x80xi32, #tpu.memory_space<vmem>>, vector<16xi32>,
    %add3A_393 = arith.addi %mul3A_388, %get3A_392 : vector<16xi32>
    %get3A_394 = arith.constant 0 : i32
    %get3A_395 = arith.index_cast %get3A_394 : i32 to index
    %get3A_396 = arith.constant 64 : index
    %get3A_397 = tpu.vector_load %arg16[%get3A_395, %get3A_396] {strides = array<i32>} : memref<2x80xi32, #tpu.memory_space<vmem>>, vector<16xi32>,
    %mul3A_398 = arith.constant 300 : i32
    %mul3A_399 = vector.broadcast %mul3A_398 : i32 to vector<16xi32>
    %mul3A_400 = arith.muli %get3A_397, %mul3A_399 : vector<16xi32>
    %add3A_401 = arith.addi %mul3A_400, %add3A_393 : vector<16xi32>
    %swap3A_402 = arith.constant 0 : i32
    %swap3A_403 = arith.index_cast %swap3A_402 : i32 to index
    %swap3A_404 = arith.constant 64 : index
    %swap3A_405 = tpu.vector_load %arg22[%swap3A_403, %swap3A_404] {strides = array<i32>} : memref<2x80xi32, #tpu.memory_space<vmem>>, vector<16xi32>,
    tpu.vector_store %arg22[%swap3A_403, %swap3A_404], %add3A_401 {strides = array<i32>} : memref<2x80xi32, #tpu.memory_space<vmem>>, vector<16xi32>,
    %dma_start3A_406 = arith.constant 0 : i32
    %dma_start3A_407 = arith.constant 0 : i32
    %dma_start3A_408 = arith.constant 0 : i32
    %dma_start3A_409 = arith.constant 0 : i32
    %dma_start3A_410 = tpu.memref_slice %arg23[%dma_start3A_407, %dma_start3A_408, %dma_start3A_409] : memref<2x80x128xf32, #tpu.memory_space<vmem>> -> memref<1x80x128xf32, #tpu.memory_space<vmem>>
    %dma_start3A_411 = tpu.memref_squeeze %dma_start3A_410 : memref<1x80x128xf32, #tpu.memory_space<vmem>> -> memref<80x128xf32, #tpu.memory_space<vmem>>
    %dma_start3A_412 = arith.constant 0 : i32
    %dma_start3A_413 = tpu.memref_slice %arg15[%dma_start3A_406, %dma_start3A_412] : memref<2x80xi32, #tpu.memory_space<vmem>> -> memref<1x80xi32, #tpu.memory_space<vmem>>
    %dma_start3A_414 = tpu.memref_squeeze %dma_start3A_413 : memref<1x80xi32, #tpu.memory_space<vmem>> -> memref<80xi32, #tpu.memory_space<vmem>>
    %dma_start3A_415 = arith.constant 0 : i32
    %dma_start3A_416 = arith.constant 0 : i32
    %dma_start3A_417 = tpu.memref_slice %arg9[%dma_start3A_415, %dma_start3A_416] : memref<100000x128xf32, #tpu.memory_space<hbm>> -> memref<100000x128xf32, #tpu.memory_space<hbm>>
    tpu.enqueue_indirect_dma source(%dma_start3A_417 : memref<100000x128xf32, #tpu.memory_space<hbm>>) target(%dma_start3A_411 : memref<80x128xf32, #tpu.memory_space<vmem>>) offsets(%dma_start3A_414 : memref<80xi32, #tpu.memory_space<vmem>>) semaphore(%arg30 : memref<!tpu.dma_semaphore, #tpu.memory_space<semaphore_mem>>)
    %dma_start3A_418 = arith.constant 0 : i32
    %dma_start3A_419 = arith.constant 0 : i32
    %dma_start3A_420 = arith.constant 0 : i32
    %dma_start3A_421 = arith.constant 0 : i32
    %dma_start3A_422 = tpu.memref_slice %arg24[%dma_start3A_419, %dma_start3A_420, %dma_start3A_421] : memref<2x80x128xf32, #tpu.memory_space<vmem>> -> memref<1x80x128xf32, #tpu.memory_space<vmem>>
    %dma_start3A_423 = tpu.memref_squeeze %dma_start3A_422 : memref<1x80x128xf32, #tpu.memory_space<vmem>> -> memref<80x128xf32, #tpu.memory_space<vmem>>
    %dma_start3A_424 = arith.constant 0 : i32
    %dma_start3A_425 = tpu.memref_slice %arg22[%dma_start3A_418, %dma_start3A_424] : memref<2x80xi32, #tpu.memory_space<vmem>> -> memref<1x80xi32, #tpu.memory_space<vmem>>
    %dma_start3A_426 = tpu.memref_squeeze %dma_start3A_425 : memref<1x80xi32, #tpu.memory_space<vmem>> -> memref<80xi32, #tpu.memory_space<vmem>>
    %dma_start3A_427 = arith.constant 0 : i32
    %dma_start3A_428 = arith.constant 0 : i32
    %dma_start3A_429 = tpu.memref_slice %arg10[%dma_start3A_427, %dma_start3A_428] : memref<36000x128xf32, #tpu.memory_space<hbm>> -> memref<36000x128xf32, #tpu.memory_space<hbm>>
    tpu.enqueue_indirect_dma source(%dma_start3A_429 : memref<36000x128xf32, #tpu.memory_space<hbm>>) target(%dma_start3A_423 : memref<80x128xf32, #tpu.memory_space<vmem>>) offsets(%dma_start3A_426 : memref<80xi32, #tpu.memory_space<vmem>>) semaphore(%arg30 : memref<!tpu.dma_semaphore, #tpu.memory_space<semaphore_mem>>)
    %add3A_430 = arith.constant 80 : i32
    %add3A_431 = arith.addi %mul3A_2, %add3A_430 : i32
    %dma_start3A_432 = arith.constant 1 : i32
    %dma_start3A_433 = arith.constant 0 : i32
    %dma_start3A_434 = tpu.memref_slice %arg15[%dma_start3A_432, %dma_start3A_433] : memref<2x80xi32, #tpu.memory_space<vmem>> -> memref<1x80xi32, #tpu.memory_space<vmem>>
    %dma_start3A_435 = tpu.memref_squeeze %dma_start3A_434 : memref<1x80xi32, #tpu.memory_space<vmem>> -> memref<80xi32, #tpu.memory_space<vmem>>
    %dma_start3A_436 = tpu.memref_slice %arg2[%add3A_431] : memref<204800xi32, #tpu.memory_space<hbm>> -> memref<80xi32, #tpu.memory_space<hbm>>
    %dma_start3A_437 = arith.constant 0 : i32
    %dma_start3A_438 = tpu.memref_slice %arg15[%dma_start3A_432, %dma_start3A_437] : memref<2x80xi32, #tpu.memory_space<vmem>> -> memref<1x80xi32, #tpu.memory_space<vmem>>
    %dma_start3A_439 = tpu.memref_squeeze %dma_start3A_438 : memref<1x80xi32, #tpu.memory_space<vmem>> -> memref<80xi32, #tpu.memory_space<vmem>>
    %dma_start3A_440 = tpu.memref_slice %arg2[%add3A_431] : memref<204800xi32, #tpu.memory_space<hbm>> -> memref<80xi32, #tpu.memory_space<hbm>>
    tpu.enqueue_dma source(%dma_start3A_440 : memref<80xi32, #tpu.memory_space<hbm>>) target(%dma_start3A_439 : memref<80xi32, #tpu.memory_space<vmem>>) target_semaphore(%arg29 : memref<!tpu.dma_semaphore, #tpu.memory_space<semaphore_mem>>)
    %dma_start3A_441 = arith.constant 1 : i32
    %dma_start3A_442 = arith.constant 0 : i32
    %dma_start3A_443 = tpu.memref_slice %arg16[%dma_start3A_441, %dma_start3A_442] : memref<2x80xi32, #tpu.memory_space<vmem>> -> memref<1x80xi32, #tpu.memory_space<vmem>>
    %dma_start3A_444 = tpu.memref_squeeze %dma_start3A_443 : memref<1x80xi32, #tpu.memory_space<vmem>> -> memref<80xi32, #tpu.memory_space<vmem>>
    %dma_start3A_445 = tpu.memref_slice %arg3[%add3A_431] : memref<204800xi32, #tpu.memory_space<hbm>> -> memref<80xi32, #tpu.memory_space<hbm>>
    %dma_start3A_446 = arith.constant 0 : i32
    %dma_start3A_447 = tpu.memref_slice %arg16[%dma_start3A_441, %dma_start3A_446] : memref<2x80xi32, #tpu.memory_space<vmem>> -> memref<1x80xi32, #tpu.memory_space<vmem>>
    %dma_start3A_448 = tpu.memref_squeeze %dma_start3A_447 : memref<1x80xi32, #tpu.memory_space<vmem>> -> memref<80xi32, #tpu.memory_space<vmem>>
    %dma_start3A_449 = tpu.memref_slice %arg3[%add3A_431] : memref<204800xi32, #tpu.memory_space<hbm>> -> memref<80xi32, #tpu.memory_space<hbm>>
    tpu.enqueue_dma source(%dma_start3A_449 : memref<80xi32, #tpu.memory_space<hbm>>) target(%dma_start3A_448 : memref<80xi32, #tpu.memory_space<vmem>>) target_semaphore(%arg29 : memref<!tpu.dma_semaphore, #tpu.memory_space<semaphore_mem>>)
    %dma_start3A_450 = arith.constant 1 : i32
    %dma_start3A_451 = arith.constant 0 : i32
    %dma_start3A_452 = tpu.memref_slice %arg17[%dma_start3A_450, %dma_start3A_451] : memref<2x80xi32, #tpu.memory_space<vmem>> -> memref<1x80xi32, #tpu.memory_space<vmem>>
    %dma_start3A_453 = tpu.memref_squeeze %dma_start3A_452 : memref<1x80xi32, #tpu.memory_space<vmem>> -> memref<80xi32, #tpu.memory_space<vmem>>
    %dma_start3A_454 = tpu.memref_slice %arg4[%add3A_431] : memref<204800xi32, #tpu.memory_space<hbm>> -> memref<80xi32, #tpu.memory_space<hbm>>
    %dma_start3A_455 = arith.constant 0 : i32
    %dma_start3A_456 = tpu.memref_slice %arg17[%dma_start3A_450, %dma_start3A_455] : memref<2x80xi32, #tpu.memory_space<vmem>> -> memref<1x80xi32, #tpu.memory_space<vmem>>
    %dma_start3A_457 = tpu.memref_squeeze %dma_start3A_456 : memref<1x80xi32, #tpu.memory_space<vmem>> -> memref<80xi32, #tpu.memory_space<vmem>>
    %dma_start3A_458 = tpu.memref_slice %arg4[%add3A_431] : memref<204800xi32, #tpu.memory_space<hbm>> -> memref<80xi32, #tpu.memory_space<hbm>>
    tpu.enqueue_dma source(%dma_start3A_458 : memref<80xi32, #tpu.memory_space<hbm>>) target(%dma_start3A_457 : memref<80xi32, #tpu.memory_space<vmem>>) target_semaphore(%arg29 : memref<!tpu.dma_semaphore, #tpu.memory_space<semaphore_mem>>)
    %dma_start3A_459 = arith.constant 1 : i32
    %dma_start3A_460 = arith.constant 0 : i32
    %dma_start3A_461 = tpu.memref_slice %arg18[%dma_start3A_459, %dma_start3A_460] : memref<2x80xi32, #tpu.memory_space<vmem>> -> memref<1x80xi32, #tpu.memory_space<vmem>>
    %dma_start3A_462 = tpu.memref_squeeze %dma_start3A_461 : memref<1x80xi32, #tpu.memory_space<vmem>> -> memref<80xi32, #tpu.memory_space<vmem>>
    %dma_start3A_463 = tpu.memref_slice %arg5[%add3A_431] : memref<204800xi32, #tpu.memory_space<hbm>> -> memref<80xi32, #tpu.memory_space<hbm>>
    %dma_start3A_464 = arith.constant 0 : i32
    %dma_start3A_465 = tpu.memref_slice %arg18[%dma_start3A_459, %dma_start3A_464] : memref<2x80xi32, #tpu.memory_space<vmem>> -> memref<1x80xi32, #tpu.memory_space<vmem>>
    %dma_start3A_466 = tpu.memref_squeeze %dma_start3A_465 : memref<1x80xi32, #tpu.memory_space<vmem>> -> memref<80xi32, #tpu.memory_space<vmem>>
    %dma_start3A_467 = tpu.memref_slice %arg5[%add3A_431] : memref<204800xi32, #tpu.memory_space<hbm>> -> memref<80xi32, #tpu.memory_space<hbm>>
    tpu.enqueue_dma source(%dma_start3A_467 : memref<80xi32, #tpu.memory_space<hbm>>) target(%dma_start3A_466 : memref<80xi32, #tpu.memory_space<vmem>>) target_semaphore(%arg29 : memref<!tpu.dma_semaphore, #tpu.memory_space<semaphore_mem>>)
    %dma_start3A_468 = arith.constant 1 : i32
    %dma_start3A_469 = arith.constant 0 : i32
    %dma_start3A_470 = tpu.memref_slice %arg19[%dma_start3A_468, %dma_start3A_469] : memref<2x80xi32, #tpu.memory_space<vmem>> -> memref<1x80xi32, #tpu.memory_space<vmem>>
    %dma_start3A_471 = tpu.memref_squeeze %dma_start3A_470 : memref<1x80xi32, #tpu.memory_space<vmem>> -> memref<80xi32, #tpu.memory_space<vmem>>
    %dma_start3A_472 = tpu.memref_slice %arg6[%add3A_431] : memref<204800xi32, #tpu.memory_space<hbm>> -> memref<80xi32, #tpu.memory_space<hbm>>
    %dma_start3A_473 = arith.constant 0 : i32
    %dma_start3A_474 = tpu.memref_slice %arg19[%dma_start3A_468, %dma_start3A_473] : memref<2x80xi32, #tpu.memory_space<vmem>> -> memref<1x80xi32, #tpu.memory_space<vmem>>
    %dma_start3A_475 = tpu.memref_squeeze %dma_start3A_474 : memref<1x80xi32, #tpu.memory_space<vmem>> -> memref<80xi32, #tpu.memory_space<vmem>>
    %dma_start3A_476 = tpu.memref_slice %arg6[%add3A_431] : memref<204800xi32, #tpu.memory_space<hbm>> -> memref<80xi32, #tpu.memory_space<hbm>>
    tpu.enqueue_dma source(%dma_start3A_476 : memref<80xi32, #tpu.memory_space<hbm>>) target(%dma_start3A_475 : memref<80xi32, #tpu.memory_space<vmem>>) target_semaphore(%arg29 : memref<!tpu.dma_semaphore, #tpu.memory_space<semaphore_mem>>)
    %dma_start3A_477 = arith.constant 1 : i32
    %dma_start3A_478 = arith.constant 0 : i32
    %dma_start3A_479 = tpu.memref_slice %arg20[%dma_start3A_477, %dma_start3A_478] : memref<2x80xi32, #tpu.memory_space<vmem>> -> memref<1x80xi32, #tpu.memory_space<vmem>>
    %dma_start3A_480 = tpu.memref_squeeze %dma_start3A_479 : memref<1x80xi32, #tpu.memory_space<vmem>> -> memref<80xi32, #tpu.memory_space<vmem>>
    %dma_start3A_481 = tpu.memref_slice %arg7[%add3A_431] : memref<204800xi32, #tpu.memory_space<hbm>> -> memref<80xi32, #tpu.memory_space<hbm>>
    %dma_start3A_482 = arith.constant 0 : i32
    %dma_start3A_483 = tpu.memref_slice %arg20[%dma_start3A_477, %dma_start3A_482] : memref<2x80xi32, #tpu.memory_space<vmem>> -> memref<1x80xi32, #tpu.memory_space<vmem>>
    %dma_start3A_484 = tpu.memref_squeeze %dma_start3A_483 : memref<1x80xi32, #tpu.memory_space<vmem>> -> memref<80xi32, #tpu.memory_space<vmem>>
    %dma_start3A_485 = tpu.memref_slice %arg7[%add3A_431] : memref<204800xi32, #tpu.memory_space<hbm>> -> memref<80xi32, #tpu.memory_space<hbm>>
    tpu.enqueue_dma source(%dma_start3A_485 : memref<80xi32, #tpu.memory_space<hbm>>) target(%dma_start3A_484 : memref<80xi32, #tpu.memory_space<vmem>>) target_semaphore(%arg29 : memref<!tpu.dma_semaphore, #tpu.memory_space<semaphore_mem>>)
    %dma_start3A_486 = arith.constant 1 : i32
    %dma_start3A_487 = arith.constant 0 : i32
    %dma_start3A_488 = tpu.memref_slice %arg21[%dma_start3A_486, %dma_start3A_487] : memref<2x80xi32, #tpu.memory_space<vmem>> -> memref<1x80xi32, #tpu.memory_space<vmem>>
    %dma_start3A_489 = tpu.memref_squeeze %dma_start3A_488 : memref<1x80xi32, #tpu.memory_space<vmem>> -> memref<80xi32, #tpu.memory_space<vmem>>
    %dma_start3A_490 = tpu.memref_slice %arg8[%add3A_431] : memref<204800xi32, #tpu.memory_space<hbm>> -> memref<80xi32, #tpu.memory_space<hbm>>
    %dma_start3A_491 = arith.constant 0 : i32
    %dma_start3A_492 = tpu.memref_slice %arg21[%dma_start3A_486, %dma_start3A_491] : memref<2x80xi32, #tpu.memory_space<vmem>> -> memref<1x80xi32, #tpu.memory_space<vmem>>
    %dma_start3A_493 = tpu.memref_squeeze %dma_start3A_492 : memref<1x80xi32, #tpu.memory_space<vmem>> -> memref<80xi32, #tpu.memory_space<vmem>>
    %dma_start3A_494 = tpu.memref_slice %arg8[%add3A_431] : memref<204800xi32, #tpu.memory_space<hbm>> -> memref<80xi32, #tpu.memory_space<hbm>>
    tpu.enqueue_dma source(%dma_start3A_494 : memref<80xi32, #tpu.memory_space<hbm>>) target(%dma_start3A_493 : memref<80xi32, #tpu.memory_space<vmem>>) target_semaphore(%arg29 : memref<!tpu.dma_semaphore, #tpu.memory_space<semaphore_mem>>)
    %scan3A = arith.constant 0 : i32
    %scan3A_495 = arith.constant 0 : i32
    %scan3A_496 = arith.constant 40 : i32
    %scan3A_497 = arith.addi %scan3A_495, %scan3A_496 : i32
    %scan3A_498 = arith.constant 1 : i32
    scf.for %scan3A_515 = %scan3A_495 to %scan3A_497 step %scan3A_498  : i32 {
      %mul3A_516 = arith.constant 2 : i32
      %mul3A_517 = arith.muli %scan3A_515, %mul3A_516 : i32
      %add3A_518 = arith.constant 0 : i32
      %add3A_519 = arith.addi %mul3A_517, %add3A_518 : i32
      %add3A_520 = arith.constant 1 : i32
      %add3A_521 = arith.addi %add3A_519, %add3A_520 : i32
      %lt3A = arith.constant 80 : i32
      %lt3A_522 = arith.cmpi slt, %add3A_521, %lt3A : i32
      %convert_element_type3A = arith.extui %lt3A_522 : i1 to i32
      %cond3A = arith.constant 0 : i32
      %cond3A_523 = arith.cmpi ne, %convert_element_type3A, %cond3A : i32
      scf.if %cond3A_523 {
        %dma_wait3A_673 = arith.constant 1 : i32
        %dma_wait3A_674 = arith.constant 0 : i32
        %dma_wait3A_675 = tpu.memref_slice %arg15[%dma_wait3A_673, %dma_wait3A_674] : memref<2x80xi32, #tpu.memory_space<vmem>> -> memref<1x80xi32, #tpu.memory_space<vmem>>
        %dma_wait3A_676 = tpu.memref_squeeze %dma_wait3A_675 : memref<1x80xi32, #tpu.memory_space<vmem>> -> memref<80xi32, #tpu.memory_space<vmem>>
        %dma_wait3A_677 = arith.constant 0 : i32
        %dma_wait3A_678 = tpu.memref_slice %arg2[%dma_wait3A_677] : memref<204800xi32, #tpu.memory_space<hbm>> -> memref<80xi32, #tpu.memory_space<hbm>>
        %dma_wait3A_679 = arith.constant 0 : i32
        %dma_wait3A_680 = tpu.memref_slice %arg15[%dma_wait3A_673, %dma_wait3A_679] : memref<2x80xi32, #tpu.memory_space<vmem>> -> memref<1x80xi32, #tpu.memory_space<vmem>>
        %dma_wait3A_681 = tpu.memref_squeeze %dma_wait3A_680 : memref<1x80xi32, #tpu.memory_space<vmem>> -> memref<80xi32, #tpu.memory_space<vmem>>
        %dma_wait3A_682 = arith.constant 0 : i32
        %dma_wait3A_683 = tpu.memref_slice %arg2[%dma_wait3A_682] : memref<204800xi32, #tpu.memory_space<hbm>> -> memref<80xi32, #tpu.memory_space<hbm>>
        tpu.wait_dma2 semaphore(%arg29 : memref<!tpu.dma_semaphore, #tpu.memory_space<semaphore_mem>>) src(%dma_wait3A_683 : memref<80xi32, #tpu.memory_space<hbm>>) dst(%dma_wait3A_681 : memref<80xi32, #tpu.memory_space<vmem>>)
        %dma_wait3A_684 = arith.constant 1 : i32
        %dma_wait3A_685 = arith.constant 0 : i32
        %dma_wait3A_686 = tpu.memref_slice %arg16[%dma_wait3A_684, %dma_wait3A_685] : memref<2x80xi32, #tpu.memory_space<vmem>> -> memref<1x80xi32, #tpu.memory_space<vmem>>
        %dma_wait3A_687 = tpu.memref_squeeze %dma_wait3A_686 : memref<1x80xi32, #tpu.memory_space<vmem>> -> memref<80xi32, #tpu.memory_space<vmem>>
        %dma_wait3A_688 = arith.constant 0 : i32
        %dma_wait3A_689 = tpu.memref_slice %arg3[%dma_wait3A_688] : memref<204800xi32, #tpu.memory_space<hbm>> -> memref<80xi32, #tpu.memory_space<hbm>>
        %dma_wait3A_690 = arith.constant 0 : i32
        %dma_wait3A_691 = tpu.memref_slice %arg16[%dma_wait3A_684, %dma_wait3A_690] : memref<2x80xi32, #tpu.memory_space<vmem>> -> memref<1x80xi32, #tpu.memory_space<vmem>>
        %dma_wait3A_692 = tpu.memref_squeeze %dma_wait3A_691 : memref<1x80xi32, #tpu.memory_space<vmem>> -> memref<80xi32, #tpu.memory_space<vmem>>
        %dma_wait3A_693 = arith.constant 0 : i32
        %dma_wait3A_694 = tpu.memref_slice %arg3[%dma_wait3A_693] : memref<204800xi32, #tpu.memory_space<hbm>> -> memref<80xi32, #tpu.memory_space<hbm>>
        tpu.wait_dma2 semaphore(%arg29 : memref<!tpu.dma_semaphore, #tpu.memory_space<semaphore_mem>>) src(%dma_wait3A_694 : memref<80xi32, #tpu.memory_space<hbm>>) dst(%dma_wait3A_692 : memref<80xi32, #tpu.memory_space<vmem>>)
        %dma_wait3A_695 = arith.constant 1 : i32
        %dma_wait3A_696 = arith.constant 0 : i32
        %dma_wait3A_697 = tpu.memref_slice %arg17[%dma_wait3A_695, %dma_wait3A_696] : memref<2x80xi32, #tpu.memory_space<vmem>> -> memref<1x80xi32, #tpu.memory_space<vmem>>
        %dma_wait3A_698 = tpu.memref_squeeze %dma_wait3A_697 : memref<1x80xi32, #tpu.memory_space<vmem>> -> memref<80xi32, #tpu.memory_space<vmem>>
        %dma_wait3A_699 = arith.constant 0 : i32
        %dma_wait3A_700 = tpu.memref_slice %arg4[%dma_wait3A_699] : memref<204800xi32, #tpu.memory_space<hbm>> -> memref<80xi32, #tpu.memory_space<hbm>>
        %dma_wait3A_701 = arith.constant 0 : i32
        %dma_wait3A_702 = tpu.memref_slice %arg17[%dma_wait3A_695, %dma_wait3A_701] : memref<2x80xi32, #tpu.memory_space<vmem>> -> memref<1x80xi32, #tpu.memory_space<vmem>>
        %dma_wait3A_703 = tpu.memref_squeeze %dma_wait3A_702 : memref<1x80xi32, #tpu.memory_space<vmem>> -> memref<80xi32, #tpu.memory_space<vmem>>
        %dma_wait3A_704 = arith.constant 0 : i32
        %dma_wait3A_705 = tpu.memref_slice %arg4[%dma_wait3A_704] : memref<204800xi32, #tpu.memory_space<hbm>> -> memref<80xi32, #tpu.memory_space<hbm>>
        tpu.wait_dma2 semaphore(%arg29 : memref<!tpu.dma_semaphore, #tpu.memory_space<semaphore_mem>>) src(%dma_wait3A_705 : memref<80xi32, #tpu.memory_space<hbm>>) dst(%dma_wait3A_703 : memref<80xi32, #tpu.memory_space<vmem>>)
        %dma_wait3A_706 = arith.constant 1 : i32
        %dma_wait3A_707 = arith.constant 0 : i32
        %dma_wait3A_708 = tpu.memref_slice %arg18[%dma_wait3A_706, %dma_wait3A_707] : memref<2x80xi32, #tpu.memory_space<vmem>> -> memref<1x80xi32, #tpu.memory_space<vmem>>
        %dma_wait3A_709 = tpu.memref_squeeze %dma_wait3A_708 : memref<1x80xi32, #tpu.memory_space<vmem>> -> memref<80xi32, #tpu.memory_space<vmem>>
        %dma_wait3A_710 = arith.constant 0 : i32
        %dma_wait3A_711 = tpu.memref_slice %arg5[%dma_wait3A_710] : memref<204800xi32, #tpu.memory_space<hbm>> -> memref<80xi32, #tpu.memory_space<hbm>>
        %dma_wait3A_712 = arith.constant 0 : i32
        %dma_wait3A_713 = tpu.memref_slice %arg18[%dma_wait3A_706, %dma_wait3A_712] : memref<2x80xi32, #tpu.memory_space<vmem>> -> memref<1x80xi32, #tpu.memory_space<vmem>>
        %dma_wait3A_714 = tpu.memref_squeeze %dma_wait3A_713 : memref<1x80xi32, #tpu.memory_space<vmem>> -> memref<80xi32, #tpu.memory_space<vmem>>
        %dma_wait3A_715 = arith.constant 0 : i32
        %dma_wait3A_716 = tpu.memref_slice %arg5[%dma_wait3A_715] : memref<204800xi32, #tpu.memory_space<hbm>> -> memref<80xi32, #tpu.memory_space<hbm>>
        tpu.wait_dma2 semaphore(%arg29 : memref<!tpu.dma_semaphore, #tpu.memory_space<semaphore_mem>>) src(%dma_wait3A_716 : memref<80xi32, #tpu.memory_space<hbm>>) dst(%dma_wait3A_714 : memref<80xi32, #tpu.memory_space<vmem>>)
        %dma_wait3A_717 = arith.constant 1 : i32
        %dma_wait3A_718 = arith.constant 0 : i32
        %dma_wait3A_719 = tpu.memref_slice %arg19[%dma_wait3A_717, %dma_wait3A_718] : memref<2x80xi32, #tpu.memory_space<vmem>> -> memref<1x80xi32, #tpu.memory_space<vmem>>
        %dma_wait3A_720 = tpu.memref_squeeze %dma_wait3A_719 : memref<1x80xi32, #tpu.memory_space<vmem>> -> memref<80xi32, #tpu.memory_space<vmem>>
        %dma_wait3A_721 = arith.constant 0 : i32
        %dma_wait3A_722 = tpu.memref_slice %arg6[%dma_wait3A_721] : memref<204800xi32, #tpu.memory_space<hbm>> -> memref<80xi32, #tpu.memory_space<hbm>>
        %dma_wait3A_723 = arith.constant 0 : i32
        %dma_wait3A_724 = tpu.memref_slice %arg19[%dma_wait3A_717, %dma_wait3A_723] : memref<2x80xi32, #tpu.memory_space<vmem>> -> memref<1x80xi32, #tpu.memory_space<vmem>>
        %dma_wait3A_725 = tpu.memref_squeeze %dma_wait3A_724 : memref<1x80xi32, #tpu.memory_space<vmem>> -> memref<80xi32, #tpu.memory_space<vmem>>
        %dma_wait3A_726 = arith.constant 0 : i32
        %dma_wait3A_727 = tpu.memref_slice %arg6[%dma_wait3A_726] : memref<204800xi32, #tpu.memory_space<hbm>> -> memref<80xi32, #tpu.memory_space<hbm>>
        tpu.wait_dma2 semaphore(%arg29 : memref<!tpu.dma_semaphore, #tpu.memory_space<semaphore_mem>>) src(%dma_wait3A_727 : memref<80xi32, #tpu.memory_space<hbm>>) dst(%dma_wait3A_725 : memref<80xi32, #tpu.memory_space<vmem>>)
        %dma_wait3A_728 = arith.constant 1 : i32
        %dma_wait3A_729 = arith.constant 0 : i32
        %dma_wait3A_730 = tpu.memref_slice %arg20[%dma_wait3A_728, %dma_wait3A_729] : memref<2x80xi32, #tpu.memory_space<vmem>> -> memref<1x80xi32, #tpu.memory_space<vmem>>
        %dma_wait3A_731 = tpu.memref_squeeze %dma_wait3A_730 : memref<1x80xi32, #tpu.memory_space<vmem>> -> memref<80xi32, #tpu.memory_space<vmem>>
        %dma_wait3A_732 = arith.constant 0 : i32
        %dma_wait3A_733 = tpu.memref_slice %arg7[%dma_wait3A_732] : memref<204800xi32, #tpu.memory_space<hbm>> -> memref<80xi32, #tpu.memory_space<hbm>>
        %dma_wait3A_734 = arith.constant 0 : i32
        %dma_wait3A_735 = tpu.memref_slice %arg20[%dma_wait3A_728, %dma_wait3A_734] : memref<2x80xi32, #tpu.memory_space<vmem>> -> memref<1x80xi32, #tpu.memory_space<vmem>>
        %dma_wait3A_736 = tpu.memref_squeeze %dma_wait3A_735 : memref<1x80xi32, #tpu.memory_space<vmem>> -> memref<80xi32, #tpu.memory_space<vmem>>
        %dma_wait3A_737 = arith.constant 0 : i32
        %dma_wait3A_738 = tpu.memref_slice %arg7[%dma_wait3A_737] : memref<204800xi32, #tpu.memory_space<hbm>> -> memref<80xi32, #tpu.memory_space<hbm>>
        tpu.wait_dma2 semaphore(%arg29 : memref<!tpu.dma_semaphore, #tpu.memory_space<semaphore_mem>>) src(%dma_wait3A_738 : memref<80xi32, #tpu.memory_space<hbm>>) dst(%dma_wait3A_736 : memref<80xi32, #tpu.memory_space<vmem>>)
        %dma_wait3A_739 = arith.constant 1 : i32
        %dma_wait3A_740 = arith.constant 0 : i32
        %dma_wait3A_741 = tpu.memref_slice %arg21[%dma_wait3A_739, %dma_wait3A_740] : memref<2x80xi32, #tpu.memory_space<vmem>> -> memref<1x80xi32, #tpu.memory_space<vmem>>
        %dma_wait3A_742 = tpu.memref_squeeze %dma_wait3A_741 : memref<1x80xi32, #tpu.memory_space<vmem>> -> memref<80xi32, #tpu.memory_space<vmem>>
        %dma_wait3A_743 = arith.constant 0 : i32
        %dma_wait3A_744 = tpu.memref_slice %arg8[%dma_wait3A_743] : memref<204800xi32, #tpu.memory_space<hbm>> -> memref<80xi32, #tpu.memory_space<hbm>>
        %dma_wait3A_745 = arith.constant 0 : i32
        %dma_wait3A_746 = tpu.memref_slice %arg21[%dma_wait3A_739, %dma_wait3A_745] : memref<2x80xi32, #tpu.memory_space<vmem>> -> memref<1x80xi32, #tpu.memory_space<vmem>>
        %dma_wait3A_747 = tpu.memref_squeeze %dma_wait3A_746 : memref<1x80xi32, #tpu.memory_space<vmem>> -> memref<80xi32, #tpu.memory_space<vmem>>
        %dma_wait3A_748 = arith.constant 0 : i32
        %dma_wait3A_749 = tpu.memref_slice %arg8[%dma_wait3A_748] : memref<204800xi32, #tpu.memory_space<hbm>> -> memref<80xi32, #tpu.memory_space<hbm>>
        tpu.wait_dma2 semaphore(%arg29 : memref<!tpu.dma_semaphore, #tpu.memory_space<semaphore_mem>>) src(%dma_wait3A_749 : memref<80xi32, #tpu.memory_space<hbm>>) dst(%dma_wait3A_747 : memref<80xi32, #tpu.memory_space<vmem>>)
        %get3A_750 = arith.constant 1 : i32
        %get3A_751 = arith.index_cast %get3A_750 : i32 to index
        %get3A_752 = arith.constant 0 : index
        %get3A_753 = tpu.vector_load %arg17[%get3A_751, %get3A_752] {strides = array<i32>} : memref<2x80xi32, #tpu.memory_space<vmem>>, vector<16xi32>,
        %mul3A_754 = arith.constant 3 : i32
        %mul3A_755 = vector.broadcast %mul3A_754 : i32 to vector<16xi32>
        %mul3A_756 = arith.muli %get3A_753, %mul3A_755 : vector<16xi32>
        %get3A_757 = arith.constant 1 : i32
        %get3A_758 = arith.index_cast %get3A_757 : i32 to index
        %get3A_759 = arith.constant 0 : index
        %get3A_760 = tpu.vector_load %arg18[%get3A_758, %get3A_759] {strides = array<i32>} : memref<2x80xi32, #tpu.memory_space<vmem>>, vector<16xi32>,
        %add3A_761 = arith.addi %mul3A_756, %get3A_760 : vector<16xi32>
        %mul3A_762 = arith.constant 10 : i32
        %mul3A_763 = vector.broadcast %mul3A_762 : i32 to vector<16xi32>
        %mul3A_764 = arith.muli %add3A_761, %mul3A_763 : vector<16xi32>
        %get3A_765 = arith.constant 1 : i32
        %get3A_766 = arith.index_cast %get3A_765 : i32 to index
        %get3A_767 = arith.constant 0 : index
        %get3A_768 = tpu.vector_load %arg19[%get3A_766, %get3A_767] {strides = array<i32>} : memref<2x80xi32, #tpu.memory_space<vmem>>, vector<16xi32>,
        %add3A_769 = arith.addi %mul3A_764, %get3A_768 : vector<16xi32>
        %mul3A_770 = arith.constant 5 : i32
        %mul3A_771 = vector.broadcast %mul3A_770 : i32 to vector<16xi32>
        %mul3A_772 = arith.muli %add3A_769, %mul3A_771 : vector<16xi32>
        %get3A_773 = arith.constant 1 : i32
        %get3A_774 = arith.index_cast %get3A_773 : i32 to index
        %get3A_775 = arith.constant 0 : index
        %get3A_776 = tpu.vector_load %arg20[%get3A_774, %get3A_775] {strides = array<i32>} : memref<2x80xi32, #tpu.memory_space<vmem>>, vector<16xi32>,
        %add3A_777 = arith.addi %mul3A_772, %get3A_776 : vector<16xi32>
        %get3A_778 = arith.constant 1 : i32
        %get3A_779 = arith.index_cast %get3A_778 : i32 to index
        %get3A_780 = arith.constant 0 : index
        %get3A_781 = tpu.vector_load %arg16[%get3A_779, %get3A_780] {strides = array<i32>} : memref<2x80xi32, #tpu.memory_space<vmem>>, vector<16xi32>,
        %mul3A_782 = arith.constant 300 : i32
        %mul3A_783 = vector.broadcast %mul3A_782 : i32 to vector<16xi32>
        %mul3A_784 = arith.muli %get3A_781, %mul3A_783 : vector<16xi32>
        %add3A_785 = arith.addi %mul3A_784, %add3A_777 : vector<16xi32>
        %swap3A_786 = arith.constant 1 : i32
        %swap3A_787 = arith.index_cast %swap3A_786 : i32 to index
        %swap3A_788 = arith.constant 0 : index
        %swap3A_789 = tpu.vector_load %arg22[%swap3A_787, %swap3A_788] {strides = array<i32>} : memref<2x80xi32, #tpu.memory_space<vmem>>, vector<16xi32>,
        tpu.vector_store %arg22[%swap3A_787, %swap3A_788], %add3A_785 {strides = array<i32>} : memref<2x80xi32, #tpu.memory_space<vmem>>, vector<16xi32>,
        %get3A_790 = arith.constant 1 : i32
        %get3A_791 = arith.index_cast %get3A_790 : i32 to index
        %get3A_792 = arith.constant 16 : index
        %get3A_793 = tpu.vector_load %arg17[%get3A_791, %get3A_792] {strides = array<i32>} : memref<2x80xi32, #tpu.memory_space<vmem>>, vector<16xi32>,
        %mul3A_794 = arith.constant 3 : i32
        %mul3A_795 = vector.broadcast %mul3A_794 : i32 to vector<16xi32>
        %mul3A_796 = arith.muli %get3A_793, %mul3A_795 : vector<16xi32>
        %get3A_797 = arith.constant 1 : i32
        %get3A_798 = arith.index_cast %get3A_797 : i32 to index
        %get3A_799 = arith.constant 16 : index
        %get3A_800 = tpu.vector_load %arg18[%get3A_798, %get3A_799] {strides = array<i32>} : memref<2x80xi32, #tpu.memory_space<vmem>>, vector<16xi32>,
        %add3A_801 = arith.addi %mul3A_796, %get3A_800 : vector<16xi32>
        %mul3A_802 = arith.constant 10 : i32
        %mul3A_803 = vector.broadcast %mul3A_802 : i32 to vector<16xi32>
        %mul3A_804 = arith.muli %add3A_801, %mul3A_803 : vector<16xi32>
        %get3A_805 = arith.constant 1 : i32
        %get3A_806 = arith.index_cast %get3A_805 : i32 to index
        %get3A_807 = arith.constant 16 : index
        %get3A_808 = tpu.vector_load %arg19[%get3A_806, %get3A_807] {strides = array<i32>} : memref<2x80xi32, #tpu.memory_space<vmem>>, vector<16xi32>,
        %add3A_809 = arith.addi %mul3A_804, %get3A_808 : vector<16xi32>
        %mul3A_810 = arith.constant 5 : i32
        %mul3A_811 = vector.broadcast %mul3A_810 : i32 to vector<16xi32>
        %mul3A_812 = arith.muli %add3A_809, %mul3A_811 : vector<16xi32>
        %get3A_813 = arith.constant 1 : i32
        %get3A_814 = arith.index_cast %get3A_813 : i32 to index
        %get3A_815 = arith.constant 16 : index
        %get3A_816 = tpu.vector_load %arg20[%get3A_814, %get3A_815] {strides = array<i32>} : memref<2x80xi32, #tpu.memory_space<vmem>>, vector<16xi32>,
        %add3A_817 = arith.addi %mul3A_812, %get3A_816 : vector<16xi32>
        %get3A_818 = arith.constant 1 : i32
        %get3A_819 = arith.index_cast %get3A_818 : i32 to index
        %get3A_820 = arith.constant 16 : index
        %get3A_821 = tpu.vector_load %arg16[%get3A_819, %get3A_820] {strides = array<i32>} : memref<2x80xi32, #tpu.memory_space<vmem>>, vector<16xi32>,
        %mul3A_822 = arith.constant 300 : i32
        %mul3A_823 = vector.broadcast %mul3A_822 : i32 to vector<16xi32>
        %mul3A_824 = arith.muli %get3A_821, %mul3A_823 : vector<16xi32>
        %add3A_825 = arith.addi %mul3A_824, %add3A_817 : vector<16xi32>
        %swap3A_826 = arith.constant 1 : i32
        %swap3A_827 = arith.index_cast %swap3A_826 : i32 to index
        %swap3A_828 = arith.constant 16 : index
        %swap3A_829 = tpu.vector_load %arg22[%swap3A_827, %swap3A_828] {strides = array<i32>} : memref<2x80xi32, #tpu.memory_space<vmem>>, vector<16xi32>,
        tpu.vector_store %arg22[%swap3A_827, %swap3A_828], %add3A_825 {strides = array<i32>} : memref<2x80xi32, #tpu.memory_space<vmem>>, vector<16xi32>,
        %get3A_830 = arith.constant 1 : i32
        %get3A_831 = arith.index_cast %get3A_830 : i32 to index
        %get3A_832 = arith.constant 32 : index
        %get3A_833 = tpu.vector_load %arg17[%get3A_831, %get3A_832] {strides = array<i32>} : memref<2x80xi32, #tpu.memory_space<vmem>>, vector<16xi32>,
        %mul3A_834 = arith.constant 3 : i32
        %mul3A_835 = vector.broadcast %mul3A_834 : i32 to vector<16xi32>
        %mul3A_836 = arith.muli %get3A_833, %mul3A_835 : vector<16xi32>
        %get3A_837 = arith.constant 1 : i32
        %get3A_838 = arith.index_cast %get3A_837 : i32 to index
        %get3A_839 = arith.constant 32 : index
        %get3A_840 = tpu.vector_load %arg18[%get3A_838, %get3A_839] {strides = array<i32>} : memref<2x80xi32, #tpu.memory_space<vmem>>, vector<16xi32>,
        %add3A_841 = arith.addi %mul3A_836, %get3A_840 : vector<16xi32>
        %mul3A_842 = arith.constant 10 : i32
        %mul3A_843 = vector.broadcast %mul3A_842 : i32 to vector<16xi32>
        %mul3A_844 = arith.muli %add3A_841, %mul3A_843 : vector<16xi32>
        %get3A_845 = arith.constant 1 : i32
        %get3A_846 = arith.index_cast %get3A_845 : i32 to index
        %get3A_847 = arith.constant 32 : index
        %get3A_848 = tpu.vector_load %arg19[%get3A_846, %get3A_847] {strides = array<i32>} : memref<2x80xi32, #tpu.memory_space<vmem>>, vector<16xi32>,
        %add3A_849 = arith.addi %mul3A_844, %get3A_848 : vector<16xi32>
        %mul3A_850 = arith.constant 5 : i32
        %mul3A_851 = vector.broadcast %mul3A_850 : i32 to vector<16xi32>
        %mul3A_852 = arith.muli %add3A_849, %mul3A_851 : vector<16xi32>
        %get3A_853 = arith.constant 1 : i32
        %get3A_854 = arith.index_cast %get3A_853 : i32 to index
        %get3A_855 = arith.constant 32 : index
        %get3A_856 = tpu.vector_load %arg20[%get3A_854, %get3A_855] {strides = array<i32>} : memref<2x80xi32, #tpu.memory_space<vmem>>, vector<16xi32>,
        %add3A_857 = arith.addi %mul3A_852, %get3A_856 : vector<16xi32>
        %get3A_858 = arith.constant 1 : i32
        %get3A_859 = arith.index_cast %get3A_858 : i32 to index
        %get3A_860 = arith.constant 32 : index
        %get3A_861 = tpu.vector_load %arg16[%get3A_859, %get3A_860] {strides = array<i32>} : memref<2x80xi32, #tpu.memory_space<vmem>>, vector<16xi32>,
        %mul3A_862 = arith.constant 300 : i32
        %mul3A_863 = vector.broadcast %mul3A_862 : i32 to vector<16xi32>
        %mul3A_864 = arith.muli %get3A_861, %mul3A_863 : vector<16xi32>
        %add3A_865 = arith.addi %mul3A_864, %add3A_857 : vector<16xi32>
        %swap3A_866 = arith.constant 1 : i32
        %swap3A_867 = arith.index_cast %swap3A_866 : i32 to index
        %swap3A_868 = arith.constant 32 : index
        %swap3A_869 = tpu.vector_load %arg22[%swap3A_867, %swap3A_868] {strides = array<i32>} : memref<2x80xi32, #tpu.memory_space<vmem>>, vector<16xi32>,
        tpu.vector_store %arg22[%swap3A_867, %swap3A_868], %add3A_865 {strides = array<i32>} : memref<2x80xi32, #tpu.memory_space<vmem>>, vector<16xi32>,
        %get3A_870 = arith.constant 1 : i32
        %get3A_871 = arith.index_cast %get3A_870 : i32 to index
        %get3A_872 = arith.constant 48 : index
        %get3A_873 = tpu.vector_load %arg17[%get3A_871, %get3A_872] {strides = array<i32>} : memref<2x80xi32, #tpu.memory_space<vmem>>, vector<16xi32>,
        %mul3A_874 = arith.constant 3 : i32
        %mul3A_875 = vector.broadcast %mul3A_874 : i32 to vector<16xi32>
        %mul3A_876 = arith.muli %get3A_873, %mul3A_875 : vector<16xi32>
        %get3A_877 = arith.constant 1 : i32
        %get3A_878 = arith.index_cast %get3A_877 : i32 to index
        %get3A_879 = arith.constant 48 : index
        %get3A_880 = tpu.vector_load %arg18[%get3A_878, %get3A_879] {strides = array<i32>} : memref<2x80xi32, #tpu.memory_space<vmem>>, vector<16xi32>,
        %add3A_881 = arith.addi %mul3A_876, %get3A_880 : vector<16xi32>
        %mul3A_882 = arith.constant 10 : i32
        %mul3A_883 = vector.broadcast %mul3A_882 : i32 to vector<16xi32>
        %mul3A_884 = arith.muli %add3A_881, %mul3A_883 : vector<16xi32>
        %get3A_885 = arith.constant 1 : i32
        %get3A_886 = arith.index_cast %get3A_885 : i32 to index
        %get3A_887 = arith.constant 48 : index
        %get3A_888 = tpu.vector_load %arg19[%get3A_886, %get3A_887] {strides = array<i32>} : memref<2x80xi32, #tpu.memory_space<vmem>>, vector<16xi32>,
        %add3A_889 = arith.addi %mul3A_884, %get3A_888 : vector<16xi32>
        %mul3A_890 = arith.constant 5 : i32
        %mul3A_891 = vector.broadcast %mul3A_890 : i32 to vector<16xi32>
        %mul3A_892 = arith.muli %add3A_889, %mul3A_891 : vector<16xi32>
        %get3A_893 = arith.constant 1 : i32
        %get3A_894 = arith.index_cast %get3A_893 : i32 to index
        %get3A_895 = arith.constant 48 : index
        %get3A_896 = tpu.vector_load %arg20[%get3A_894, %get3A_895] {strides = array<i32>} : memref<2x80xi32, #tpu.memory_space<vmem>>, vector<16xi32>,
        %add3A_897 = arith.addi %mul3A_892, %get3A_896 : vector<16xi32>
        %get3A_898 = arith.constant 1 : i32
        %get3A_899 = arith.index_cast %get3A_898 : i32 to index
        %get3A_900 = arith.constant 48 : index
        %get3A_901 = tpu.vector_load %arg16[%get3A_899, %get3A_900] {strides = array<i32>} : memref<2x80xi32, #tpu.memory_space<vmem>>, vector<16xi32>,
        %mul3A_902 = arith.constant 300 : i32
        %mul3A_903 = vector.broadcast %mul3A_902 : i32 to vector<16xi32>
        %mul3A_904 = arith.muli %get3A_901, %mul3A_903 : vector<16xi32>
        %add3A_905 = arith.addi %mul3A_904, %add3A_897 : vector<16xi32>
        %swap3A_906 = arith.constant 1 : i32
        %swap3A_907 = arith.index_cast %swap3A_906 : i32 to index
        %swap3A_908 = arith.constant 48 : index
        %swap3A_909 = tpu.vector_load %arg22[%swap3A_907, %swap3A_908] {strides = array<i32>} : memref<2x80xi32, #tpu.memory_space<vmem>>, vector<16xi32>,
        tpu.vector_store %arg22[%swap3A_907, %swap3A_908], %add3A_905 {strides = array<i32>} : memref<2x80xi32, #tpu.memory_space<vmem>>, vector<16xi32>,
        %get3A_910 = arith.constant 1 : i32
        %get3A_911 = arith.index_cast %get3A_910 : i32 to index
        %get3A_912 = arith.constant 64 : index
        %get3A_913 = tpu.vector_load %arg17[%get3A_911, %get3A_912] {strides = array<i32>} : memref<2x80xi32, #tpu.memory_space<vmem>>, vector<16xi32>,
        %mul3A_914 = arith.constant 3 : i32
        %mul3A_915 = vector.broadcast %mul3A_914 : i32 to vector<16xi32>
        %mul3A_916 = arith.muli %get3A_913, %mul3A_915 : vector<16xi32>
        %get3A_917 = arith.constant 1 : i32
        %get3A_918 = arith.index_cast %get3A_917 : i32 to index
        %get3A_919 = arith.constant 64 : index
        %get3A_920 = tpu.vector_load %arg18[%get3A_918, %get3A_919] {strides = array<i32>} : memref<2x80xi32, #tpu.memory_space<vmem>>, vector<16xi32>,
        %add3A_921 = arith.addi %mul3A_916, %get3A_920 : vector<16xi32>
        %mul3A_922 = arith.constant 10 : i32
        %mul3A_923 = vector.broadcast %mul3A_922 : i32 to vector<16xi32>
        %mul3A_924 = arith.muli %add3A_921, %mul3A_923 : vector<16xi32>
        %get3A_925 = arith.constant 1 : i32
        %get3A_926 = arith.index_cast %get3A_925 : i32 to index
        %get3A_927 = arith.constant 64 : index
        %get3A_928 = tpu.vector_load %arg19[%get3A_926, %get3A_927] {strides = array<i32>} : memref<2x80xi32, #tpu.memory_space<vmem>>, vector<16xi32>,
        %add3A_929 = arith.addi %mul3A_924, %get3A_928 : vector<16xi32>
        %mul3A_930 = arith.constant 5 : i32
        %mul3A_931 = vector.broadcast %mul3A_930 : i32 to vector<16xi32>
        %mul3A_932 = arith.muli %add3A_929, %mul3A_931 : vector<16xi32>
        %get3A_933 = arith.constant 1 : i32
        %get3A_934 = arith.index_cast %get3A_933 : i32 to index
        %get3A_935 = arith.constant 64 : index
        %get3A_936 = tpu.vector_load %arg20[%get3A_934, %get3A_935] {strides = array<i32>} : memref<2x80xi32, #tpu.memory_space<vmem>>, vector<16xi32>,
        %add3A_937 = arith.addi %mul3A_932, %get3A_936 : vector<16xi32>
        %get3A_938 = arith.constant 1 : i32
        %get3A_939 = arith.index_cast %get3A_938 : i32 to index
        %get3A_940 = arith.constant 64 : index
        %get3A_941 = tpu.vector_load %arg16[%get3A_939, %get3A_940] {strides = array<i32>} : memref<2x80xi32, #tpu.memory_space<vmem>>, vector<16xi32>,
        %mul3A_942 = arith.constant 300 : i32
        %mul3A_943 = vector.broadcast %mul3A_942 : i32 to vector<16xi32>
        %mul3A_944 = arith.muli %get3A_941, %mul3A_943 : vector<16xi32>
        %add3A_945 = arith.addi %mul3A_944, %add3A_937 : vector<16xi32>
        %swap3A_946 = arith.constant 1 : i32
        %swap3A_947 = arith.index_cast %swap3A_946 : i32 to index
        %swap3A_948 = arith.constant 64 : index
        %swap3A_949 = tpu.vector_load %arg22[%swap3A_947, %swap3A_948] {strides = array<i32>} : memref<2x80xi32, #tpu.memory_space<vmem>>, vector<16xi32>,
        tpu.vector_store %arg22[%swap3A_947, %swap3A_948], %add3A_945 {strides = array<i32>} : memref<2x80xi32, #tpu.memory_space<vmem>>, vector<16xi32>,
        %ge3A = arith.constant 1 : i32
        %ge3A_950 = arith.cmpi sge, %add3A_519, %ge3A : i32
        %convert_element_type3A_951 = arith.extui %ge3A_950 : i1 to i32
        %cond3A_952 = arith.constant 0 : i32
        %cond3A_953 = arith.cmpi ne, %convert_element_type3A_951, %cond3A_952 : i32
        scf.if %cond3A_953 {
          %dma_wait3A_978 = arith.constant 1 : i32
          %dma_wait3A_979 = arith.constant 0 : i32
          %dma_wait3A_980 = arith.constant 0 : i32
          %dma_wait3A_981 = tpu.memref_slice %arg23[%dma_wait3A_978, %dma_wait3A_979, %dma_wait3A_980] : memref<2x80x128xf32, #tpu.memory_space<vmem>> -> memref<1x80x128xf32, #tpu.memory_space<vmem>>
          %dma_wait3A_982 = tpu.memref_squeeze %dma_wait3A_981 : memref<1x80x128xf32, #tpu.memory_space<vmem>> -> memref<80x128xf32, #tpu.memory_space<vmem>>
          %dma_wait3A_983 = arith.constant 0 : i32
          %dma_wait3A_984 = arith.constant 0 : i32
          %dma_wait3A_985 = tpu.memref_slice %arg14[%dma_wait3A_983, %dma_wait3A_984] : memref<204800x128xf32, #tpu.memory_space<hbm>> -> memref<80x128xf32, #tpu.memory_space<hbm>>
          %dma_wait3A_986 = arith.constant 0 : i32
          %dma_wait3A_987 = arith.constant 0 : i32
          %dma_wait3A_988 = tpu.memref_slice %arg14[%dma_wait3A_986, %dma_wait3A_987] : memref<204800x128xf32, #tpu.memory_space<hbm>> -> memref<80x128xf32, #tpu.memory_space<hbm>>
          %dma_wait3A_989 = arith.constant 0 : i32
          %dma_wait3A_990 = arith.constant 0 : i32
          %dma_wait3A_991 = tpu.memref_slice %arg23[%dma_wait3A_978, %dma_wait3A_989, %dma_wait3A_990] : memref<2x80x128xf32, #tpu.memory_space<vmem>> -> memref<1x80x128xf32, #tpu.memory_space<vmem>>
          %dma_wait3A_992 = tpu.memref_squeeze %dma_wait3A_991 : memref<1x80x128xf32, #tpu.memory_space<vmem>> -> memref<80x128xf32, #tpu.memory_space<vmem>>
          tpu.wait_dma2 semaphore(%arg31 : memref<!tpu.dma_semaphore, #tpu.memory_space<semaphore_mem>>) src(%dma_wait3A_992 : memref<80x128xf32, #tpu.memory_space<vmem>>) dst(%dma_wait3A_988 : memref<80x128xf32, #tpu.memory_space<hbm>>)
        } else {
        }
        %dma_start3A_954 = arith.constant 1 : i32
        %dma_start3A_955 = arith.constant 1 : i32
        %dma_start3A_956 = arith.constant 0 : i32
        %dma_start3A_957 = arith.constant 0 : i32
        %dma_start3A_958 = tpu.memref_slice %arg23[%dma_start3A_955, %dma_start3A_956, %dma_start3A_957] : memref<2x80x128xf32, #tpu.memory_space<vmem>> -> memref<1x80x128xf32, #tpu.memory_space<vmem>>
        %dma_start3A_959 = tpu.memref_squeeze %dma_start3A_958 : memref<1x80x128xf32, #tpu.memory_space<vmem>> -> memref<80x128xf32, #tpu.memory_space<vmem>>
        %dma_start3A_960 = arith.constant 0 : i32
        %dma_start3A_961 = tpu.memref_slice %arg15[%dma_start3A_954, %dma_start3A_960] : memref<2x80xi32, #tpu.memory_space<vmem>> -> memref<1x80xi32, #tpu.memory_space<vmem>>
        %dma_start3A_962 = tpu.memref_squeeze %dma_start3A_961 : memref<1x80xi32, #tpu.memory_space<vmem>> -> memref<80xi32, #tpu.memory_space<vmem>>
        %dma_start3A_963 = arith.constant 0 : i32
        %dma_start3A_964 = arith.constant 0 : i32
        %dma_start3A_965 = tpu.memref_slice %arg9[%dma_start3A_963, %dma_start3A_964] : memref<100000x128xf32, #tpu.memory_space<hbm>> -> memref<100000x128xf32, #tpu.memory_space<hbm>>
        tpu.enqueue_indirect_dma source(%dma_start3A_965 : memref<100000x128xf32, #tpu.memory_space<hbm>>) target(%dma_start3A_959 : memref<80x128xf32, #tpu.memory_space<vmem>>) offsets(%dma_start3A_962 : memref<80xi32, #tpu.memory_space<vmem>>) semaphore(%arg30 : memref<!tpu.dma_semaphore, #tpu.memory_space<semaphore_mem>>)
        %dma_start3A_966 = arith.constant 1 : i32
        %dma_start3A_967 = arith.constant 1 : i32
        %dma_start3A_968 = arith.constant 0 : i32
        %dma_start3A_969 = arith.constant 0 : i32
        %dma_start3A_970 = tpu.memref_slice %arg24[%dma_start3A_967, %dma_start3A_968, %dma_start3A_969] : memref<2x80x128xf32, #tpu.memory_space<vmem>> -> memref<1x80x128xf32, #tpu.memory_space<vmem>>
        %dma_start3A_971 = tpu.memref_squeeze %dma_start3A_970 : memref<1x80x128xf32, #tpu.memory_space<vmem>> -> memref<80x128xf32, #tpu.memory_space<vmem>>
        %dma_start3A_972 = arith.constant 0 : i32
        %dma_start3A_973 = tpu.memref_slice %arg22[%dma_start3A_966, %dma_start3A_972] : memref<2x80xi32, #tpu.memory_space<vmem>> -> memref<1x80xi32, #tpu.memory_space<vmem>>
        %dma_start3A_974 = tpu.memref_squeeze %dma_start3A_973 : memref<1x80xi32, #tpu.memory_space<vmem>> -> memref<80xi32, #tpu.memory_space<vmem>>
        %dma_start3A_975 = arith.constant 0 : i32
        %dma_start3A_976 = arith.constant 0 : i32
        %dma_start3A_977 = tpu.memref_slice %arg10[%dma_start3A_975, %dma_start3A_976] : memref<36000x128xf32, #tpu.memory_space<hbm>> -> memref<36000x128xf32, #tpu.memory_space<hbm>>
        tpu.enqueue_indirect_dma source(%dma_start3A_977 : memref<36000x128xf32, #tpu.memory_space<hbm>>) target(%dma_start3A_971 : memref<80x128xf32, #tpu.memory_space<vmem>>) offsets(%dma_start3A_974 : memref<80xi32, #tpu.memory_space<vmem>>) semaphore(%arg30 : memref<!tpu.dma_semaphore, #tpu.memory_space<semaphore_mem>>)
      } else {
      }
      %dma_wait3A_524 = arith.constant 0 : i32
      %dma_wait3A_525 = arith.constant 0 : i32
      %dma_wait3A_526 = arith.constant 0 : i32
      %dma_wait3A_527 = tpu.memref_slice %arg23[%dma_wait3A_524, %dma_wait3A_525, %dma_wait3A_526] : memref<2x80x128xf32, #tpu.memory_space<vmem>> -> memref<1x80x128xf32, #tpu.memory_space<vmem>>
      %dma_wait3A_528 = tpu.memref_squeeze %dma_wait3A_527 : memref<1x80x128xf32, #tpu.memory_space<vmem>> -> memref<80x128xf32, #tpu.memory_space<vmem>>
      %dma_wait3A_529 = arith.constant 0 : i32
      %dma_wait3A_530 = arith.constant 0 : i32
      %dma_wait3A_531 = tpu.memref_slice %arg9[%dma_wait3A_529, %dma_wait3A_530] : memref<100000x128xf32, #tpu.memory_space<hbm>> -> memref<80x128xf32, #tpu.memory_space<hbm>>
      %dma_wait3A_532 = arith.constant 0 : i32
      %dma_wait3A_533 = arith.constant 0 : i32
      %dma_wait3A_534 = tpu.memref_slice %arg23[%dma_wait3A_524, %dma_wait3A_532, %dma_wait3A_533] : memref<2x80x128xf32, #tpu.memory_space<vmem>> -> memref<1x80x128xf32, #tpu.memory_space<vmem>>
      %dma_wait3A_535 = tpu.memref_squeeze %dma_wait3A_534 : memref<1x80x128xf32, #tpu.memory_space<vmem>> -> memref<80x128xf32, #tpu.memory_space<vmem>>
      %dma_wait3A_536 = arith.constant 0 : i32
      %dma_wait3A_537 = arith.constant 0 : i32
      %dma_wait3A_538 = tpu.memref_slice %arg9[%dma_wait3A_536, %dma_wait3A_537] : memref<100000x128xf32, #tpu.memory_space<hbm>> -> memref<80x128xf32, #tpu.memory_space<hbm>>
      tpu.wait_dma2 semaphore(%arg30 : memref<!tpu.dma_semaphore, #tpu.memory_space<semaphore_mem>>) src(%dma_wait3A_538 : memref<80x128xf32, #tpu.memory_space<hbm>>) dst(%dma_wait3A_535 : memref<80x128xf32, #tpu.memory_space<vmem>>)
      %dma_wait3A_539 = arith.constant 0 : i32
      %dma_wait3A_540 = arith.constant 0 : i32
      %dma_wait3A_541 = arith.constant 0 : i32
      %dma_wait3A_542 = tpu.memref_slice %arg24[%dma_wait3A_539, %dma_wait3A_540, %dma_wait3A_541] : memref<2x80x128xf32, #tpu.memory_space<vmem>> -> memref<1x80x128xf32, #tpu.memory_space<vmem>>
      %dma_wait3A_543 = tpu.memref_squeeze %dma_wait3A_542 : memref<1x80x128xf32, #tpu.memory_space<vmem>> -> memref<80x128xf32, #tpu.memory_space<vmem>>
      %dma_wait3A_544 = arith.constant 0 : i32
      %dma_wait3A_545 = arith.constant 0 : i32
      %dma_wait3A_546 = tpu.memref_slice %arg10[%dma_wait3A_544, %dma_wait3A_545] : memref<36000x128xf32, #tpu.memory_space<hbm>> -> memref<80x128xf32, #tpu.memory_space<hbm>>
      %dma_wait3A_547 = arith.constant 0 : i32
      %dma_wait3A_548 = arith.constant 0 : i32
      %dma_wait3A_549 = tpu.memref_slice %arg24[%dma_wait3A_539, %dma_wait3A_547, %dma_wait3A_548] : memref<2x80x128xf32, #tpu.memory_space<vmem>> -> memref<1x80x128xf32, #tpu.memory_space<vmem>>
      %dma_wait3A_550 = tpu.memref_squeeze %dma_wait3A_549 : memref<1x80x128xf32, #tpu.memory_space<vmem>> -> memref<80x128xf32, #tpu.memory_space<vmem>>
      %dma_wait3A_551 = arith.constant 0 : i32
      %dma_wait3A_552 = arith.constant 0 : i32
      %dma_wait3A_553 = tpu.memref_slice %arg10[%dma_wait3A_551, %dma_wait3A_552] : memref<36000x128xf32, #tpu.memory_space<hbm>> -> memref<80x128xf32, #tpu.memory_space<hbm>>
      tpu.wait_dma2 semaphore(%arg30 : memref<!tpu.dma_semaphore, #tpu.memory_space<semaphore_mem>>) src(%dma_wait3A_553 : memref<80x128xf32, #tpu.memory_space<hbm>>) dst(%dma_wait3A_550 : memref<80x128xf32, #tpu.memory_space<vmem>>)
      %iota3A = tpu.iota {dimensions = array<i32: 0>} : vector<16xi32>
      %mul3A_554 = arith.constant 80 : i32
      %mul3A_555 = vector.broadcast %mul3A_554 : i32 to vector<16xi32>
      %mul3A_556 = arith.muli %iota3A, %mul3A_555 : vector<16xi32>
      %iota3A_557 = tpu.iota {dimensions = array<i32: 0>} : vector<16xi32>
      %parallel_loop3A = arith.constant 0 : i32
      %parallel_loop3A_558 = arith.constant 80 : i32
      %parallel_loop3A_559 = arith.constant 1 : i32
      scf.for %parallel_loop3A_673 = %parallel_loop3A to %parallel_loop3A_558 step %parallel_loop3A_559  : i32 {
        %parallel_loop3A_674 = arith.constant -16 : i32
        %parallel_loop3A_675 = arith.andi %parallel_loop3A_673, %parallel_loop3A_674 : i32
        %parallel_loop3A_676 = arith.constant 15 : i32
        %parallel_loop3A_677 = arith.andi %parallel_loop3A_673, %parallel_loop3A_676 : i32
        %parallel_loop3A_678 = arith.constant 0 : i32
        %parallel_loop3A_679 = arith.index_cast %parallel_loop3A_678 : i32 to index
        %parallel_loop3A_680 = arith.index_cast %parallel_loop3A_675 : i32 to index
        %parallel_loop3A_681 = tpu.vector_load %arg21[%parallel_loop3A_679, %parallel_loop3A_680] {strides = array<i32>} : memref<2x80xi32, #tpu.memory_space<vmem>>, vector<16xi32>,
        %parallel_loop3A_682 = vector.broadcast %parallel_loop3A_677 : i32 to vector<16xi32>
        %parallel_loop3A_683 = arith.constant 0 : i32
        %parallel_loop3A_684 = vector.broadcast %parallel_loop3A_683 : i32 to vector<16xi32>
        %parallel_loop3A_685 = arith.cmpi slt, %parallel_loop3A_682, %parallel_loop3A_684 : vector<16xi32>
        %parallel_loop3A_686 = arith.constant 16 : i32
        %parallel_loop3A_687 = vector.broadcast %parallel_loop3A_686 : i32 to vector<16xi32>
        %parallel_loop3A_688 = arith.addi %parallel_loop3A_682, %parallel_loop3A_687 : vector<16xi32>
        %parallel_loop3A_689 = arith.select %parallel_loop3A_685, %parallel_loop3A_688, %parallel_loop3A_682 : vector<16xi1>, vector<16xi32>
        %parallel_loop3A_690 = vector.shape_cast %parallel_loop3A_689 : vector<16xi32> to vector<16x1xi32>
        %parallel_loop3A_691 = vector.shape_cast %parallel_loop3A_690 : vector<16x1xi32> to vector<16xi32>
        %parallel_loop3A_692 = tpu.dynamic_gather %parallel_loop3A_681[%parallel_loop3A_691] in [0] : vector<16xi32>, vector<16xi32> -> vector<16xi32>
        %parallel_loop3A_693 = arith.constant 128 : i32
        %parallel_loop3A_694 = vector.broadcast %parallel_loop3A_693 : i32 to vector<16xi32>
        %parallel_loop3A_695 = arith.muli %parallel_loop3A_692, %parallel_loop3A_694 : vector<16xi32>
        %parallel_loop3A_696 = arith.addi %parallel_loop3A_695, %iota3A_557 : vector<16xi32>
        %parallel_loop3A_697 = arith.constant 0 : i32
        %parallel_loop3A_698 = vector.broadcast %parallel_loop3A_697 : i32 to vector<16xi32>
        %parallel_loop3A_699 = arith.addi %parallel_loop3A_696, %parallel_loop3A_698 : vector<16xi32>
        %parallel_loop3A_700 = tpu.vector_load_idx %arg25[%parallel_loop3A_699] : memref<65536xf32, #tpu.memory_space<vmem>>[vector<16xi32>], vector<16xf32>,
        %parallel_loop3A_701 = arith.constant 0 : i32
        %parallel_loop3A_702 = arith.index_cast %parallel_loop3A_701 : i32 to index
        %parallel_loop3A_703 = arith.index_cast %parallel_loop3A_673 : i32 to index
        %parallel_loop3A_704 = arith.constant 0 : index
        %parallel_loop3A_705 = tpu.vector_load %arg23[%parallel_loop3A_702, %parallel_loop3A_703, %parallel_loop3A_704] {strides = array<i32>} : memref<2x80x128xf32, #tpu.memory_space<vmem>>, vector<16xf32>,
        %parallel_loop3A_706 = arith.constant 0 : i32
        %parallel_loop3A_707 = arith.index_cast %parallel_loop3A_706 : i32 to index
        %parallel_loop3A_708 = arith.index_cast %parallel_loop3A_673 : i32 to index
        %parallel_loop3A_709 = arith.constant 0 : index
        %parallel_loop3A_710 = tpu.vector_load %arg24[%parallel_loop3A_707, %parallel_loop3A_708, %parallel_loop3A_709] {strides = array<i32>} : memref<2x80x128xf32, #tpu.memory_space<vmem>>, vector<16xf32>,
        %parallel_loop3A_711 = arith.addf %parallel_loop3A_705, %parallel_loop3A_710 : vector<16xf32>
        %parallel_loop3A_712 = arith.addf %parallel_loop3A_711, %parallel_loop3A_700 : vector<16xf32>
        %parallel_loop3A_713 = arith.constant 0 : i32
        %parallel_loop3A_714 = arith.index_cast %parallel_loop3A_713 : i32 to index
        %parallel_loop3A_715 = arith.index_cast %parallel_loop3A_673 : i32 to index
        %parallel_loop3A_716 = arith.constant 0 : index
        %parallel_loop3A_717 = tpu.vector_load %arg23[%parallel_loop3A_714, %parallel_loop3A_715, %parallel_loop3A_716] {strides = array<i32>} : memref<2x80x128xf32, #tpu.memory_space<vmem>>, vector<16xf32>,
        tpu.vector_store %arg23[%parallel_loop3A_714, %parallel_loop3A_715, %parallel_loop3A_716], %parallel_loop3A_712 {strides = array<i32>} : memref<2x80x128xf32, #tpu.memory_space<vmem>>, vector<16xf32>,
        %parallel_loop3A_718 = arith.mulf %parallel_loop3A_712, %parallel_loop3A_712 : vector<16xf32>
        %parallel_loop3A_719 = arith.constant 16 : i32
        %parallel_loop3A_720 = vector.broadcast %parallel_loop3A_719 : i32 to vector<16xi32>
        %parallel_loop3A_721 = arith.addi %parallel_loop3A_696, %parallel_loop3A_720 : vector<16xi32>
        %parallel_loop3A_722 = tpu.vector_load_idx %arg25[%parallel_loop3A_721] : memref<65536xf32, #tpu.memory_space<vmem>>[vector<16xi32>], vector<16xf32>,
        %parallel_loop3A_723 = arith.constant 0 : i32
        %parallel_loop3A_724 = arith.index_cast %parallel_loop3A_723 : i32 to index
        %parallel_loop3A_725 = arith.index_cast %parallel_loop3A_673 : i32 to index
        %parallel_loop3A_726 = arith.constant 16 : index
        %parallel_loop3A_727 = tpu.vector_load %arg23[%parallel_loop3A_724, %parallel_loop3A_725, %parallel_loop3A_726] {strides = array<i32>} : memref<2x80x128xf32, #tpu.memory_space<vmem>>, vector<16xf32>,
        %parallel_loop3A_728 = arith.constant 0 : i32
        %parallel_loop3A_729 = arith.index_cast %parallel_loop3A_728 : i32 to index
        %parallel_loop3A_730 = arith.index_cast %parallel_loop3A_673 : i32 to index
        %parallel_loop3A_731 = arith.constant 16 : index
        %parallel_loop3A_732 = tpu.vector_load %arg24[%parallel_loop3A_729, %parallel_loop3A_730, %parallel_loop3A_731] {strides = array<i32>} : memref<2x80x128xf32, #tpu.memory_space<vmem>>, vector<16xf32>,
        %parallel_loop3A_733 = arith.addf %parallel_loop3A_727, %parallel_loop3A_732 : vector<16xf32>
        %parallel_loop3A_734 = arith.addf %parallel_loop3A_733, %parallel_loop3A_722 : vector<16xf32>
        %parallel_loop3A_735 = arith.constant 0 : i32
        %parallel_loop3A_736 = arith.index_cast %parallel_loop3A_735 : i32 to index
        %parallel_loop3A_737 = arith.index_cast %parallel_loop3A_673 : i32 to index
        %parallel_loop3A_738 = arith.constant 16 : index
        %parallel_loop3A_739 = tpu.vector_load %arg23[%parallel_loop3A_736, %parallel_loop3A_737, %parallel_loop3A_738] {strides = array<i32>} : memref<2x80x128xf32, #tpu.memory_space<vmem>>, vector<16xf32>,
        tpu.vector_store %arg23[%parallel_loop3A_736, %parallel_loop3A_737, %parallel_loop3A_738], %parallel_loop3A_734 {strides = array<i32>} : memref<2x80x128xf32, #tpu.memory_space<vmem>>, vector<16xf32>,
        %parallel_loop3A_740 = arith.addf %parallel_loop3A_712, %parallel_loop3A_734 : vector<16xf32>
        %parallel_loop3A_741 = arith.mulf %parallel_loop3A_734, %parallel_loop3A_734 : vector<16xf32>
        %parallel_loop3A_742 = arith.addf %parallel_loop3A_718, %parallel_loop3A_741 : vector<16xf32>
        %parallel_loop3A_743 = arith.constant 32 : i32
        %parallel_loop3A_744 = vector.broadcast %parallel_loop3A_743 : i32 to vector<16xi32>
        %parallel_loop3A_745 = arith.addi %parallel_loop3A_696, %parallel_loop3A_744 : vector<16xi32>
        %parallel_loop3A_746 = tpu.vector_load_idx %arg25[%parallel_loop3A_745] : memref<65536xf32, #tpu.memory_space<vmem>>[vector<16xi32>], vector<16xf32>,
        %parallel_loop3A_747 = arith.constant 0 : i32
        %parallel_loop3A_748 = arith.index_cast %parallel_loop3A_747 : i32 to index
        %parallel_loop3A_749 = arith.index_cast %parallel_loop3A_673 : i32 to index
        %parallel_loop3A_750 = arith.constant 32 : index
        %parallel_loop3A_751 = tpu.vector_load %arg23[%parallel_loop3A_748, %parallel_loop3A_749, %parallel_loop3A_750] {strides = array<i32>} : memref<2x80x128xf32, #tpu.memory_space<vmem>>, vector<16xf32>,
        %parallel_loop3A_752 = arith.constant 0 : i32
        %parallel_loop3A_753 = arith.index_cast %parallel_loop3A_752 : i32 to index
        %parallel_loop3A_754 = arith.index_cast %parallel_loop3A_673 : i32 to index
        %parallel_loop3A_755 = arith.constant 32 : index
        %parallel_loop3A_756 = tpu.vector_load %arg24[%parallel_loop3A_753, %parallel_loop3A_754, %parallel_loop3A_755] {strides = array<i32>} : memref<2x80x128xf32, #tpu.memory_space<vmem>>, vector<16xf32>,
        %parallel_loop3A_757 = arith.addf %parallel_loop3A_751, %parallel_loop3A_756 : vector<16xf32>
        %parallel_loop3A_758 = arith.addf %parallel_loop3A_757, %parallel_loop3A_746 : vector<16xf32>
        %parallel_loop3A_759 = arith.constant 0 : i32
        %parallel_loop3A_760 = arith.index_cast %parallel_loop3A_759 : i32 to index
        %parallel_loop3A_761 = arith.index_cast %parallel_loop3A_673 : i32 to index
        %parallel_loop3A_762 = arith.constant 32 : index
        %parallel_loop3A_763 = tpu.vector_load %arg23[%parallel_loop3A_760, %parallel_loop3A_761, %parallel_loop3A_762] {strides = array<i32>} : memref<2x80x128xf32, #tpu.memory_space<vmem>>, vector<16xf32>,
        tpu.vector_store %arg23[%parallel_loop3A_760, %parallel_loop3A_761, %parallel_loop3A_762], %parallel_loop3A_758 {strides = array<i32>} : memref<2x80x128xf32, #tpu.memory_space<vmem>>, vector<16xf32>,
        %parallel_loop3A_764 = arith.addf %parallel_loop3A_740, %parallel_loop3A_758 : vector<16xf32>
        %parallel_loop3A_765 = arith.mulf %parallel_loop3A_758, %parallel_loop3A_758 : vector<16xf32>
        %parallel_loop3A_766 = arith.addf %parallel_loop3A_742, %parallel_loop3A_765 : vector<16xf32>
        %parallel_loop3A_767 = arith.constant 48 : i32
        %parallel_loop3A_768 = vector.broadcast %parallel_loop3A_767 : i32 to vector<16xi32>
        %parallel_loop3A_769 = arith.addi %parallel_loop3A_696, %parallel_loop3A_768 : vector<16xi32>
        %parallel_loop3A_770 = tpu.vector_load_idx %arg25[%parallel_loop3A_769] : memref<65536xf32, #tpu.memory_space<vmem>>[vector<16xi32>], vector<16xf32>,
        %parallel_loop3A_771 = arith.constant 0 : i32
        %parallel_loop3A_772 = arith.index_cast %parallel_loop3A_771 : i32 to index
        %parallel_loop3A_773 = arith.index_cast %parallel_loop3A_673 : i32 to index
        %parallel_loop3A_774 = arith.constant 48 : index
        %parallel_loop3A_775 = tpu.vector_load %arg23[%parallel_loop3A_772, %parallel_loop3A_773, %parallel_loop3A_774] {strides = array<i32>} : memref<2x80x128xf32, #tpu.memory_space<vmem>>, vector<16xf32>,
        %parallel_loop3A_776 = arith.constant 0 : i32
        %parallel_loop3A_777 = arith.index_cast %parallel_loop3A_776 : i32 to index
        %parallel_loop3A_778 = arith.index_cast %parallel_loop3A_673 : i32 to index
        %parallel_loop3A_779 = arith.constant 48 : index
        %parallel_loop3A_780 = tpu.vector_load %arg24[%parallel_loop3A_777, %parallel_loop3A_778, %parallel_loop3A_779] {strides = array<i32>} : memref<2x80x128xf32, #tpu.memory_space<vmem>>, vector<16xf32>,
        %parallel_loop3A_781 = arith.addf %parallel_loop3A_775, %parallel_loop3A_780 : vector<16xf32>
        %parallel_loop3A_782 = arith.addf %parallel_loop3A_781, %parallel_loop3A_770 : vector<16xf32>
        %parallel_loop3A_783 = arith.constant 0 : i32
        %parallel_loop3A_784 = arith.index_cast %parallel_loop3A_783 : i32 to index
        %parallel_loop3A_785 = arith.index_cast %parallel_loop3A_673 : i32 to index
        %parallel_loop3A_786 = arith.constant 48 : index
        %parallel_loop3A_787 = tpu.vector_load %arg23[%parallel_loop3A_784, %parallel_loop3A_785, %parallel_loop3A_786] {strides = array<i32>} : memref<2x80x128xf32, #tpu.memory_space<vmem>>, vector<16xf32>,
        tpu.vector_store %arg23[%parallel_loop3A_784, %parallel_loop3A_785, %parallel_loop3A_786], %parallel_loop3A_782 {strides = array<i32>} : memref<2x80x128xf32, #tpu.memory_space<vmem>>, vector<16xf32>,
        %parallel_loop3A_788 = arith.addf %parallel_loop3A_764, %parallel_loop3A_782 : vector<16xf32>
        %parallel_loop3A_789 = arith.mulf %parallel_loop3A_782, %parallel_loop3A_782 : vector<16xf32>
        %parallel_loop3A_790 = arith.addf %parallel_loop3A_766, %parallel_loop3A_789 : vector<16xf32>
        %parallel_loop3A_791 = arith.constant 64 : i32
        %parallel_loop3A_792 = vector.broadcast %parallel_loop3A_791 : i32 to vector<16xi32>
        %parallel_loop3A_793 = arith.addi %parallel_loop3A_696, %parallel_loop3A_792 : vector<16xi32>
        %parallel_loop3A_794 = tpu.vector_load_idx %arg25[%parallel_loop3A_793] : memref<65536xf32, #tpu.memory_space<vmem>>[vector<16xi32>], vector<16xf32>,
        %parallel_loop3A_795 = arith.constant 0 : i32
        %parallel_loop3A_796 = arith.index_cast %parallel_loop3A_795 : i32 to index
        %parallel_loop3A_797 = arith.index_cast %parallel_loop3A_673 : i32 to index
        %parallel_loop3A_798 = arith.constant 64 : index
        %parallel_loop3A_799 = tpu.vector_load %arg23[%parallel_loop3A_796, %parallel_loop3A_797, %parallel_loop3A_798] {strides = array<i32>} : memref<2x80x128xf32, #tpu.memory_space<vmem>>, vector<16xf32>,
        %parallel_loop3A_800 = arith.constant 0 : i32
        %parallel_loop3A_801 = arith.index_cast %parallel_loop3A_800 : i32 to index
        %parallel_loop3A_802 = arith.index_cast %parallel_loop3A_673 : i32 to index
        %parallel_loop3A_803 = arith.constant 64 : index
        %parallel_loop3A_804 = tpu.vector_load %arg24[%parallel_loop3A_801, %parallel_loop3A_802, %parallel_loop3A_803] {strides = array<i32>} : memref<2x80x128xf32, #tpu.memory_space<vmem>>, vector<16xf32>,
        %parallel_loop3A_805 = arith.addf %parallel_loop3A_799, %parallel_loop3A_804 : vector<16xf32>
        %parallel_loop3A_806 = arith.addf %parallel_loop3A_805, %parallel_loop3A_794 : vector<16xf32>
        %parallel_loop3A_807 = arith.constant 0 : i32
        %parallel_loop3A_808 = arith.index_cast %parallel_loop3A_807 : i32 to index
        %parallel_loop3A_809 = arith.index_cast %parallel_loop3A_673 : i32 to index
        %parallel_loop3A_810 = arith.constant 64 : index
        %parallel_loop3A_811 = tpu.vector_load %arg23[%parallel_loop3A_808, %parallel_loop3A_809, %parallel_loop3A_810] {strides = array<i32>} : memref<2x80x128xf32, #tpu.memory_space<vmem>>, vector<16xf32>,
        tpu.vector_store %arg23[%parallel_loop3A_808, %parallel_loop3A_809, %parallel_loop3A_810], %parallel_loop3A_806 {strides = array<i32>} : memref<2x80x128xf32, #tpu.memory_space<vmem>>, vector<16xf32>,
        %parallel_loop3A_812 = arith.addf %parallel_loop3A_788, %parallel_loop3A_806 : vector<16xf32>
        %parallel_loop3A_813 = arith.mulf %parallel_loop3A_806, %parallel_loop3A_806 : vector<16xf32>
        %parallel_loop3A_814 = arith.addf %parallel_loop3A_790, %parallel_loop3A_813 : vector<16xf32>
        %parallel_loop3A_815 = arith.constant 80 : i32
        %parallel_loop3A_816 = vector.broadcast %parallel_loop3A_815 : i32 to vector<16xi32>
        %parallel_loop3A_817 = arith.addi %parallel_loop3A_696, %parallel_loop3A_816 : vector<16xi32>
        %parallel_loop3A_818 = tpu.vector_load_idx %arg25[%parallel_loop3A_817] : memref<65536xf32, #tpu.memory_space<vmem>>[vector<16xi32>], vector<16xf32>,
        %parallel_loop3A_819 = arith.constant 0 : i32
        %parallel_loop3A_820 = arith.index_cast %parallel_loop3A_819 : i32 to index
        %parallel_loop3A_821 = arith.index_cast %parallel_loop3A_673 : i32 to index
        %parallel_loop3A_822 = arith.constant 80 : index
        %parallel_loop3A_823 = tpu.vector_load %arg23[%parallel_loop3A_820, %parallel_loop3A_821, %parallel_loop3A_822] {strides = array<i32>} : memref<2x80x128xf32, #tpu.memory_space<vmem>>, vector<16xf32>,
        %parallel_loop3A_824 = arith.constant 0 : i32
        %parallel_loop3A_825 = arith.index_cast %parallel_loop3A_824 : i32 to index
        %parallel_loop3A_826 = arith.index_cast %parallel_loop3A_673 : i32 to index
        %parallel_loop3A_827 = arith.constant 80 : index
        %parallel_loop3A_828 = tpu.vector_load %arg24[%parallel_loop3A_825, %parallel_loop3A_826, %parallel_loop3A_827] {strides = array<i32>} : memref<2x80x128xf32, #tpu.memory_space<vmem>>, vector<16xf32>,
        %parallel_loop3A_829 = arith.addf %parallel_loop3A_823, %parallel_loop3A_828 : vector<16xf32>
        %parallel_loop3A_830 = arith.addf %parallel_loop3A_829, %parallel_loop3A_818 : vector<16xf32>
        %parallel_loop3A_831 = arith.constant 0 : i32
        %parallel_loop3A_832 = arith.index_cast %parallel_loop3A_831 : i32 to index
        %parallel_loop3A_833 = arith.index_cast %parallel_loop3A_673 : i32 to index
        %parallel_loop3A_834 = arith.constant 80 : index
        %parallel_loop3A_835 = tpu.vector_load %arg23[%parallel_loop3A_832, %parallel_loop3A_833, %parallel_loop3A_834] {strides = array<i32>} : memref<2x80x128xf32, #tpu.memory_space<vmem>>, vector<16xf32>,
        tpu.vector_store %arg23[%parallel_loop3A_832, %parallel_loop3A_833, %parallel_loop3A_834], %parallel_loop3A_830 {strides = array<i32>} : memref<2x80x128xf32, #tpu.memory_space<vmem>>, vector<16xf32>,
        %parallel_loop3A_836 = arith.addf %parallel_loop3A_812, %parallel_loop3A_830 : vector<16xf32>
        %parallel_loop3A_837 = arith.mulf %parallel_loop3A_830, %parallel_loop3A_830 : vector<16xf32>
        %parallel_loop3A_838 = arith.addf %parallel_loop3A_814, %parallel_loop3A_837 : vector<16xf32>
        %parallel_loop3A_839 = arith.constant 96 : i32
        %parallel_loop3A_840 = vector.broadcast %parallel_loop3A_839 : i32 to vector<16xi32>
        %parallel_loop3A_841 = arith.addi %parallel_loop3A_696, %parallel_loop3A_840 : vector<16xi32>
        %parallel_loop3A_842 = tpu.vector_load_idx %arg25[%parallel_loop3A_841] : memref<65536xf32, #tpu.memory_space<vmem>>[vector<16xi32>], vector<16xf32>,
        %parallel_loop3A_843 = arith.constant 0 : i32
        %parallel_loop3A_844 = arith.index_cast %parallel_loop3A_843 : i32 to index
        %parallel_loop3A_845 = arith.index_cast %parallel_loop3A_673 : i32 to index
        %parallel_loop3A_846 = arith.constant 96 : index
        %parallel_loop3A_847 = tpu.vector_load %arg23[%parallel_loop3A_844, %parallel_loop3A_845, %parallel_loop3A_846] {strides = array<i32>} : memref<2x80x128xf32, #tpu.memory_space<vmem>>, vector<16xf32>,
        %parallel_loop3A_848 = arith.constant 0 : i32
        %parallel_loop3A_849 = arith.index_cast %parallel_loop3A_848 : i32 to index
        %parallel_loop3A_850 = arith.index_cast %parallel_loop3A_673 : i32 to index
        %parallel_loop3A_851 = arith.constant 96 : index
        %parallel_loop3A_852 = tpu.vector_load %arg24[%parallel_loop3A_849, %parallel_loop3A_850, %parallel_loop3A_851] {strides = array<i32>} : memref<2x80x128xf32, #tpu.memory_space<vmem>>, vector<16xf32>,
        %parallel_loop3A_853 = arith.addf %parallel_loop3A_847, %parallel_loop3A_852 : vector<16xf32>
        %parallel_loop3A_854 = arith.addf %parallel_loop3A_853, %parallel_loop3A_842 : vector<16xf32>
        %parallel_loop3A_855 = arith.constant 0 : i32
        %parallel_loop3A_856 = arith.index_cast %parallel_loop3A_855 : i32 to index
        %parallel_loop3A_857 = arith.index_cast %parallel_loop3A_673 : i32 to index
        %parallel_loop3A_858 = arith.constant 96 : index
        %parallel_loop3A_859 = tpu.vector_load %arg23[%parallel_loop3A_856, %parallel_loop3A_857, %parallel_loop3A_858] {strides = array<i32>} : memref<2x80x128xf32, #tpu.memory_space<vmem>>, vector<16xf32>,
        tpu.vector_store %arg23[%parallel_loop3A_856, %parallel_loop3A_857, %parallel_loop3A_858], %parallel_loop3A_854 {strides = array<i32>} : memref<2x80x128xf32, #tpu.memory_space<vmem>>, vector<16xf32>,
        %parallel_loop3A_860 = arith.addf %parallel_loop3A_836, %parallel_loop3A_854 : vector<16xf32>
        %parallel_loop3A_861 = arith.mulf %parallel_loop3A_854, %parallel_loop3A_854 : vector<16xf32>
        %parallel_loop3A_862 = arith.addf %parallel_loop3A_838, %parallel_loop3A_861 : vector<16xf32>
        %parallel_loop3A_863 = arith.constant 112 : i32
        %parallel_loop3A_864 = vector.broadcast %parallel_loop3A_863 : i32 to vector<16xi32>
        %parallel_loop3A_865 = arith.addi %parallel_loop3A_696, %parallel_loop3A_864 : vector<16xi32>
        %parallel_loop3A_866 = tpu.vector_load_idx %arg25[%parallel_loop3A_865] : memref<65536xf32, #tpu.memory_space<vmem>>[vector<16xi32>], vector<16xf32>,
        %parallel_loop3A_867 = arith.constant 0 : i32
        %parallel_loop3A_868 = arith.index_cast %parallel_loop3A_867 : i32 to index
        %parallel_loop3A_869 = arith.index_cast %parallel_loop3A_673 : i32 to index
        %parallel_loop3A_870 = arith.constant 112 : index
        %parallel_loop3A_871 = tpu.vector_load %arg23[%parallel_loop3A_868, %parallel_loop3A_869, %parallel_loop3A_870] {strides = array<i32>} : memref<2x80x128xf32, #tpu.memory_space<vmem>>, vector<16xf32>,
        %parallel_loop3A_872 = arith.constant 0 : i32
        %parallel_loop3A_873 = arith.index_cast %parallel_loop3A_872 : i32 to index
        %parallel_loop3A_874 = arith.index_cast %parallel_loop3A_673 : i32 to index
        %parallel_loop3A_875 = arith.constant 112 : index
        %parallel_loop3A_876 = tpu.vector_load %arg24[%parallel_loop3A_873, %parallel_loop3A_874, %parallel_loop3A_875] {strides = array<i32>} : memref<2x80x128xf32, #tpu.memory_space<vmem>>, vector<16xf32>,
        %parallel_loop3A_877 = arith.addf %parallel_loop3A_871, %parallel_loop3A_876 : vector<16xf32>
        %parallel_loop3A_878 = arith.addf %parallel_loop3A_877, %parallel_loop3A_866 : vector<16xf32>
        %parallel_loop3A_879 = arith.constant 0 : i32
        %parallel_loop3A_880 = arith.index_cast %parallel_loop3A_879 : i32 to index
        %parallel_loop3A_881 = arith.index_cast %parallel_loop3A_673 : i32 to index
        %parallel_loop3A_882 = arith.constant 112 : index
        %parallel_loop3A_883 = tpu.vector_load %arg23[%parallel_loop3A_880, %parallel_loop3A_881, %parallel_loop3A_882] {strides = array<i32>} : memref<2x80x128xf32, #tpu.memory_space<vmem>>, vector<16xf32>,
        tpu.vector_store %arg23[%parallel_loop3A_880, %parallel_loop3A_881, %parallel_loop3A_882], %parallel_loop3A_878 {strides = array<i32>} : memref<2x80x128xf32, #tpu.memory_space<vmem>>, vector<16xf32>,
        %parallel_loop3A_884 = arith.addf %parallel_loop3A_860, %parallel_loop3A_878 : vector<16xf32>
        %parallel_loop3A_885 = arith.mulf %parallel_loop3A_878, %parallel_loop3A_878 : vector<16xf32>
        %parallel_loop3A_886 = arith.addf %parallel_loop3A_862, %parallel_loop3A_885 : vector<16xf32>
        %parallel_loop3A_887 = vector.broadcast %parallel_loop3A_673 : i32 to vector<16xi32>
        %parallel_loop3A_888 = arith.addi %mul3A_556, %parallel_loop3A_887 : vector<16xi32>
        tpu.vector_store_idx %arg27[%parallel_loop3A_888], %parallel_loop3A_884 : memref<2560xf32, #tpu.memory_space<vmem>>[vector<16xi32>], vector<16xf32>,
        %parallel_loop3A_889 = arith.constant 1280 : i32
        %parallel_loop3A_890 = vector.broadcast %parallel_loop3A_889 : i32 to vector<16xi32>
        %parallel_loop3A_891 = arith.addi %parallel_loop3A_888, %parallel_loop3A_890 : vector<16xi32>
        tpu.vector_store_idx %arg27[%parallel_loop3A_891], %parallel_loop3A_886 : memref<2560xf32, #tpu.memory_space<vmem>>[vector<16xi32>], vector<16xf32>,
      } {sc.loop_unroll_factor = 2 : i64, sc.parallel_access}
      %scan3A_560 = arith.constant 0 : i32
      %scan3A_561 = arith.constant 0 : i32
      %scan3A_562 = arith.constant 5 : i32
      %scan3A_563 = arith.addi %scan3A_561, %scan3A_562 : i32
      %scan3A_564 = arith.constant 1 : i32
      scf.for %scan3A_673 = %scan3A_561 to %scan3A_563 step %scan3A_564  : i32 {
        %mul3A_674 = arith.constant 16 : i32
        %mul3A_675 = arith.muli %scan3A_673, %mul3A_674 : i32
        %add3A_676 = arith.constant 0 : i32
        %add3A_677 = arith.addi %add3A_676, %mul3A_675 : i32
        %get3A_678 = arith.index_cast %add3A_677 : i32 to index
        %get3A_679 = tpu.vector_load %arg27[%get3A_678] {strides = array<i32>} : memref<2560xf32, #tpu.memory_space<vmem>>, vector<16xf32>,
        %mul3A_680 = arith.constant 16 : i32
        %mul3A_681 = arith.muli %scan3A_673, %mul3A_680 : i32
        %add3A_682 = arith.constant 80 : i32
        %add3A_683 = arith.addi %add3A_682, %mul3A_681 : i32
        %get3A_684 = arith.index_cast %add3A_683 : i32 to index
        %get3A_685 = tpu.vector_load %arg27[%get3A_684] {strides = array<i32>} : memref<2560xf32, #tpu.memory_space<vmem>>, vector<16xf32>,
        %add3A_686 = arith.addf %get3A_679, %get3A_685 : vector<16xf32>
        %mul3A_687 = arith.constant 16 : i32
        %mul3A_688 = arith.muli %scan3A_673, %mul3A_687 : i32
        %add3A_689 = arith.constant 160 : i32
        %add3A_690 = arith.addi %add3A_689, %mul3A_688 : i32
        %get3A_691 = arith.index_cast %add3A_690 : i32 to index
        %get3A_692 = tpu.vector_load %arg27[%get3A_691] {strides = array<i32>} : memref<2560xf32, #tpu.memory_space<vmem>>, vector<16xf32>,
        %add3A_693 = arith.addf %add3A_686, %get3A_692 : vector<16xf32>
        %mul3A_694 = arith.constant 16 : i32
        %mul3A_695 = arith.muli %scan3A_673, %mul3A_694 : i32
        %add3A_696 = arith.constant 240 : i32
        %add3A_697 = arith.addi %add3A_696, %mul3A_695 : i32
        %get3A_698 = arith.index_cast %add3A_697 : i32 to index
        %get3A_699 = tpu.vector_load %arg27[%get3A_698] {strides = array<i32>} : memref<2560xf32, #tpu.memory_space<vmem>>, vector<16xf32>,
        %add3A_700 = arith.addf %add3A_693, %get3A_699 : vector<16xf32>
        %mul3A_701 = arith.constant 16 : i32
        %mul3A_702 = arith.muli %scan3A_673, %mul3A_701 : i32
        %add3A_703 = arith.constant 320 : i32
        %add3A_704 = arith.addi %add3A_703, %mul3A_702 : i32
        %get3A_705 = arith.index_cast %add3A_704 : i32 to index
        %get3A_706 = tpu.vector_load %arg27[%get3A_705] {strides = array<i32>} : memref<2560xf32, #tpu.memory_space<vmem>>, vector<16xf32>,
        %add3A_707 = arith.addf %add3A_700, %get3A_706 : vector<16xf32>
        %mul3A_708 = arith.constant 16 : i32
        %mul3A_709 = arith.muli %scan3A_673, %mul3A_708 : i32
        %add3A_710 = arith.constant 400 : i32
        %add3A_711 = arith.addi %add3A_710, %mul3A_709 : i32
        %get3A_712 = arith.index_cast %add3A_711 : i32 to index
        %get3A_713 = tpu.vector_load %arg27[%get3A_712] {strides = array<i32>} : memref<2560xf32, #tpu.memory_space<vmem>>, vector<16xf32>,
        %add3A_714 = arith.addf %add3A_707, %get3A_713 : vector<16xf32>
        %mul3A_715 = arith.constant 16 : i32
        %mul3A_716 = arith.muli %scan3A_673, %mul3A_715 : i32
        %add3A_717 = arith.constant 480 : i32
        %add3A_718 = arith.addi %add3A_717, %mul3A_716 : i32
        %get3A_719 = arith.index_cast %add3A_718 : i32 to index
        %get3A_720 = tpu.vector_load %arg27[%get3A_719] {strides = array<i32>} : memref<2560xf32, #tpu.memory_space<vmem>>, vector<16xf32>,
        %add3A_721 = arith.addf %add3A_714, %get3A_720 : vector<16xf32>
        %mul3A_722 = arith.constant 16 : i32
        %mul3A_723 = arith.muli %scan3A_673, %mul3A_722 : i32
        %add3A_724 = arith.constant 560 : i32
        %add3A_725 = arith.addi %add3A_724, %mul3A_723 : i32
        %get3A_726 = arith.index_cast %add3A_725 : i32 to index
        %get3A_727 = tpu.vector_load %arg27[%get3A_726] {strides = array<i32>} : memref<2560xf32, #tpu.memory_space<vmem>>, vector<16xf32>,
        %add3A_728 = arith.addf %add3A_721, %get3A_727 : vector<16xf32>
        %mul3A_729 = arith.constant 16 : i32
        %mul3A_730 = arith.muli %scan3A_673, %mul3A_729 : i32
        %add3A_731 = arith.constant 640 : i32
        %add3A_732 = arith.addi %add3A_731, %mul3A_730 : i32
        %get3A_733 = arith.index_cast %add3A_732 : i32 to index
        %get3A_734 = tpu.vector_load %arg27[%get3A_733] {strides = array<i32>} : memref<2560xf32, #tpu.memory_space<vmem>>, vector<16xf32>,
        %add3A_735 = arith.addf %add3A_728, %get3A_734 : vector<16xf32>
        %mul3A_736 = arith.constant 16 : i32
        %mul3A_737 = arith.muli %scan3A_673, %mul3A_736 : i32
        %add3A_738 = arith.constant 720 : i32
        %add3A_739 = arith.addi %add3A_738, %mul3A_737 : i32
        %get3A_740 = arith.index_cast %add3A_739 : i32 to index
        %get3A_741 = tpu.vector_load %arg27[%get3A_740] {strides = array<i32>} : memref<2560xf32, #tpu.memory_space<vmem>>, vector<16xf32>,
        %add3A_742 = arith.addf %add3A_735, %get3A_741 : vector<16xf32>
        %mul3A_743 = arith.constant 16 : i32
        %mul3A_744 = arith.muli %scan3A_673, %mul3A_743 : i32
        %add3A_745 = arith.constant 800 : i32
        %add3A_746 = arith.addi %add3A_745, %mul3A_744 : i32
        %get3A_747 = arith.index_cast %add3A_746 : i32 to index
        %get3A_748 = tpu.vector_load %arg27[%get3A_747] {strides = array<i32>} : memref<2560xf32, #tpu.memory_space<vmem>>, vector<16xf32>,
        %add3A_749 = arith.addf %add3A_742, %get3A_748 : vector<16xf32>
        %mul3A_750 = arith.constant 16 : i32
        %mul3A_751 = arith.muli %scan3A_673, %mul3A_750 : i32
        %add3A_752 = arith.constant 880 : i32
        %add3A_753 = arith.addi %add3A_752, %mul3A_751 : i32
        %get3A_754 = arith.index_cast %add3A_753 : i32 to index
        %get3A_755 = tpu.vector_load %arg27[%get3A_754] {strides = array<i32>} : memref<2560xf32, #tpu.memory_space<vmem>>, vector<16xf32>,
        %add3A_756 = arith.addf %add3A_749, %get3A_755 : vector<16xf32>
        %mul3A_757 = arith.constant 16 : i32
        %mul3A_758 = arith.muli %scan3A_673, %mul3A_757 : i32
        %add3A_759 = arith.constant 960 : i32
        %add3A_760 = arith.addi %add3A_759, %mul3A_758 : i32
        %get3A_761 = arith.index_cast %add3A_760 : i32 to index
        %get3A_762 = tpu.vector_load %arg27[%get3A_761] {strides = array<i32>} : memref<2560xf32, #tpu.memory_space<vmem>>, vector<16xf32>,
        %add3A_763 = arith.addf %add3A_756, %get3A_762 : vector<16xf32>
        %mul3A_764 = arith.constant 16 : i32
        %mul3A_765 = arith.muli %scan3A_673, %mul3A_764 : i32
        %add3A_766 = arith.constant 1040 : i32
        %add3A_767 = arith.addi %add3A_766, %mul3A_765 : i32
        %get3A_768 = arith.index_cast %add3A_767 : i32 to index
        %get3A_769 = tpu.vector_load %arg27[%get3A_768] {strides = array<i32>} : memref<2560xf32, #tpu.memory_space<vmem>>, vector<16xf32>,
        %add3A_770 = arith.addf %add3A_763, %get3A_769 : vector<16xf32>
        %mul3A_771 = arith.constant 16 : i32
        %mul3A_772 = arith.muli %scan3A_673, %mul3A_771 : i32
        %add3A_773 = arith.constant 1120 : i32
        %add3A_774 = arith.addi %add3A_773, %mul3A_772 : i32
        %get3A_775 = arith.index_cast %add3A_774 : i32 to index
        %get3A_776 = tpu.vector_load %arg27[%get3A_775] {strides = array<i32>} : memref<2560xf32, #tpu.memory_space<vmem>>, vector<16xf32>,
        %add3A_777 = arith.addf %add3A_770, %get3A_776 : vector<16xf32>
        %mul3A_778 = arith.constant 16 : i32
        %mul3A_779 = arith.muli %scan3A_673, %mul3A_778 : i32
        %add3A_780 = arith.constant 1200 : i32
        %add3A_781 = arith.addi %add3A_780, %mul3A_779 : i32
        %get3A_782 = arith.index_cast %add3A_781 : i32 to index
        %get3A_783 = tpu.vector_load %arg27[%get3A_782] {strides = array<i32>} : memref<2560xf32, #tpu.memory_space<vmem>>, vector<16xf32>,
        %add3A_784 = arith.addf %add3A_777, %get3A_783 : vector<16xf32>
        %mul3A_785 = arith.constant 16 : i32
        %mul3A_786 = arith.muli %scan3A_673, %mul3A_785 : i32
        %add3A_787 = arith.constant 1280 : i32
        %add3A_788 = arith.addi %add3A_787, %mul3A_786 : i32
        %get3A_789 = arith.index_cast %add3A_788 : i32 to index
        %get3A_790 = tpu.vector_load %arg27[%get3A_789] {strides = array<i32>} : memref<2560xf32, #tpu.memory_space<vmem>>, vector<16xf32>,
        %mul3A_791 = arith.constant 16 : i32
        %mul3A_792 = arith.muli %scan3A_673, %mul3A_791 : i32
        %add3A_793 = arith.constant 1360 : i32
        %add3A_794 = arith.addi %add3A_793, %mul3A_792 : i32
        %get3A_795 = arith.index_cast %add3A_794 : i32 to index
        %get3A_796 = tpu.vector_load %arg27[%get3A_795] {strides = array<i32>} : memref<2560xf32, #tpu.memory_space<vmem>>, vector<16xf32>,
        %add3A_797 = arith.addf %get3A_790, %get3A_796 : vector<16xf32>
        %mul3A_798 = arith.constant 16 : i32
        %mul3A_799 = arith.muli %scan3A_673, %mul3A_798 : i32
        %add3A_800 = arith.constant 1440 : i32
        %add3A_801 = arith.addi %add3A_800, %mul3A_799 : i32
        %get3A_802 = arith.index_cast %add3A_801 : i32 to index
        %get3A_803 = tpu.vector_load %arg27[%get3A_802] {strides = array<i32>} : memref<2560xf32, #tpu.memory_space<vmem>>, vector<16xf32>,
        %add3A_804 = arith.addf %add3A_797, %get3A_803 : vector<16xf32>
        %mul3A_805 = arith.constant 16 : i32
        %mul3A_806 = arith.muli %scan3A_673, %mul3A_805 : i32
        %add3A_807 = arith.constant 1520 : i32
        %add3A_808 = arith.addi %add3A_807, %mul3A_806 : i32
        %get3A_809 = arith.index_cast %add3A_808 : i32 to index
        %get3A_810 = tpu.vector_load %arg27[%get3A_809] {strides = array<i32>} : memref<2560xf32, #tpu.memory_space<vmem>>, vector<16xf32>,
        %add3A_811 = arith.addf %add3A_804, %get3A_810 : vector<16xf32>
        %mul3A_812 = arith.constant 16 : i32
        %mul3A_813 = arith.muli %scan3A_673, %mul3A_812 : i32
        %add3A_814 = arith.constant 1600 : i32
        %add3A_815 = arith.addi %add3A_814, %mul3A_813 : i32
        %get3A_816 = arith.index_cast %add3A_815 : i32 to index
        %get3A_817 = tpu.vector_load %arg27[%get3A_816] {strides = array<i32>} : memref<2560xf32, #tpu.memory_space<vmem>>, vector<16xf32>,
        %add3A_818 = arith.addf %add3A_811, %get3A_817 : vector<16xf32>
        %mul3A_819 = arith.constant 16 : i32
        %mul3A_820 = arith.muli %scan3A_673, %mul3A_819 : i32
        %add3A_821 = arith.constant 1680 : i32
        %add3A_822 = arith.addi %add3A_821, %mul3A_820 : i32
        %get3A_823 = arith.index_cast %add3A_822 : i32 to index
        %get3A_824 = tpu.vector_load %arg27[%get3A_823] {strides = array<i32>} : memref<2560xf32, #tpu.memory_space<vmem>>, vector<16xf32>,
        %add3A_825 = arith.addf %add3A_818, %get3A_824 : vector<16xf32>
        %mul3A_826 = arith.constant 16 : i32
        %mul3A_827 = arith.muli %scan3A_673, %mul3A_826 : i32
        %add3A_828 = arith.constant 1760 : i32
        %add3A_829 = arith.addi %add3A_828, %mul3A_827 : i32
        %get3A_830 = arith.index_cast %add3A_829 : i32 to index
        %get3A_831 = tpu.vector_load %arg27[%get3A_830] {strides = array<i32>} : memref<2560xf32, #tpu.memory_space<vmem>>, vector<16xf32>,
        %add3A_832 = arith.addf %add3A_825, %get3A_831 : vector<16xf32>
        %mul3A_833 = arith.constant 16 : i32
        %mul3A_834 = arith.muli %scan3A_673, %mul3A_833 : i32
        %add3A_835 = arith.constant 1840 : i32
        %add3A_836 = arith.addi %add3A_835, %mul3A_834 : i32
        %get3A_837 = arith.index_cast %add3A_836 : i32 to index
        %get3A_838 = tpu.vector_load %arg27[%get3A_837] {strides = array<i32>} : memref<2560xf32, #tpu.memory_space<vmem>>, vector<16xf32>,
        %add3A_839 = arith.addf %add3A_832, %get3A_838 : vector<16xf32>
        %mul3A_840 = arith.constant 16 : i32
        %mul3A_841 = arith.muli %scan3A_673, %mul3A_840 : i32
        %add3A_842 = arith.constant 1920 : i32
        %add3A_843 = arith.addi %add3A_842, %mul3A_841 : i32
        %get3A_844 = arith.index_cast %add3A_843 : i32 to index
        %get3A_845 = tpu.vector_load %arg27[%get3A_844] {strides = array<i32>} : memref<2560xf32, #tpu.memory_space<vmem>>, vector<16xf32>,
        %add3A_846 = arith.addf %add3A_839, %get3A_845 : vector<16xf32>
        %mul3A_847 = arith.constant 16 : i32
        %mul3A_848 = arith.muli %scan3A_673, %mul3A_847 : i32
        %add3A_849 = arith.constant 2000 : i32
        %add3A_850 = arith.addi %add3A_849, %mul3A_848 : i32
        %get3A_851 = arith.index_cast %add3A_850 : i32 to index
        %get3A_852 = tpu.vector_load %arg27[%get3A_851] {strides = array<i32>} : memref<2560xf32, #tpu.memory_space<vmem>>, vector<16xf32>,
        %add3A_853 = arith.addf %add3A_846, %get3A_852 : vector<16xf32>
        %mul3A_854 = arith.constant 16 : i32
        %mul3A_855 = arith.muli %scan3A_673, %mul3A_854 : i32
        %add3A_856 = arith.constant 2080 : i32
        %add3A_857 = arith.addi %add3A_856, %mul3A_855 : i32
        %get3A_858 = arith.index_cast %add3A_857 : i32 to index
        %get3A_859 = tpu.vector_load %arg27[%get3A_858] {strides = array<i32>} : memref<2560xf32, #tpu.memory_space<vmem>>, vector<16xf32>,
        %add3A_860 = arith.addf %add3A_853, %get3A_859 : vector<16xf32>
        %mul3A_861 = arith.constant 16 : i32
        %mul3A_862 = arith.muli %scan3A_673, %mul3A_861 : i32
        %add3A_863 = arith.constant 2160 : i32
        %add3A_864 = arith.addi %add3A_863, %mul3A_862 : i32
        %get3A_865 = arith.index_cast %add3A_864 : i32 to index
        %get3A_866 = tpu.vector_load %arg27[%get3A_865] {strides = array<i32>} : memref<2560xf32, #tpu.memory_space<vmem>>, vector<16xf32>,
        %add3A_867 = arith.addf %add3A_860, %get3A_866 : vector<16xf32>
        %mul3A_868 = arith.constant 16 : i32
        %mul3A_869 = arith.muli %scan3A_673, %mul3A_868 : i32
        %add3A_870 = arith.constant 2240 : i32
        %add3A_871 = arith.addi %add3A_870, %mul3A_869 : i32
        %get3A_872 = arith.index_cast %add3A_871 : i32 to index
        %get3A_873 = tpu.vector_load %arg27[%get3A_872] {strides = array<i32>} : memref<2560xf32, #tpu.memory_space<vmem>>, vector<16xf32>,
        %add3A_874 = arith.addf %add3A_867, %get3A_873 : vector<16xf32>
        %mul3A_875 = arith.constant 16 : i32
        %mul3A_876 = arith.muli %scan3A_673, %mul3A_875 : i32
        %add3A_877 = arith.constant 2320 : i32
        %add3A_878 = arith.addi %add3A_877, %mul3A_876 : i32
        %get3A_879 = arith.index_cast %add3A_878 : i32 to index
        %get3A_880 = tpu.vector_load %arg27[%get3A_879] {strides = array<i32>} : memref<2560xf32, #tpu.memory_space<vmem>>, vector<16xf32>,
        %add3A_881 = arith.addf %add3A_874, %get3A_880 : vector<16xf32>
        %mul3A_882 = arith.constant 16 : i32
        %mul3A_883 = arith.muli %scan3A_673, %mul3A_882 : i32
        %add3A_884 = arith.constant 2400 : i32
        %add3A_885 = arith.addi %add3A_884, %mul3A_883 : i32
        %get3A_886 = arith.index_cast %add3A_885 : i32 to index
        %get3A_887 = tpu.vector_load %arg27[%get3A_886] {strides = array<i32>} : memref<2560xf32, #tpu.memory_space<vmem>>, vector<16xf32>,
        %add3A_888 = arith.addf %add3A_881, %get3A_887 : vector<16xf32>
        %mul3A_889 = arith.constant 16 : i32
        %mul3A_890 = arith.muli %scan3A_673, %mul3A_889 : i32
        %add3A_891 = arith.constant 2480 : i32
        %add3A_892 = arith.addi %add3A_891, %mul3A_890 : i32
        %get3A_893 = arith.index_cast %add3A_892 : i32 to index
        %get3A_894 = tpu.vector_load %arg27[%get3A_893] {strides = array<i32>} : memref<2560xf32, #tpu.memory_space<vmem>>, vector<16xf32>,
        %add3A_895 = arith.addf %add3A_888, %get3A_894 : vector<16xf32>
        %mul3A_896 = arith.constant 7.812500e-03 : f32
        %mul3A_897 = vector.broadcast %mul3A_896 : f32 to vector<16xf32>
        %mul3A_898 = arith.mulf %add3A_784, %mul3A_897 : vector<16xf32>
        %mul3A_899 = arith.constant 7.812500e-03 : f32
        %mul3A_900 = vector.broadcast %mul3A_899 : f32 to vector<16xf32>
        %mul3A_901 = arith.mulf %add3A_895, %mul3A_900 : vector<16xf32>
        %mul3A_902 = arith.mulf %mul3A_898, %mul3A_898 : vector<16xf32>
        %sub3A = arith.subf %mul3A_901, %mul3A_902 : vector<16xf32>
        %max3A = arith.constant 0.000000e+00 : f32
        %max3A_903 = vector.broadcast %max3A : f32 to vector<16xf32>
        %max3A_904 = arith.maximumf %sub3A, %max3A_903 : vector<16xf32>
        %add3A_905 = arith.constant 9.99999996E-13 : f32
        %add3A_906 = vector.broadcast %add3A_905 : f32 to vector<16xf32>
        %add3A_907 = arith.addf %max3A_904, %add3A_906 : vector<16xf32>
        %bitcast_convert_type3A = tpu.bitcast %add3A_907 : vector<16xf32> -> vector<16xi32>
        %shift_right_arithmetic3A = arith.constant 1 : i32
        %shift_right_arithmetic3A_908 = vector.broadcast %shift_right_arithmetic3A : i32 to vector<16xi32>
        %shift_right_arithmetic3A_909 = arith.shrsi %bitcast_convert_type3A, %shift_right_arithmetic3A_908 : vector<16xi32>
        %sub3A_910 = arith.constant 1597463007 : i32
        %sub3A_911 = vector.broadcast %sub3A_910 : i32 to vector<16xi32>
        %sub3A_912 = arith.subi %sub3A_911, %shift_right_arithmetic3A_909 : vector<16xi32>
        %bitcast_convert_type3A_913 = tpu.bitcast %sub3A_912 : vector<16xi32> -> vector<16xf32>
        %mul3A_914 = arith.constant 5.000000e-01 : f32
        %mul3A_915 = vector.broadcast %mul3A_914 : f32 to vector<16xf32>
        %mul3A_916 = arith.mulf %mul3A_915, %add3A_907 : vector<16xf32>
        %mul3A_917 = arith.mulf %mul3A_916, %bitcast_convert_type3A_913 : vector<16xf32>
        %mul3A_918 = arith.mulf %mul3A_917, %bitcast_convert_type3A_913 : vector<16xf32>
        %sub3A_919 = arith.constant 1.500000e+00 : f32
        %sub3A_920 = vector.broadcast %sub3A_919 : f32 to vector<16xf32>
        %sub3A_921 = arith.subf %sub3A_920, %mul3A_918 : vector<16xf32>
        %mul3A_922 = arith.mulf %bitcast_convert_type3A_913, %sub3A_921 : vector<16xf32>
        %mul3A_923 = arith.constant 5.000000e-01 : f32
        %mul3A_924 = vector.broadcast %mul3A_923 : f32 to vector<16xf32>
        %mul3A_925 = arith.mulf %mul3A_924, %add3A_907 : vector<16xf32>
        %mul3A_926 = arith.mulf %mul3A_925, %mul3A_922 : vector<16xf32>
        %mul3A_927 = arith.mulf %mul3A_926, %mul3A_922 : vector<16xf32>
        %sub3A_928 = arith.constant 1.500000e+00 : f32
        %sub3A_929 = vector.broadcast %sub3A_928 : f32 to vector<16xf32>
        %sub3A_930 = arith.subf %sub3A_929, %mul3A_927 : vector<16xf32>
        %mul3A_931 = arith.mulf %mul3A_922, %sub3A_930 : vector<16xf32>
        %mul3A_932 = arith.constant 16 : i32
        %mul3A_933 = arith.muli %scan3A_673, %mul3A_932 : i32
        %swap3A_934 = arith.constant 0 : i32
        %swap3A_935 = arith.index_cast %swap3A_934 : i32 to index
        %swap3A_936 = arith.index_cast %mul3A_933 : i32 to index
        %swap3A_937 = tpu.vector_load %arg28[%swap3A_935, %swap3A_936] {strides = array<i32>} : memref<2x80xf32, #tpu.memory_space<vmem>>, vector<16xf32>,
        tpu.vector_store %arg28[%swap3A_935, %swap3A_936], %mul3A_898 {strides = array<i32>} : memref<2x80xf32, #tpu.memory_space<vmem>>, vector<16xf32>,
        %mul3A_938 = arith.constant 16 : i32
        %mul3A_939 = arith.muli %scan3A_673, %mul3A_938 : i32
        %swap3A_940 = arith.constant 1 : i32
        %swap3A_941 = arith.index_cast %swap3A_940 : i32 to index
        %swap3A_942 = arith.index_cast %mul3A_939 : i32 to index
        %swap3A_943 = tpu.vector_load %arg28[%swap3A_941, %swap3A_942] {strides = array<i32>} : memref<2x80xf32, #tpu.memory_space<vmem>>, vector<16xf32>,
        tpu.vector_store %arg28[%swap3A_941, %swap3A_942], %mul3A_931 {strides = array<i32>} : memref<2x80xf32, #tpu.memory_space<vmem>>, vector<16xf32>,
      }
      %scan3A_565 = arith.constant 5 : i32
      %parallel_loop3A_566 = arith.constant 0 : i32
      %parallel_loop3A_567 = arith.constant 80 : i32
      %parallel_loop3A_568 = arith.constant 1 : i32
      scf.for %parallel_loop3A_673 = %parallel_loop3A_566 to %parallel_loop3A_567 step %parallel_loop3A_568  : i32 {
        %parallel_loop3A_674 = arith.constant -16 : i32
        %parallel_loop3A_675 = arith.andi %parallel_loop3A_673, %parallel_loop3A_674 : i32
        %parallel_loop3A_676 = arith.constant 15 : i32
        %parallel_loop3A_677 = arith.andi %parallel_loop3A_673, %parallel_loop3A_676 : i32
        %parallel_loop3A_678 = vector.broadcast %parallel_loop3A_677 : i32 to vector<16xi32>
        %parallel_loop3A_679 = arith.constant 0 : i32
        %parallel_loop3A_680 = arith.index_cast %parallel_loop3A_679 : i32 to index
        %parallel_loop3A_681 = arith.index_cast %parallel_loop3A_675 : i32 to index
        %parallel_loop3A_682 = tpu.vector_load %arg28[%parallel_loop3A_680, %parallel_loop3A_681] {strides = array<i32>} : memref<2x80xf32, #tpu.memory_space<vmem>>, vector<16xf32>,
        %parallel_loop3A_683 = arith.constant 0 : i32
        %parallel_loop3A_684 = vector.broadcast %parallel_loop3A_683 : i32 to vector<16xi32>
        %parallel_loop3A_685 = arith.cmpi slt, %parallel_loop3A_678, %parallel_loop3A_684 : vector<16xi32>
        %parallel_loop3A_686 = arith.constant 16 : i32
        %parallel_loop3A_687 = vector.broadcast %parallel_loop3A_686 : i32 to vector<16xi32>
        %parallel_loop3A_688 = arith.addi %parallel_loop3A_678, %parallel_loop3A_687 : vector<16xi32>
        %parallel_loop3A_689 = arith.select %parallel_loop3A_685, %parallel_loop3A_688, %parallel_loop3A_678 : vector<16xi1>, vector<16xi32>
        %parallel_loop3A_690 = vector.shape_cast %parallel_loop3A_689 : vector<16xi32> to vector<16x1xi32>
        %parallel_loop3A_691 = vector.shape_cast %parallel_loop3A_690 : vector<16x1xi32> to vector<16xi32>
        %parallel_loop3A_692 = tpu.dynamic_gather %parallel_loop3A_682[%parallel_loop3A_691] in [0] : vector<16xf32>, vector<16xi32> -> vector<16xf32>
        %parallel_loop3A_693 = arith.constant 1 : i32
        %parallel_loop3A_694 = arith.index_cast %parallel_loop3A_693 : i32 to index
        %parallel_loop3A_695 = arith.index_cast %parallel_loop3A_675 : i32 to index
        %parallel_loop3A_696 = tpu.vector_load %arg28[%parallel_loop3A_694, %parallel_loop3A_695] {strides = array<i32>} : memref<2x80xf32, #tpu.memory_space<vmem>>, vector<16xf32>,
        %parallel_loop3A_697 = arith.constant 0 : i32
        %parallel_loop3A_698 = vector.broadcast %parallel_loop3A_697 : i32 to vector<16xi32>
        %parallel_loop3A_699 = arith.cmpi slt, %parallel_loop3A_678, %parallel_loop3A_698 : vector<16xi32>
        %parallel_loop3A_700 = arith.constant 16 : i32
        %parallel_loop3A_701 = vector.broadcast %parallel_loop3A_700 : i32 to vector<16xi32>
        %parallel_loop3A_702 = arith.addi %parallel_loop3A_678, %parallel_loop3A_701 : vector<16xi32>
        %parallel_loop3A_703 = arith.select %parallel_loop3A_699, %parallel_loop3A_702, %parallel_loop3A_678 : vector<16xi1>, vector<16xi32>
        %parallel_loop3A_704 = vector.shape_cast %parallel_loop3A_703 : vector<16xi32> to vector<16x1xi32>
        %parallel_loop3A_705 = vector.shape_cast %parallel_loop3A_704 : vector<16x1xi32> to vector<16xi32>
        %parallel_loop3A_706 = tpu.dynamic_gather %parallel_loop3A_696[%parallel_loop3A_705] in [0] : vector<16xf32>, vector<16xi32> -> vector<16xf32>
        %parallel_loop3A_707 = arith.constant 0 : i32
        %parallel_loop3A_708 = arith.index_cast %parallel_loop3A_707 : i32 to index
        %parallel_loop3A_709 = arith.index_cast %parallel_loop3A_673 : i32 to index
        %parallel_loop3A_710 = arith.constant 0 : index
        %parallel_loop3A_711 = tpu.vector_load %arg23[%parallel_loop3A_708, %parallel_loop3A_709, %parallel_loop3A_710] {strides = array<i32>} : memref<2x80x128xf32, #tpu.memory_space<vmem>>, vector<16xf32>,
        %parallel_loop3A_712 = arith.subf %parallel_loop3A_711, %parallel_loop3A_692 : vector<16xf32>
        %parallel_loop3A_713 = arith.mulf %parallel_loop3A_712, %parallel_loop3A_706 : vector<16xf32>
        %parallel_loop3A_714 = arith.mulf %parallel_loop3A_713, %get3A_6 : vector<16xf32>
        %parallel_loop3A_715 = arith.addf %parallel_loop3A_714, %get3A_38 : vector<16xf32>
        %parallel_loop3A_716 = arith.constant 0 : i32
        %parallel_loop3A_717 = arith.index_cast %parallel_loop3A_716 : i32 to index
        %parallel_loop3A_718 = arith.index_cast %parallel_loop3A_673 : i32 to index
        %parallel_loop3A_719 = arith.constant 0 : index
        %parallel_loop3A_720 = tpu.vector_load %arg23[%parallel_loop3A_717, %parallel_loop3A_718, %parallel_loop3A_719] {strides = array<i32>} : memref<2x80x128xf32, #tpu.memory_space<vmem>>, vector<16xf32>,
        tpu.vector_store %arg23[%parallel_loop3A_717, %parallel_loop3A_718, %parallel_loop3A_719], %parallel_loop3A_715 {strides = array<i32>} : memref<2x80x128xf32, #tpu.memory_space<vmem>>, vector<16xf32>,
        %parallel_loop3A_721 = arith.constant 0 : i32
        %parallel_loop3A_722 = arith.index_cast %parallel_loop3A_721 : i32 to index
        %parallel_loop3A_723 = arith.index_cast %parallel_loop3A_673 : i32 to index
        %parallel_loop3A_724 = arith.constant 16 : index
        %parallel_loop3A_725 = tpu.vector_load %arg23[%parallel_loop3A_722, %parallel_loop3A_723, %parallel_loop3A_724] {strides = array<i32>} : memref<2x80x128xf32, #tpu.memory_space<vmem>>, vector<16xf32>,
        %parallel_loop3A_726 = arith.subf %parallel_loop3A_725, %parallel_loop3A_692 : vector<16xf32>
        %parallel_loop3A_727 = arith.mulf %parallel_loop3A_726, %parallel_loop3A_706 : vector<16xf32>
        %parallel_loop3A_728 = arith.mulf %parallel_loop3A_727, %get3A_10 : vector<16xf32>
        %parallel_loop3A_729 = arith.addf %parallel_loop3A_728, %get3A_42 : vector<16xf32>
        %parallel_loop3A_730 = arith.constant 0 : i32
        %parallel_loop3A_731 = arith.index_cast %parallel_loop3A_730 : i32 to index
        %parallel_loop3A_732 = arith.index_cast %parallel_loop3A_673 : i32 to index
        %parallel_loop3A_733 = arith.constant 16 : index
        %parallel_loop3A_734 = tpu.vector_load %arg23[%parallel_loop3A_731, %parallel_loop3A_732, %parallel_loop3A_733] {strides = array<i32>} : memref<2x80x128xf32, #tpu.memory_space<vmem>>, vector<16xf32>,
        tpu.vector_store %arg23[%parallel_loop3A_731, %parallel_loop3A_732, %parallel_loop3A_733], %parallel_loop3A_729 {strides = array<i32>} : memref<2x80x128xf32, #tpu.memory_space<vmem>>, vector<16xf32>,
        %parallel_loop3A_735 = arith.constant 0 : i32
        %parallel_loop3A_736 = arith.index_cast %parallel_loop3A_735 : i32 to index
        %parallel_loop3A_737 = arith.index_cast %parallel_loop3A_673 : i32 to index
        %parallel_loop3A_738 = arith.constant 32 : index
        %parallel_loop3A_739 = tpu.vector_load %arg23[%parallel_loop3A_736, %parallel_loop3A_737, %parallel_loop3A_738] {strides = array<i32>} : memref<2x80x128xf32, #tpu.memory_space<vmem>>, vector<16xf32>,
        %parallel_loop3A_740 = arith.subf %parallel_loop3A_739, %parallel_loop3A_692 : vector<16xf32>
        %parallel_loop3A_741 = arith.mulf %parallel_loop3A_740, %parallel_loop3A_706 : vector<16xf32>
        %parallel_loop3A_742 = arith.mulf %parallel_loop3A_741, %get3A_14 : vector<16xf32>
        %parallel_loop3A_743 = arith.addf %parallel_loop3A_742, %get3A_46 : vector<16xf32>
        %parallel_loop3A_744 = arith.constant 0 : i32
        %parallel_loop3A_745 = arith.index_cast %parallel_loop3A_744 : i32 to index
        %parallel_loop3A_746 = arith.index_cast %parallel_loop3A_673 : i32 to index
        %parallel_loop3A_747 = arith.constant 32 : index
        %parallel_loop3A_748 = tpu.vector_load %arg23[%parallel_loop3A_745, %parallel_loop3A_746, %parallel_loop3A_747] {strides = array<i32>} : memref<2x80x128xf32, #tpu.memory_space<vmem>>, vector<16xf32>,
        tpu.vector_store %arg23[%parallel_loop3A_745, %parallel_loop3A_746, %parallel_loop3A_747], %parallel_loop3A_743 {strides = array<i32>} : memref<2x80x128xf32, #tpu.memory_space<vmem>>, vector<16xf32>,
        %parallel_loop3A_749 = arith.constant 0 : i32
        %parallel_loop3A_750 = arith.index_cast %parallel_loop3A_749 : i32 to index
        %parallel_loop3A_751 = arith.index_cast %parallel_loop3A_673 : i32 to index
        %parallel_loop3A_752 = arith.constant 48 : index
        %parallel_loop3A_753 = tpu.vector_load %arg23[%parallel_loop3A_750, %parallel_loop3A_751, %parallel_loop3A_752] {strides = array<i32>} : memref<2x80x128xf32, #tpu.memory_space<vmem>>, vector<16xf32>,
        %parallel_loop3A_754 = arith.subf %parallel_loop3A_753, %parallel_loop3A_692 : vector<16xf32>
        %parallel_loop3A_755 = arith.mulf %parallel_loop3A_754, %parallel_loop3A_706 : vector<16xf32>
        %parallel_loop3A_756 = arith.mulf %parallel_loop3A_755, %get3A_18 : vector<16xf32>
        %parallel_loop3A_757 = arith.addf %parallel_loop3A_756, %get3A_50 : vector<16xf32>
        %parallel_loop3A_758 = arith.constant 0 : i32
        %parallel_loop3A_759 = arith.index_cast %parallel_loop3A_758 : i32 to index
        %parallel_loop3A_760 = arith.index_cast %parallel_loop3A_673 : i32 to index
        %parallel_loop3A_761 = arith.constant 48 : index
        %parallel_loop3A_762 = tpu.vector_load %arg23[%parallel_loop3A_759, %parallel_loop3A_760, %parallel_loop3A_761] {strides = array<i32>} : memref<2x80x128xf32, #tpu.memory_space<vmem>>, vector<16xf32>,
        tpu.vector_store %arg23[%parallel_loop3A_759, %parallel_loop3A_760, %parallel_loop3A_761], %parallel_loop3A_757 {strides = array<i32>} : memref<2x80x128xf32, #tpu.memory_space<vmem>>, vector<16xf32>,
        %parallel_loop3A_763 = arith.constant 0 : i32
        %parallel_loop3A_764 = arith.index_cast %parallel_loop3A_763 : i32 to index
        %parallel_loop3A_765 = arith.index_cast %parallel_loop3A_673 : i32 to index
        %parallel_loop3A_766 = arith.constant 64 : index
        %parallel_loop3A_767 = tpu.vector_load %arg23[%parallel_loop3A_764, %parallel_loop3A_765, %parallel_loop3A_766] {strides = array<i32>} : memref<2x80x128xf32, #tpu.memory_space<vmem>>, vector<16xf32>,
        %parallel_loop3A_768 = arith.subf %parallel_loop3A_767, %parallel_loop3A_692 : vector<16xf32>
        %parallel_loop3A_769 = arith.mulf %parallel_loop3A_768, %parallel_loop3A_706 : vector<16xf32>
        %parallel_loop3A_770 = arith.mulf %parallel_loop3A_769, %get3A_22 : vector<16xf32>
        %parallel_loop3A_771 = arith.addf %parallel_loop3A_770, %get3A_54 : vector<16xf32>
        %parallel_loop3A_772 = arith.constant 0 : i32
        %parallel_loop3A_773 = arith.index_cast %parallel_loop3A_772 : i32 to index
        %parallel_loop3A_774 = arith.index_cast %parallel_loop3A_673 : i32 to index
        %parallel_loop3A_775 = arith.constant 64 : index
        %parallel_loop3A_776 = tpu.vector_load %arg23[%parallel_loop3A_773, %parallel_loop3A_774, %parallel_loop3A_775] {strides = array<i32>} : memref<2x80x128xf32, #tpu.memory_space<vmem>>, vector<16xf32>,
        tpu.vector_store %arg23[%parallel_loop3A_773, %parallel_loop3A_774, %parallel_loop3A_775], %parallel_loop3A_771 {strides = array<i32>} : memref<2x80x128xf32, #tpu.memory_space<vmem>>, vector<16xf32>,
        %parallel_loop3A_777 = arith.constant 0 : i32
        %parallel_loop3A_778 = arith.index_cast %parallel_loop3A_777 : i32 to index
        %parallel_loop3A_779 = arith.index_cast %parallel_loop3A_673 : i32 to index
        %parallel_loop3A_780 = arith.constant 80 : index
        %parallel_loop3A_781 = tpu.vector_load %arg23[%parallel_loop3A_778, %parallel_loop3A_779, %parallel_loop3A_780] {strides = array<i32>} : memref<2x80x128xf32, #tpu.memory_space<vmem>>, vector<16xf32>,
        %parallel_loop3A_782 = arith.subf %parallel_loop3A_781, %parallel_loop3A_692 : vector<16xf32>
        %parallel_loop3A_783 = arith.mulf %parallel_loop3A_782, %parallel_loop3A_706 : vector<16xf32>
        %parallel_loop3A_784 = arith.mulf %parallel_loop3A_783, %get3A_26 : vector<16xf32>
        %parallel_loop3A_785 = arith.addf %parallel_loop3A_784, %get3A_58 : vector<16xf32>
        %parallel_loop3A_786 = arith.constant 0 : i32
        %parallel_loop3A_787 = arith.index_cast %parallel_loop3A_786 : i32 to index
        %parallel_loop3A_788 = arith.index_cast %parallel_loop3A_673 : i32 to index
        %parallel_loop3A_789 = arith.constant 80 : index
        %parallel_loop3A_790 = tpu.vector_load %arg23[%parallel_loop3A_787, %parallel_loop3A_788, %parallel_loop3A_789] {strides = array<i32>} : memref<2x80x128xf32, #tpu.memory_space<vmem>>, vector<16xf32>,
        tpu.vector_store %arg23[%parallel_loop3A_787, %parallel_loop3A_788, %parallel_loop3A_789], %parallel_loop3A_785 {strides = array<i32>} : memref<2x80x128xf32, #tpu.memory_space<vmem>>, vector<16xf32>,
        %parallel_loop3A_791 = arith.constant 0 : i32
        %parallel_loop3A_792 = arith.index_cast %parallel_loop3A_791 : i32 to index
        %parallel_loop3A_793 = arith.index_cast %parallel_loop3A_673 : i32 to index
        %parallel_loop3A_794 = arith.constant 96 : index
        %parallel_loop3A_795 = tpu.vector_load %arg23[%parallel_loop3A_792, %parallel_loop3A_793, %parallel_loop3A_794] {strides = array<i32>} : memref<2x80x128xf32, #tpu.memory_space<vmem>>, vector<16xf32>,
        %parallel_loop3A_796 = arith.subf %parallel_loop3A_795, %parallel_loop3A_692 : vector<16xf32>
        %parallel_loop3A_797 = arith.mulf %parallel_loop3A_796, %parallel_loop3A_706 : vector<16xf32>
        %parallel_loop3A_798 = arith.mulf %parallel_loop3A_797, %get3A_30 : vector<16xf32>
        %parallel_loop3A_799 = arith.addf %parallel_loop3A_798, %get3A_62 : vector<16xf32>
        %parallel_loop3A_800 = arith.constant 0 : i32
        %parallel_loop3A_801 = arith.index_cast %parallel_loop3A_800 : i32 to index
        %parallel_loop3A_802 = arith.index_cast %parallel_loop3A_673 : i32 to index
        %parallel_loop3A_803 = arith.constant 96 : index
        %parallel_loop3A_804 = tpu.vector_load %arg23[%parallel_loop3A_801, %parallel_loop3A_802, %parallel_loop3A_803] {strides = array<i32>} : memref<2x80x128xf32, #tpu.memory_space<vmem>>, vector<16xf32>,
        tpu.vector_store %arg23[%parallel_loop3A_801, %parallel_loop3A_802, %parallel_loop3A_803], %parallel_loop3A_799 {strides = array<i32>} : memref<2x80x128xf32, #tpu.memory_space<vmem>>, vector<16xf32>,
        %parallel_loop3A_805 = arith.constant 0 : i32
        %parallel_loop3A_806 = arith.index_cast %parallel_loop3A_805 : i32 to index
        %parallel_loop3A_807 = arith.index_cast %parallel_loop3A_673 : i32 to index
        %parallel_loop3A_808 = arith.constant 112 : index
        %parallel_loop3A_809 = tpu.vector_load %arg23[%parallel_loop3A_806, %parallel_loop3A_807, %parallel_loop3A_808] {strides = array<i32>} : memref<2x80x128xf32, #tpu.memory_space<vmem>>, vector<16xf32>,
        %parallel_loop3A_810 = arith.subf %parallel_loop3A_809, %parallel_loop3A_692 : vector<16xf32>
        %parallel_loop3A_811 = arith.mulf %parallel_loop3A_810, %parallel_loop3A_706 : vector<16xf32>
        %parallel_loop3A_812 = arith.mulf %parallel_loop3A_811, %get3A_34 : vector<16xf32>
        %parallel_loop3A_813 = arith.addf %parallel_loop3A_812, %get3A_66 : vector<16xf32>
        %parallel_loop3A_814 = arith.constant 0 : i32
        %parallel_loop3A_815 = arith.index_cast %parallel_loop3A_814 : i32 to index
        %parallel_loop3A_816 = arith.index_cast %parallel_loop3A_673 : i32 to index
        %parallel_loop3A_817 = arith.constant 112 : index
        %parallel_loop3A_818 = tpu.vector_load %arg23[%parallel_loop3A_815, %parallel_loop3A_816, %parallel_loop3A_817] {strides = array<i32>} : memref<2x80x128xf32, #tpu.memory_space<vmem>>, vector<16xf32>,
        tpu.vector_store %arg23[%parallel_loop3A_815, %parallel_loop3A_816, %parallel_loop3A_817], %parallel_loop3A_813 {strides = array<i32>} : memref<2x80x128xf32, #tpu.memory_space<vmem>>, vector<16xf32>,
      } {sc.loop_unroll_factor = 2 : i64, sc.parallel_access}
      %mul3A_569 = arith.constant 80 : i32
      %mul3A_570 = arith.muli %add3A_519, %mul3A_569 : i32
      %add3A_571 = arith.addi %mul3A_2, %mul3A_570 : i32
      %dma_start3A_572 = arith.constant 0 : i32
      %dma_start3A_573 = arith.constant 0 : i32
      %dma_start3A_574 = arith.constant 0 : i32
      %dma_start3A_575 = tpu.memref_slice %arg23[%dma_start3A_572, %dma_start3A_573, %dma_start3A_574] : memref<2x80x128xf32, #tpu.memory_space<vmem>> -> memref<1x80x128xf32, #tpu.memory_space<vmem>>
      %dma_start3A_576 = tpu.memref_squeeze %dma_start3A_575 : memref<1x80x128xf32, #tpu.memory_space<vmem>> -> memref<80x128xf32, #tpu.memory_space<vmem>>
      %dma_start3A_577 = arith.constant 0 : i32
      %dma_start3A_578 = tpu.memref_slice %arg14[%add3A_571, %dma_start3A_577] : memref<204800x128xf32, #tpu.memory_space<hbm>> -> memref<80x128xf32, #tpu.memory_space<hbm>>
      %dma_start3A_579 = arith.constant 0 : i32
      %dma_start3A_580 = tpu.memref_slice %arg14[%add3A_571, %dma_start3A_579] : memref<204800x128xf32, #tpu.memory_space<hbm>> -> memref<80x128xf32, #tpu.memory_space<hbm>>
      %dma_start3A_581 = arith.constant 0 : i32
      %dma_start3A_582 = arith.constant 0 : i32
      %dma_start3A_583 = tpu.memref_slice %arg23[%dma_start3A_572, %dma_start3A_581, %dma_start3A_582] : memref<2x80x128xf32, #tpu.memory_space<vmem>> -> memref<1x80x128xf32, #tpu.memory_space<vmem>>
      %dma_start3A_584 = tpu.memref_squeeze %dma_start3A_583 : memref<1x80x128xf32, #tpu.memory_space<vmem>> -> memref<80x128xf32, #tpu.memory_space<vmem>>
      tpu.enqueue_dma source(%dma_start3A_584 : memref<80x128xf32, #tpu.memory_space<vmem>>) target(%dma_start3A_580 : memref<80x128xf32, #tpu.memory_space<hbm>>) target_semaphore(%arg31 : memref<!tpu.dma_semaphore, #tpu.memory_space<semaphore_mem>>)
      %add3A_585 = arith.constant 2 : i32
      %add3A_586 = arith.addi %add3A_519, %add3A_585 : i32
      %lt3A_587 = arith.constant 80 : i32
      %lt3A_588 = arith.cmpi slt, %add3A_586, %lt3A_587 : i32
      %convert_element_type3A_589 = arith.extui %lt3A_588 : i1 to i32
      %cond3A_590 = arith.constant 0 : i32
      %cond3A_591 = arith.cmpi ne, %convert_element_type3A_589, %cond3A_590 : i32
      scf.if %cond3A_591 {
        %add3A_673 = arith.constant 2 : i32
        %add3A_674 = arith.addi %add3A_519, %add3A_673 : i32
        %mul3A_675 = arith.constant 80 : i32
        %mul3A_676 = arith.muli %add3A_674, %mul3A_675 : i32
        %add3A_677 = arith.addi %mul3A_2, %mul3A_676 : i32
        %dma_start3A_678 = arith.constant 0 : i32
        %dma_start3A_679 = arith.constant 0 : i32
        %dma_start3A_680 = tpu.memref_slice %arg15[%dma_start3A_678, %dma_start3A_679] : memref<2x80xi32, #tpu.memory_space<vmem>> -> memref<1x80xi32, #tpu.memory_space<vmem>>
        %dma_start3A_681 = tpu.memref_squeeze %dma_start3A_680 : memref<1x80xi32, #tpu.memory_space<vmem>> -> memref<80xi32, #tpu.memory_space<vmem>>
        %dma_start3A_682 = tpu.memref_slice %arg2[%add3A_677] : memref<204800xi32, #tpu.memory_space<hbm>> -> memref<80xi32, #tpu.memory_space<hbm>>
        %dma_start3A_683 = arith.constant 0 : i32
        %dma_start3A_684 = tpu.memref_slice %arg15[%dma_start3A_678, %dma_start3A_683] : memref<2x80xi32, #tpu.memory_space<vmem>> -> memref<1x80xi32, #tpu.memory_space<vmem>>
        %dma_start3A_685 = tpu.memref_squeeze %dma_start3A_684 : memref<1x80xi32, #tpu.memory_space<vmem>> -> memref<80xi32, #tpu.memory_space<vmem>>
        %dma_start3A_686 = tpu.memref_slice %arg2[%add3A_677] : memref<204800xi32, #tpu.memory_space<hbm>> -> memref<80xi32, #tpu.memory_space<hbm>>
        tpu.enqueue_dma source(%dma_start3A_686 : memref<80xi32, #tpu.memory_space<hbm>>) target(%dma_start3A_685 : memref<80xi32, #tpu.memory_space<vmem>>) target_semaphore(%arg29 : memref<!tpu.dma_semaphore, #tpu.memory_space<semaphore_mem>>)
        %dma_start3A_687 = arith.constant 0 : i32
        %dma_start3A_688 = arith.constant 0 : i32
        %dma_start3A_689 = tpu.memref_slice %arg16[%dma_start3A_687, %dma_start3A_688] : memref<2x80xi32, #tpu.memory_space<vmem>> -> memref<1x80xi32, #tpu.memory_space<vmem>>
        %dma_start3A_690 = tpu.memref_squeeze %dma_start3A_689 : memref<1x80xi32, #tpu.memory_space<vmem>> -> memref<80xi32, #tpu.memory_space<vmem>>
        %dma_start3A_691 = tpu.memref_slice %arg3[%add3A_677] : memref<204800xi32, #tpu.memory_space<hbm>> -> memref<80xi32, #tpu.memory_space<hbm>>
        %dma_start3A_692 = arith.constant 0 : i32
        %dma_start3A_693 = tpu.memref_slice %arg16[%dma_start3A_687, %dma_start3A_692] : memref<2x80xi32, #tpu.memory_space<vmem>> -> memref<1x80xi32, #tpu.memory_space<vmem>>
        %dma_start3A_694 = tpu.memref_squeeze %dma_start3A_693 : memref<1x80xi32, #tpu.memory_space<vmem>> -> memref<80xi32, #tpu.memory_space<vmem>>
        %dma_start3A_695 = tpu.memref_slice %arg3[%add3A_677] : memref<204800xi32, #tpu.memory_space<hbm>> -> memref<80xi32, #tpu.memory_space<hbm>>
        tpu.enqueue_dma source(%dma_start3A_695 : memref<80xi32, #tpu.memory_space<hbm>>) target(%dma_start3A_694 : memref<80xi32, #tpu.memory_space<vmem>>) target_semaphore(%arg29 : memref<!tpu.dma_semaphore, #tpu.memory_space<semaphore_mem>>)
        %dma_start3A_696 = arith.constant 0 : i32
        %dma_start3A_697 = arith.constant 0 : i32
        %dma_start3A_698 = tpu.memref_slice %arg17[%dma_start3A_696, %dma_start3A_697] : memref<2x80xi32, #tpu.memory_space<vmem>> -> memref<1x80xi32, #tpu.memory_space<vmem>>
        %dma_start3A_699 = tpu.memref_squeeze %dma_start3A_698 : memref<1x80xi32, #tpu.memory_space<vmem>> -> memref<80xi32, #tpu.memory_space<vmem>>
        %dma_start3A_700 = tpu.memref_slice %arg4[%add3A_677] : memref<204800xi32, #tpu.memory_space<hbm>> -> memref<80xi32, #tpu.memory_space<hbm>>
        %dma_start3A_701 = arith.constant 0 : i32
        %dma_start3A_702 = tpu.memref_slice %arg17[%dma_start3A_696, %dma_start3A_701] : memref<2x80xi32, #tpu.memory_space<vmem>> -> memref<1x80xi32, #tpu.memory_space<vmem>>
        %dma_start3A_703 = tpu.memref_squeeze %dma_start3A_702 : memref<1x80xi32, #tpu.memory_space<vmem>> -> memref<80xi32, #tpu.memory_space<vmem>>
        %dma_start3A_704 = tpu.memref_slice %arg4[%add3A_677] : memref<204800xi32, #tpu.memory_space<hbm>> -> memref<80xi32, #tpu.memory_space<hbm>>
        tpu.enqueue_dma source(%dma_start3A_704 : memref<80xi32, #tpu.memory_space<hbm>>) target(%dma_start3A_703 : memref<80xi32, #tpu.memory_space<vmem>>) target_semaphore(%arg29 : memref<!tpu.dma_semaphore, #tpu.memory_space<semaphore_mem>>)
        %dma_start3A_705 = arith.constant 0 : i32
        %dma_start3A_706 = arith.constant 0 : i32
        %dma_start3A_707 = tpu.memref_slice %arg18[%dma_start3A_705, %dma_start3A_706] : memref<2x80xi32, #tpu.memory_space<vmem>> -> memref<1x80xi32, #tpu.memory_space<vmem>>
        %dma_start3A_708 = tpu.memref_squeeze %dma_start3A_707 : memref<1x80xi32, #tpu.memory_space<vmem>> -> memref<80xi32, #tpu.memory_space<vmem>>
        %dma_start3A_709 = tpu.memref_slice %arg5[%add3A_677] : memref<204800xi32, #tpu.memory_space<hbm>> -> memref<80xi32, #tpu.memory_space<hbm>>
        %dma_start3A_710 = arith.constant 0 : i32
        %dma_start3A_711 = tpu.memref_slice %arg18[%dma_start3A_705, %dma_start3A_710] : memref<2x80xi32, #tpu.memory_space<vmem>> -> memref<1x80xi32, #tpu.memory_space<vmem>>
        %dma_start3A_712 = tpu.memref_squeeze %dma_start3A_711 : memref<1x80xi32, #tpu.memory_space<vmem>> -> memref<80xi32, #tpu.memory_space<vmem>>
        %dma_start3A_713 = tpu.memref_slice %arg5[%add3A_677] : memref<204800xi32, #tpu.memory_space<hbm>> -> memref<80xi32, #tpu.memory_space<hbm>>
        tpu.enqueue_dma source(%dma_start3A_713 : memref<80xi32, #tpu.memory_space<hbm>>) target(%dma_start3A_712 : memref<80xi32, #tpu.memory_space<vmem>>) target_semaphore(%arg29 : memref<!tpu.dma_semaphore, #tpu.memory_space<semaphore_mem>>)
        %dma_start3A_714 = arith.constant 0 : i32
        %dma_start3A_715 = arith.constant 0 : i32
        %dma_start3A_716 = tpu.memref_slice %arg19[%dma_start3A_714, %dma_start3A_715] : memref<2x80xi32, #tpu.memory_space<vmem>> -> memref<1x80xi32, #tpu.memory_space<vmem>>
        %dma_start3A_717 = tpu.memref_squeeze %dma_start3A_716 : memref<1x80xi32, #tpu.memory_space<vmem>> -> memref<80xi32, #tpu.memory_space<vmem>>
        %dma_start3A_718 = tpu.memref_slice %arg6[%add3A_677] : memref<204800xi32, #tpu.memory_space<hbm>> -> memref<80xi32, #tpu.memory_space<hbm>>
        %dma_start3A_719 = arith.constant 0 : i32
        %dma_start3A_720 = tpu.memref_slice %arg19[%dma_start3A_714, %dma_start3A_719] : memref<2x80xi32, #tpu.memory_space<vmem>> -> memref<1x80xi32, #tpu.memory_space<vmem>>
        %dma_start3A_721 = tpu.memref_squeeze %dma_start3A_720 : memref<1x80xi32, #tpu.memory_space<vmem>> -> memref<80xi32, #tpu.memory_space<vmem>>
        %dma_start3A_722 = tpu.memref_slice %arg6[%add3A_677] : memref<204800xi32, #tpu.memory_space<hbm>> -> memref<80xi32, #tpu.memory_space<hbm>>
        tpu.enqueue_dma source(%dma_start3A_722 : memref<80xi32, #tpu.memory_space<hbm>>) target(%dma_start3A_721 : memref<80xi32, #tpu.memory_space<vmem>>) target_semaphore(%arg29 : memref<!tpu.dma_semaphore, #tpu.memory_space<semaphore_mem>>)
        %dma_start3A_723 = arith.constant 0 : i32
        %dma_start3A_724 = arith.constant 0 : i32
        %dma_start3A_725 = tpu.memref_slice %arg20[%dma_start3A_723, %dma_start3A_724] : memref<2x80xi32, #tpu.memory_space<vmem>> -> memref<1x80xi32, #tpu.memory_space<vmem>>
        %dma_start3A_726 = tpu.memref_squeeze %dma_start3A_725 : memref<1x80xi32, #tpu.memory_space<vmem>> -> memref<80xi32, #tpu.memory_space<vmem>>
        %dma_start3A_727 = tpu.memref_slice %arg7[%add3A_677] : memref<204800xi32, #tpu.memory_space<hbm>> -> memref<80xi32, #tpu.memory_space<hbm>>
        %dma_start3A_728 = arith.constant 0 : i32
        %dma_start3A_729 = tpu.memref_slice %arg20[%dma_start3A_723, %dma_start3A_728] : memref<2x80xi32, #tpu.memory_space<vmem>> -> memref<1x80xi32, #tpu.memory_space<vmem>>
        %dma_start3A_730 = tpu.memref_squeeze %dma_start3A_729 : memref<1x80xi32, #tpu.memory_space<vmem>> -> memref<80xi32, #tpu.memory_space<vmem>>
        %dma_start3A_731 = tpu.memref_slice %arg7[%add3A_677] : memref<204800xi32, #tpu.memory_space<hbm>> -> memref<80xi32, #tpu.memory_space<hbm>>
        tpu.enqueue_dma source(%dma_start3A_731 : memref<80xi32, #tpu.memory_space<hbm>>) target(%dma_start3A_730 : memref<80xi32, #tpu.memory_space<vmem>>) target_semaphore(%arg29 : memref<!tpu.dma_semaphore, #tpu.memory_space<semaphore_mem>>)
        %dma_start3A_732 = arith.constant 0 : i32
        %dma_start3A_733 = arith.constant 0 : i32
        %dma_start3A_734 = tpu.memref_slice %arg21[%dma_start3A_732, %dma_start3A_733] : memref<2x80xi32, #tpu.memory_space<vmem>> -> memref<1x80xi32, #tpu.memory_space<vmem>>
        %dma_start3A_735 = tpu.memref_squeeze %dma_start3A_734 : memref<1x80xi32, #tpu.memory_space<vmem>> -> memref<80xi32, #tpu.memory_space<vmem>>
        %dma_start3A_736 = tpu.memref_slice %arg8[%add3A_677] : memref<204800xi32, #tpu.memory_space<hbm>> -> memref<80xi32, #tpu.memory_space<hbm>>
        %dma_start3A_737 = arith.constant 0 : i32
        %dma_start3A_738 = tpu.memref_slice %arg21[%dma_start3A_732, %dma_start3A_737] : memref<2x80xi32, #tpu.memory_space<vmem>> -> memref<1x80xi32, #tpu.memory_space<vmem>>
        %dma_start3A_739 = tpu.memref_squeeze %dma_start3A_738 : memref<1x80xi32, #tpu.memory_space<vmem>> -> memref<80xi32, #tpu.memory_space<vmem>>
        %dma_start3A_740 = tpu.memref_slice %arg8[%add3A_677] : memref<204800xi32, #tpu.memory_space<hbm>> -> memref<80xi32, #tpu.memory_space<hbm>>
        tpu.enqueue_dma source(%dma_start3A_740 : memref<80xi32, #tpu.memory_space<hbm>>) target(%dma_start3A_739 : memref<80xi32, #tpu.memory_space<vmem>>) target_semaphore(%arg29 : memref<!tpu.dma_semaphore, #tpu.memory_space<semaphore_mem>>)
      } else {
      }
      %mul3A_592 = arith.constant 2 : i32
      %mul3A_593 = arith.muli %scan3A_515, %mul3A_592 : i32
      %add3A_594 = arith.constant 1 : i32
      %add3A_595 = arith.addi %mul3A_593, %add3A_594 : i32
      %add3A_596 = arith.constant 1 : i32
      %add3A_597 = arith.addi %add3A_595, %add3A_596 : i32
      %lt3A_598 = arith.constant 80 : i32
      %lt3A_599 = arith.cmpi slt, %add3A_597, %lt3A_598 : i32
      %convert_element_type3A_600 = arith.extui %lt3A_599 : i1 to i32
      %cond3A_601 = arith.constant 0 : i32
      %cond3A_602 = arith.cmpi ne, %convert_element_type3A_600, %cond3A_601 : i32
      scf.if %cond3A_602 {
        %dma_wait3A_673 = arith.constant 0 : i32
        %dma_wait3A_674 = arith.constant 0 : i32
        %dma_wait3A_675 = tpu.memref_slice %arg15[%dma_wait3A_673, %dma_wait3A_674] : memref<2x80xi32, #tpu.memory_space<vmem>> -> memref<1x80xi32, #tpu.memory_space<vmem>>
        %dma_wait3A_676 = tpu.memref_squeeze %dma_wait3A_675 : memref<1x80xi32, #tpu.memory_space<vmem>> -> memref<80xi32, #tpu.memory_space<vmem>>
        %dma_wait3A_677 = arith.constant 0 : i32
        %dma_wait3A_678 = tpu.memref_slice %arg2[%dma_wait3A_677] : memref<204800xi32, #tpu.memory_space<hbm>> -> memref<80xi32, #tpu.memory_space<hbm>>
        %dma_wait3A_679 = arith.constant 0 : i32
        %dma_wait3A_680 = tpu.memref_slice %arg15[%dma_wait3A_673, %dma_wait3A_679] : memref<2x80xi32, #tpu.memory_space<vmem>> -> memref<1x80xi32, #tpu.memory_space<vmem>>
        %dma_wait3A_681 = tpu.memref_squeeze %dma_wait3A_680 : memref<1x80xi32, #tpu.memory_space<vmem>> -> memref<80xi32, #tpu.memory_space<vmem>>
        %dma_wait3A_682 = arith.constant 0 : i32
        %dma_wait3A_683 = tpu.memref_slice %arg2[%dma_wait3A_682] : memref<204800xi32, #tpu.memory_space<hbm>> -> memref<80xi32, #tpu.memory_space<hbm>>
        tpu.wait_dma2 semaphore(%arg29 : memref<!tpu.dma_semaphore, #tpu.memory_space<semaphore_mem>>) src(%dma_wait3A_683 : memref<80xi32, #tpu.memory_space<hbm>>) dst(%dma_wait3A_681 : memref<80xi32, #tpu.memory_space<vmem>>)
        %dma_wait3A_684 = arith.constant 0 : i32
        %dma_wait3A_685 = arith.constant 0 : i32
        %dma_wait3A_686 = tpu.memref_slice %arg16[%dma_wait3A_684, %dma_wait3A_685] : memref<2x80xi32, #tpu.memory_space<vmem>> -> memref<1x80xi32, #tpu.memory_space<vmem>>
        %dma_wait3A_687 = tpu.memref_squeeze %dma_wait3A_686 : memref<1x80xi32, #tpu.memory_space<vmem>> -> memref<80xi32, #tpu.memory_space<vmem>>
        %dma_wait3A_688 = arith.constant 0 : i32
        %dma_wait3A_689 = tpu.memref_slice %arg3[%dma_wait3A_688] : memref<204800xi32, #tpu.memory_space<hbm>> -> memref<80xi32, #tpu.memory_space<hbm>>
        %dma_wait3A_690 = arith.constant 0 : i32
        %dma_wait3A_691 = tpu.memref_slice %arg16[%dma_wait3A_684, %dma_wait3A_690] : memref<2x80xi32, #tpu.memory_space<vmem>> -> memref<1x80xi32, #tpu.memory_space<vmem>>
        %dma_wait3A_692 = tpu.memref_squeeze %dma_wait3A_691 : memref<1x80xi32, #tpu.memory_space<vmem>> -> memref<80xi32, #tpu.memory_space<vmem>>
        %dma_wait3A_693 = arith.constant 0 : i32
        %dma_wait3A_694 = tpu.memref_slice %arg3[%dma_wait3A_693] : memref<204800xi32, #tpu.memory_space<hbm>> -> memref<80xi32, #tpu.memory_space<hbm>>
        tpu.wait_dma2 semaphore(%arg29 : memref<!tpu.dma_semaphore, #tpu.memory_space<semaphore_mem>>) src(%dma_wait3A_694 : memref<80xi32, #tpu.memory_space<hbm>>) dst(%dma_wait3A_692 : memref<80xi32, #tpu.memory_space<vmem>>)
        %dma_wait3A_695 = arith.constant 0 : i32
        %dma_wait3A_696 = arith.constant 0 : i32
        %dma_wait3A_697 = tpu.memref_slice %arg17[%dma_wait3A_695, %dma_wait3A_696] : memref<2x80xi32, #tpu.memory_space<vmem>> -> memref<1x80xi32, #tpu.memory_space<vmem>>
        %dma_wait3A_698 = tpu.memref_squeeze %dma_wait3A_697 : memref<1x80xi32, #tpu.memory_space<vmem>> -> memref<80xi32, #tpu.memory_space<vmem>>
        %dma_wait3A_699 = arith.constant 0 : i32
        %dma_wait3A_700 = tpu.memref_slice %arg4[%dma_wait3A_699] : memref<204800xi32, #tpu.memory_space<hbm>> -> memref<80xi32, #tpu.memory_space<hbm>>
        %dma_wait3A_701 = arith.constant 0 : i32
        %dma_wait3A_702 = tpu.memref_slice %arg17[%dma_wait3A_695, %dma_wait3A_701] : memref<2x80xi32, #tpu.memory_space<vmem>> -> memref<1x80xi32, #tpu.memory_space<vmem>>
        %dma_wait3A_703 = tpu.memref_squeeze %dma_wait3A_702 : memref<1x80xi32, #tpu.memory_space<vmem>> -> memref<80xi32, #tpu.memory_space<vmem>>
        %dma_wait3A_704 = arith.constant 0 : i32
        %dma_wait3A_705 = tpu.memref_slice %arg4[%dma_wait3A_704] : memref<204800xi32, #tpu.memory_space<hbm>> -> memref<80xi32, #tpu.memory_space<hbm>>
        tpu.wait_dma2 semaphore(%arg29 : memref<!tpu.dma_semaphore, #tpu.memory_space<semaphore_mem>>) src(%dma_wait3A_705 : memref<80xi32, #tpu.memory_space<hbm>>) dst(%dma_wait3A_703 : memref<80xi32, #tpu.memory_space<vmem>>)
        %dma_wait3A_706 = arith.constant 0 : i32
        %dma_wait3A_707 = arith.constant 0 : i32
        %dma_wait3A_708 = tpu.memref_slice %arg18[%dma_wait3A_706, %dma_wait3A_707] : memref<2x80xi32, #tpu.memory_space<vmem>> -> memref<1x80xi32, #tpu.memory_space<vmem>>
        %dma_wait3A_709 = tpu.memref_squeeze %dma_wait3A_708 : memref<1x80xi32, #tpu.memory_space<vmem>> -> memref<80xi32, #tpu.memory_space<vmem>>
        %dma_wait3A_710 = arith.constant 0 : i32
        %dma_wait3A_711 = tpu.memref_slice %arg5[%dma_wait3A_710] : memref<204800xi32, #tpu.memory_space<hbm>> -> memref<80xi32, #tpu.memory_space<hbm>>
        %dma_wait3A_712 = arith.constant 0 : i32
        %dma_wait3A_713 = tpu.memref_slice %arg18[%dma_wait3A_706, %dma_wait3A_712] : memref<2x80xi32, #tpu.memory_space<vmem>> -> memref<1x80xi32, #tpu.memory_space<vmem>>
        %dma_wait3A_714 = tpu.memref_squeeze %dma_wait3A_713 : memref<1x80xi32, #tpu.memory_space<vmem>> -> memref<80xi32, #tpu.memory_space<vmem>>
        %dma_wait3A_715 = arith.constant 0 : i32
        %dma_wait3A_716 = tpu.memref_slice %arg5[%dma_wait3A_715] : memref<204800xi32, #tpu.memory_space<hbm>> -> memref<80xi32, #tpu.memory_space<hbm>>
        tpu.wait_dma2 semaphore(%arg29 : memref<!tpu.dma_semaphore, #tpu.memory_space<semaphore_mem>>) src(%dma_wait3A_716 : memref<80xi32, #tpu.memory_space<hbm>>) dst(%dma_wait3A_714 : memref<80xi32, #tpu.memory_space<vmem>>)
        %dma_wait3A_717 = arith.constant 0 : i32
        %dma_wait3A_718 = arith.constant 0 : i32
        %dma_wait3A_719 = tpu.memref_slice %arg19[%dma_wait3A_717, %dma_wait3A_718] : memref<2x80xi32, #tpu.memory_space<vmem>> -> memref<1x80xi32, #tpu.memory_space<vmem>>
        %dma_wait3A_720 = tpu.memref_squeeze %dma_wait3A_719 : memref<1x80xi32, #tpu.memory_space<vmem>> -> memref<80xi32, #tpu.memory_space<vmem>>
        %dma_wait3A_721 = arith.constant 0 : i32
        %dma_wait3A_722 = tpu.memref_slice %arg6[%dma_wait3A_721] : memref<204800xi32, #tpu.memory_space<hbm>> -> memref<80xi32, #tpu.memory_space<hbm>>
        %dma_wait3A_723 = arith.constant 0 : i32
        %dma_wait3A_724 = tpu.memref_slice %arg19[%dma_wait3A_717, %dma_wait3A_723] : memref<2x80xi32, #tpu.memory_space<vmem>> -> memref<1x80xi32, #tpu.memory_space<vmem>>
        %dma_wait3A_725 = tpu.memref_squeeze %dma_wait3A_724 : memref<1x80xi32, #tpu.memory_space<vmem>> -> memref<80xi32, #tpu.memory_space<vmem>>
        %dma_wait3A_726 = arith.constant 0 : i32
        %dma_wait3A_727 = tpu.memref_slice %arg6[%dma_wait3A_726] : memref<204800xi32, #tpu.memory_space<hbm>> -> memref<80xi32, #tpu.memory_space<hbm>>
        tpu.wait_dma2 semaphore(%arg29 : memref<!tpu.dma_semaphore, #tpu.memory_space<semaphore_mem>>) src(%dma_wait3A_727 : memref<80xi32, #tpu.memory_space<hbm>>) dst(%dma_wait3A_725 : memref<80xi32, #tpu.memory_space<vmem>>)
        %dma_wait3A_728 = arith.constant 0 : i32
        %dma_wait3A_729 = arith.constant 0 : i32
        %dma_wait3A_730 = tpu.memref_slice %arg20[%dma_wait3A_728, %dma_wait3A_729] : memref<2x80xi32, #tpu.memory_space<vmem>> -> memref<1x80xi32, #tpu.memory_space<vmem>>
        %dma_wait3A_731 = tpu.memref_squeeze %dma_wait3A_730 : memref<1x80xi32, #tpu.memory_space<vmem>> -> memref<80xi32, #tpu.memory_space<vmem>>
        %dma_wait3A_732 = arith.constant 0 : i32
        %dma_wait3A_733 = tpu.memref_slice %arg7[%dma_wait3A_732] : memref<204800xi32, #tpu.memory_space<hbm>> -> memref<80xi32, #tpu.memory_space<hbm>>
        %dma_wait3A_734 = arith.constant 0 : i32
        %dma_wait3A_735 = tpu.memref_slice %arg20[%dma_wait3A_728, %dma_wait3A_734] : memref<2x80xi32, #tpu.memory_space<vmem>> -> memref<1x80xi32, #tpu.memory_space<vmem>>
        %dma_wait3A_736 = tpu.memref_squeeze %dma_wait3A_735 : memref<1x80xi32, #tpu.memory_space<vmem>> -> memref<80xi32, #tpu.memory_space<vmem>>
        %dma_wait3A_737 = arith.constant 0 : i32
        %dma_wait3A_738 = tpu.memref_slice %arg7[%dma_wait3A_737] : memref<204800xi32, #tpu.memory_space<hbm>> -> memref<80xi32, #tpu.memory_space<hbm>>
        tpu.wait_dma2 semaphore(%arg29 : memref<!tpu.dma_semaphore, #tpu.memory_space<semaphore_mem>>) src(%dma_wait3A_738 : memref<80xi32, #tpu.memory_space<hbm>>) dst(%dma_wait3A_736 : memref<80xi32, #tpu.memory_space<vmem>>)
        %dma_wait3A_739 = arith.constant 0 : i32
        %dma_wait3A_740 = arith.constant 0 : i32
        %dma_wait3A_741 = tpu.memref_slice %arg21[%dma_wait3A_739, %dma_wait3A_740] : memref<2x80xi32, #tpu.memory_space<vmem>> -> memref<1x80xi32, #tpu.memory_space<vmem>>
        %dma_wait3A_742 = tpu.memref_squeeze %dma_wait3A_741 : memref<1x80xi32, #tpu.memory_space<vmem>> -> memref<80xi32, #tpu.memory_space<vmem>>
        %dma_wait3A_743 = arith.constant 0 : i32
        %dma_wait3A_744 = tpu.memref_slice %arg8[%dma_wait3A_743] : memref<204800xi32, #tpu.memory_space<hbm>> -> memref<80xi32, #tpu.memory_space<hbm>>
        %dma_wait3A_745 = arith.constant 0 : i32
        %dma_wait3A_746 = tpu.memref_slice %arg21[%dma_wait3A_739, %dma_wait3A_745] : memref<2x80xi32, #tpu.memory_space<vmem>> -> memref<1x80xi32, #tpu.memory_space<vmem>>
        %dma_wait3A_747 = tpu.memref_squeeze %dma_wait3A_746 : memref<1x80xi32, #tpu.memory_space<vmem>> -> memref<80xi32, #tpu.memory_space<vmem>>
        %dma_wait3A_748 = arith.constant 0 : i32
        %dma_wait3A_749 = tpu.memref_slice %arg8[%dma_wait3A_748] : memref<204800xi32, #tpu.memory_space<hbm>> -> memref<80xi32, #tpu.memory_space<hbm>>
        tpu.wait_dma2 semaphore(%arg29 : memref<!tpu.dma_semaphore, #tpu.memory_space<semaphore_mem>>) src(%dma_wait3A_749 : memref<80xi32, #tpu.memory_space<hbm>>) dst(%dma_wait3A_747 : memref<80xi32, #tpu.memory_space<vmem>>)
        %get3A_750 = arith.constant 0 : i32
        %get3A_751 = arith.index_cast %get3A_750 : i32 to index
        %get3A_752 = arith.constant 0 : index
        %get3A_753 = tpu.vector_load %arg17[%get3A_751, %get3A_752] {strides = array<i32>} : memref<2x80xi32, #tpu.memory_space<vmem>>, vector<16xi32>,
        %mul3A_754 = arith.constant 3 : i32
        %mul3A_755 = vector.broadcast %mul3A_754 : i32 to vector<16xi32>
        %mul3A_756 = arith.muli %get3A_753, %mul3A_755 : vector<16xi32>
        %get3A_757 = arith.constant 0 : i32
        %get3A_758 = arith.index_cast %get3A_757 : i32 to index
        %get3A_759 = arith.constant 0 : index
        %get3A_760 = tpu.vector_load %arg18[%get3A_758, %get3A_759] {strides = array<i32>} : memref<2x80xi32, #tpu.memory_space<vmem>>, vector<16xi32>,
        %add3A_761 = arith.addi %mul3A_756, %get3A_760 : vector<16xi32>
        %mul3A_762 = arith.constant 10 : i32
        %mul3A_763 = vector.broadcast %mul3A_762 : i32 to vector<16xi32>
        %mul3A_764 = arith.muli %add3A_761, %mul3A_763 : vector<16xi32>
        %get3A_765 = arith.constant 0 : i32
        %get3A_766 = arith.index_cast %get3A_765 : i32 to index
        %get3A_767 = arith.constant 0 : index
        %get3A_768 = tpu.vector_load %arg19[%get3A_766, %get3A_767] {strides = array<i32>} : memref<2x80xi32, #tpu.memory_space<vmem>>, vector<16xi32>,
        %add3A_769 = arith.addi %mul3A_764, %get3A_768 : vector<16xi32>
        %mul3A_770 = arith.constant 5 : i32
        %mul3A_771 = vector.broadcast %mul3A_770 : i32 to vector<16xi32>
        %mul3A_772 = arith.muli %add3A_769, %mul3A_771 : vector<16xi32>
        %get3A_773 = arith.constant 0 : i32
        %get3A_774 = arith.index_cast %get3A_773 : i32 to index
        %get3A_775 = arith.constant 0 : index
        %get3A_776 = tpu.vector_load %arg20[%get3A_774, %get3A_775] {strides = array<i32>} : memref<2x80xi32, #tpu.memory_space<vmem>>, vector<16xi32>,
        %add3A_777 = arith.addi %mul3A_772, %get3A_776 : vector<16xi32>
        %get3A_778 = arith.constant 0 : i32
        %get3A_779 = arith.index_cast %get3A_778 : i32 to index
        %get3A_780 = arith.constant 0 : index
        %get3A_781 = tpu.vector_load %arg16[%get3A_779, %get3A_780] {strides = array<i32>} : memref<2x80xi32, #tpu.memory_space<vmem>>, vector<16xi32>,
        %mul3A_782 = arith.constant 300 : i32
        %mul3A_783 = vector.broadcast %mul3A_782 : i32 to vector<16xi32>
        %mul3A_784 = arith.muli %get3A_781, %mul3A_783 : vector<16xi32>
        %add3A_785 = arith.addi %mul3A_784, %add3A_777 : vector<16xi32>
        %swap3A_786 = arith.constant 0 : i32
        %swap3A_787 = arith.index_cast %swap3A_786 : i32 to index
        %swap3A_788 = arith.constant 0 : index
        %swap3A_789 = tpu.vector_load %arg22[%swap3A_787, %swap3A_788] {strides = array<i32>} : memref<2x80xi32, #tpu.memory_space<vmem>>, vector<16xi32>,
        tpu.vector_store %arg22[%swap3A_787, %swap3A_788], %add3A_785 {strides = array<i32>} : memref<2x80xi32, #tpu.memory_space<vmem>>, vector<16xi32>,
        %get3A_790 = arith.constant 0 : i32
        %get3A_791 = arith.index_cast %get3A_790 : i32 to index
        %get3A_792 = arith.constant 16 : index
        %get3A_793 = tpu.vector_load %arg17[%get3A_791, %get3A_792] {strides = array<i32>} : memref<2x80xi32, #tpu.memory_space<vmem>>, vector<16xi32>,
        %mul3A_794 = arith.constant 3 : i32
        %mul3A_795 = vector.broadcast %mul3A_794 : i32 to vector<16xi32>
        %mul3A_796 = arith.muli %get3A_793, %mul3A_795 : vector<16xi32>
        %get3A_797 = arith.constant 0 : i32
        %get3A_798 = arith.index_cast %get3A_797 : i32 to index
        %get3A_799 = arith.constant 16 : index
        %get3A_800 = tpu.vector_load %arg18[%get3A_798, %get3A_799] {strides = array<i32>} : memref<2x80xi32, #tpu.memory_space<vmem>>, vector<16xi32>,
        %add3A_801 = arith.addi %mul3A_796, %get3A_800 : vector<16xi32>
        %mul3A_802 = arith.constant 10 : i32
        %mul3A_803 = vector.broadcast %mul3A_802 : i32 to vector<16xi32>
        %mul3A_804 = arith.muli %add3A_801, %mul3A_803 : vector<16xi32>
        %get3A_805 = arith.constant 0 : i32
        %get3A_806 = arith.index_cast %get3A_805 : i32 to index
        %get3A_807 = arith.constant 16 : index
        %get3A_808 = tpu.vector_load %arg19[%get3A_806, %get3A_807] {strides = array<i32>} : memref<2x80xi32, #tpu.memory_space<vmem>>, vector<16xi32>,
        %add3A_809 = arith.addi %mul3A_804, %get3A_808 : vector<16xi32>
        %mul3A_810 = arith.constant 5 : i32
        %mul3A_811 = vector.broadcast %mul3A_810 : i32 to vector<16xi32>
        %mul3A_812 = arith.muli %add3A_809, %mul3A_811 : vector<16xi32>
        %get3A_813 = arith.constant 0 : i32
        %get3A_814 = arith.index_cast %get3A_813 : i32 to index
        %get3A_815 = arith.constant 16 : index
        %get3A_816 = tpu.vector_load %arg20[%get3A_814, %get3A_815] {strides = array<i32>} : memref<2x80xi32, #tpu.memory_space<vmem>>, vector<16xi32>,
        %add3A_817 = arith.addi %mul3A_812, %get3A_816 : vector<16xi32>
        %get3A_818 = arith.constant 0 : i32
        %get3A_819 = arith.index_cast %get3A_818 : i32 to index
        %get3A_820 = arith.constant 16 : index
        %get3A_821 = tpu.vector_load %arg16[%get3A_819, %get3A_820] {strides = array<i32>} : memref<2x80xi32, #tpu.memory_space<vmem>>, vector<16xi32>,
        %mul3A_822 = arith.constant 300 : i32
        %mul3A_823 = vector.broadcast %mul3A_822 : i32 to vector<16xi32>
        %mul3A_824 = arith.muli %get3A_821, %mul3A_823 : vector<16xi32>
        %add3A_825 = arith.addi %mul3A_824, %add3A_817 : vector<16xi32>
        %swap3A_826 = arith.constant 0 : i32
        %swap3A_827 = arith.index_cast %swap3A_826 : i32 to index
        %swap3A_828 = arith.constant 16 : index
        %swap3A_829 = tpu.vector_load %arg22[%swap3A_827, %swap3A_828] {strides = array<i32>} : memref<2x80xi32, #tpu.memory_space<vmem>>, vector<16xi32>,
        tpu.vector_store %arg22[%swap3A_827, %swap3A_828], %add3A_825 {strides = array<i32>} : memref<2x80xi32, #tpu.memory_space<vmem>>, vector<16xi32>,
        %get3A_830 = arith.constant 0 : i32
        %get3A_831 = arith.index_cast %get3A_830 : i32 to index
        %get3A_832 = arith.constant 32 : index
        %get3A_833 = tpu.vector_load %arg17[%get3A_831, %get3A_832] {strides = array<i32>} : memref<2x80xi32, #tpu.memory_space<vmem>>, vector<16xi32>,
        %mul3A_834 = arith.constant 3 : i32
        %mul3A_835 = vector.broadcast %mul3A_834 : i32 to vector<16xi32>
        %mul3A_836 = arith.muli %get3A_833, %mul3A_835 : vector<16xi32>
        %get3A_837 = arith.constant 0 : i32
        %get3A_838 = arith.index_cast %get3A_837 : i32 to index
        %get3A_839 = arith.constant 32 : index
        %get3A_840 = tpu.vector_load %arg18[%get3A_838, %get3A_839] {strides = array<i32>} : memref<2x80xi32, #tpu.memory_space<vmem>>, vector<16xi32>,
        %add3A_841 = arith.addi %mul3A_836, %get3A_840 : vector<16xi32>
        %mul3A_842 = arith.constant 10 : i32
        %mul3A_843 = vector.broadcast %mul3A_842 : i32 to vector<16xi32>
        %mul3A_844 = arith.muli %add3A_841, %mul3A_843 : vector<16xi32>
        %get3A_845 = arith.constant 0 : i32
        %get3A_846 = arith.index_cast %get3A_845 : i32 to index
        %get3A_847 = arith.constant 32 : index
        %get3A_848 = tpu.vector_load %arg19[%get3A_846, %get3A_847] {strides = array<i32>} : memref<2x80xi32, #tpu.memory_space<vmem>>, vector<16xi32>,
        %add3A_849 = arith.addi %mul3A_844, %get3A_848 : vector<16xi32>
        %mul3A_850 = arith.constant 5 : i32
        %mul3A_851 = vector.broadcast %mul3A_850 : i32 to vector<16xi32>
        %mul3A_852 = arith.muli %add3A_849, %mul3A_851 : vector<16xi32>
        %get3A_853 = arith.constant 0 : i32
        %get3A_854 = arith.index_cast %get3A_853 : i32 to index
        %get3A_855 = arith.constant 32 : index
        %get3A_856 = tpu.vector_load %arg20[%get3A_854, %get3A_855] {strides = array<i32>} : memref<2x80xi32, #tpu.memory_space<vmem>>, vector<16xi32>,
        %add3A_857 = arith.addi %mul3A_852, %get3A_856 : vector<16xi32>
        %get3A_858 = arith.constant 0 : i32
        %get3A_859 = arith.index_cast %get3A_858 : i32 to index
        %get3A_860 = arith.constant 32 : index
        %get3A_861 = tpu.vector_load %arg16[%get3A_859, %get3A_860] {strides = array<i32>} : memref<2x80xi32, #tpu.memory_space<vmem>>, vector<16xi32>,
        %mul3A_862 = arith.constant 300 : i32
        %mul3A_863 = vector.broadcast %mul3A_862 : i32 to vector<16xi32>
        %mul3A_864 = arith.muli %get3A_861, %mul3A_863 : vector<16xi32>
        %add3A_865 = arith.addi %mul3A_864, %add3A_857 : vector<16xi32>
        %swap3A_866 = arith.constant 0 : i32
        %swap3A_867 = arith.index_cast %swap3A_866 : i32 to index
        %swap3A_868 = arith.constant 32 : index
        %swap3A_869 = tpu.vector_load %arg22[%swap3A_867, %swap3A_868] {strides = array<i32>} : memref<2x80xi32, #tpu.memory_space<vmem>>, vector<16xi32>,
        tpu.vector_store %arg22[%swap3A_867, %swap3A_868], %add3A_865 {strides = array<i32>} : memref<2x80xi32, #tpu.memory_space<vmem>>, vector<16xi32>,
        %get3A_870 = arith.constant 0 : i32
        %get3A_871 = arith.index_cast %get3A_870 : i32 to index
        %get3A_872 = arith.constant 48 : index
        %get3A_873 = tpu.vector_load %arg17[%get3A_871, %get3A_872] {strides = array<i32>} : memref<2x80xi32, #tpu.memory_space<vmem>>, vector<16xi32>,
        %mul3A_874 = arith.constant 3 : i32
        %mul3A_875 = vector.broadcast %mul3A_874 : i32 to vector<16xi32>
        %mul3A_876 = arith.muli %get3A_873, %mul3A_875 : vector<16xi32>
        %get3A_877 = arith.constant 0 : i32
        %get3A_878 = arith.index_cast %get3A_877 : i32 to index
        %get3A_879 = arith.constant 48 : index
        %get3A_880 = tpu.vector_load %arg18[%get3A_878, %get3A_879] {strides = array<i32>} : memref<2x80xi32, #tpu.memory_space<vmem>>, vector<16xi32>,
        %add3A_881 = arith.addi %mul3A_876, %get3A_880 : vector<16xi32>
        %mul3A_882 = arith.constant 10 : i32
        %mul3A_883 = vector.broadcast %mul3A_882 : i32 to vector<16xi32>
        %mul3A_884 = arith.muli %add3A_881, %mul3A_883 : vector<16xi32>
        %get3A_885 = arith.constant 0 : i32
        %get3A_886 = arith.index_cast %get3A_885 : i32 to index
        %get3A_887 = arith.constant 48 : index
        %get3A_888 = tpu.vector_load %arg19[%get3A_886, %get3A_887] {strides = array<i32>} : memref<2x80xi32, #tpu.memory_space<vmem>>, vector<16xi32>,
        %add3A_889 = arith.addi %mul3A_884, %get3A_888 : vector<16xi32>
        %mul3A_890 = arith.constant 5 : i32
        %mul3A_891 = vector.broadcast %mul3A_890 : i32 to vector<16xi32>
        %mul3A_892 = arith.muli %add3A_889, %mul3A_891 : vector<16xi32>
        %get3A_893 = arith.constant 0 : i32
        %get3A_894 = arith.index_cast %get3A_893 : i32 to index
        %get3A_895 = arith.constant 48 : index
        %get3A_896 = tpu.vector_load %arg20[%get3A_894, %get3A_895] {strides = array<i32>} : memref<2x80xi32, #tpu.memory_space<vmem>>, vector<16xi32>,
        %add3A_897 = arith.addi %mul3A_892, %get3A_896 : vector<16xi32>
        %get3A_898 = arith.constant 0 : i32
        %get3A_899 = arith.index_cast %get3A_898 : i32 to index
        %get3A_900 = arith.constant 48 : index
        %get3A_901 = tpu.vector_load %arg16[%get3A_899, %get3A_900] {strides = array<i32>} : memref<2x80xi32, #tpu.memory_space<vmem>>, vector<16xi32>,
        %mul3A_902 = arith.constant 300 : i32
        %mul3A_903 = vector.broadcast %mul3A_902 : i32 to vector<16xi32>
        %mul3A_904 = arith.muli %get3A_901, %mul3A_903 : vector<16xi32>
        %add3A_905 = arith.addi %mul3A_904, %add3A_897 : vector<16xi32>
        %swap3A_906 = arith.constant 0 : i32
        %swap3A_907 = arith.index_cast %swap3A_906 : i32 to index
        %swap3A_908 = arith.constant 48 : index
        %swap3A_909 = tpu.vector_load %arg22[%swap3A_907, %swap3A_908] {strides = array<i32>} : memref<2x80xi32, #tpu.memory_space<vmem>>, vector<16xi32>,
        tpu.vector_store %arg22[%swap3A_907, %swap3A_908], %add3A_905 {strides = array<i32>} : memref<2x80xi32, #tpu.memory_space<vmem>>, vector<16xi32>,
        %get3A_910 = arith.constant 0 : i32
        %get3A_911 = arith.index_cast %get3A_910 : i32 to index
        %get3A_912 = arith.constant 64 : index
        %get3A_913 = tpu.vector_load %arg17[%get3A_911, %get3A_912] {strides = array<i32>} : memref<2x80xi32, #tpu.memory_space<vmem>>, vector<16xi32>,
        %mul3A_914 = arith.constant 3 : i32
        %mul3A_915 = vector.broadcast %mul3A_914 : i32 to vector<16xi32>
        %mul3A_916 = arith.muli %get3A_913, %mul3A_915 : vector<16xi32>
        %get3A_917 = arith.constant 0 : i32
        %get3A_918 = arith.index_cast %get3A_917 : i32 to index
        %get3A_919 = arith.constant 64 : index
        %get3A_920 = tpu.vector_load %arg18[%get3A_918, %get3A_919] {strides = array<i32>} : memref<2x80xi32, #tpu.memory_space<vmem>>, vector<16xi32>,
        %add3A_921 = arith.addi %mul3A_916, %get3A_920 : vector<16xi32>
        %mul3A_922 = arith.constant 10 : i32
        %mul3A_923 = vector.broadcast %mul3A_922 : i32 to vector<16xi32>
        %mul3A_924 = arith.muli %add3A_921, %mul3A_923 : vector<16xi32>
        %get3A_925 = arith.constant 0 : i32
        %get3A_926 = arith.index_cast %get3A_925 : i32 to index
        %get3A_927 = arith.constant 64 : index
        %get3A_928 = tpu.vector_load %arg19[%get3A_926, %get3A_927] {strides = array<i32>} : memref<2x80xi32, #tpu.memory_space<vmem>>, vector<16xi32>,
        %add3A_929 = arith.addi %mul3A_924, %get3A_928 : vector<16xi32>
        %mul3A_930 = arith.constant 5 : i32
        %mul3A_931 = vector.broadcast %mul3A_930 : i32 to vector<16xi32>
        %mul3A_932 = arith.muli %add3A_929, %mul3A_931 : vector<16xi32>
        %get3A_933 = arith.constant 0 : i32
        %get3A_934 = arith.index_cast %get3A_933 : i32 to index
        %get3A_935 = arith.constant 64 : index
        %get3A_936 = tpu.vector_load %arg20[%get3A_934, %get3A_935] {strides = array<i32>} : memref<2x80xi32, #tpu.memory_space<vmem>>, vector<16xi32>,
        %add3A_937 = arith.addi %mul3A_932, %get3A_936 : vector<16xi32>
        %get3A_938 = arith.constant 0 : i32
        %get3A_939 = arith.index_cast %get3A_938 : i32 to index
        %get3A_940 = arith.constant 64 : index
        %get3A_941 = tpu.vector_load %arg16[%get3A_939, %get3A_940] {strides = array<i32>} : memref<2x80xi32, #tpu.memory_space<vmem>>, vector<16xi32>,
        %mul3A_942 = arith.constant 300 : i32
        %mul3A_943 = vector.broadcast %mul3A_942 : i32 to vector<16xi32>
        %mul3A_944 = arith.muli %get3A_941, %mul3A_943 : vector<16xi32>
        %add3A_945 = arith.addi %mul3A_944, %add3A_937 : vector<16xi32>
        %swap3A_946 = arith.constant 0 : i32
        %swap3A_947 = arith.index_cast %swap3A_946 : i32 to index
        %swap3A_948 = arith.constant 64 : index
        %swap3A_949 = tpu.vector_load %arg22[%swap3A_947, %swap3A_948] {strides = array<i32>} : memref<2x80xi32, #tpu.memory_space<vmem>>, vector<16xi32>,
        tpu.vector_store %arg22[%swap3A_947, %swap3A_948], %add3A_945 {strides = array<i32>} : memref<2x80xi32, #tpu.memory_space<vmem>>, vector<16xi32>,
        %ge3A = arith.constant 1 : i32
        %ge3A_950 = arith.cmpi sge, %add3A_595, %ge3A : i32
        %convert_element_type3A_951 = arith.extui %ge3A_950 : i1 to i32
        %cond3A_952 = arith.constant 0 : i32
        %cond3A_953 = arith.cmpi ne, %convert_element_type3A_951, %cond3A_952 : i32
        scf.if %cond3A_953 {
          %dma_wait3A_978 = arith.constant 0 : i32
          %dma_wait3A_979 = arith.constant 0 : i32
          %dma_wait3A_980 = arith.constant 0 : i32
          %dma_wait3A_981 = tpu.memref_slice %arg23[%dma_wait3A_978, %dma_wait3A_979, %dma_wait3A_980] : memref<2x80x128xf32, #tpu.memory_space<vmem>> -> memref<1x80x128xf32, #tpu.memory_space<vmem>>
          %dma_wait3A_982 = tpu.memref_squeeze %dma_wait3A_981 : memref<1x80x128xf32, #tpu.memory_space<vmem>> -> memref<80x128xf32, #tpu.memory_space<vmem>>
          %dma_wait3A_983 = arith.constant 0 : i32
          %dma_wait3A_984 = arith.constant 0 : i32
          %dma_wait3A_985 = tpu.memref_slice %arg14[%dma_wait3A_983, %dma_wait3A_984] : memref<204800x128xf32, #tpu.memory_space<hbm>> -> memref<80x128xf32, #tpu.memory_space<hbm>>
          %dma_wait3A_986 = arith.constant 0 : i32
          %dma_wait3A_987 = arith.constant 0 : i32
          %dma_wait3A_988 = tpu.memref_slice %arg14[%dma_wait3A_986, %dma_wait3A_987] : memref<204800x128xf32, #tpu.memory_space<hbm>> -> memref<80x128xf32, #tpu.memory_space<hbm>>
          %dma_wait3A_989 = arith.constant 0 : i32
          %dma_wait3A_990 = arith.constant 0 : i32
          %dma_wait3A_991 = tpu.memref_slice %arg23[%dma_wait3A_978, %dma_wait3A_989, %dma_wait3A_990] : memref<2x80x128xf32, #tpu.memory_space<vmem>> -> memref<1x80x128xf32, #tpu.memory_space<vmem>>
          %dma_wait3A_992 = tpu.memref_squeeze %dma_wait3A_991 : memref<1x80x128xf32, #tpu.memory_space<vmem>> -> memref<80x128xf32, #tpu.memory_space<vmem>>
          tpu.wait_dma2 semaphore(%arg31 : memref<!tpu.dma_semaphore, #tpu.memory_space<semaphore_mem>>) src(%dma_wait3A_992 : memref<80x128xf32, #tpu.memory_space<vmem>>) dst(%dma_wait3A_988 : memref<80x128xf32, #tpu.memory_space<hbm>>)
        } else {
        }
        %dma_start3A_954 = arith.constant 0 : i32
        %dma_start3A_955 = arith.constant 0 : i32
        %dma_start3A_956 = arith.constant 0 : i32
        %dma_start3A_957 = arith.constant 0 : i32
        %dma_start3A_958 = tpu.memref_slice %arg23[%dma_start3A_955, %dma_start3A_956, %dma_start3A_957] : memref<2x80x128xf32, #tpu.memory_space<vmem>> -> memref<1x80x128xf32, #tpu.memory_space<vmem>>
        %dma_start3A_959 = tpu.memref_squeeze %dma_start3A_958 : memref<1x80x128xf32, #tpu.memory_space<vmem>> -> memref<80x128xf32, #tpu.memory_space<vmem>>
        %dma_start3A_960 = arith.constant 0 : i32
        %dma_start3A_961 = tpu.memref_slice %arg15[%dma_start3A_954, %dma_start3A_960] : memref<2x80xi32, #tpu.memory_space<vmem>> -> memref<1x80xi32, #tpu.memory_space<vmem>>
        %dma_start3A_962 = tpu.memref_squeeze %dma_start3A_961 : memref<1x80xi32, #tpu.memory_space<vmem>> -> memref<80xi32, #tpu.memory_space<vmem>>
        %dma_start3A_963 = arith.constant 0 : i32
        %dma_start3A_964 = arith.constant 0 : i32
        %dma_start3A_965 = tpu.memref_slice %arg9[%dma_start3A_963, %dma_start3A_964] : memref<100000x128xf32, #tpu.memory_space<hbm>> -> memref<100000x128xf32, #tpu.memory_space<hbm>>
        tpu.enqueue_indirect_dma source(%dma_start3A_965 : memref<100000x128xf32, #tpu.memory_space<hbm>>) target(%dma_start3A_959 : memref<80x128xf32, #tpu.memory_space<vmem>>) offsets(%dma_start3A_962 : memref<80xi32, #tpu.memory_space<vmem>>) semaphore(%arg30 : memref<!tpu.dma_semaphore, #tpu.memory_space<semaphore_mem>>)
        %dma_start3A_966 = arith.constant 0 : i32
        %dma_start3A_967 = arith.constant 0 : i32
        %dma_start3A_968 = arith.constant 0 : i32
        %dma_start3A_969 = arith.constant 0 : i32
        %dma_start3A_970 = tpu.memref_slice %arg24[%dma_start3A_967, %dma_start3A_968, %dma_start3A_969] : memref<2x80x128xf32, #tpu.memory_space<vmem>> -> memref<1x80x128xf32, #tpu.memory_space<vmem>>
        %dma_start3A_971 = tpu.memref_squeeze %dma_start3A_970 : memref<1x80x128xf32, #tpu.memory_space<vmem>> -> memref<80x128xf32, #tpu.memory_space<vmem>>
        %dma_start3A_972 = arith.constant 0 : i32
        %dma_start3A_973 = tpu.memref_slice %arg22[%dma_start3A_966, %dma_start3A_972] : memref<2x80xi32, #tpu.memory_space<vmem>> -> memref<1x80xi32, #tpu.memory_space<vmem>>
        %dma_start3A_974 = tpu.memref_squeeze %dma_start3A_973 : memref<1x80xi32, #tpu.memory_space<vmem>> -> memref<80xi32, #tpu.memory_space<vmem>>
        %dma_start3A_975 = arith.constant 0 : i32
        %dma_start3A_976 = arith.constant 0 : i32
        %dma_start3A_977 = tpu.memref_slice %arg10[%dma_start3A_975, %dma_start3A_976] : memref<36000x128xf32, #tpu.memory_space<hbm>> -> memref<36000x128xf32, #tpu.memory_space<hbm>>
        tpu.enqueue_indirect_dma source(%dma_start3A_977 : memref<36000x128xf32, #tpu.memory_space<hbm>>) target(%dma_start3A_971 : memref<80x128xf32, #tpu.memory_space<vmem>>) offsets(%dma_start3A_974 : memref<80xi32, #tpu.memory_space<vmem>>) semaphore(%arg30 : memref<!tpu.dma_semaphore, #tpu.memory_space<semaphore_mem>>)
      } else {
      }
      %dma_wait3A_603 = arith.constant 1 : i32
      %dma_wait3A_604 = arith.constant 0 : i32
      %dma_wait3A_605 = arith.constant 0 : i32
      %dma_wait3A_606 = tpu.memref_slice %arg23[%dma_wait3A_603, %dma_wait3A_604, %dma_wait3A_605] : memref<2x80x128xf32, #tpu.memory_space<vmem>> -> memref<1x80x128xf32, #tpu.memory_space<vmem>>
      %dma_wait3A_607 = tpu.memref_squeeze %dma_wait3A_606 : memref<1x80x128xf32, #tpu.memory_space<vmem>> -> memref<80x128xf32, #tpu.memory_space<vmem>>
      %dma_wait3A_608 = arith.constant 0 : i32
      %dma_wait3A_609 = arith.constant 0 : i32
      %dma_wait3A_610 = tpu.memref_slice %arg9[%dma_wait3A_608, %dma_wait3A_609] : memref<100000x128xf32, #tpu.memory_space<hbm>> -> memref<80x128xf32, #tpu.memory_space<hbm>>
      %dma_wait3A_611 = arith.constant 0 : i32
      %dma_wait3A_612 = arith.constant 0 : i32
      %dma_wait3A_613 = tpu.memref_slice %arg23[%dma_wait3A_603, %dma_wait3A_611, %dma_wait3A_612] : memref<2x80x128xf32, #tpu.memory_space<vmem>> -> memref<1x80x128xf32, #tpu.memory_space<vmem>>
      %dma_wait3A_614 = tpu.memref_squeeze %dma_wait3A_613 : memref<1x80x128xf32, #tpu.memory_space<vmem>> -> memref<80x128xf32, #tpu.memory_space<vmem>>
      %dma_wait3A_615 = arith.constant 0 : i32
      %dma_wait3A_616 = arith.constant 0 : i32
      %dma_wait3A_617 = tpu.memref_slice %arg9[%dma_wait3A_615, %dma_wait3A_616] : memref<100000x128xf32, #tpu.memory_space<hbm>> -> memref<80x128xf32, #tpu.memory_space<hbm>>
      tpu.wait_dma2 semaphore(%arg30 : memref<!tpu.dma_semaphore, #tpu.memory_space<semaphore_mem>>) src(%dma_wait3A_617 : memref<80x128xf32, #tpu.memory_space<hbm>>) dst(%dma_wait3A_614 : memref<80x128xf32, #tpu.memory_space<vmem>>)
      %dma_wait3A_618 = arith.constant 1 : i32
      %dma_wait3A_619 = arith.constant 0 : i32
      %dma_wait3A_620 = arith.constant 0 : i32
      %dma_wait3A_621 = tpu.memref_slice %arg24[%dma_wait3A_618, %dma_wait3A_619, %dma_wait3A_620] : memref<2x80x128xf32, #tpu.memory_space<vmem>> -> memref<1x80x128xf32, #tpu.memory_space<vmem>>
      %dma_wait3A_622 = tpu.memref_squeeze %dma_wait3A_621 : memref<1x80x128xf32, #tpu.memory_space<vmem>> -> memref<80x128xf32, #tpu.memory_space<vmem>>
      %dma_wait3A_623 = arith.constant 0 : i32
      %dma_wait3A_624 = arith.constant 0 : i32
      %dma_wait3A_625 = tpu.memref_slice %arg10[%dma_wait3A_623, %dma_wait3A_624] : memref<36000x128xf32, #tpu.memory_space<hbm>> -> memref<80x128xf32, #tpu.memory_space<hbm>>
      %dma_wait3A_626 = arith.constant 0 : i32
      %dma_wait3A_627 = arith.constant 0 : i32
      %dma_wait3A_628 = tpu.memref_slice %arg24[%dma_wait3A_618, %dma_wait3A_626, %dma_wait3A_627] : memref<2x80x128xf32, #tpu.memory_space<vmem>> -> memref<1x80x128xf32, #tpu.memory_space<vmem>>
      %dma_wait3A_629 = tpu.memref_squeeze %dma_wait3A_628 : memref<1x80x128xf32, #tpu.memory_space<vmem>> -> memref<80x128xf32, #tpu.memory_space<vmem>>
      %dma_wait3A_630 = arith.constant 0 : i32
      %dma_wait3A_631 = arith.constant 0 : i32
      %dma_wait3A_632 = tpu.memref_slice %arg10[%dma_wait3A_630, %dma_wait3A_631] : memref<36000x128xf32, #tpu.memory_space<hbm>> -> memref<80x128xf32, #tpu.memory_space<hbm>>
      tpu.wait_dma2 semaphore(%arg30 : memref<!tpu.dma_semaphore, #tpu.memory_space<semaphore_mem>>) src(%dma_wait3A_632 : memref<80x128xf32, #tpu.memory_space<hbm>>) dst(%dma_wait3A_629 : memref<80x128xf32, #tpu.memory_space<vmem>>)
      %iota3A_633 = tpu.iota {dimensions = array<i32: 0>} : vector<16xi32>
      %mul3A_634 = arith.constant 80 : i32
      %mul3A_635 = vector.broadcast %mul3A_634 : i32 to vector<16xi32>
      %mul3A_636 = arith.muli %iota3A_633, %mul3A_635 : vector<16xi32>
      %iota3A_637 = tpu.iota {dimensions = array<i32: 0>} : vector<16xi32>
      %parallel_loop3A_638 = arith.constant 0 : i32
      %parallel_loop3A_639 = arith.constant 80 : i32
      %parallel_loop3A_640 = arith.constant 1 : i32
      scf.for %parallel_loop3A_673 = %parallel_loop3A_638 to %parallel_loop3A_639 step %parallel_loop3A_640  : i32 {
        %parallel_loop3A_674 = arith.constant -16 : i32
        %parallel_loop3A_675 = arith.andi %parallel_loop3A_673, %parallel_loop3A_674 : i32
        %parallel_loop3A_676 = arith.constant 15 : i32
        %parallel_loop3A_677 = arith.andi %parallel_loop3A_673, %parallel_loop3A_676 : i32
        %parallel_loop3A_678 = arith.constant 1 : i32
        %parallel_loop3A_679 = arith.index_cast %parallel_loop3A_678 : i32 to index
        %parallel_loop3A_680 = arith.index_cast %parallel_loop3A_675 : i32 to index
        %parallel_loop3A_681 = tpu.vector_load %arg21[%parallel_loop3A_679, %parallel_loop3A_680] {strides = array<i32>} : memref<2x80xi32, #tpu.memory_space<vmem>>, vector<16xi32>,
        %parallel_loop3A_682 = vector.broadcast %parallel_loop3A_677 : i32 to vector<16xi32>
        %parallel_loop3A_683 = arith.constant 0 : i32
        %parallel_loop3A_684 = vector.broadcast %parallel_loop3A_683 : i32 to vector<16xi32>
        %parallel_loop3A_685 = arith.cmpi slt, %parallel_loop3A_682, %parallel_loop3A_684 : vector<16xi32>
        %parallel_loop3A_686 = arith.constant 16 : i32
        %parallel_loop3A_687 = vector.broadcast %parallel_loop3A_686 : i32 to vector<16xi32>
        %parallel_loop3A_688 = arith.addi %parallel_loop3A_682, %parallel_loop3A_687 : vector<16xi32>
        %parallel_loop3A_689 = arith.select %parallel_loop3A_685, %parallel_loop3A_688, %parallel_loop3A_682 : vector<16xi1>, vector<16xi32>
        %parallel_loop3A_690 = vector.shape_cast %parallel_loop3A_689 : vector<16xi32> to vector<16x1xi32>
        %parallel_loop3A_691 = vector.shape_cast %parallel_loop3A_690 : vector<16x1xi32> to vector<16xi32>
        %parallel_loop3A_692 = tpu.dynamic_gather %parallel_loop3A_681[%parallel_loop3A_691] in [0] : vector<16xi32>, vector<16xi32> -> vector<16xi32>
        %parallel_loop3A_693 = arith.constant 128 : i32
        %parallel_loop3A_694 = vector.broadcast %parallel_loop3A_693 : i32 to vector<16xi32>
        %parallel_loop3A_695 = arith.muli %parallel_loop3A_692, %parallel_loop3A_694 : vector<16xi32>
        %parallel_loop3A_696 = arith.addi %parallel_loop3A_695, %iota3A_637 : vector<16xi32>
        %parallel_loop3A_697 = arith.constant 0 : i32
        %parallel_loop3A_698 = vector.broadcast %parallel_loop3A_697 : i32 to vector<16xi32>
        %parallel_loop3A_699 = arith.addi %parallel_loop3A_696, %parallel_loop3A_698 : vector<16xi32>
        %parallel_loop3A_700 = tpu.vector_load_idx %arg25[%parallel_loop3A_699] : memref<65536xf32, #tpu.memory_space<vmem>>[vector<16xi32>], vector<16xf32>,
        %parallel_loop3A_701 = arith.constant 1 : i32
        %parallel_loop3A_702 = arith.index_cast %parallel_loop3A_701 : i32 to index
        %parallel_loop3A_703 = arith.index_cast %parallel_loop3A_673 : i32 to index
        %parallel_loop3A_704 = arith.constant 0 : index
        %parallel_loop3A_705 = tpu.vector_load %arg23[%parallel_loop3A_702, %parallel_loop3A_703, %parallel_loop3A_704] {strides = array<i32>} : memref<2x80x128xf32, #tpu.memory_space<vmem>>, vector<16xf32>,
        %parallel_loop3A_706 = arith.constant 1 : i32
        %parallel_loop3A_707 = arith.index_cast %parallel_loop3A_706 : i32 to index
        %parallel_loop3A_708 = arith.index_cast %parallel_loop3A_673 : i32 to index
        %parallel_loop3A_709 = arith.constant 0 : index
        %parallel_loop3A_710 = tpu.vector_load %arg24[%parallel_loop3A_707, %parallel_loop3A_708, %parallel_loop3A_709] {strides = array<i32>} : memref<2x80x128xf32, #tpu.memory_space<vmem>>, vector<16xf32>,
        %parallel_loop3A_711 = arith.addf %parallel_loop3A_705, %parallel_loop3A_710 : vector<16xf32>
        %parallel_loop3A_712 = arith.addf %parallel_loop3A_711, %parallel_loop3A_700 : vector<16xf32>
        %parallel_loop3A_713 = arith.constant 1 : i32
        %parallel_loop3A_714 = arith.index_cast %parallel_loop3A_713 : i32 to index
        %parallel_loop3A_715 = arith.index_cast %parallel_loop3A_673 : i32 to index
        %parallel_loop3A_716 = arith.constant 0 : index
        %parallel_loop3A_717 = tpu.vector_load %arg23[%parallel_loop3A_714, %parallel_loop3A_715, %parallel_loop3A_716] {strides = array<i32>} : memref<2x80x128xf32, #tpu.memory_space<vmem>>, vector<16xf32>,
        tpu.vector_store %arg23[%parallel_loop3A_714, %parallel_loop3A_715, %parallel_loop3A_716], %parallel_loop3A_712 {strides = array<i32>} : memref<2x80x128xf32, #tpu.memory_space<vmem>>, vector<16xf32>,
        %parallel_loop3A_718 = arith.mulf %parallel_loop3A_712, %parallel_loop3A_712 : vector<16xf32>
        %parallel_loop3A_719 = arith.constant 16 : i32
        %parallel_loop3A_720 = vector.broadcast %parallel_loop3A_719 : i32 to vector<16xi32>
        %parallel_loop3A_721 = arith.addi %parallel_loop3A_696, %parallel_loop3A_720 : vector<16xi32>
        %parallel_loop3A_722 = tpu.vector_load_idx %arg25[%parallel_loop3A_721] : memref<65536xf32, #tpu.memory_space<vmem>>[vector<16xi32>], vector<16xf32>,
        %parallel_loop3A_723 = arith.constant 1 : i32
        %parallel_loop3A_724 = arith.index_cast %parallel_loop3A_723 : i32 to index
        %parallel_loop3A_725 = arith.index_cast %parallel_loop3A_673 : i32 to index
        %parallel_loop3A_726 = arith.constant 16 : index
        %parallel_loop3A_727 = tpu.vector_load %arg23[%parallel_loop3A_724, %parallel_loop3A_725, %parallel_loop3A_726] {strides = array<i32>} : memref<2x80x128xf32, #tpu.memory_space<vmem>>, vector<16xf32>,
        %parallel_loop3A_728 = arith.constant 1 : i32
        %parallel_loop3A_729 = arith.index_cast %parallel_loop3A_728 : i32 to index
        %parallel_loop3A_730 = arith.index_cast %parallel_loop3A_673 : i32 to index
        %parallel_loop3A_731 = arith.constant 16 : index
        %parallel_loop3A_732 = tpu.vector_load %arg24[%parallel_loop3A_729, %parallel_loop3A_730, %parallel_loop3A_731] {strides = array<i32>} : memref<2x80x128xf32, #tpu.memory_space<vmem>>, vector<16xf32>,
        %parallel_loop3A_733 = arith.addf %parallel_loop3A_727, %parallel_loop3A_732 : vector<16xf32>
        %parallel_loop3A_734 = arith.addf %parallel_loop3A_733, %parallel_loop3A_722 : vector<16xf32>
        %parallel_loop3A_735 = arith.constant 1 : i32
        %parallel_loop3A_736 = arith.index_cast %parallel_loop3A_735 : i32 to index
        %parallel_loop3A_737 = arith.index_cast %parallel_loop3A_673 : i32 to index
        %parallel_loop3A_738 = arith.constant 16 : index
        %parallel_loop3A_739 = tpu.vector_load %arg23[%parallel_loop3A_736, %parallel_loop3A_737, %parallel_loop3A_738] {strides = array<i32>} : memref<2x80x128xf32, #tpu.memory_space<vmem>>, vector<16xf32>,
        tpu.vector_store %arg23[%parallel_loop3A_736, %parallel_loop3A_737, %parallel_loop3A_738], %parallel_loop3A_734 {strides = array<i32>} : memref<2x80x128xf32, #tpu.memory_space<vmem>>, vector<16xf32>,
        %parallel_loop3A_740 = arith.addf %parallel_loop3A_712, %parallel_loop3A_734 : vector<16xf32>
        %parallel_loop3A_741 = arith.mulf %parallel_loop3A_734, %parallel_loop3A_734 : vector<16xf32>
        %parallel_loop3A_742 = arith.addf %parallel_loop3A_718, %parallel_loop3A_741 : vector<16xf32>
        %parallel_loop3A_743 = arith.constant 32 : i32
        %parallel_loop3A_744 = vector.broadcast %parallel_loop3A_743 : i32 to vector<16xi32>
        %parallel_loop3A_745 = arith.addi %parallel_loop3A_696, %parallel_loop3A_744 : vector<16xi32>
        %parallel_loop3A_746 = tpu.vector_load_idx %arg25[%parallel_loop3A_745] : memref<65536xf32, #tpu.memory_space<vmem>>[vector<16xi32>], vector<16xf32>,
        %parallel_loop3A_747 = arith.constant 1 : i32
        %parallel_loop3A_748 = arith.index_cast %parallel_loop3A_747 : i32 to index
        %parallel_loop3A_749 = arith.index_cast %parallel_loop3A_673 : i32 to index
        %parallel_loop3A_750 = arith.constant 32 : index
        %parallel_loop3A_751 = tpu.vector_load %arg23[%parallel_loop3A_748, %parallel_loop3A_749, %parallel_loop3A_750] {strides = array<i32>} : memref<2x80x128xf32, #tpu.memory_space<vmem>>, vector<16xf32>,
        %parallel_loop3A_752 = arith.constant 1 : i32
        %parallel_loop3A_753 = arith.index_cast %parallel_loop3A_752 : i32 to index
        %parallel_loop3A_754 = arith.index_cast %parallel_loop3A_673 : i32 to index
        %parallel_loop3A_755 = arith.constant 32 : index
        %parallel_loop3A_756 = tpu.vector_load %arg24[%parallel_loop3A_753, %parallel_loop3A_754, %parallel_loop3A_755] {strides = array<i32>} : memref<2x80x128xf32, #tpu.memory_space<vmem>>, vector<16xf32>,
        %parallel_loop3A_757 = arith.addf %parallel_loop3A_751, %parallel_loop3A_756 : vector<16xf32>
        %parallel_loop3A_758 = arith.addf %parallel_loop3A_757, %parallel_loop3A_746 : vector<16xf32>
        %parallel_loop3A_759 = arith.constant 1 : i32
        %parallel_loop3A_760 = arith.index_cast %parallel_loop3A_759 : i32 to index
        %parallel_loop3A_761 = arith.index_cast %parallel_loop3A_673 : i32 to index
        %parallel_loop3A_762 = arith.constant 32 : index
        %parallel_loop3A_763 = tpu.vector_load %arg23[%parallel_loop3A_760, %parallel_loop3A_761, %parallel_loop3A_762] {strides = array<i32>} : memref<2x80x128xf32, #tpu.memory_space<vmem>>, vector<16xf32>,
        tpu.vector_store %arg23[%parallel_loop3A_760, %parallel_loop3A_761, %parallel_loop3A_762], %parallel_loop3A_758 {strides = array<i32>} : memref<2x80x128xf32, #tpu.memory_space<vmem>>, vector<16xf32>,
        %parallel_loop3A_764 = arith.addf %parallel_loop3A_740, %parallel_loop3A_758 : vector<16xf32>
        %parallel_loop3A_765 = arith.mulf %parallel_loop3A_758, %parallel_loop3A_758 : vector<16xf32>
        %parallel_loop3A_766 = arith.addf %parallel_loop3A_742, %parallel_loop3A_765 : vector<16xf32>
        %parallel_loop3A_767 = arith.constant 48 : i32
        %parallel_loop3A_768 = vector.broadcast %parallel_loop3A_767 : i32 to vector<16xi32>
        %parallel_loop3A_769 = arith.addi %parallel_loop3A_696, %parallel_loop3A_768 : vector<16xi32>
        %parallel_loop3A_770 = tpu.vector_load_idx %arg25[%parallel_loop3A_769] : memref<65536xf32, #tpu.memory_space<vmem>>[vector<16xi32>], vector<16xf32>,
        %parallel_loop3A_771 = arith.constant 1 : i32
        %parallel_loop3A_772 = arith.index_cast %parallel_loop3A_771 : i32 to index
        %parallel_loop3A_773 = arith.index_cast %parallel_loop3A_673 : i32 to index
        %parallel_loop3A_774 = arith.constant 48 : index
        %parallel_loop3A_775 = tpu.vector_load %arg23[%parallel_loop3A_772, %parallel_loop3A_773, %parallel_loop3A_774] {strides = array<i32>} : memref<2x80x128xf32, #tpu.memory_space<vmem>>, vector<16xf32>,
        %parallel_loop3A_776 = arith.constant 1 : i32
        %parallel_loop3A_777 = arith.index_cast %parallel_loop3A_776 : i32 to index
        %parallel_loop3A_778 = arith.index_cast %parallel_loop3A_673 : i32 to index
        %parallel_loop3A_779 = arith.constant 48 : index
        %parallel_loop3A_780 = tpu.vector_load %arg24[%parallel_loop3A_777, %parallel_loop3A_778, %parallel_loop3A_779] {strides = array<i32>} : memref<2x80x128xf32, #tpu.memory_space<vmem>>, vector<16xf32>,
        %parallel_loop3A_781 = arith.addf %parallel_loop3A_775, %parallel_loop3A_780 : vector<16xf32>
        %parallel_loop3A_782 = arith.addf %parallel_loop3A_781, %parallel_loop3A_770 : vector<16xf32>
        %parallel_loop3A_783 = arith.constant 1 : i32
        %parallel_loop3A_784 = arith.index_cast %parallel_loop3A_783 : i32 to index
        %parallel_loop3A_785 = arith.index_cast %parallel_loop3A_673 : i32 to index
        %parallel_loop3A_786 = arith.constant 48 : index
        %parallel_loop3A_787 = tpu.vector_load %arg23[%parallel_loop3A_784, %parallel_loop3A_785, %parallel_loop3A_786] {strides = array<i32>} : memref<2x80x128xf32, #tpu.memory_space<vmem>>, vector<16xf32>,
        tpu.vector_store %arg23[%parallel_loop3A_784, %parallel_loop3A_785, %parallel_loop3A_786], %parallel_loop3A_782 {strides = array<i32>} : memref<2x80x128xf32, #tpu.memory_space<vmem>>, vector<16xf32>,
        %parallel_loop3A_788 = arith.addf %parallel_loop3A_764, %parallel_loop3A_782 : vector<16xf32>
        %parallel_loop3A_789 = arith.mulf %parallel_loop3A_782, %parallel_loop3A_782 : vector<16xf32>
        %parallel_loop3A_790 = arith.addf %parallel_loop3A_766, %parallel_loop3A_789 : vector<16xf32>
        %parallel_loop3A_791 = arith.constant 64 : i32
        %parallel_loop3A_792 = vector.broadcast %parallel_loop3A_791 : i32 to vector<16xi32>
        %parallel_loop3A_793 = arith.addi %parallel_loop3A_696, %parallel_loop3A_792 : vector<16xi32>
        %parallel_loop3A_794 = tpu.vector_load_idx %arg25[%parallel_loop3A_793] : memref<65536xf32, #tpu.memory_space<vmem>>[vector<16xi32>], vector<16xf32>,
        %parallel_loop3A_795 = arith.constant 1 : i32
        %parallel_loop3A_796 = arith.index_cast %parallel_loop3A_795 : i32 to index
        %parallel_loop3A_797 = arith.index_cast %parallel_loop3A_673 : i32 to index
        %parallel_loop3A_798 = arith.constant 64 : index
        %parallel_loop3A_799 = tpu.vector_load %arg23[%parallel_loop3A_796, %parallel_loop3A_797, %parallel_loop3A_798] {strides = array<i32>} : memref<2x80x128xf32, #tpu.memory_space<vmem>>, vector<16xf32>,
        %parallel_loop3A_800 = arith.constant 1 : i32
        %parallel_loop3A_801 = arith.index_cast %parallel_loop3A_800 : i32 to index
        %parallel_loop3A_802 = arith.index_cast %parallel_loop3A_673 : i32 to index
        %parallel_loop3A_803 = arith.constant 64 : index
        %parallel_loop3A_804 = tpu.vector_load %arg24[%parallel_loop3A_801, %parallel_loop3A_802, %parallel_loop3A_803] {strides = array<i32>} : memref<2x80x128xf32, #tpu.memory_space<vmem>>, vector<16xf32>,
        %parallel_loop3A_805 = arith.addf %parallel_loop3A_799, %parallel_loop3A_804 : vector<16xf32>
        %parallel_loop3A_806 = arith.addf %parallel_loop3A_805, %parallel_loop3A_794 : vector<16xf32>
        %parallel_loop3A_807 = arith.constant 1 : i32
        %parallel_loop3A_808 = arith.index_cast %parallel_loop3A_807 : i32 to index
        %parallel_loop3A_809 = arith.index_cast %parallel_loop3A_673 : i32 to index
        %parallel_loop3A_810 = arith.constant 64 : index
        %parallel_loop3A_811 = tpu.vector_load %arg23[%parallel_loop3A_808, %parallel_loop3A_809, %parallel_loop3A_810] {strides = array<i32>} : memref<2x80x128xf32, #tpu.memory_space<vmem>>, vector<16xf32>,
        tpu.vector_store %arg23[%parallel_loop3A_808, %parallel_loop3A_809, %parallel_loop3A_810], %parallel_loop3A_806 {strides = array<i32>} : memref<2x80x128xf32, #tpu.memory_space<vmem>>, vector<16xf32>,
        %parallel_loop3A_812 = arith.addf %parallel_loop3A_788, %parallel_loop3A_806 : vector<16xf32>
        %parallel_loop3A_813 = arith.mulf %parallel_loop3A_806, %parallel_loop3A_806 : vector<16xf32>
        %parallel_loop3A_814 = arith.addf %parallel_loop3A_790, %parallel_loop3A_813 : vector<16xf32>
        %parallel_loop3A_815 = arith.constant 80 : i32
        %parallel_loop3A_816 = vector.broadcast %parallel_loop3A_815 : i32 to vector<16xi32>
        %parallel_loop3A_817 = arith.addi %parallel_loop3A_696, %parallel_loop3A_816 : vector<16xi32>
        %parallel_loop3A_818 = tpu.vector_load_idx %arg25[%parallel_loop3A_817] : memref<65536xf32, #tpu.memory_space<vmem>>[vector<16xi32>], vector<16xf32>,
        %parallel_loop3A_819 = arith.constant 1 : i32
        %parallel_loop3A_820 = arith.index_cast %parallel_loop3A_819 : i32 to index
        %parallel_loop3A_821 = arith.index_cast %parallel_loop3A_673 : i32 to index
        %parallel_loop3A_822 = arith.constant 80 : index
        %parallel_loop3A_823 = tpu.vector_load %arg23[%parallel_loop3A_820, %parallel_loop3A_821, %parallel_loop3A_822] {strides = array<i32>} : memref<2x80x128xf32, #tpu.memory_space<vmem>>, vector<16xf32>,
        %parallel_loop3A_824 = arith.constant 1 : i32
        %parallel_loop3A_825 = arith.index_cast %parallel_loop3A_824 : i32 to index
        %parallel_loop3A_826 = arith.index_cast %parallel_loop3A_673 : i32 to index
        %parallel_loop3A_827 = arith.constant 80 : index
        %parallel_loop3A_828 = tpu.vector_load %arg24[%parallel_loop3A_825, %parallel_loop3A_826, %parallel_loop3A_827] {strides = array<i32>} : memref<2x80x128xf32, #tpu.memory_space<vmem>>, vector<16xf32>,
        %parallel_loop3A_829 = arith.addf %parallel_loop3A_823, %parallel_loop3A_828 : vector<16xf32>
        %parallel_loop3A_830 = arith.addf %parallel_loop3A_829, %parallel_loop3A_818 : vector<16xf32>
        %parallel_loop3A_831 = arith.constant 1 : i32
        %parallel_loop3A_832 = arith.index_cast %parallel_loop3A_831 : i32 to index
        %parallel_loop3A_833 = arith.index_cast %parallel_loop3A_673 : i32 to index
        %parallel_loop3A_834 = arith.constant 80 : index
        %parallel_loop3A_835 = tpu.vector_load %arg23[%parallel_loop3A_832, %parallel_loop3A_833, %parallel_loop3A_834] {strides = array<i32>} : memref<2x80x128xf32, #tpu.memory_space<vmem>>, vector<16xf32>,
        tpu.vector_store %arg23[%parallel_loop3A_832, %parallel_loop3A_833, %parallel_loop3A_834], %parallel_loop3A_830 {strides = array<i32>} : memref<2x80x128xf32, #tpu.memory_space<vmem>>, vector<16xf32>,
        %parallel_loop3A_836 = arith.addf %parallel_loop3A_812, %parallel_loop3A_830 : vector<16xf32>
        %parallel_loop3A_837 = arith.mulf %parallel_loop3A_830, %parallel_loop3A_830 : vector<16xf32>
        %parallel_loop3A_838 = arith.addf %parallel_loop3A_814, %parallel_loop3A_837 : vector<16xf32>
        %parallel_loop3A_839 = arith.constant 96 : i32
        %parallel_loop3A_840 = vector.broadcast %parallel_loop3A_839 : i32 to vector<16xi32>
        %parallel_loop3A_841 = arith.addi %parallel_loop3A_696, %parallel_loop3A_840 : vector<16xi32>
        %parallel_loop3A_842 = tpu.vector_load_idx %arg25[%parallel_loop3A_841] : memref<65536xf32, #tpu.memory_space<vmem>>[vector<16xi32>], vector<16xf32>,
        %parallel_loop3A_843 = arith.constant 1 : i32
        %parallel_loop3A_844 = arith.index_cast %parallel_loop3A_843 : i32 to index
        %parallel_loop3A_845 = arith.index_cast %parallel_loop3A_673 : i32 to index
        %parallel_loop3A_846 = arith.constant 96 : index
        %parallel_loop3A_847 = tpu.vector_load %arg23[%parallel_loop3A_844, %parallel_loop3A_845, %parallel_loop3A_846] {strides = array<i32>} : memref<2x80x128xf32, #tpu.memory_space<vmem>>, vector<16xf32>,
        %parallel_loop3A_848 = arith.constant 1 : i32
        %parallel_loop3A_849 = arith.index_cast %parallel_loop3A_848 : i32 to index
        %parallel_loop3A_850 = arith.index_cast %parallel_loop3A_673 : i32 to index
        %parallel_loop3A_851 = arith.constant 96 : index
        %parallel_loop3A_852 = tpu.vector_load %arg24[%parallel_loop3A_849, %parallel_loop3A_850, %parallel_loop3A_851] {strides = array<i32>} : memref<2x80x128xf32, #tpu.memory_space<vmem>>, vector<16xf32>,
        %parallel_loop3A_853 = arith.addf %parallel_loop3A_847, %parallel_loop3A_852 : vector<16xf32>
        %parallel_loop3A_854 = arith.addf %parallel_loop3A_853, %parallel_loop3A_842 : vector<16xf32>
        %parallel_loop3A_855 = arith.constant 1 : i32
        %parallel_loop3A_856 = arith.index_cast %parallel_loop3A_855 : i32 to index
        %parallel_loop3A_857 = arith.index_cast %parallel_loop3A_673 : i32 to index
        %parallel_loop3A_858 = arith.constant 96 : index
        %parallel_loop3A_859 = tpu.vector_load %arg23[%parallel_loop3A_856, %parallel_loop3A_857, %parallel_loop3A_858] {strides = array<i32>} : memref<2x80x128xf32, #tpu.memory_space<vmem>>, vector<16xf32>,
        tpu.vector_store %arg23[%parallel_loop3A_856, %parallel_loop3A_857, %parallel_loop3A_858], %parallel_loop3A_854 {strides = array<i32>} : memref<2x80x128xf32, #tpu.memory_space<vmem>>, vector<16xf32>,
        %parallel_loop3A_860 = arith.addf %parallel_loop3A_836, %parallel_loop3A_854 : vector<16xf32>
        %parallel_loop3A_861 = arith.mulf %parallel_loop3A_854, %parallel_loop3A_854 : vector<16xf32>
        %parallel_loop3A_862 = arith.addf %parallel_loop3A_838, %parallel_loop3A_861 : vector<16xf32>
        %parallel_loop3A_863 = arith.constant 112 : i32
        %parallel_loop3A_864 = vector.broadcast %parallel_loop3A_863 : i32 to vector<16xi32>
        %parallel_loop3A_865 = arith.addi %parallel_loop3A_696, %parallel_loop3A_864 : vector<16xi32>
        %parallel_loop3A_866 = tpu.vector_load_idx %arg25[%parallel_loop3A_865] : memref<65536xf32, #tpu.memory_space<vmem>>[vector<16xi32>], vector<16xf32>,
        %parallel_loop3A_867 = arith.constant 1 : i32
        %parallel_loop3A_868 = arith.index_cast %parallel_loop3A_867 : i32 to index
        %parallel_loop3A_869 = arith.index_cast %parallel_loop3A_673 : i32 to index
        %parallel_loop3A_870 = arith.constant 112 : index
        %parallel_loop3A_871 = tpu.vector_load %arg23[%parallel_loop3A_868, %parallel_loop3A_869, %parallel_loop3A_870] {strides = array<i32>} : memref<2x80x128xf32, #tpu.memory_space<vmem>>, vector<16xf32>,
        %parallel_loop3A_872 = arith.constant 1 : i32
        %parallel_loop3A_873 = arith.index_cast %parallel_loop3A_872 : i32 to index
        %parallel_loop3A_874 = arith.index_cast %parallel_loop3A_673 : i32 to index
        %parallel_loop3A_875 = arith.constant 112 : index
        %parallel_loop3A_876 = tpu.vector_load %arg24[%parallel_loop3A_873, %parallel_loop3A_874, %parallel_loop3A_875] {strides = array<i32>} : memref<2x80x128xf32, #tpu.memory_space<vmem>>, vector<16xf32>,
        %parallel_loop3A_877 = arith.addf %parallel_loop3A_871, %parallel_loop3A_876 : vector<16xf32>
        %parallel_loop3A_878 = arith.addf %parallel_loop3A_877, %parallel_loop3A_866 : vector<16xf32>
        %parallel_loop3A_879 = arith.constant 1 : i32
        %parallel_loop3A_880 = arith.index_cast %parallel_loop3A_879 : i32 to index
        %parallel_loop3A_881 = arith.index_cast %parallel_loop3A_673 : i32 to index
        %parallel_loop3A_882 = arith.constant 112 : index
        %parallel_loop3A_883 = tpu.vector_load %arg23[%parallel_loop3A_880, %parallel_loop3A_881, %parallel_loop3A_882] {strides = array<i32>} : memref<2x80x128xf32, #tpu.memory_space<vmem>>, vector<16xf32>,
        tpu.vector_store %arg23[%parallel_loop3A_880, %parallel_loop3A_881, %parallel_loop3A_882], %parallel_loop3A_878 {strides = array<i32>} : memref<2x80x128xf32, #tpu.memory_space<vmem>>, vector<16xf32>,
        %parallel_loop3A_884 = arith.addf %parallel_loop3A_860, %parallel_loop3A_878 : vector<16xf32>
        %parallel_loop3A_885 = arith.mulf %parallel_loop3A_878, %parallel_loop3A_878 : vector<16xf32>
        %parallel_loop3A_886 = arith.addf %parallel_loop3A_862, %parallel_loop3A_885 : vector<16xf32>
        %parallel_loop3A_887 = vector.broadcast %parallel_loop3A_673 : i32 to vector<16xi32>
        %parallel_loop3A_888 = arith.addi %mul3A_636, %parallel_loop3A_887 : vector<16xi32>
        tpu.vector_store_idx %arg27[%parallel_loop3A_888], %parallel_loop3A_884 : memref<2560xf32, #tpu.memory_space<vmem>>[vector<16xi32>], vector<16xf32>,
        %parallel_loop3A_889 = arith.constant 1280 : i32
        %parallel_loop3A_890 = vector.broadcast %parallel_loop3A_889 : i32 to vector<16xi32>
        %parallel_loop3A_891 = arith.addi %parallel_loop3A_888, %parallel_loop3A_890 : vector<16xi32>
        tpu.vector_store_idx %arg27[%parallel_loop3A_891], %parallel_loop3A_886 : memref<2560xf32, #tpu.memory_space<vmem>>[vector<16xi32>], vector<16xf32>,
      } {sc.loop_unroll_factor = 2 : i64, sc.parallel_access}
      %scan3A_641 = arith.constant 0 : i32
      %scan3A_642 = arith.constant 0 : i32
      %scan3A_643 = arith.constant 5 : i32
      %scan3A_644 = arith.addi %scan3A_642, %scan3A_643 : i32
      %scan3A_645 = arith.constant 1 : i32
      scf.for %scan3A_673 = %scan3A_642 to %scan3A_644 step %scan3A_645  : i32 {
        %mul3A_674 = arith.constant 16 : i32
        %mul3A_675 = arith.muli %scan3A_673, %mul3A_674 : i32
        %add3A_676 = arith.constant 0 : i32
        %add3A_677 = arith.addi %add3A_676, %mul3A_675 : i32
        %get3A_678 = arith.index_cast %add3A_677 : i32 to index
        %get3A_679 = tpu.vector_load %arg27[%get3A_678] {strides = array<i32>} : memref<2560xf32, #tpu.memory_space<vmem>>, vector<16xf32>,
        %mul3A_680 = arith.constant 16 : i32
        %mul3A_681 = arith.muli %scan3A_673, %mul3A_680 : i32
        %add3A_682 = arith.constant 80 : i32
        %add3A_683 = arith.addi %add3A_682, %mul3A_681 : i32
        %get3A_684 = arith.index_cast %add3A_683 : i32 to index
        %get3A_685 = tpu.vector_load %arg27[%get3A_684] {strides = array<i32>} : memref<2560xf32, #tpu.memory_space<vmem>>, vector<16xf32>,
        %add3A_686 = arith.addf %get3A_679, %get3A_685 : vector<16xf32>
        %mul3A_687 = arith.constant 16 : i32
        %mul3A_688 = arith.muli %scan3A_673, %mul3A_687 : i32
        %add3A_689 = arith.constant 160 : i32
        %add3A_690 = arith.addi %add3A_689, %mul3A_688 : i32
        %get3A_691 = arith.index_cast %add3A_690 : i32 to index
        %get3A_692 = tpu.vector_load %arg27[%get3A_691] {strides = array<i32>} : memref<2560xf32, #tpu.memory_space<vmem>>, vector<16xf32>,
        %add3A_693 = arith.addf %add3A_686, %get3A_692 : vector<16xf32>
        %mul3A_694 = arith.constant 16 : i32
        %mul3A_695 = arith.muli %scan3A_673, %mul3A_694 : i32
        %add3A_696 = arith.constant 240 : i32
        %add3A_697 = arith.addi %add3A_696, %mul3A_695 : i32
        %get3A_698 = arith.index_cast %add3A_697 : i32 to index
        %get3A_699 = tpu.vector_load %arg27[%get3A_698] {strides = array<i32>} : memref<2560xf32, #tpu.memory_space<vmem>>, vector<16xf32>,
        %add3A_700 = arith.addf %add3A_693, %get3A_699 : vector<16xf32>
        %mul3A_701 = arith.constant 16 : i32
        %mul3A_702 = arith.muli %scan3A_673, %mul3A_701 : i32
        %add3A_703 = arith.constant 320 : i32
        %add3A_704 = arith.addi %add3A_703, %mul3A_702 : i32
        %get3A_705 = arith.index_cast %add3A_704 : i32 to index
        %get3A_706 = tpu.vector_load %arg27[%get3A_705] {strides = array<i32>} : memref<2560xf32, #tpu.memory_space<vmem>>, vector<16xf32>,
        %add3A_707 = arith.addf %add3A_700, %get3A_706 : vector<16xf32>
        %mul3A_708 = arith.constant 16 : i32
        %mul3A_709 = arith.muli %scan3A_673, %mul3A_708 : i32
        %add3A_710 = arith.constant 400 : i32
        %add3A_711 = arith.addi %add3A_710, %mul3A_709 : i32
        %get3A_712 = arith.index_cast %add3A_711 : i32 to index
        %get3A_713 = tpu.vector_load %arg27[%get3A_712] {strides = array<i32>} : memref<2560xf32, #tpu.memory_space<vmem>>, vector<16xf32>,
        %add3A_714 = arith.addf %add3A_707, %get3A_713 : vector<16xf32>
        %mul3A_715 = arith.constant 16 : i32
        %mul3A_716 = arith.muli %scan3A_673, %mul3A_715 : i32
        %add3A_717 = arith.constant 480 : i32
        %add3A_718 = arith.addi %add3A_717, %mul3A_716 : i32
        %get3A_719 = arith.index_cast %add3A_718 : i32 to index
        %get3A_720 = tpu.vector_load %arg27[%get3A_719] {strides = array<i32>} : memref<2560xf32, #tpu.memory_space<vmem>>, vector<16xf32>,
        %add3A_721 = arith.addf %add3A_714, %get3A_720 : vector<16xf32>
        %mul3A_722 = arith.constant 16 : i32
        %mul3A_723 = arith.muli %scan3A_673, %mul3A_722 : i32
        %add3A_724 = arith.constant 560 : i32
        %add3A_725 = arith.addi %add3A_724, %mul3A_723 : i32
        %get3A_726 = arith.index_cast %add3A_725 : i32 to index
        %get3A_727 = tpu.vector_load %arg27[%get3A_726] {strides = array<i32>} : memref<2560xf32, #tpu.memory_space<vmem>>, vector<16xf32>,
        %add3A_728 = arith.addf %add3A_721, %get3A_727 : vector<16xf32>
        %mul3A_729 = arith.constant 16 : i32
        %mul3A_730 = arith.muli %scan3A_673, %mul3A_729 : i32
        %add3A_731 = arith.constant 640 : i32
        %add3A_732 = arith.addi %add3A_731, %mul3A_730 : i32
        %get3A_733 = arith.index_cast %add3A_732 : i32 to index
        %get3A_734 = tpu.vector_load %arg27[%get3A_733] {strides = array<i32>} : memref<2560xf32, #tpu.memory_space<vmem>>, vector<16xf32>,
        %add3A_735 = arith.addf %add3A_728, %get3A_734 : vector<16xf32>
        %mul3A_736 = arith.constant 16 : i32
        %mul3A_737 = arith.muli %scan3A_673, %mul3A_736 : i32
        %add3A_738 = arith.constant 720 : i32
        %add3A_739 = arith.addi %add3A_738, %mul3A_737 : i32
        %get3A_740 = arith.index_cast %add3A_739 : i32 to index
        %get3A_741 = tpu.vector_load %arg27[%get3A_740] {strides = array<i32>} : memref<2560xf32, #tpu.memory_space<vmem>>, vector<16xf32>,
        %add3A_742 = arith.addf %add3A_735, %get3A_741 : vector<16xf32>
        %mul3A_743 = arith.constant 16 : i32
        %mul3A_744 = arith.muli %scan3A_673, %mul3A_743 : i32
        %add3A_745 = arith.constant 800 : i32
        %add3A_746 = arith.addi %add3A_745, %mul3A_744 : i32
        %get3A_747 = arith.index_cast %add3A_746 : i32 to index
        %get3A_748 = tpu.vector_load %arg27[%get3A_747] {strides = array<i32>} : memref<2560xf32, #tpu.memory_space<vmem>>, vector<16xf32>,
        %add3A_749 = arith.addf %add3A_742, %get3A_748 : vector<16xf32>
        %mul3A_750 = arith.constant 16 : i32
        %mul3A_751 = arith.muli %scan3A_673, %mul3A_750 : i32
        %add3A_752 = arith.constant 880 : i32
        %add3A_753 = arith.addi %add3A_752, %mul3A_751 : i32
        %get3A_754 = arith.index_cast %add3A_753 : i32 to index
        %get3A_755 = tpu.vector_load %arg27[%get3A_754] {strides = array<i32>} : memref<2560xf32, #tpu.memory_space<vmem>>, vector<16xf32>,
        %add3A_756 = arith.addf %add3A_749, %get3A_755 : vector<16xf32>
        %mul3A_757 = arith.constant 16 : i32
        %mul3A_758 = arith.muli %scan3A_673, %mul3A_757 : i32
        %add3A_759 = arith.constant 960 : i32
        %add3A_760 = arith.addi %add3A_759, %mul3A_758 : i32
        %get3A_761 = arith.index_cast %add3A_760 : i32 to index
        %get3A_762 = tpu.vector_load %arg27[%get3A_761] {strides = array<i32>} : memref<2560xf32, #tpu.memory_space<vmem>>, vector<16xf32>,
        %add3A_763 = arith.addf %add3A_756, %get3A_762 : vector<16xf32>
        %mul3A_764 = arith.constant 16 : i32
        %mul3A_765 = arith.muli %scan3A_673, %mul3A_764 : i32
        %add3A_766 = arith.constant 1040 : i32
        %add3A_767 = arith.addi %add3A_766, %mul3A_765 : i32
        %get3A_768 = arith.index_cast %add3A_767 : i32 to index
        %get3A_769 = tpu.vector_load %arg27[%get3A_768] {strides = array<i32>} : memref<2560xf32, #tpu.memory_space<vmem>>, vector<16xf32>,
        %add3A_770 = arith.addf %add3A_763, %get3A_769 : vector<16xf32>
        %mul3A_771 = arith.constant 16 : i32
        %mul3A_772 = arith.muli %scan3A_673, %mul3A_771 : i32
        %add3A_773 = arith.constant 1120 : i32
        %add3A_774 = arith.addi %add3A_773, %mul3A_772 : i32
        %get3A_775 = arith.index_cast %add3A_774 : i32 to index
        %get3A_776 = tpu.vector_load %arg27[%get3A_775] {strides = array<i32>} : memref<2560xf32, #tpu.memory_space<vmem>>, vector<16xf32>,
        %add3A_777 = arith.addf %add3A_770, %get3A_776 : vector<16xf32>
        %mul3A_778 = arith.constant 16 : i32
        %mul3A_779 = arith.muli %scan3A_673, %mul3A_778 : i32
        %add3A_780 = arith.constant 1200 : i32
        %add3A_781 = arith.addi %add3A_780, %mul3A_779 : i32
        %get3A_782 = arith.index_cast %add3A_781 : i32 to index
        %get3A_783 = tpu.vector_load %arg27[%get3A_782] {strides = array<i32>} : memref<2560xf32, #tpu.memory_space<vmem>>, vector<16xf32>,
        %add3A_784 = arith.addf %add3A_777, %get3A_783 : vector<16xf32>
        %mul3A_785 = arith.constant 16 : i32
        %mul3A_786 = arith.muli %scan3A_673, %mul3A_785 : i32
        %add3A_787 = arith.constant 1280 : i32
        %add3A_788 = arith.addi %add3A_787, %mul3A_786 : i32
        %get3A_789 = arith.index_cast %add3A_788 : i32 to index
        %get3A_790 = tpu.vector_load %arg27[%get3A_789] {strides = array<i32>} : memref<2560xf32, #tpu.memory_space<vmem>>, vector<16xf32>,
        %mul3A_791 = arith.constant 16 : i32
        %mul3A_792 = arith.muli %scan3A_673, %mul3A_791 : i32
        %add3A_793 = arith.constant 1360 : i32
        %add3A_794 = arith.addi %add3A_793, %mul3A_792 : i32
        %get3A_795 = arith.index_cast %add3A_794 : i32 to index
        %get3A_796 = tpu.vector_load %arg27[%get3A_795] {strides = array<i32>} : memref<2560xf32, #tpu.memory_space<vmem>>, vector<16xf32>,
        %add3A_797 = arith.addf %get3A_790, %get3A_796 : vector<16xf32>
        %mul3A_798 = arith.constant 16 : i32
        %mul3A_799 = arith.muli %scan3A_673, %mul3A_798 : i32
        %add3A_800 = arith.constant 1440 : i32
        %add3A_801 = arith.addi %add3A_800, %mul3A_799 : i32
        %get3A_802 = arith.index_cast %add3A_801 : i32 to index
        %get3A_803 = tpu.vector_load %arg27[%get3A_802] {strides = array<i32>} : memref<2560xf32, #tpu.memory_space<vmem>>, vector<16xf32>,
        %add3A_804 = arith.addf %add3A_797, %get3A_803 : vector<16xf32>
        %mul3A_805 = arith.constant 16 : i32
        %mul3A_806 = arith.muli %scan3A_673, %mul3A_805 : i32
        %add3A_807 = arith.constant 1520 : i32
        %add3A_808 = arith.addi %add3A_807, %mul3A_806 : i32
        %get3A_809 = arith.index_cast %add3A_808 : i32 to index
        %get3A_810 = tpu.vector_load %arg27[%get3A_809] {strides = array<i32>} : memref<2560xf32, #tpu.memory_space<vmem>>, vector<16xf32>,
        %add3A_811 = arith.addf %add3A_804, %get3A_810 : vector<16xf32>
        %mul3A_812 = arith.constant 16 : i32
        %mul3A_813 = arith.muli %scan3A_673, %mul3A_812 : i32
        %add3A_814 = arith.constant 1600 : i32
        %add3A_815 = arith.addi %add3A_814, %mul3A_813 : i32
        %get3A_816 = arith.index_cast %add3A_815 : i32 to index
        %get3A_817 = tpu.vector_load %arg27[%get3A_816] {strides = array<i32>} : memref<2560xf32, #tpu.memory_space<vmem>>, vector<16xf32>,
        %add3A_818 = arith.addf %add3A_811, %get3A_817 : vector<16xf32>
        %mul3A_819 = arith.constant 16 : i32
        %mul3A_820 = arith.muli %scan3A_673, %mul3A_819 : i32
        %add3A_821 = arith.constant 1680 : i32
        %add3A_822 = arith.addi %add3A_821, %mul3A_820 : i32
        %get3A_823 = arith.index_cast %add3A_822 : i32 to index
        %get3A_824 = tpu.vector_load %arg27[%get3A_823] {strides = array<i32>} : memref<2560xf32, #tpu.memory_space<vmem>>, vector<16xf32>,
        %add3A_825 = arith.addf %add3A_818, %get3A_824 : vector<16xf32>
        %mul3A_826 = arith.constant 16 : i32
        %mul3A_827 = arith.muli %scan3A_673, %mul3A_826 : i32
        %add3A_828 = arith.constant 1760 : i32
        %add3A_829 = arith.addi %add3A_828, %mul3A_827 : i32
        %get3A_830 = arith.index_cast %add3A_829 : i32 to index
        %get3A_831 = tpu.vector_load %arg27[%get3A_830] {strides = array<i32>} : memref<2560xf32, #tpu.memory_space<vmem>>, vector<16xf32>,
        %add3A_832 = arith.addf %add3A_825, %get3A_831 : vector<16xf32>
        %mul3A_833 = arith.constant 16 : i32
        %mul3A_834 = arith.muli %scan3A_673, %mul3A_833 : i32
        %add3A_835 = arith.constant 1840 : i32
        %add3A_836 = arith.addi %add3A_835, %mul3A_834 : i32
        %get3A_837 = arith.index_cast %add3A_836 : i32 to index
        %get3A_838 = tpu.vector_load %arg27[%get3A_837] {strides = array<i32>} : memref<2560xf32, #tpu.memory_space<vmem>>, vector<16xf32>,
        %add3A_839 = arith.addf %add3A_832, %get3A_838 : vector<16xf32>
        %mul3A_840 = arith.constant 16 : i32
        %mul3A_841 = arith.muli %scan3A_673, %mul3A_840 : i32
        %add3A_842 = arith.constant 1920 : i32
        %add3A_843 = arith.addi %add3A_842, %mul3A_841 : i32
        %get3A_844 = arith.index_cast %add3A_843 : i32 to index
        %get3A_845 = tpu.vector_load %arg27[%get3A_844] {strides = array<i32>} : memref<2560xf32, #tpu.memory_space<vmem>>, vector<16xf32>,
        %add3A_846 = arith.addf %add3A_839, %get3A_845 : vector<16xf32>
        %mul3A_847 = arith.constant 16 : i32
        %mul3A_848 = arith.muli %scan3A_673, %mul3A_847 : i32
        %add3A_849 = arith.constant 2000 : i32
        %add3A_850 = arith.addi %add3A_849, %mul3A_848 : i32
        %get3A_851 = arith.index_cast %add3A_850 : i32 to index
        %get3A_852 = tpu.vector_load %arg27[%get3A_851] {strides = array<i32>} : memref<2560xf32, #tpu.memory_space<vmem>>, vector<16xf32>,
        %add3A_853 = arith.addf %add3A_846, %get3A_852 : vector<16xf32>
        %mul3A_854 = arith.constant 16 : i32
        %mul3A_855 = arith.muli %scan3A_673, %mul3A_854 : i32
        %add3A_856 = arith.constant 2080 : i32
        %add3A_857 = arith.addi %add3A_856, %mul3A_855 : i32
        %get3A_858 = arith.index_cast %add3A_857 : i32 to index
        %get3A_859 = tpu.vector_load %arg27[%get3A_858] {strides = array<i32>} : memref<2560xf32, #tpu.memory_space<vmem>>, vector<16xf32>,
        %add3A_860 = arith.addf %add3A_853, %get3A_859 : vector<16xf32>
        %mul3A_861 = arith.constant 16 : i32
        %mul3A_862 = arith.muli %scan3A_673, %mul3A_861 : i32
        %add3A_863 = arith.constant 2160 : i32
        %add3A_864 = arith.addi %add3A_863, %mul3A_862 : i32
        %get3A_865 = arith.index_cast %add3A_864 : i32 to index
        %get3A_866 = tpu.vector_load %arg27[%get3A_865] {strides = array<i32>} : memref<2560xf32, #tpu.memory_space<vmem>>, vector<16xf32>,
        %add3A_867 = arith.addf %add3A_860, %get3A_866 : vector<16xf32>
        %mul3A_868 = arith.constant 16 : i32
        %mul3A_869 = arith.muli %scan3A_673, %mul3A_868 : i32
        %add3A_870 = arith.constant 2240 : i32
        %add3A_871 = arith.addi %add3A_870, %mul3A_869 : i32
        %get3A_872 = arith.index_cast %add3A_871 : i32 to index
        %get3A_873 = tpu.vector_load %arg27[%get3A_872] {strides = array<i32>} : memref<2560xf32, #tpu.memory_space<vmem>>, vector<16xf32>,
        %add3A_874 = arith.addf %add3A_867, %get3A_873 : vector<16xf32>
        %mul3A_875 = arith.constant 16 : i32
        %mul3A_876 = arith.muli %scan3A_673, %mul3A_875 : i32
        %add3A_877 = arith.constant 2320 : i32
        %add3A_878 = arith.addi %add3A_877, %mul3A_876 : i32
        %get3A_879 = arith.index_cast %add3A_878 : i32 to index
        %get3A_880 = tpu.vector_load %arg27[%get3A_879] {strides = array<i32>} : memref<2560xf32, #tpu.memory_space<vmem>>, vector<16xf32>,
        %add3A_881 = arith.addf %add3A_874, %get3A_880 : vector<16xf32>
        %mul3A_882 = arith.constant 16 : i32
        %mul3A_883 = arith.muli %scan3A_673, %mul3A_882 : i32
        %add3A_884 = arith.constant 2400 : i32
        %add3A_885 = arith.addi %add3A_884, %mul3A_883 : i32
        %get3A_886 = arith.index_cast %add3A_885 : i32 to index
        %get3A_887 = tpu.vector_load %arg27[%get3A_886] {strides = array<i32>} : memref<2560xf32, #tpu.memory_space<vmem>>, vector<16xf32>,
        %add3A_888 = arith.addf %add3A_881, %get3A_887 : vector<16xf32>
        %mul3A_889 = arith.constant 16 : i32
        %mul3A_890 = arith.muli %scan3A_673, %mul3A_889 : i32
        %add3A_891 = arith.constant 2480 : i32
        %add3A_892 = arith.addi %add3A_891, %mul3A_890 : i32
        %get3A_893 = arith.index_cast %add3A_892 : i32 to index
        %get3A_894 = tpu.vector_load %arg27[%get3A_893] {strides = array<i32>} : memref<2560xf32, #tpu.memory_space<vmem>>, vector<16xf32>,
        %add3A_895 = arith.addf %add3A_888, %get3A_894 : vector<16xf32>
        %mul3A_896 = arith.constant 7.812500e-03 : f32
        %mul3A_897 = vector.broadcast %mul3A_896 : f32 to vector<16xf32>
        %mul3A_898 = arith.mulf %add3A_784, %mul3A_897 : vector<16xf32>
        %mul3A_899 = arith.constant 7.812500e-03 : f32
        %mul3A_900 = vector.broadcast %mul3A_899 : f32 to vector<16xf32>
        %mul3A_901 = arith.mulf %add3A_895, %mul3A_900 : vector<16xf32>
        %mul3A_902 = arith.mulf %mul3A_898, %mul3A_898 : vector<16xf32>
        %sub3A = arith.subf %mul3A_901, %mul3A_902 : vector<16xf32>
        %max3A = arith.constant 0.000000e+00 : f32
        %max3A_903 = vector.broadcast %max3A : f32 to vector<16xf32>
        %max3A_904 = arith.maximumf %sub3A, %max3A_903 : vector<16xf32>
        %add3A_905 = arith.constant 9.99999996E-13 : f32
        %add3A_906 = vector.broadcast %add3A_905 : f32 to vector<16xf32>
        %add3A_907 = arith.addf %max3A_904, %add3A_906 : vector<16xf32>
        %bitcast_convert_type3A = tpu.bitcast %add3A_907 : vector<16xf32> -> vector<16xi32>
        %shift_right_arithmetic3A = arith.constant 1 : i32
        %shift_right_arithmetic3A_908 = vector.broadcast %shift_right_arithmetic3A : i32 to vector<16xi32>
        %shift_right_arithmetic3A_909 = arith.shrsi %bitcast_convert_type3A, %shift_right_arithmetic3A_908 : vector<16xi32>
        %sub3A_910 = arith.constant 1597463007 : i32
        %sub3A_911 = vector.broadcast %sub3A_910 : i32 to vector<16xi32>
        %sub3A_912 = arith.subi %sub3A_911, %shift_right_arithmetic3A_909 : vector<16xi32>
        %bitcast_convert_type3A_913 = tpu.bitcast %sub3A_912 : vector<16xi32> -> vector<16xf32>
        %mul3A_914 = arith.constant 5.000000e-01 : f32
        %mul3A_915 = vector.broadcast %mul3A_914 : f32 to vector<16xf32>
        %mul3A_916 = arith.mulf %mul3A_915, %add3A_907 : vector<16xf32>
        %mul3A_917 = arith.mulf %mul3A_916, %bitcast_convert_type3A_913 : vector<16xf32>
        %mul3A_918 = arith.mulf %mul3A_917, %bitcast_convert_type3A_913 : vector<16xf32>
        %sub3A_919 = arith.constant 1.500000e+00 : f32
        %sub3A_920 = vector.broadcast %sub3A_919 : f32 to vector<16xf32>
        %sub3A_921 = arith.subf %sub3A_920, %mul3A_918 : vector<16xf32>
        %mul3A_922 = arith.mulf %bitcast_convert_type3A_913, %sub3A_921 : vector<16xf32>
        %mul3A_923 = arith.constant 5.000000e-01 : f32
        %mul3A_924 = vector.broadcast %mul3A_923 : f32 to vector<16xf32>
        %mul3A_925 = arith.mulf %mul3A_924, %add3A_907 : vector<16xf32>
        %mul3A_926 = arith.mulf %mul3A_925, %mul3A_922 : vector<16xf32>
        %mul3A_927 = arith.mulf %mul3A_926, %mul3A_922 : vector<16xf32>
        %sub3A_928 = arith.constant 1.500000e+00 : f32
        %sub3A_929 = vector.broadcast %sub3A_928 : f32 to vector<16xf32>
        %sub3A_930 = arith.subf %sub3A_929, %mul3A_927 : vector<16xf32>
        %mul3A_931 = arith.mulf %mul3A_922, %sub3A_930 : vector<16xf32>
        %mul3A_932 = arith.constant 16 : i32
        %mul3A_933 = arith.muli %scan3A_673, %mul3A_932 : i32
        %swap3A_934 = arith.constant 0 : i32
        %swap3A_935 = arith.index_cast %swap3A_934 : i32 to index
        %swap3A_936 = arith.index_cast %mul3A_933 : i32 to index
        %swap3A_937 = tpu.vector_load %arg28[%swap3A_935, %swap3A_936] {strides = array<i32>} : memref<2x80xf32, #tpu.memory_space<vmem>>, vector<16xf32>,
        tpu.vector_store %arg28[%swap3A_935, %swap3A_936], %mul3A_898 {strides = array<i32>} : memref<2x80xf32, #tpu.memory_space<vmem>>, vector<16xf32>,
        %mul3A_938 = arith.constant 16 : i32
        %mul3A_939 = arith.muli %scan3A_673, %mul3A_938 : i32
        %swap3A_940 = arith.constant 1 : i32
        %swap3A_941 = arith.index_cast %swap3A_940 : i32 to index
        %swap3A_942 = arith.index_cast %mul3A_939 : i32 to index
        %swap3A_943 = tpu.vector_load %arg28[%swap3A_941, %swap3A_942] {strides = array<i32>} : memref<2x80xf32, #tpu.memory_space<vmem>>, vector<16xf32>,
        tpu.vector_store %arg28[%swap3A_941, %swap3A_942], %mul3A_931 {strides = array<i32>} : memref<2x80xf32, #tpu.memory_space<vmem>>, vector<16xf32>,
      }
      %scan3A_646 = arith.constant 5 : i32
      %parallel_loop3A_647 = arith.constant 0 : i32
      %parallel_loop3A_648 = arith.constant 80 : i32
      %parallel_loop3A_649 = arith.constant 1 : i32
      scf.for %parallel_loop3A_673 = %parallel_loop3A_647 to %parallel_loop3A_648 step %parallel_loop3A_649  : i32 {
        %parallel_loop3A_674 = arith.constant -16 : i32
        %parallel_loop3A_675 = arith.andi %parallel_loop3A_673, %parallel_loop3A_674 : i32
        %parallel_loop3A_676 = arith.constant 15 : i32
        %parallel_loop3A_677 = arith.andi %parallel_loop3A_673, %parallel_loop3A_676 : i32
        %parallel_loop3A_678 = vector.broadcast %parallel_loop3A_677 : i32 to vector<16xi32>
        %parallel_loop3A_679 = arith.constant 0 : i32
        %parallel_loop3A_680 = arith.index_cast %parallel_loop3A_679 : i32 to index
        %parallel_loop3A_681 = arith.index_cast %parallel_loop3A_675 : i32 to index
        %parallel_loop3A_682 = tpu.vector_load %arg28[%parallel_loop3A_680, %parallel_loop3A_681] {strides = array<i32>} : memref<2x80xf32, #tpu.memory_space<vmem>>, vector<16xf32>,
        %parallel_loop3A_683 = arith.constant 0 : i32
        %parallel_loop3A_684 = vector.broadcast %parallel_loop3A_683 : i32 to vector<16xi32>
        %parallel_loop3A_685 = arith.cmpi slt, %parallel_loop3A_678, %parallel_loop3A_684 : vector<16xi32>
        %parallel_loop3A_686 = arith.constant 16 : i32
        %parallel_loop3A_687 = vector.broadcast %parallel_loop3A_686 : i32 to vector<16xi32>
        %parallel_loop3A_688 = arith.addi %parallel_loop3A_678, %parallel_loop3A_687 : vector<16xi32>
        %parallel_loop3A_689 = arith.select %parallel_loop3A_685, %parallel_loop3A_688, %parallel_loop3A_678 : vector<16xi1>, vector<16xi32>
        %parallel_loop3A_690 = vector.shape_cast %parallel_loop3A_689 : vector<16xi32> to vector<16x1xi32>
        %parallel_loop3A_691 = vector.shape_cast %parallel_loop3A_690 : vector<16x1xi32> to vector<16xi32>
        %parallel_loop3A_692 = tpu.dynamic_gather %parallel_loop3A_682[%parallel_loop3A_691] in [0] : vector<16xf32>, vector<16xi32> -> vector<16xf32>
        %parallel_loop3A_693 = arith.constant 1 : i32
        %parallel_loop3A_694 = arith.index_cast %parallel_loop3A_693 : i32 to index
        %parallel_loop3A_695 = arith.index_cast %parallel_loop3A_675 : i32 to index
        %parallel_loop3A_696 = tpu.vector_load %arg28[%parallel_loop3A_694, %parallel_loop3A_695] {strides = array<i32>} : memref<2x80xf32, #tpu.memory_space<vmem>>, vector<16xf32>,
        %parallel_loop3A_697 = arith.constant 0 : i32
        %parallel_loop3A_698 = vector.broadcast %parallel_loop3A_697 : i32 to vector<16xi32>
        %parallel_loop3A_699 = arith.cmpi slt, %parallel_loop3A_678, %parallel_loop3A_698 : vector<16xi32>
        %parallel_loop3A_700 = arith.constant 16 : i32
        %parallel_loop3A_701 = vector.broadcast %parallel_loop3A_700 : i32 to vector<16xi32>
        %parallel_loop3A_702 = arith.addi %parallel_loop3A_678, %parallel_loop3A_701 : vector<16xi32>
        %parallel_loop3A_703 = arith.select %parallel_loop3A_699, %parallel_loop3A_702, %parallel_loop3A_678 : vector<16xi1>, vector<16xi32>
        %parallel_loop3A_704 = vector.shape_cast %parallel_loop3A_703 : vector<16xi32> to vector<16x1xi32>
        %parallel_loop3A_705 = vector.shape_cast %parallel_loop3A_704 : vector<16x1xi32> to vector<16xi32>
        %parallel_loop3A_706 = tpu.dynamic_gather %parallel_loop3A_696[%parallel_loop3A_705] in [0] : vector<16xf32>, vector<16xi32> -> vector<16xf32>
        %parallel_loop3A_707 = arith.constant 1 : i32
        %parallel_loop3A_708 = arith.index_cast %parallel_loop3A_707 : i32 to index
        %parallel_loop3A_709 = arith.index_cast %parallel_loop3A_673 : i32 to index
        %parallel_loop3A_710 = arith.constant 0 : index
        %parallel_loop3A_711 = tpu.vector_load %arg23[%parallel_loop3A_708, %parallel_loop3A_709, %parallel_loop3A_710] {strides = array<i32>} : memref<2x80x128xf32, #tpu.memory_space<vmem>>, vector<16xf32>,
        %parallel_loop3A_712 = arith.subf %parallel_loop3A_711, %parallel_loop3A_692 : vector<16xf32>
        %parallel_loop3A_713 = arith.mulf %parallel_loop3A_712, %parallel_loop3A_706 : vector<16xf32>
        %parallel_loop3A_714 = arith.mulf %parallel_loop3A_713, %get3A_6 : vector<16xf32>
        %parallel_loop3A_715 = arith.addf %parallel_loop3A_714, %get3A_38 : vector<16xf32>
        %parallel_loop3A_716 = arith.constant 1 : i32
        %parallel_loop3A_717 = arith.index_cast %parallel_loop3A_716 : i32 to index
        %parallel_loop3A_718 = arith.index_cast %parallel_loop3A_673 : i32 to index
        %parallel_loop3A_719 = arith.constant 0 : index
        %parallel_loop3A_720 = tpu.vector_load %arg23[%parallel_loop3A_717, %parallel_loop3A_718, %parallel_loop3A_719] {strides = array<i32>} : memref<2x80x128xf32, #tpu.memory_space<vmem>>, vector<16xf32>,
        tpu.vector_store %arg23[%parallel_loop3A_717, %parallel_loop3A_718, %parallel_loop3A_719], %parallel_loop3A_715 {strides = array<i32>} : memref<2x80x128xf32, #tpu.memory_space<vmem>>, vector<16xf32>,
        %parallel_loop3A_721 = arith.constant 1 : i32
        %parallel_loop3A_722 = arith.index_cast %parallel_loop3A_721 : i32 to index
        %parallel_loop3A_723 = arith.index_cast %parallel_loop3A_673 : i32 to index
        %parallel_loop3A_724 = arith.constant 16 : index
        %parallel_loop3A_725 = tpu.vector_load %arg23[%parallel_loop3A_722, %parallel_loop3A_723, %parallel_loop3A_724] {strides = array<i32>} : memref<2x80x128xf32, #tpu.memory_space<vmem>>, vector<16xf32>,
        %parallel_loop3A_726 = arith.subf %parallel_loop3A_725, %parallel_loop3A_692 : vector<16xf32>
        %parallel_loop3A_727 = arith.mulf %parallel_loop3A_726, %parallel_loop3A_706 : vector<16xf32>
        %parallel_loop3A_728 = arith.mulf %parallel_loop3A_727, %get3A_10 : vector<16xf32>
        %parallel_loop3A_729 = arith.addf %parallel_loop3A_728, %get3A_42 : vector<16xf32>
        %parallel_loop3A_730 = arith.constant 1 : i32
        %parallel_loop3A_731 = arith.index_cast %parallel_loop3A_730 : i32 to index
        %parallel_loop3A_732 = arith.index_cast %parallel_loop3A_673 : i32 to index
        %parallel_loop3A_733 = arith.constant 16 : index
        %parallel_loop3A_734 = tpu.vector_load %arg23[%parallel_loop3A_731, %parallel_loop3A_732, %parallel_loop3A_733] {strides = array<i32>} : memref<2x80x128xf32, #tpu.memory_space<vmem>>, vector<16xf32>,
        tpu.vector_store %arg23[%parallel_loop3A_731, %parallel_loop3A_732, %parallel_loop3A_733], %parallel_loop3A_729 {strides = array<i32>} : memref<2x80x128xf32, #tpu.memory_space<vmem>>, vector<16xf32>,
        %parallel_loop3A_735 = arith.constant 1 : i32
        %parallel_loop3A_736 = arith.index_cast %parallel_loop3A_735 : i32 to index
        %parallel_loop3A_737 = arith.index_cast %parallel_loop3A_673 : i32 to index
        %parallel_loop3A_738 = arith.constant 32 : index
        %parallel_loop3A_739 = tpu.vector_load %arg23[%parallel_loop3A_736, %parallel_loop3A_737, %parallel_loop3A_738] {strides = array<i32>} : memref<2x80x128xf32, #tpu.memory_space<vmem>>, vector<16xf32>,
        %parallel_loop3A_740 = arith.subf %parallel_loop3A_739, %parallel_loop3A_692 : vector<16xf32>
        %parallel_loop3A_741 = arith.mulf %parallel_loop3A_740, %parallel_loop3A_706 : vector<16xf32>
        %parallel_loop3A_742 = arith.mulf %parallel_loop3A_741, %get3A_14 : vector<16xf32>
        %parallel_loop3A_743 = arith.addf %parallel_loop3A_742, %get3A_46 : vector<16xf32>
        %parallel_loop3A_744 = arith.constant 1 : i32
        %parallel_loop3A_745 = arith.index_cast %parallel_loop3A_744 : i32 to index
        %parallel_loop3A_746 = arith.index_cast %parallel_loop3A_673 : i32 to index
        %parallel_loop3A_747 = arith.constant 32 : index
        %parallel_loop3A_748 = tpu.vector_load %arg23[%parallel_loop3A_745, %parallel_loop3A_746, %parallel_loop3A_747] {strides = array<i32>} : memref<2x80x128xf32, #tpu.memory_space<vmem>>, vector<16xf32>,
        tpu.vector_store %arg23[%parallel_loop3A_745, %parallel_loop3A_746, %parallel_loop3A_747], %parallel_loop3A_743 {strides = array<i32>} : memref<2x80x128xf32, #tpu.memory_space<vmem>>, vector<16xf32>,
        %parallel_loop3A_749 = arith.constant 1 : i32
        %parallel_loop3A_750 = arith.index_cast %parallel_loop3A_749 : i32 to index
        %parallel_loop3A_751 = arith.index_cast %parallel_loop3A_673 : i32 to index
        %parallel_loop3A_752 = arith.constant 48 : index
        %parallel_loop3A_753 = tpu.vector_load %arg23[%parallel_loop3A_750, %parallel_loop3A_751, %parallel_loop3A_752] {strides = array<i32>} : memref<2x80x128xf32, #tpu.memory_space<vmem>>, vector<16xf32>,
        %parallel_loop3A_754 = arith.subf %parallel_loop3A_753, %parallel_loop3A_692 : vector<16xf32>
        %parallel_loop3A_755 = arith.mulf %parallel_loop3A_754, %parallel_loop3A_706 : vector<16xf32>
        %parallel_loop3A_756 = arith.mulf %parallel_loop3A_755, %get3A_18 : vector<16xf32>
        %parallel_loop3A_757 = arith.addf %parallel_loop3A_756, %get3A_50 : vector<16xf32>
        %parallel_loop3A_758 = arith.constant 1 : i32
        %parallel_loop3A_759 = arith.index_cast %parallel_loop3A_758 : i32 to index
        %parallel_loop3A_760 = arith.index_cast %parallel_loop3A_673 : i32 to index
        %parallel_loop3A_761 = arith.constant 48 : index
        %parallel_loop3A_762 = tpu.vector_load %arg23[%parallel_loop3A_759, %parallel_loop3A_760, %parallel_loop3A_761] {strides = array<i32>} : memref<2x80x128xf32, #tpu.memory_space<vmem>>, vector<16xf32>,
        tpu.vector_store %arg23[%parallel_loop3A_759, %parallel_loop3A_760, %parallel_loop3A_761], %parallel_loop3A_757 {strides = array<i32>} : memref<2x80x128xf32, #tpu.memory_space<vmem>>, vector<16xf32>,
        %parallel_loop3A_763 = arith.constant 1 : i32
        %parallel_loop3A_764 = arith.index_cast %parallel_loop3A_763 : i32 to index
        %parallel_loop3A_765 = arith.index_cast %parallel_loop3A_673 : i32 to index
        %parallel_loop3A_766 = arith.constant 64 : index
        %parallel_loop3A_767 = tpu.vector_load %arg23[%parallel_loop3A_764, %parallel_loop3A_765, %parallel_loop3A_766] {strides = array<i32>} : memref<2x80x128xf32, #tpu.memory_space<vmem>>, vector<16xf32>,
        %parallel_loop3A_768 = arith.subf %parallel_loop3A_767, %parallel_loop3A_692 : vector<16xf32>
        %parallel_loop3A_769 = arith.mulf %parallel_loop3A_768, %parallel_loop3A_706 : vector<16xf32>
        %parallel_loop3A_770 = arith.mulf %parallel_loop3A_769, %get3A_22 : vector<16xf32>
        %parallel_loop3A_771 = arith.addf %parallel_loop3A_770, %get3A_54 : vector<16xf32>
        %parallel_loop3A_772 = arith.constant 1 : i32
        %parallel_loop3A_773 = arith.index_cast %parallel_loop3A_772 : i32 to index
        %parallel_loop3A_774 = arith.index_cast %parallel_loop3A_673 : i32 to index
        %parallel_loop3A_775 = arith.constant 64 : index
        %parallel_loop3A_776 = tpu.vector_load %arg23[%parallel_loop3A_773, %parallel_loop3A_774, %parallel_loop3A_775] {strides = array<i32>} : memref<2x80x128xf32, #tpu.memory_space<vmem>>, vector<16xf32>,
        tpu.vector_store %arg23[%parallel_loop3A_773, %parallel_loop3A_774, %parallel_loop3A_775], %parallel_loop3A_771 {strides = array<i32>} : memref<2x80x128xf32, #tpu.memory_space<vmem>>, vector<16xf32>,
        %parallel_loop3A_777 = arith.constant 1 : i32
        %parallel_loop3A_778 = arith.index_cast %parallel_loop3A_777 : i32 to index
        %parallel_loop3A_779 = arith.index_cast %parallel_loop3A_673 : i32 to index
        %parallel_loop3A_780 = arith.constant 80 : index
        %parallel_loop3A_781 = tpu.vector_load %arg23[%parallel_loop3A_778, %parallel_loop3A_779, %parallel_loop3A_780] {strides = array<i32>} : memref<2x80x128xf32, #tpu.memory_space<vmem>>, vector<16xf32>,
        %parallel_loop3A_782 = arith.subf %parallel_loop3A_781, %parallel_loop3A_692 : vector<16xf32>
        %parallel_loop3A_783 = arith.mulf %parallel_loop3A_782, %parallel_loop3A_706 : vector<16xf32>
        %parallel_loop3A_784 = arith.mulf %parallel_loop3A_783, %get3A_26 : vector<16xf32>
        %parallel_loop3A_785 = arith.addf %parallel_loop3A_784, %get3A_58 : vector<16xf32>
        %parallel_loop3A_786 = arith.constant 1 : i32
        %parallel_loop3A_787 = arith.index_cast %parallel_loop3A_786 : i32 to index
        %parallel_loop3A_788 = arith.index_cast %parallel_loop3A_673 : i32 to index
        %parallel_loop3A_789 = arith.constant 80 : index
        %parallel_loop3A_790 = tpu.vector_load %arg23[%parallel_loop3A_787, %parallel_loop3A_788, %parallel_loop3A_789] {strides = array<i32>} : memref<2x80x128xf32, #tpu.memory_space<vmem>>, vector<16xf32>,
        tpu.vector_store %arg23[%parallel_loop3A_787, %parallel_loop3A_788, %parallel_loop3A_789], %parallel_loop3A_785 {strides = array<i32>} : memref<2x80x128xf32, #tpu.memory_space<vmem>>, vector<16xf32>,
        %parallel_loop3A_791 = arith.constant 1 : i32
        %parallel_loop3A_792 = arith.index_cast %parallel_loop3A_791 : i32 to index
        %parallel_loop3A_793 = arith.index_cast %parallel_loop3A_673 : i32 to index
        %parallel_loop3A_794 = arith.constant 96 : index
        %parallel_loop3A_795 = tpu.vector_load %arg23[%parallel_loop3A_792, %parallel_loop3A_793, %parallel_loop3A_794] {strides = array<i32>} : memref<2x80x128xf32, #tpu.memory_space<vmem>>, vector<16xf32>,
        %parallel_loop3A_796 = arith.subf %parallel_loop3A_795, %parallel_loop3A_692 : vector<16xf32>
        %parallel_loop3A_797 = arith.mulf %parallel_loop3A_796, %parallel_loop3A_706 : vector<16xf32>
        %parallel_loop3A_798 = arith.mulf %parallel_loop3A_797, %get3A_30 : vector<16xf32>
        %parallel_loop3A_799 = arith.addf %parallel_loop3A_798, %get3A_62 : vector<16xf32>
        %parallel_loop3A_800 = arith.constant 1 : i32
        %parallel_loop3A_801 = arith.index_cast %parallel_loop3A_800 : i32 to index
        %parallel_loop3A_802 = arith.index_cast %parallel_loop3A_673 : i32 to index
        %parallel_loop3A_803 = arith.constant 96 : index
        %parallel_loop3A_804 = tpu.vector_load %arg23[%parallel_loop3A_801, %parallel_loop3A_802, %parallel_loop3A_803] {strides = array<i32>} : memref<2x80x128xf32, #tpu.memory_space<vmem>>, vector<16xf32>,
        tpu.vector_store %arg23[%parallel_loop3A_801, %parallel_loop3A_802, %parallel_loop3A_803], %parallel_loop3A_799 {strides = array<i32>} : memref<2x80x128xf32, #tpu.memory_space<vmem>>, vector<16xf32>,
        %parallel_loop3A_805 = arith.constant 1 : i32
        %parallel_loop3A_806 = arith.index_cast %parallel_loop3A_805 : i32 to index
        %parallel_loop3A_807 = arith.index_cast %parallel_loop3A_673 : i32 to index
        %parallel_loop3A_808 = arith.constant 112 : index
        %parallel_loop3A_809 = tpu.vector_load %arg23[%parallel_loop3A_806, %parallel_loop3A_807, %parallel_loop3A_808] {strides = array<i32>} : memref<2x80x128xf32, #tpu.memory_space<vmem>>, vector<16xf32>,
        %parallel_loop3A_810 = arith.subf %parallel_loop3A_809, %parallel_loop3A_692 : vector<16xf32>
        %parallel_loop3A_811 = arith.mulf %parallel_loop3A_810, %parallel_loop3A_706 : vector<16xf32>
        %parallel_loop3A_812 = arith.mulf %parallel_loop3A_811, %get3A_34 : vector<16xf32>
        %parallel_loop3A_813 = arith.addf %parallel_loop3A_812, %get3A_66 : vector<16xf32>
        %parallel_loop3A_814 = arith.constant 1 : i32
        %parallel_loop3A_815 = arith.index_cast %parallel_loop3A_814 : i32 to index
        %parallel_loop3A_816 = arith.index_cast %parallel_loop3A_673 : i32 to index
        %parallel_loop3A_817 = arith.constant 112 : index
        %parallel_loop3A_818 = tpu.vector_load %arg23[%parallel_loop3A_815, %parallel_loop3A_816, %parallel_loop3A_817] {strides = array<i32>} : memref<2x80x128xf32, #tpu.memory_space<vmem>>, vector<16xf32>,
        tpu.vector_store %arg23[%parallel_loop3A_815, %parallel_loop3A_816, %parallel_loop3A_817], %parallel_loop3A_813 {strides = array<i32>} : memref<2x80x128xf32, #tpu.memory_space<vmem>>, vector<16xf32>,
      } {sc.loop_unroll_factor = 2 : i64, sc.parallel_access}
      %mul3A_650 = arith.constant 80 : i32
      %mul3A_651 = arith.muli %add3A_595, %mul3A_650 : i32
      %add3A_652 = arith.addi %mul3A_2, %mul3A_651 : i32
      %dma_start3A_653 = arith.constant 1 : i32
      %dma_start3A_654 = arith.constant 0 : i32
      %dma_start3A_655 = arith.constant 0 : i32
      %dma_start3A_656 = tpu.memref_slice %arg23[%dma_start3A_653, %dma_start3A_654, %dma_start3A_655] : memref<2x80x128xf32, #tpu.memory_space<vmem>> -> memref<1x80x128xf32, #tpu.memory_space<vmem>>
      %dma_start3A_657 = tpu.memref_squeeze %dma_start3A_656 : memref<1x80x128xf32, #tpu.memory_space<vmem>> -> memref<80x128xf32, #tpu.memory_space<vmem>>
      %dma_start3A_658 = arith.constant 0 : i32
      %dma_start3A_659 = tpu.memref_slice %arg14[%add3A_652, %dma_start3A_658] : memref<204800x128xf32, #tpu.memory_space<hbm>> -> memref<80x128xf32, #tpu.memory_space<hbm>>
      %dma_start3A_660 = arith.constant 0 : i32
      %dma_start3A_661 = tpu.memref_slice %arg14[%add3A_652, %dma_start3A_660] : memref<204800x128xf32, #tpu.memory_space<hbm>> -> memref<80x128xf32, #tpu.memory_space<hbm>>
      %dma_start3A_662 = arith.constant 0 : i32
      %dma_start3A_663 = arith.constant 0 : i32
      %dma_start3A_664 = tpu.memref_slice %arg23[%dma_start3A_653, %dma_start3A_662, %dma_start3A_663] : memref<2x80x128xf32, #tpu.memory_space<vmem>> -> memref<1x80x128xf32, #tpu.memory_space<vmem>>
      %dma_start3A_665 = tpu.memref_squeeze %dma_start3A_664 : memref<1x80x128xf32, #tpu.memory_space<vmem>> -> memref<80x128xf32, #tpu.memory_space<vmem>>
      tpu.enqueue_dma source(%dma_start3A_665 : memref<80x128xf32, #tpu.memory_space<vmem>>) target(%dma_start3A_661 : memref<80x128xf32, #tpu.memory_space<hbm>>) target_semaphore(%arg31 : memref<!tpu.dma_semaphore, #tpu.memory_space<semaphore_mem>>)
      %add3A_666 = arith.constant 2 : i32
      %add3A_667 = arith.addi %add3A_595, %add3A_666 : i32
      %lt3A_668 = arith.constant 80 : i32
      %lt3A_669 = arith.cmpi slt, %add3A_667, %lt3A_668 : i32
      %convert_element_type3A_670 = arith.extui %lt3A_669 : i1 to i32
      %cond3A_671 = arith.constant 0 : i32
      %cond3A_672 = arith.cmpi ne, %convert_element_type3A_670, %cond3A_671 : i32
      scf.if %cond3A_672 {
        %add3A_673 = arith.constant 2 : i32
        %add3A_674 = arith.addi %add3A_595, %add3A_673 : i32
        %mul3A_675 = arith.constant 80 : i32
        %mul3A_676 = arith.muli %add3A_674, %mul3A_675 : i32
        %add3A_677 = arith.addi %mul3A_2, %mul3A_676 : i32
        %dma_start3A_678 = arith.constant 1 : i32
        %dma_start3A_679 = arith.constant 0 : i32
        %dma_start3A_680 = tpu.memref_slice %arg15[%dma_start3A_678, %dma_start3A_679] : memref<2x80xi32, #tpu.memory_space<vmem>> -> memref<1x80xi32, #tpu.memory_space<vmem>>
        %dma_start3A_681 = tpu.memref_squeeze %dma_start3A_680 : memref<1x80xi32, #tpu.memory_space<vmem>> -> memref<80xi32, #tpu.memory_space<vmem>>
        %dma_start3A_682 = tpu.memref_slice %arg2[%add3A_677] : memref<204800xi32, #tpu.memory_space<hbm>> -> memref<80xi32, #tpu.memory_space<hbm>>
        %dma_start3A_683 = arith.constant 0 : i32
        %dma_start3A_684 = tpu.memref_slice %arg15[%dma_start3A_678, %dma_start3A_683] : memref<2x80xi32, #tpu.memory_space<vmem>> -> memref<1x80xi32, #tpu.memory_space<vmem>>
        %dma_start3A_685 = tpu.memref_squeeze %dma_start3A_684 : memref<1x80xi32, #tpu.memory_space<vmem>> -> memref<80xi32, #tpu.memory_space<vmem>>
        %dma_start3A_686 = tpu.memref_slice %arg2[%add3A_677] : memref<204800xi32, #tpu.memory_space<hbm>> -> memref<80xi32, #tpu.memory_space<hbm>>
        tpu.enqueue_dma source(%dma_start3A_686 : memref<80xi32, #tpu.memory_space<hbm>>) target(%dma_start3A_685 : memref<80xi32, #tpu.memory_space<vmem>>) target_semaphore(%arg29 : memref<!tpu.dma_semaphore, #tpu.memory_space<semaphore_mem>>)
        %dma_start3A_687 = arith.constant 1 : i32
        %dma_start3A_688 = arith.constant 0 : i32
        %dma_start3A_689 = tpu.memref_slice %arg16[%dma_start3A_687, %dma_start3A_688] : memref<2x80xi32, #tpu.memory_space<vmem>> -> memref<1x80xi32, #tpu.memory_space<vmem>>
        %dma_start3A_690 = tpu.memref_squeeze %dma_start3A_689 : memref<1x80xi32, #tpu.memory_space<vmem>> -> memref<80xi32, #tpu.memory_space<vmem>>
        %dma_start3A_691 = tpu.memref_slice %arg3[%add3A_677] : memref<204800xi32, #tpu.memory_space<hbm>> -> memref<80xi32, #tpu.memory_space<hbm>>
        %dma_start3A_692 = arith.constant 0 : i32
        %dma_start3A_693 = tpu.memref_slice %arg16[%dma_start3A_687, %dma_start3A_692] : memref<2x80xi32, #tpu.memory_space<vmem>> -> memref<1x80xi32, #tpu.memory_space<vmem>>
        %dma_start3A_694 = tpu.memref_squeeze %dma_start3A_693 : memref<1x80xi32, #tpu.memory_space<vmem>> -> memref<80xi32, #tpu.memory_space<vmem>>
        %dma_start3A_695 = tpu.memref_slice %arg3[%add3A_677] : memref<204800xi32, #tpu.memory_space<hbm>> -> memref<80xi32, #tpu.memory_space<hbm>>
        tpu.enqueue_dma source(%dma_start3A_695 : memref<80xi32, #tpu.memory_space<hbm>>) target(%dma_start3A_694 : memref<80xi32, #tpu.memory_space<vmem>>) target_semaphore(%arg29 : memref<!tpu.dma_semaphore, #tpu.memory_space<semaphore_mem>>)
        %dma_start3A_696 = arith.constant 1 : i32
        %dma_start3A_697 = arith.constant 0 : i32
        %dma_start3A_698 = tpu.memref_slice %arg17[%dma_start3A_696, %dma_start3A_697] : memref<2x80xi32, #tpu.memory_space<vmem>> -> memref<1x80xi32, #tpu.memory_space<vmem>>
        %dma_start3A_699 = tpu.memref_squeeze %dma_start3A_698 : memref<1x80xi32, #tpu.memory_space<vmem>> -> memref<80xi32, #tpu.memory_space<vmem>>
        %dma_start3A_700 = tpu.memref_slice %arg4[%add3A_677] : memref<204800xi32, #tpu.memory_space<hbm>> -> memref<80xi32, #tpu.memory_space<hbm>>
        %dma_start3A_701 = arith.constant 0 : i32
        %dma_start3A_702 = tpu.memref_slice %arg17[%dma_start3A_696, %dma_start3A_701] : memref<2x80xi32, #tpu.memory_space<vmem>> -> memref<1x80xi32, #tpu.memory_space<vmem>>
        %dma_start3A_703 = tpu.memref_squeeze %dma_start3A_702 : memref<1x80xi32, #tpu.memory_space<vmem>> -> memref<80xi32, #tpu.memory_space<vmem>>
        %dma_start3A_704 = tpu.memref_slice %arg4[%add3A_677] : memref<204800xi32, #tpu.memory_space<hbm>> -> memref<80xi32, #tpu.memory_space<hbm>>
        tpu.enqueue_dma source(%dma_start3A_704 : memref<80xi32, #tpu.memory_space<hbm>>) target(%dma_start3A_703 : memref<80xi32, #tpu.memory_space<vmem>>) target_semaphore(%arg29 : memref<!tpu.dma_semaphore, #tpu.memory_space<semaphore_mem>>)
        %dma_start3A_705 = arith.constant 1 : i32
        %dma_start3A_706 = arith.constant 0 : i32
        %dma_start3A_707 = tpu.memref_slice %arg18[%dma_start3A_705, %dma_start3A_706] : memref<2x80xi32, #tpu.memory_space<vmem>> -> memref<1x80xi32, #tpu.memory_space<vmem>>
        %dma_start3A_708 = tpu.memref_squeeze %dma_start3A_707 : memref<1x80xi32, #tpu.memory_space<vmem>> -> memref<80xi32, #tpu.memory_space<vmem>>
        %dma_start3A_709 = tpu.memref_slice %arg5[%add3A_677] : memref<204800xi32, #tpu.memory_space<hbm>> -> memref<80xi32, #tpu.memory_space<hbm>>
        %dma_start3A_710 = arith.constant 0 : i32
        %dma_start3A_711 = tpu.memref_slice %arg18[%dma_start3A_705, %dma_start3A_710] : memref<2x80xi32, #tpu.memory_space<vmem>> -> memref<1x80xi32, #tpu.memory_space<vmem>>
        %dma_start3A_712 = tpu.memref_squeeze %dma_start3A_711 : memref<1x80xi32, #tpu.memory_space<vmem>> -> memref<80xi32, #tpu.memory_space<vmem>>
        %dma_start3A_713 = tpu.memref_slice %arg5[%add3A_677] : memref<204800xi32, #tpu.memory_space<hbm>> -> memref<80xi32, #tpu.memory_space<hbm>>
        tpu.enqueue_dma source(%dma_start3A_713 : memref<80xi32, #tpu.memory_space<hbm>>) target(%dma_start3A_712 : memref<80xi32, #tpu.memory_space<vmem>>) target_semaphore(%arg29 : memref<!tpu.dma_semaphore, #tpu.memory_space<semaphore_mem>>)
        %dma_start3A_714 = arith.constant 1 : i32
        %dma_start3A_715 = arith.constant 0 : i32
        %dma_start3A_716 = tpu.memref_slice %arg19[%dma_start3A_714, %dma_start3A_715] : memref<2x80xi32, #tpu.memory_space<vmem>> -> memref<1x80xi32, #tpu.memory_space<vmem>>
        %dma_start3A_717 = tpu.memref_squeeze %dma_start3A_716 : memref<1x80xi32, #tpu.memory_space<vmem>> -> memref<80xi32, #tpu.memory_space<vmem>>
        %dma_start3A_718 = tpu.memref_slice %arg6[%add3A_677] : memref<204800xi32, #tpu.memory_space<hbm>> -> memref<80xi32, #tpu.memory_space<hbm>>
        %dma_start3A_719 = arith.constant 0 : i32
        %dma_start3A_720 = tpu.memref_slice %arg19[%dma_start3A_714, %dma_start3A_719] : memref<2x80xi32, #tpu.memory_space<vmem>> -> memref<1x80xi32, #tpu.memory_space<vmem>>
        %dma_start3A_721 = tpu.memref_squeeze %dma_start3A_720 : memref<1x80xi32, #tpu.memory_space<vmem>> -> memref<80xi32, #tpu.memory_space<vmem>>
        %dma_start3A_722 = tpu.memref_slice %arg6[%add3A_677] : memref<204800xi32, #tpu.memory_space<hbm>> -> memref<80xi32, #tpu.memory_space<hbm>>
        tpu.enqueue_dma source(%dma_start3A_722 : memref<80xi32, #tpu.memory_space<hbm>>) target(%dma_start3A_721 : memref<80xi32, #tpu.memory_space<vmem>>) target_semaphore(%arg29 : memref<!tpu.dma_semaphore, #tpu.memory_space<semaphore_mem>>)
        %dma_start3A_723 = arith.constant 1 : i32
        %dma_start3A_724 = arith.constant 0 : i32
        %dma_start3A_725 = tpu.memref_slice %arg20[%dma_start3A_723, %dma_start3A_724] : memref<2x80xi32, #tpu.memory_space<vmem>> -> memref<1x80xi32, #tpu.memory_space<vmem>>
        %dma_start3A_726 = tpu.memref_squeeze %dma_start3A_725 : memref<1x80xi32, #tpu.memory_space<vmem>> -> memref<80xi32, #tpu.memory_space<vmem>>
        %dma_start3A_727 = tpu.memref_slice %arg7[%add3A_677] : memref<204800xi32, #tpu.memory_space<hbm>> -> memref<80xi32, #tpu.memory_space<hbm>>
        %dma_start3A_728 = arith.constant 0 : i32
        %dma_start3A_729 = tpu.memref_slice %arg20[%dma_start3A_723, %dma_start3A_728] : memref<2x80xi32, #tpu.memory_space<vmem>> -> memref<1x80xi32, #tpu.memory_space<vmem>>
        %dma_start3A_730 = tpu.memref_squeeze %dma_start3A_729 : memref<1x80xi32, #tpu.memory_space<vmem>> -> memref<80xi32, #tpu.memory_space<vmem>>
        %dma_start3A_731 = tpu.memref_slice %arg7[%add3A_677] : memref<204800xi32, #tpu.memory_space<hbm>> -> memref<80xi32, #tpu.memory_space<hbm>>
        tpu.enqueue_dma source(%dma_start3A_731 : memref<80xi32, #tpu.memory_space<hbm>>) target(%dma_start3A_730 : memref<80xi32, #tpu.memory_space<vmem>>) target_semaphore(%arg29 : memref<!tpu.dma_semaphore, #tpu.memory_space<semaphore_mem>>)
        %dma_start3A_732 = arith.constant 1 : i32
        %dma_start3A_733 = arith.constant 0 : i32
        %dma_start3A_734 = tpu.memref_slice %arg21[%dma_start3A_732, %dma_start3A_733] : memref<2x80xi32, #tpu.memory_space<vmem>> -> memref<1x80xi32, #tpu.memory_space<vmem>>
        %dma_start3A_735 = tpu.memref_squeeze %dma_start3A_734 : memref<1x80xi32, #tpu.memory_space<vmem>> -> memref<80xi32, #tpu.memory_space<vmem>>
        %dma_start3A_736 = tpu.memref_slice %arg8[%add3A_677] : memref<204800xi32, #tpu.memory_space<hbm>> -> memref<80xi32, #tpu.memory_space<hbm>>
        %dma_start3A_737 = arith.constant 0 : i32
        %dma_start3A_738 = tpu.memref_slice %arg21[%dma_start3A_732, %dma_start3A_737] : memref<2x80xi32, #tpu.memory_space<vmem>> -> memref<1x80xi32, #tpu.memory_space<vmem>>
        %dma_start3A_739 = tpu.memref_squeeze %dma_start3A_738 : memref<1x80xi32, #tpu.memory_space<vmem>> -> memref<80xi32, #tpu.memory_space<vmem>>
        %dma_start3A_740 = tpu.memref_slice %arg8[%add3A_677] : memref<204800xi32, #tpu.memory_space<hbm>> -> memref<80xi32, #tpu.memory_space<hbm>>
        tpu.enqueue_dma source(%dma_start3A_740 : memref<80xi32, #tpu.memory_space<hbm>>) target(%dma_start3A_739 : memref<80xi32, #tpu.memory_space<vmem>>) target_semaphore(%arg29 : memref<!tpu.dma_semaphore, #tpu.memory_space<semaphore_mem>>)
      } else {
      }
    }
    %scan3A_499 = arith.constant 40 : i32
    %dma_wait3A_500 = arith.constant 1 : i32
    %dma_wait3A_501 = arith.constant 0 : i32
    %dma_wait3A_502 = arith.constant 0 : i32
    %dma_wait3A_503 = tpu.memref_slice %arg23[%dma_wait3A_500, %dma_wait3A_501, %dma_wait3A_502] : memref<2x80x128xf32, #tpu.memory_space<vmem>> -> memref<1x80x128xf32, #tpu.memory_space<vmem>>
    %dma_wait3A_504 = tpu.memref_squeeze %dma_wait3A_503 : memref<1x80x128xf32, #tpu.memory_space<vmem>> -> memref<80x128xf32, #tpu.memory_space<vmem>>
    %dma_wait3A_505 = arith.constant 0 : i32
    %dma_wait3A_506 = arith.constant 0 : i32
    %dma_wait3A_507 = tpu.memref_slice %arg14[%dma_wait3A_505, %dma_wait3A_506] : memref<204800x128xf32, #tpu.memory_space<hbm>> -> memref<80x128xf32, #tpu.memory_space<hbm>>
    %dma_wait3A_508 = arith.constant 0 : i32
    %dma_wait3A_509 = arith.constant 0 : i32
    %dma_wait3A_510 = tpu.memref_slice %arg14[%dma_wait3A_508, %dma_wait3A_509] : memref<204800x128xf32, #tpu.memory_space<hbm>> -> memref<80x128xf32, #tpu.memory_space<hbm>>
    %dma_wait3A_511 = arith.constant 0 : i32
    %dma_wait3A_512 = arith.constant 0 : i32
    %dma_wait3A_513 = tpu.memref_slice %arg23[%dma_wait3A_500, %dma_wait3A_511, %dma_wait3A_512] : memref<2x80x128xf32, #tpu.memory_space<vmem>> -> memref<1x80x128xf32, #tpu.memory_space<vmem>>
    %dma_wait3A_514 = tpu.memref_squeeze %dma_wait3A_513 : memref<1x80x128xf32, #tpu.memory_space<vmem>> -> memref<80x128xf32, #tpu.memory_space<vmem>>
    tpu.wait_dma2 semaphore(%arg31 : memref<!tpu.dma_semaphore, #tpu.memory_space<semaphore_mem>>) src(%dma_wait3A_514 : memref<80x128xf32, #tpu.memory_space<vmem>>) dst(%dma_wait3A_510 : memref<80x128xf32, #tpu.memory_space<hbm>>)
    return
  }
}

</mosaic_0001>

<sc_bundles>
// kernel: _run.3.cloned.1.call-start
scs
__scs_entry_jumppad:
0x0: {  	(pc) =	sbr.rel $0x88, $3  }
0x1: {  	(tag) =	ssettag $0x0;
	lr =	simm.s32 $0x1  }
0x2: {  	[smem:$0x3F95] =	sst lr;
	_ =	strace $0xD0000000  }
0x3: {  	_ = 	snop  }
0x4: {  	_ = 	snop  }
0x5: {  	_ = 	snop  }
0x6: {  	_ = 	snop  }
0x7: {  	_ = 	snop  }
__scs_overlays_trampoline_lowered:
0x8: {  	[smem:$0x3FA4] =	sst s0  }
0x9: {  	[smem:$0x3FA5] =	sst s1  }
0xa: {  	[smem:$0x3FA6] =	sst s2  }
0xb: {  	[smem:$0x3FA7] =	sst s3  }
0xc: {  	[smem:$0x3FA8] =	sst s4  }
0xd: {  	[smem:$0x3FA9] =	sst s5  }
0xe: {  	[smem:$0x3FAA] =	sst s6  }
0xf: {  	[smem:$0x3FAB] =	sst s7  }
0x10: {  	[smem:$0x3FAC] =	sst s8  }
0x11: {  	[smem:$0x3FAD] =	sst s9;
	s0 =	simm.s32 @!p0 $0x0  }
0x12: {  	s1 =	sld [smem:$0x3F93];
	s0 =	simm.s32 @p0 $0x1  }
0x13: {  	[smem:$0x3FAE] =	sst s0;
	s0 =	simm.s32 @!p1 $0x0  }
0x14: {  	s2 =	sld [smem:$0x3F92];
	s0 =	simm.s32 @p1 $0x1  }
0x15: {  	[smem:$0x3FAF] =	sst s0;
	s0 =	simm.s32 @!p2 $0x0  }
0x16: {  	s3 =	sld [smem:$0x3FDB];
	s0 =	simm.s32 @p2 $0x1  }
0x17: {  	s4 =	simm.s32 $0x1BF5;
	[smem:$0x3FB1] =	sst s0  }
0x18: {  	s0 =	sld [smem:$0x3F94];
	_ =	swait.ge [sflag:s4], $0x0  }
0x19: {  	s7 =	sld [smem:$0x3F95]  }
0x1a: {  	s8 =	sadd.s32 $0xFFFFE003, lr  }
0x1b: {  	s9 =	sadd.s32 $0xFFFFFEF7, lr;
	s5 =	simm.s32 $0xFFFFFFFF;
	p2 =	slt.u32 s8, $0xFFFFF086  }
0x1c: {  	p1 =	slt.u32 s9, $0xF7A;
	s5 =	simm.s32 @!p2 $0x0  }
0x1d: {  	s5 =	simm.s32 @p1 $0x1;
	p0 =	seq.s32 s7, s2  }
0x1e: {  	s7 =	smul.u32 @!p0 $0xF7A, s2;
	p2 =	seq.s32 @!p0 s5, $0x0  }
0x1f: {  	s9 =	smul.u32 $0xF7A, s1;
	s8 =	simm.s32 @!p0 $0x1BF5;
	p2 =	por !p2, p0  }
0x20: {  	[sflag:s8] =	ssyncset.s32 @!p0 $0xFFFFF086;
	s6 =	sadd.s32 @!p0 s3, s7;
	s7 =	simm.s32 @!p0 $0x108  }
0x21: {  	s3 =	sadd.s32 s3, s9;
	s6 =	sadd.s32 @!p0 $0x88, s6;
	s7 =	simm.s32 @p2 $0x1082  }
0x22: {  	[simem:s7], [sflag:s8] =	dma.local @!p0 [hbm:s6], $0xF7A  }
0x23: {  	s9 =	sor.u32 $0xD0000000, s2;
	s6 =	simm.s32 $0x108;
	_ =	swait.ge @!p0 [sflag:s8], $0x0  }
0x24: {  	s3 =	sadd.s32 $0x88, s3;
	s6 =	simm.s32 @!p1 $0x1082;
	[sflag:s4] =	ssyncset.s32 $0xFFFFF086  }
0x25: {  	[simem:s6], [sflag:s4] =	dma.local [hbm:s3], $0xF7A  }
0x26: {  	[smem:$0x3F95] =	sst s1;
	(tag) =	ssettag s2;
	_ =	strace s9  }
0x27: {  	s1 =	sld [smem:$0x3FA5]  }
0x28: {  	s2 =	sld [smem:$0x3FA6]  }
0x29: {  	s4 =	sld [smem:$0x3FA8]  }
0x2a: {  	p0 =	seq.s32 s5, $0x0;
	s5 =	sld [smem:$0x3FA9]  }
0x2b: {  	s6 =	sld [smem:$0x3FAA]  }
0x2c: {  	s7 =	sld [smem:$0x3FAB]  }
0x2d: {  	s3 =	simm.s32 $0x108;
	s8 =	sld [smem:$0x3FAC]  }
0x2e: {  	s3 =	simm.s32 @!p0 $0x1082;
	s9 =	sld [smem:$0x3FAD]  }
0x2f: {  	lr =	sadd.s32 s0, s3;
	s0 =	sld [smem:$0x3FA4]  }
0x30: {  	s3 =	sld [smem:$0x3FA7]  }
0x31: {  	[smem:$0x3FB0] =	sst s10  }
0x32: {  	s10 =	sld [smem:$0x3FAE];
	_ =	sdelay $0x3  }
0x33: {  	p0 =	seq.s32 s10, $0x1;
	s10 =	sld [smem:$0x3FB0];
	_ =	sdelay $0x3  }
0x34: {  	[smem:$0x3FB0] =	sst s10  }
0x35: {  	s10 =	sld [smem:$0x3FAF];
	_ =	sdelay $0x3  }
0x36: {  	p1 =	seq.s32 s10, $0x1;
	s10 =	sld [smem:$0x3FB0];
	_ =	sdelay $0x3  }
0x37: {  	[smem:$0x3FB0] =	sst s10  }
0x38: {  	s10 =	sld [smem:$0x3FB1]  }
0x39: {  	_ = 	snop;
	(pc) =	sbr.ind lr, $3  }
0x3a: {  	_ = 	snop  }
0x3b: {  	_ = 	snop  }
0x3c: {  	p2 =	seq.s32 s10, $0x1;
	s10 =	sld [smem:$0x3FB0]  }
0x3d: {  	_ =	shalt  }
0x3e: {  	_ =	shalt  }
0x3f: {  	_ =	shalt  }
0x40: {  	_ =	shalt  }
0x41: {  	_ =	shalt  }
0x42: {  	_ =	shalt  }
0x43: {  	_ =	shalt  }
0x44: {  	_ =	shalt  }
0x45: {  	_ =	shalt  }
0x46: {  	_ =	shalt  }
0x47: {  	_ =	shalt  }
0x48: {  	_ =	shalt  }
0x49: {  	_ =	shalt  }
0x4a: {  	_ =	shalt  }
0x4b: {  	_ =	shalt  }
0x4c: {  	_ =	shalt  }
0x4d: {  	_ =	shalt  }
0x4e: {  	_ =	shalt  }
0x4f: {  	_ =	shalt  }
0x50: {  	_ =	shalt  }
0x51: {  	_ =	shalt  }
0x52: {  	_ =	shalt  }
0x53: {  	_ =	shalt  }
0x54: {  	_ =	shalt  }
0x55: {  	_ =	shalt  }
0x56: {  	_ =	shalt  }
0x57: {  	_ =	shalt  }
0x58: {  	_ =	shalt  }
0x59: {  	_ =	shalt  }
0x5a: {  	_ =	shalt  }
0x5b: {  	_ =	shalt  }
0x5c: {  	_ =	shalt  }
0x5d: {  	_ =	shalt  }
0x5e: {  	_ =	shalt  }
0x5f: {  	_ =	shalt  }
0x60: {  	_ =	shalt  }
0x61: {  	_ =	shalt  }
0x62: {  	_ =	shalt  }
0x63: {  	_ =	shalt  }
0x64: {  	_ =	shalt  }
0x65: {  	_ =	shalt  }
0x66: {  	_ =	shalt  }
0x67: {  	_ =	shalt  }
0x68: {  	_ =	shalt  }
0x69: {  	_ =	shalt  }
0x6a: {  	_ =	shalt  }
0x6b: {  	_ =	shalt  }
0x6c: {  	_ =	shalt  }
0x6d: {  	_ =	shalt  }
0x6e: {  	_ =	shalt  }
0x6f: {  	_ =	shalt  }
0x70: {  	_ =	shalt  }
0x71: {  	_ =	shalt  }
0x72: {  	_ =	shalt  }
0x73: {  	_ =	shalt  }
0x74: {  	_ =	shalt  }
0x75: {  	_ =	shalt  }
0x76: {  	_ =	shalt  }
0x77: {  	_ =	shalt  }
0x78: {  	_ =	shalt  }
0x79: {  	_ =	shalt  }
0x7a: {  	_ =	shalt  }
0x7b: {  	_ =	shalt  }
0x7c: {  	_ =	shalt  }
0x7d: {  	_ =	shalt  }
0x7e: {  	_ =	shalt  }
0x7f: {  	_ =	shalt  }
0x80: {  	_ =	shalt  }
0x81: {  	_ =	shalt  }
0x82: {  	_ =	shalt  }
0x83: {  	_ =	shalt  }
0x84: {  	_ =	shalt  }
0x85: {  	_ =	shalt  }
0x86: {  	_ =	shalt  }
0x87: {  	_ =	shalt  }
.Lfunc_end0:
.L_simem_size_0:
called_computation_lowered:
.L_overlay_start_0:
0x88: {  	s2 =	sld [smem:$0x3FD9]  }
0x89: {  	s3 =	sld [smem:$0x3FFE];
	_ =	sdelay $0x1  }
0x8a: {  	s1 =	srdreg.scid  }
0x8b: {  	s0 =	sand.u32 $0x1, s1  }
0x8c: {  	s30 =	sshll.u32 s0, $0xA;
	s2 =	sadd.s32 s3, s2  }
0x8d: {  	s2 =	sadd.s32 s2, s30  }
0x8e: {  	[smem:$0x3FBC] =	sst s2  }
0x8f: {  	_ = 	snop  }
0x90: {  	s2 =	sld [smem:$0x3FC9]  }
0x91: {  	s31 =	sld [smem:$0x3FC8]  }
0x92: {  	s4 =	sld [smem:$0x3FC7]  }
0x93: {  	s5 =	sld [smem:$0x3FC6]  }
0x94: {  	s6 =	sld [smem:$0x3FC5]  }
0x95: {  	s7 =	sld [smem:$0x3FC4]  }
0x96: {  	s8 =	sld [smem:$0x3FC3]  }
0x97: {  	s9 =	sld [smem:$0x3FC2]  }
0x98: {  	s10 =	sld [smem:$0x3FC1]  }
0x99: {  	s11 =	sld [smem:$0x3FC0]  }
0x9a: {  	s12 =	sld [smem:$0x3FBF]  }
0x9b: {  	s13 =	sld [smem:$0x3FBE]  }
0x9c: {  	s14 =	sld [smem:$0x3FD0];
	(tm) =	ssettm $0x1  }
0x9d: {  	s15 =	sld [smem:$0x3FFB];
	_ =	sdelay $0x3  }
0x9e: {  	_ =	strace s15  }
0x9f: {  	s15 =	sld [smem:$0x3FFC];
	_ =	sdelay $0x3  }
0xa0: {  	_ =	strace s15  }
0xa1: {  	s15 =	sld [smem:$0x3FFD];
	_ =	sdelay $0x3  }
0xa2: {  	_ =	strace s15  }
0xa3: {  	_ =	strace $0x8FFFFFFF  }
0xa4: {  	s20 =	sld [smem:$0x3FDB];
	_ =	sdelay $0x1  }
0xa5: {  	s16 =	simm.s32 $_scs_section_size  }
0xa6: {  	s17 =	simm.s32 $_size__tile_overlayer_lowered;
	s18 =	simm.s32 $_tile_overlayer_lowered  }
0xa7: {  	s23 =	simm.s32 $0x1BFF;
	s22 =	sshll.u32 s18, $0x1;
	s15 =	sadd.s32 s16, s20  }
0xa8: {  	s19 =	simm.s32 $0x0;
	s21 =	sshll.u32 s17, $0x1;
	s17 =	sadd.s32 s22, s15  }
0xa9: {  	[timem:s19], [sflag:s23] =	dma.local [hbm:s17], s21  }
0xaa: {  	_ =	swait.ge [sflag:s23], s21  }
0xab: {  	s16 =	ssub.s32 $0x0, s21;
	[sflag:s23] =	ssyncset.done $0x0  }
0xac: {  	[sflag:s23] =	ssyncadd.s32 s16;
	_ =	sdelay $0x1  }
0xad: {  	s24 =	simm.s32 $0x1B8B  }
0xae: {  	_ =	swait.ge [sflag:s24], $0x1  }
0xaf: {  	[sflag:s24] =	ssyncset.done $0x0  }
0xb0: {  	s25 =	simm.s32 $0x1B8E;
	[sflag:s24] =	ssyncadd.s32 $0xFFFFFFFF  }
0xb1: {  	s26 =	simm.s32 $execute0_lowered;
	[smem:$0x3FD2] =	sst s25  }
0xb2: {  	s16 =	sshll.u32 s26, $0x1;
	_ =	strace $0x80000046;
	[dreg:$0x1] =	wrdreg $0xFFFFFFFF  }
0xb3: {  	s28 =	simm.s32 $_size_execute0_lowered;
	s15 =	sadd.s32 s15, s16;
	[dreg:$0x0] =	wrdreg $0x0  }
0xb4: {  	s16 =	sshll.u32 s28, $0x1;
	[dreg:$0x2] =	wrdreg s15  }
0xb5: {  	[dreg:$0x3] =	wrdreg s16  }
0xb6: {  	[dreg:$0x4] =	wrdreg $0xC0  }
0xb7: {  	_ =	task [dreg:s19], $0x5FFFF  }
0xb8: {  	[dreg:$0x1] =	wrdreg $0xFFFFFFFF  }
0xb9: {  	[dreg:$0x0] =	wrdreg $0x60  }
0xba: {  	[dreg:$0x2] =	wrdreg s2  }
0xbb: {  	[dreg:$0x3] =	wrdreg s31  }
0xbc: {  	[dreg:$0x4] =	wrdreg s4  }
0xbd: {  	[dreg:$0x5] =	wrdreg s5  }
0xbe: {  	[dreg:$0x6] =	wrdreg s6  }
0xbf: {  	[dreg:$0x7] =	wrdreg s7  }
0xc0: {  	[dreg:$0x8] =	wrdreg s8  }
0xc1: {  	[dreg:$0x9] =	wrdreg s9  }
0xc2: {  	[dreg:$0xa] =	wrdreg s10  }
0xc3: {  	[dreg:$0xb] =	wrdreg s11  }
0xc4: {  	[dreg:$0xc] =	wrdreg s12  }
0xc5: {  	[dreg:$0xd] =	wrdreg s13  }
0xc6: {  	[dreg:$0xe] =	wrdreg s14  }
0xc7: {  	[dreg:$0xf] =	wrdreg $0x9  }
0xc8: {  	_ =	task.clear_ibuf [dreg:s19], $0x10FFFF;
	_ =	strace $0x90000046  }
0xc9: {  	s29 =	simm.s32 $0x9;
	_ =	strace $0x80000048  }
0xca: {  	_ =	swait.ge [sflag:s29], $0x1  }
0xcb: {  	[sflag:s29] =	ssyncadd.s32 $0xFFFFFFFF  }
0xcc: {  	_ =	strace $0x90000048  }
0xcd: {  	_ =	sfence  }
0xce: {  	s30 =	sld [smem:$0x0];
	_ =	sdelay $0x2  }
0xcf: {  	s31 =	sshll.u32 s1, $0xD;
	s1 =	sshrl.u32 s1, $0x2  }
0xd0: {  	s3 =	sand.u32 $0x4000, s31;
	s1 =	sadd.s32 s1, s30  }
0xd1: {  	s0 =	sor.u32 s3, s0;
	s1 =	sshll.u32 s1, $0x11  }
0xd2: {  	s0 =	sor.u32 s1, s0  }
0xd3: {  	s0 =	sadd.s32 $0x8F2B, s0  }
0xd4: {  	[sflag:s0] =	ssyncadd.remote.s32 $0x1  }
0xd5: {  	_ =	sfence.sel $0xFFFF  }
0xd6: {  	[dreg:$0x0] =	wrdreg $0xFFFFFFFF;
	(pc) =	sbr.abs _section_cstart, $3  }
0xd7: {  	[dreg:$0x1] =	wrdreg $0xFFFFFFFF  }
0xd8: {  	_ =	task.clear_ibuf [dreg:s19], $0x2FFFF;
	_ =	strace $0x9FFFFFFF  }
0xd9: {  	(tm) =	ssettm $0x7FFFFFFF  }
tec
execute0_lowered:
.L_overlay_start_1:
0x0: {  	(tag) =	ssettag $0x1  }
0x1: {  	s3 =	rddreg [dreg:$0x0]  }
0x2: {  	s4 =	rddreg [dreg:$0x1]  }
0x3: {  	s5 =	rddreg [dreg:$0x2]  }
0x4: {  	s6 =	rddreg [dreg:$0x3]  }
0x5: {  	s0 =	srdreg.scid;
	s1 =	stileid.u32  }
0x6: {  	s7 =	rddreg [dreg:$0x4];
	s0 =	sand.u32 $0x1, s0;
	s1 =	sshll.u32 s1, $0x1  }
0x7: {  	s8 =	rddreg [dreg:$0x5];
	s1 =	sor.u32 s0, s1;
	s0 =	ssub.s32 $0x2, s0  }
0x8: {  	s9 =	rddreg [dreg:$0x6];
	s15 =	simm.s32 $0x0;
	s10 =	sshrl.u32 s0, $0x1  }
0x9: {  	[smem:$0x7FF] =	sst s15;
	s16 =	smul.u32 $0x1900, s1;
	s0 =	ssub.s32 s0, s10  }
0xa: {  	s14 =	rddreg [dreg:$0xc];
	_ =	strace $0x80000047;
	s0 =	smax.u32 s0, $0x1  }
0xb: {  	s11 =	sshrl.u32 s16, $0x3;
	s31 =	sor.u32 $0xA0, s16;
	[dreg:$0x1c] =	wrdreg s0  }
0xc: {  	s2 =	sadd.s32 s3, s11;
	[dreg:$0x1d] =	wrdreg s31  }
0xd: {  	s12 =	sadd.s32 s4, s11;
	[dreg:$0xe] =	wrdreg s2  }
0xe: {  	s13 =	sadd.s32 s5, s11;
	[dreg:$0xf] =	wrdreg s12  }
0xf: {  	s17 =	sadd.s32 s6, s11;
	[dreg:$0x10] =	wrdreg s13  }
0x10: {  	s18 =	sadd.s32 s7, s11;
	[dreg:$0x11] =	wrdreg s17  }
0x11: {  	s30 =	simm.s32 $0x80;
	s10 =	sadd.s32 s8, s11;
	[dreg:$0x12] =	wrdreg s18  }
0x12: {  	s19 =	sor.u32 $0xA, s11;
	s1 =	sadd.s32 s9, s11;
	[dreg:$0x13] =	wrdreg s10  }
0x13: {  	s28 =	simm.s32 $0x2;
	[dreg:$0x14] =	wrdreg s1;
	s20 =	sadd.s32 s3, s19  }
0x14: {  	s29 =	simm.s32 $0x1A900;
	s21 =	sadd.s32 s4, s19;
	[dreg:$0x15] =	wrdreg s20  }
0x15: {  	v13 =	vlaneseq.u32;
	s11 =	sor.u32 $0xF0, s16;
	s22 =	sadd.s32 s5, s19;
	[dreg:$0x16] =	wrdreg s21  }
0x16: {  	v0 =	vor.u32 $0x60, v13;
	s23 =	sadd.s32 s6, s19;
	s24 =	sadd.s32 s7, s19;
	[dreg:$0x17] =	wrdreg s22  }
.Ltmp0:
0x17: {  	v3 =	vor.u32 $0x10, v13;
	[tilespmem:$0x1FFB0] =	vst v0;
	s25 =	sadd.s32 s8, s19;
	[dreg:$0x18] =	wrdreg s23;
	(pc) =	sbr.rel .LBB2_1-.Ltmp0, $4  }
0x18: {  	v4 =	vor.u32 $0x20, v13;
	v14 =	vmul.u32 $0x50, v13;
	[tilespmem:$0x1FFD0] =	vst v3;
	s26 =	sadd.s32 s9, s19;
	s10 =	sor.u32 $0x50, s16;
	[dreg:$0x19] =	wrdreg s24  }
0x19: {  	v0 =	vor.u32 $0x70, v13;
	[tilespmem:$0x1FFE0] =	vst v4;
	s17 =	simm.s32 $0xA800;
	s9 =	simm.s32 $0x3;
	[dreg:$0x1a] =	wrdreg s25  }
0x1a: {  	[tilespmem:$0x1FFC0] =	vst v0;
	v5 =	vadd.s32 $0x500, v14;
	s1 =	simm.s32 $0x0;
	[dreg:$0x1b] =	wrdreg s26;
	s24 =	simm.s32 $0x1  }
0x1b: {  	v15 =	vor.u32 $0x30, v13;
	v16 =	vor.u32 $0x40, v13;
	v63 =	vor.u32 $0x50, v13;
	[tilespmem:$0x1FFF0] =	vst v5;
	s25 =	simm.s32 $0x50;
	s26 =	simm.s32 $0x800;
	s21 =	simm.s32 $0x3000  }
.LBB2_18:
0x1c: {  	_ =	swait.ge [sflag:s9], $0x2800  }
0x1d: {  	s1 =	rddreg [dreg:$0x1e]  }
0x1e: {  	s0 =	rddreg [dreg:$0x1c];
	s1 =	sadd.s32 $0x1, s1  }
0x1f: {  	p0 =	sne.s32 s1, s0  }
.Ltmp1:
0x20: {  	_ = 	snop;
	(pc) =	sbr.rel @!p0 .LBB2_19-.Ltmp1, $4  }
0x21: {  	_ = 	snop  }
0x22: {  	v3 =	vld [tilespmem:$0x1FFD0]  }
0x23: {  	[sflag:s9] =	ssyncset.done $0x0;
	v4 =	vld [tilespmem:$0x1FFE0]  }
0x24: {  	v13 =	vlaneseq.u32;
	v5 =	vld [tilespmem:$0x1FFF0];
	[sflag:s9] =	ssyncadd.s32 $0xFFFFD800  }
.LBB2_1:
0x25: {  	[dreg:$0x1e] =	wrdreg s1  }
0x26: {  	s0 =	rddreg [dreg:$0xa];
	s12 =	simm.s32 $0x1A800;
	s13 =	simm.s32 $0x4  }
0x27: {  	[tilespmem:s12], [sflag:$0x4] =	stream.linear.gather [hbm4b:s0+s15], $0x80, $0x38;
	[tilespmem:$0x1B400] =	vst v63  }
0x28: {  	_ =	swait.ge [sflag:s13], $0x80  }
0x29: {  	[sflag:s13] =	ssyncset.done $0x0  }
0x2a: {  	[sflag:s13] =	ssyncadd.s32 $0xFFFFFF80  }
0x2b: {  	s2 =	simm.s32 $0x1A880;
	s18 =	rddreg [dreg:$0xb]  }
0x2c: {  	[tilespmem:s2], [sflag:$0x4] =	stream.linear.gather [hbm4b:s18+s15], $0x80, $0x38;
	[tilespmem:$0x1B400] =	vst v63  }
0x2d: {  	_ =	swait.ge [sflag:s13], $0x80  }
0x2e: {  	[sflag:s13] =	ssyncset.done $0x0  }
0x2f: {  	[sflag:s13] =	ssyncadd.s32 $0xFFFFFF80  }
0x30: {  	s19 =	rddreg [dreg:$0x9]  }
0x31: {  	[tilespmem:s17], [sflag:$0x4] =	stream.linear.gather [hbm4b:s19+s15], $0x10000, $0x38;
	[tilespmem:$0x1B400] =	vst v63  }
0x32: {  	_ =	swait.ge [sflag:s13], $0x10000  }
0x33: {  	[sflag:s13] =	ssyncset.done $0x0  }
0x34: {  	[sflag:s13] =	ssyncadd.s32 $0xFFFF0000  }
0x35: {  	v0 =	vld [tilespmem:$0x1A800];
	_ =	sdelay $0x4  }
0x36: {  	[tilespmem:$0x1FEE0] =	vst v0;
	v0 =	vld [tilespmem:$0x1A810];
	_ =	sdelay $0x4  }
0x37: {  	[tilespmem:$0x1FEF0] =	vst v0;
	v0 =	vld [tilespmem:$0x1A820];
	_ =	sdelay $0x4  }
0x38: {  	[tilespmem:$0x1FF00] =	vst v0;
	v0 =	vld [tilespmem:$0x1A830];
	_ =	sdelay $0x4  }
0x39: {  	[tilespmem:$0x1FF10] =	vst v0;
	v0 =	vld [tilespmem:$0x1A840];
	_ =	sdelay $0x4  }
0x3a: {  	[tilespmem:$0x1FF20] =	vst v0;
	v0 =	vld [tilespmem:$0x1A850];
	_ =	sdelay $0x4  }
0x3b: {  	[tilespmem:$0x1FF30] =	vst v0;
	v0 =	vld [tilespmem:$0x1A860];
	_ =	sdelay $0x4  }
0x3c: {  	[tilespmem:$0x1FF40] =	vst v0;
	v0 =	vld [tilespmem:$0x1A870];
	_ =	sdelay $0x4  }
0x3d: {  	[tilespmem:$0x1FF50] =	vst v0;
	v0 =	vld [tilespmem:$0x1A880];
	_ =	sdelay $0x4  }
0x3e: {  	[tilespmem:$0x1FF60] =	vst v0;
	v0 =	vld [tilespmem:$0x1A890];
	_ =	sdelay $0x4  }
0x3f: {  	[tilespmem:$0x1FF70] =	vst v0;
	v0 =	vld [tilespmem:$0x1A8A0];
	_ =	sdelay $0x4  }
0x40: {  	[tilespmem:$0x1FF80] =	vst v0;
	v0 =	vld [tilespmem:$0x1A8B0];
	_ =	sdelay $0x1  }
0x41: {  	v23 =	vld [tilespmem:$0x1A8D0]  }
0x42: {  	v24 =	vld [tilespmem:$0x1A8E0]  }
0x43: {  	s20 =	rddreg [dreg:$0xe];
	v25 =	vld [tilespmem:$0x1A8F0]  }
0x44: {  	[tilespmem:$0x1FF90] =	vst v0;
	v0 =	vld [tilespmem:$0x1A8C0];
	[tilespmem:s15], [sflag:$0x1] =	stream.linear.gather [hbm4b:s20+s15], $0x50, $0x38  }
0x45: {  	s23 =	simm.s32 $0x100;
	s22 =	rddreg [dreg:$0xf]  }
0x46: {  	[tilespmem:s23], [sflag:$0x1] =	stream.linear.gather [hbm4b:s22+s15], $0x50, $0x38;
	[tilespmem:$0x1B400] =	vst v63  }
0x47: {  	s3 =	simm.s32 $0x200;
	s2 =	rddreg [dreg:$0x10]  }
0x48: {  	[tilespmem:s3], [sflag:$0x1] =	stream.linear.gather [hbm4b:s2+s15], $0x50, $0x38;
	[tilespmem:$0x1B400] =	vst v63  }
0x49: {  	s5 =	simm.s32 $0x300;
	s4 =	rddreg [dreg:$0x11]  }
0x4a: {  	[tilespmem:s5], [sflag:$0x1] =	stream.linear.gather [hbm4b:s4+s15], $0x50, $0x38;
	[tilespmem:$0x1B400] =	vst v63  }
0x4b: {  	s7 =	simm.s32 $0x400;
	s6 =	rddreg [dreg:$0x12]  }
0x4c: {  	[tilespmem:s7], [sflag:$0x1] =	stream.linear.gather [hbm4b:s6+s15], $0x50, $0x38;
	[tilespmem:$0x1B400] =	vst v63  }
0x4d: {  	s12 =	simm.s32 $0x500;
	s8 =	rddreg [dreg:$0x13]  }
0x4e: {  	[tilespmem:s12], [sflag:$0x1] =	stream.linear.gather [hbm4b:s8+s15], $0x50, $0x38;
	[tilespmem:$0x1B400] =	vst v63  }
0x4f: {  	s18 =	simm.s32 $0x600;
	s13 =	rddreg [dreg:$0x14];
	[tilespmem:$0x1FFA0] =	vst v0  }
0x50: {  	[tilespmem:s18], [sflag:$0x1] =	stream.linear.gather [hbm4b:s13+s15], $0x50, $0x38;
	[tilespmem:$0x1B400] =	vst v63  }
0x51: {  	_ =	swait.ge [sflag:s24], $0x50  }
0x52: {  	[sflag:s24] =	ssyncset.done $0x0  }
0x53: {  	[sflag:s24] =	ssyncadd.s32 $0xFFFFFFB0  }
0x54: {  	_ =	swait.ge [sflag:s24], $0x50  }
0x55: {  	[sflag:s24] =	ssyncset.done $0x0  }
0x56: {  	[sflag:s24] =	ssyncadd.s32 $0xFFFFFFB0  }
0x57: {  	_ =	swait.ge [sflag:s24], $0x50  }
0x58: {  	[sflag:s24] =	ssyncset.done $0x0  }
0x59: {  	[sflag:s24] =	ssyncadd.s32 $0xFFFFFFB0  }
0x5a: {  	_ =	swait.ge [sflag:s24], $0x50  }
0x5b: {  	[sflag:s24] =	ssyncset.done $0x0  }
0x5c: {  	[sflag:s24] =	ssyncadd.s32 $0xFFFFFFB0  }
0x5d: {  	_ =	swait.ge [sflag:s24], $0x50  }
0x5e: {  	[sflag:s24] =	ssyncset.done $0x0  }
0x5f: {  	[sflag:s24] =	ssyncadd.s32 $0xFFFFFFB0  }
0x60: {  	_ =	swait.ge [sflag:s24], $0x50  }
0x61: {  	[sflag:s24] =	ssyncset.done $0x0  }
0x62: {  	[sflag:s24] =	ssyncadd.s32 $0xFFFFFFB0  }
0x63: {  	_ =	swait.ge [sflag:s24], $0x50  }
0x64: {  	[sflag:s24] =	ssyncset.done $0x0  }
0x65: {  	[sflag:s24] =	ssyncadd.s32 $0xFFFFFFB0  }
0x66: {  	v0 =	vld [tilespmem:$0x200]  }
0x67: {  	v1 =	vld [tilespmem:$0x300]  }
0x68: {  	v2 =	vld [tilespmem:$0x400]  }
0x69: {  	v26 =	vld [tilespmem:$0x500]  }
0x6a: {  	v27 =	vld [tilespmem:$0x100]  }
0x6b: {  	v28 =	vld [tilespmem:$0x210]  }
0x6c: {  	v29 =	vld [tilespmem:$0x310]  }
0x6d: {  	v30 =	vld [tilespmem:$0x410]  }
0x6e: {  	v31 =	vld [tilespmem:$0x510]  }
0x6f: {  	v32 =	vld [tilespmem:$0x110]  }
0x70: {  	v33 =	vld [tilespmem:$0x220]  }
0x71: {  	v34 =	vld [tilespmem:$0x320];
	v0 =	vmul.u32 $0x3, v0  }
0x72: {  	v35 =	vld [tilespmem:$0x420]  }
0x73: {  	v36 =	vld [tilespmem:$0x120];
	v0 =	vadd.s32 v1, v0  }
0x74: {  	v37 =	vld [tilespmem:$0x230];
	v0 =	vmul.u32 $0xA, v0  }
0x75: {  	v54 =	vld [tilespmem:$0x240]  }
0x76: {  	v38 =	vld [tilespmem:$0x330];
	v0 =	vadd.s32 v2, v0  }
0x77: {  	v55 =	vld [tilespmem:$0x340];
	v2 =	vmul.u32 $0x3, v28;
	v0 =	vmul.u32 $0x5, v0  }
0x78: {  	v56 =	vld [tilespmem:$0x430];
	v27 =	vmul.u32 $0x12C, v27  }
0x79: {  	v57 =	vld [tilespmem:$0x530];
	v2 =	vadd.s32 v29, v2;
	v0 =	vadd.s32 v26, v0;
	v26 =	vmul.u32 $0x3, v33  }
0x7a: {  	v58 =	vld [tilespmem:$0x440];
	v2 =	vmul.u32 $0xA, v2;
	v0 =	vadd.s32 v27, v0;
	v27 =	vmul.u32 $0x3, v37  }
0x7b: {  	v59 =	vld [tilespmem:$0x130];
	v32 =	vmul.u32 $0x12C, v32;
	v28 =	vmul.u32 $0x3, v54;
	v26 =	vadd.s32 v34, v26  }
0x7c: {  	v1 =	vld [tilespmem:$0x520];
	v2 =	vadd.s32 v30, v2;
	v26 =	vmul.u32 $0xA, v26;
	v27 =	vadd.s32 v38, v27  }
0x7d: {  	v60 =	vld [tilespmem:$0x140];
	v28 =	vadd.s32 v55, v28;
	v2 =	vmul.u32 $0x5, v2;
	v27 =	vmul.u32 $0xA, v27  }
0x7e: {  	v61 =	vld [tilespmem:$0x540];
	v62 =	vmul.u32 $0x12C, v36;
	v28 =	vmul.u32 $0xA, v28;
	v26 =	vadd.s32 v35, v26  }
0x7f: {  	v2 =	vadd.s32 v31, v2;
	v27 =	vadd.s32 v56, v27;
	v26 =	vmul.u32 $0x5, v26  }
0x80: {  	v28 =	vadd.s32 v58, v28;
	v2 =	vadd.s32 v32, v2;
	v27 =	vmul.u32 $0x5, v27  }
0x81: {  	[tilespmem:$0x700] =	vst v0;
	v0 =	vadd.s32 v1, v26;
	v1 =	vmul.u32 $0x12C, v59;
	v26 =	vmul.u32 $0x5, v28  }
0x82: {  	[tilespmem:$0x710] =	vst v2;
	v0 =	vadd.s32 v62, v0;
	v2 =	vadd.s32 v57, v27;
	v27 =	vmul.u32 $0x12C, v60  }
0x83: {  	[tilespmem:$0x720] =	vst v0;
	v0 =	vadd.s32 v1, v2;
	v1 =	vadd.s32 v61, v26  }
0x84: {  	[tilespmem:$0x730] =	vst v0;
	v0 =	vadd.s32 v27, v1  }
0x85: {  	s19 =	rddreg [dreg:$0x7];
	[tilespmem:$0x740] =	vst v0  }
0x86: {  	[tilespmem:s26], [sflag:$0x2] =	stream.indirect.gather [hbm4b:s19+s25], $0x80, s15, s25, $0xb8;
	[tilespmem:$0x1B400] =	vst v63  }
0x87: {  	s22 =	simm.s32 $0x700;
	s23 =	simm.s32 $0x5800;
	s20 =	rddreg [dreg:$0x8]  }
0x88: {  	[tilespmem:s23], [sflag:$0x2] =	stream.indirect.gather [hbm4b:s20+s25], $0x80, s22, s25, $0xb8;
	[tilespmem:$0x1B400] =	vst v63  }
0x89: {  	s3 =	rddreg [dreg:$0x15]  }
0x8a: {  	[tilespmem:s30], [sflag:$0x1] =	stream.linear.gather [hbm4b:s3+s15], $0x50, $0x38;
	[tilespmem:$0x1B400] =	vst v63  }
0x8b: {  	s5 =	simm.s32 $0x180;
	s4 =	rddreg [dreg:$0x16]  }
0x8c: {  	[tilespmem:s5], [sflag:$0x1] =	stream.linear.gather [hbm4b:s4+s15], $0x50, $0x38;
	[tilespmem:$0x1B400] =	vst v63  }
0x8d: {  	s7 =	simm.s32 $0x280;
	s6 =	rddreg [dreg:$0x17]  }
0x8e: {  	[tilespmem:s7], [sflag:$0x1] =	stream.linear.gather [hbm4b:s6+s15], $0x50, $0x38;
	[tilespmem:$0x1B400] =	vst v63  }
0x8f: {  	s12 =	simm.s32 $0x380;
	s8 =	rddreg [dreg:$0x18]  }
0x90: {  	[tilespmem:s12], [sflag:$0x1] =	stream.linear.gather [hbm4b:s8+s15], $0x50, $0x38;
	[tilespmem:$0x1B400] =	vst v63  }
0x91: {  	s18 =	simm.s32 $0x480;
	s13 =	rddreg [dreg:$0x19]  }
0x92: {  	[tilespmem:s18], [sflag:$0x1] =	stream.linear.gather [hbm4b:s13+s15], $0x50, $0x38;
	[tilespmem:$0x1B400] =	vst v63  }
0x93: {  	s19 =	rddreg [dreg:$0x1a];
	s20 =	simm.s32 $0x580  }
0x94: {  	[tilespmem:s20], [sflag:$0x1] =	stream.linear.gather [hbm4b:s19+s15], $0x50, $0x38;
	[tilespmem:$0x1B400] =	vst v63  }
0x95: {  	s31 =	simm.s32 $0x0;
	s22 =	rddreg [dreg:$0x1b];
	s23 =	simm.s32 $0x680  }
0x96: {  	[tilespmem:s23], [sflag:$0x1] =	stream.linear.gather [hbm4b:s22+s15], $0x50, $0x38;
	[tilespmem:$0x1B400] =	vst v63  }
.LBB2_2:
0x97: {  	_ =	swait.ge [sflag:s24], $0x50  }
0x98: {  	[sflag:s24] =	ssyncset.done $0x0  }
0x99: {  	[sflag:s24] =	ssyncadd.s32 $0xFFFFFFB0  }
0x9a: {  	_ =	swait.ge [sflag:s24], $0x50  }
0x9b: {  	[sflag:s24] =	ssyncset.done $0x0  }
0x9c: {  	[sflag:s24] =	ssyncadd.s32 $0xFFFFFFB0  }
0x9d: {  	_ =	swait.ge [sflag:s24], $0x50  }
0x9e: {  	[sflag:s24] =	ssyncset.done $0x0  }
0x9f: {  	[sflag:s24] =	ssyncadd.s32 $0xFFFFFFB0  }
0xa0: {  	_ =	swait.ge [sflag:s24], $0x50  }
0xa1: {  	[sflag:s24] =	ssyncset.done $0x0  }
0xa2: {  	[sflag:s24] =	ssyncadd.s32 $0xFFFFFFB0  }
0xa3: {  	_ =	swait.ge [sflag:s24], $0x50  }
0xa4: {  	[sflag:s24] =	ssyncset.done $0x0  }
0xa5: {  	[sflag:s24] =	ssyncadd.s32 $0xFFFFFFB0  }
0xa6: {  	_ =	swait.ge [sflag:s24], $0x50  }
0xa7: {  	[sflag:s24] =	ssyncset.done $0x0  }
0xa8: {  	[sflag:s24] =	ssyncadd.s32 $0xFFFFFFB0  }
0xa9: {  	_ =	swait.ge [sflag:s24], $0x50  }
0xaa: {  	[sflag:s24] =	ssyncset.done $0x0  }
0xab: {  	[sflag:s24] =	ssyncadd.s32 $0xFFFFFFB0  }
0xac: {  	v0 =	vld [tilespmem:$0x280]  }
0xad: {  	v1 =	vld [tilespmem:$0x380]  }
0xae: {  	v2 =	vld [tilespmem:$0x480]  }
0xaf: {  	v26 =	vld [tilespmem:$0x580]  }
0xb0: {  	v27 =	vld [tilespmem:$0x180]  }
0xb1: {  	v28 =	vld [tilespmem:$0x290]  }
0xb2: {  	v29 =	vld [tilespmem:$0x390]  }
0xb3: {  	v30 =	vld [tilespmem:$0x490]  }
0xb4: {  	v31 =	vld [tilespmem:$0x590]  }
0xb5: {  	v32 =	vld [tilespmem:$0x190]  }
0xb6: {  	v33 =	vld [tilespmem:$0x2A0]  }
0xb7: {  	v34 =	vld [tilespmem:$0x3A0];
	v0 =	vmul.u32 $0x3, v0  }
0xb8: {  	v35 =	vld [tilespmem:$0x4A0]  }
0xb9: {  	v36 =	vld [tilespmem:$0x1A0];
	v0 =	vadd.s32 v1, v0  }
0xba: {  	v37 =	vld [tilespmem:$0x2B0];
	v0 =	vmul.u32 $0xA, v0  }
0xbb: {  	v38 =	vld [tilespmem:$0x3B0]  }
0xbc: {  	v0 =	vadd.s32 v2, v0;
	v2 =	vmul.u32 $0x3, v28;
	v28 =	vld [tilespmem:$0x2C0]  }
0xbd: {  	v48 =	vld [tilespmem:$0x4B0];
	v0 =	vmul.u32 $0x5, v0  }
0xbe: {  	v27 =	vmul.u32 $0x12C, v27;
	v2 =	vadd.s32 v29, v2;
	v29 =	vld [tilespmem:$0x3C0]  }
0xbf: {  	v49 =	vld [tilespmem:$0x5B0];
	v0 =	vadd.s32 v26, v0;
	v2 =	vmul.u32 $0xA, v2;
	v26 =	vmul.u32 $0x3, v33  }
0xc0: {  	v50 =	vld [tilespmem:$0x1B0];
	v0 =	vadd.s32 v27, v0;
	v27 =	vmul.u32 $0x3, v37  }
0xc1: {  	v2 =	vadd.s32 v30, v2;
	v26 =	vadd.s32 v34, v26;
	v28 =	vmul.u32 $0x3, v28;
	v30 =	vld [tilespmem:$0x4C0]  }
0xc2: {  	v1 =	vld [tilespmem:$0x5A0];
	v2 =	vmul.u32 $0x5, v2;
	v26 =	vmul.u32 $0xA, v26;
	v27 =	vadd.s32 v38, v27  }
0xc3: {  	v32 =	vmul.u32 $0x12C, v32;
	v27 =	vmul.u32 $0xA, v27;
	v28 =	vadd.s32 v29, v28;
	v29 =	vld [tilespmem:$0x1C0]  }
0xc4: {  	v2 =	vadd.s32 v31, v2;
	v26 =	vadd.s32 v35, v26;
	v28 =	vmul.u32 $0xA, v28;
	v31 =	vld [tilespmem:$0x5C0]  }
0xc5: {  	v51 =	vmul.u32 $0x12C, v36;
	v26 =	vmul.u32 $0x5, v26;
	v27 =	vadd.s32 v48, v27  }
0xc6: {  	v2 =	vadd.s32 v32, v2;
	v27 =	vmul.u32 $0x5, v27;
	v28 =	vadd.s32 v30, v28  }
0xc7: {  	[tilespmem:$0x780] =	vst v0;
	v0 =	vadd.s32 v1, v26;
	v1 =	vmul.u32 $0x12C, v50;
	v26 =	vmul.u32 $0x5, v28  }
0xc8: {  	[tilespmem:$0x790] =	vst v2;
	v0 =	vadd.s32 v51, v0;
	v2 =	vadd.s32 v49, v27;
	v27 =	vmul.u32 $0x12C, v29  }
0xc9: {  	[tilespmem:$0x7A0] =	vst v0;
	v0 =	vadd.s32 v1, v2;
	v1 =	vadd.s32 v31, v26  }
0xca: {  	p0 =	seq.s32 s31, $0x0;
	[tilespmem:$0x7B0] =	vst v0;
	v0 =	vadd.s32 v27, v1  }
0xcb: {  	s0 =	simm.s32 @!p0 $0x3;
	[tilespmem:$0x7C0] =	vst v0  }
0xcc: {  	_ =	swait.ge @!p0 [sflag:s0], $0x2800  }
0xcd: {  	[sflag:s0] =	ssyncset.done @!p0 $0x0  }
0xce: {  	[sflag:s0] =	ssyncadd.s32 @!p0 $0xFFFFD800  }
0xcf: {  	s0 =	rddreg [dreg:$0x7]  }
0xd0: {  	[tilespmem:s21], [sflag:$0x2] =	stream.indirect.gather [hbm4b:s0+s25], $0x80, s30, s25, $0xb8;
	[tilespmem:$0x1B400] =	vst v63  }
0xd1: {  	s1 =	simm.s32 $0x780;
	s2 =	simm.s32 $0x8000;
	s4 =	rddreg [dreg:$0x8]  }
0xd2: {  	[tilespmem:s2], [sflag:$0x2] =	stream.indirect.gather [hbm4b:s4+s25], $0x80, s1, s25, $0xb8;
	[tilespmem:$0x1B400] =	vst v63  }
0xd3: {  	_ =	swait.ge [sflag:s28], $0x2800  }
0xd4: {  	[sflag:s28] =	ssyncset.done $0x0  }
0xd5: {  	[sflag:s28] =	ssyncadd.s32 $0xFFFFD800  }
0xd6: {  	_ =	swait.ge [sflag:s28], $0x2800  }
0xd7: {  	s19 =	simm.s32 $0x0;
	[sflag:s28] =	ssyncset.done $0x0  }
0xd8: {  	s5 =	sand.u32 $0x70, s19;
	[sflag:s28] =	ssyncadd.s32 $0xFFFFD800  }
0xd9: {  	v0 =	vld [tilespmem:s5+$0x600];
	_ =	sdelay $0x2  }
0xda: {  	s3 =	simm.s32 $0x1  }
0xdb: {  	v1 =	vmov s3  }
0xdc: {  	v1 =	vperm.xlane v0, v1;
	_ =	sdelay $0x1  }
0xdd: {  	v1 =	vshll.u32 v1, $0x7  }
0xde: {  	v2 =	vor.u32 v13, v1  }
0xdf: {  	s18 =	simm.s32 $0x880  }
0xe0: {  	s23 =	simm.s32 $0x5880;
	v26 =	vld [tilespmem:s18+$0x0]  }
0xe1: {  	v27 =	vld [tilespmem:s23+$0x0];
	_ =	sdelay $0x1  }
0xe2: {  	v2 =	vld.idx.msk [tilespmem:v2+s17+$0x0], $0xffff;
	_ =	sdelay $0x2  }
0xe3: {  	v26 =	vadd.f32 v27, v26;
	_ =	sdelay $0x1  }
0xe4: {  	v30 =	vadd.f32 v26, v2;
	v2 =	vor.u32 v3, v1;
	_ =	sdelay $0x1  }
0xe5: {  	v26 =	vld [tilespmem:s18+$0x10];
	[tilespmem:s18+$0x0] =	vst v30  }
0xe6: {  	v27 =	vld [tilespmem:s23+$0x10]  }
0xe7: {  	s6 =	sand.u32 $0xE, s19  }
0xe8: {  	v28 =	vmov s6;
	v2 =	vld.idx.msk [tilespmem:v2+s17+$0x0], $0xffff  }
0xe9: {  	v0 =	vperm.xlane v0, v28;
	_ =	sdelay $0x1  }
0xea: {  	v34 =	vshll.u32 v0, $0x7;
	v26 =	vadd.f32 v27, v26  }
0xeb: {  	v0 =	vor.u32 v13, v34  }
0xec: {  	v28 =	vld [tilespmem:s18+$0x20];
	v36 =	vadd.f32 v26, v2;
	v26 =	vor.u32 v4, v1  }
0xed: {  	v27 =	vld [tilespmem:s23+$0xFFFFFF80]  }
0xee: {  	v2 =	vld [tilespmem:s18+$0xFFFFFF80];
	[tilespmem:s18+$0x10] =	vst v36  }
0xef: {  	v29 =	vld [tilespmem:s23+$0x20]  }
0xf0: {  	v0 =	vld.idx.msk [tilespmem:v0+s17+$0x0], $0xffff  }
0xf1: {  	v26 =	vld.idx.msk [tilespmem:v26+s17+$0x0], $0xffff  }
0xf2: {  	s12 =	simm.s32 $0x2  }
0xf3: {  	s7 =	sand.u32 $0x70, s12;
	v2 =	vadd.f32 v27, v2  }
0xf4: {  	v52 =	vld [tilespmem:s7+$0x600];
	v27 =	vadd.f32 v29, v28  }
0xf5: {  	v53 =	vld [tilespmem:s18+$0xFFFFFFA0];
	v0 =	vadd.f32 v2, v0  }
0xf6: {  	v28 =	vld [tilespmem:s18+$0xFFFFFF90];
	v38 =	vadd.f32 v27, v26;
	v26 =	vor.u32 v15, v1  }
0xf7: {  	v29 =	vld [tilespmem:s18+$0x30];
	[tilespmem:s18+$0xFFFFFF80] =	vst v0  }
0xf8: {  	v2 =	vor.u32 v3, v34;
	v27 =	vld [tilespmem:s23+$0xFFFFFF90];
	[tilespmem:s18+$0x20] =	vst v38  }
0xf9: {  	v31 =	vld [tilespmem:s23+$0x30]  }
0xfa: {  	v35 =	vld [tilespmem:s18+$0xFFFFFFB0]  }
0xfb: {  	v26 =	vld.idx.msk [tilespmem:v26+s17+$0x0], $0xffff  }
0xfc: {  	v54 =	vld [tilespmem:s18+$0x40]  }
0xfd: {  	s13 =	simm.s32 $0x980;
	v2 =	vld.idx.msk [tilespmem:v2+s17+$0x0], $0xffff  }
0xfe: {  	s22 =	simm.s32 $0x5980;
	v41 =	vld [tilespmem:s13+$0x0];
	v27 =	vadd.f32 v27, v28;
	v28 =	vadd.f32 v31, v29  }
0xff: {  	s8 =	simm.s32 $0x3;
	v43 =	vld [tilespmem:s22+$0x0]  }
0x100: {  	v7 =	vld [tilespmem:s18+$0xFFFFFFD0];
	v42 =	vadd.f32 v28, v26;
	v26 =	vmov s8  }
0x101: {  	v58 =	vld [tilespmem:s13+$0xFFFFFF80];
	v26 =	vperm.xlane v52, v26  }
0x102: {  	v46 =	vld [tilespmem:s13+$0x10];
	v2 =	vadd.f32 v27, v2;
	v27 =	vor.u32 v16, v1  }
0x103: {  	v48 =	vld [tilespmem:s22+$0xFFFFFF80];
	v29 =	vor.u32 v4, v34;
	v40 =	vshll.u32 v26, $0x7  }
0x104: {  	v61 =	vld [tilespmem:s18+$0x60];
	[tilespmem:s18+$0x30] =	vst v42;
	v39 =	vor.u32 v13, v40  }
0x105: {  	[tilespmem:s18+$0xFFFFFF90] =	vst v2;
	v26 =	vld [tilespmem:s23+$0x40]  }
0x106: {  	v28 =	vld [tilespmem:s23+$0xFFFFFFA0]  }
0x107: {  	v27 =	vld.idx.msk [tilespmem:v27+s17+$0x0], $0xffff  }
0x108: {  	v44 =	vld.idx.msk [tilespmem:v29+s17+$0x0], $0xffff  }
0x109: {  	v55 =	vld.idx.msk [tilespmem:v39+s17+$0x0], $0xffff  }
0x10a: {  	v62 =	vld [tilespmem:s13+$0xFFFFFF90];
	v26 =	vadd.f32 v26, v54  }
0x10b: {  	s5 =	sand.u32 $0xE, s12;
	v22 =	vld [tilespmem:s13+$0xFFFFFFB0];
	v45 =	vor.u32 v63, v1;
	v28 =	vadd.f32 v28, v53  }
0x10c: {  	v56 =	vmov s5;
	v29 =	vld [tilespmem:s18+$0xFFFFFFE0];
	v47 =	vadd.f32 v26, v27;
	v27 =	vadd.f32 v43, v41  }
0x10d: {  	v28 =	vadd.f32 v28, v44;
	v39 =	vld [tilespmem:s18+$0xFFFFFFC0];
	v41 =	vperm.xlane v52, v56  }
0x10e: {  	v26 =	vld [tilespmem:s18+$0x50];
	[tilespmem:s18+$0x40] =	vst v47;
	v6 =	vadd.f32 v27, v55  }
0x10f: {  	[tilespmem:s18+$0xFFFFFFA0] =	vst v28;
	v37 =	vshll.u32 v41, $0x7;
	v57 =	vld [tilespmem:s23+$0x50];
	v27 =	vor.u32 v3, v40  }
0x110: {  	v45 =	vld.idx.msk [tilespmem:v45+s17+$0x0], $0xffff;
	v41 =	vor.u32 v13, v37;
	[tilespmem:s13+$0x0] =	vst v6  }
0x111: {  	v20 =	vld [tilespmem:$0x1FFB0]  }
0x112: {  	v9 =	vor.u32 v15, v34;
	v59 =	vld [tilespmem:s22+$0x10]  }
0x113: {  	v56 =	vld [tilespmem:s13+$0xFFFFFFA0]  }
0x114: {  	v26 =	vadd.f32 v57, v26;
	v49 =	vld.idx.msk [tilespmem:v27+s17+$0x0], $0xffff  }
0x115: {  	v60 =	vld.idx.msk [tilespmem:v41+s17+$0x0], $0xffff  }
0x116: {  	v51 =	vld [tilespmem:s23+$0xFFFFFFB0];
	v52 =	vadd.f32 v26, v45;
	v50 =	vor.u32 v20, v1  }
0x117: {  	v55 =	vld.idx.msk [tilespmem:v9+s17+$0x0], $0xffff;
	v26 =	vadd.f32 v59, v46  }
0x118: {  	v33 =	vadd.f32 v48, v58;
	v27 =	vld [tilespmem:s18+$0xFFFFFFF0];
	[tilespmem:s18+$0x50] =	vst v52  }
0x119: {  	v8 =	vor.u32 v4, v40;
	v10 =	vadd.f32 v26, v49;
	v26 =	vld [tilespmem:s23+$0x60]  }
0x11a: {  	v59 =	vor.u32 v3, v37;
	v49 =	vadd.f32 v33, v60;
	v60 =	vld [tilespmem:s13+$0x20]  }
0x11b: {  	[tilespmem:s13+$0x10] =	vst v10;
	v11 =	vld.idx.msk [tilespmem:v50+s17+$0x0], $0xffff  }
0x11c: {  	[tilespmem:s13+$0xFFFFFF80] =	vst v49;
	v53 =	vld [tilespmem:s22+$0x20]  }
0x11d: {  	v54 =	vld [tilespmem:s22+$0xFFFFFF90]  }
0x11e: {  	v46 =	vld.idx.msk [tilespmem:v8+s17+$0x0], $0xffff  }
0x11f: {  	v26 =	vadd.f32 v26, v61;
	v61 =	vld.idx.msk [tilespmem:v59+s17+$0x0], $0xffff  }
0x120: {  	v35 =	vadd.f32 v51, v35;
	v45 =	vld [tilespmem:s13+$0x30]  }
0x121: {  	v33 =	vld [tilespmem:s13+$0xFFFFFFD0];
	v57 =	vadd.f32 v26, v11;
	v26 =	vadd.f32 v53, v60  }
0x122: {  	v35 =	vadd.f32 v35, v55;
	v21 =	vld [tilespmem:$0x1FFC0];
	v62 =	vadd.f32 v54, v62  }
0x123: {  	v50 =	vld [tilespmem:s18+$0x70];
	v11 =	vadd.f32 v26, v46;
	v26 =	vor.u32 v15, v40  }
0x124: {  	v44 =	vor.u32 v16, v34;
	[tilespmem:s18+$0xFFFFFFB0] =	vst v35;
	v8 =	vld [tilespmem:s13+$0xFFFFFFC0];
	v51 =	vadd.f32 v62, v61  }
0x125: {  	v9 =	vor.u32 v4, v37;
	v41 =	vld [tilespmem:s23+$0xFFFFFFC0];
	[tilespmem:s13+$0x20] =	vst v11  }
0x126: {  	[tilespmem:s13+$0xFFFFFF90] =	vst v51;
	v43 =	vld [tilespmem:s22+$0x30]  }
0x127: {  	v54 =	vld [tilespmem:s22+$0xFFFFFFA0]  }
0x128: {  	s20 =	simm.s32 $0x4;
	v59 =	vmul.f32 v0, v0;
	v0 =	vadd.f32 v2, v0;
	v26 =	vld.idx.msk [tilespmem:v26+s17+$0x0], $0xffff  }
0x129: {  	s7 =	sand.u32 $0xE, s20;
	v1 =	vor.u32 v21, v1;
	v53 =	vld.idx.msk [tilespmem:v44+s17+$0x0], $0xffff  }
0x12a: {  	v32 =	vmov s7;
	v0 =	vadd.f32 v28, v0;
	v61 =	vld.idx.msk [tilespmem:v9+s17+$0x0], $0xffff  }
0x12b: {  	s6 =	sand.u32 $0x70, s20;
	v60 =	vmul.f32 v2, v2;
	v44 =	vmul.f32 v28, v28;
	v28 =	vld [tilespmem:s13+$0xFFFFFFE0];
	v43 =	vadd.f32 v43, v45  }
0x12c: {  	v39 =	vadd.f32 v41, v39;
	v41 =	vmul.f32 v38, v38;
	[tilespmem:s18+$0x60] =	vst v57;
	v54 =	vadd.f32 v54, v56;
	v56 =	vld [tilespmem:s6+$0x600]  }
0x12d: {  	v17 =	vmovc v63;
	v2 =	vadd.f32 v60, v59;
	v62 =	vor.u32 v16, v40;
	v58 =	vld [tilespmem:s23+$0x70];
	v12 =	vadd.f32 v43, v26  }
0x12e: {  	v60 =	vor.u32 v63, v34;
	v46 =	vadd.f32 v35, v0;
	v63 =	vmul.f32 v30, v30;
	v48 =	vld.idx.msk [tilespmem:v1+s17+$0x0], $0xffff  }
0x12f: {  	s1 =	simm.s32 $0x5;
	v2 =	vadd.f32 v44, v2;
	v59 =	vadd.f32 v54, v61;
	v26 =	vmul.f32 v35, v35;
	v61 =	vld [tilespmem:s13+$0x40];
	[tilespmem:s13+$0x30] =	vst v12  }
0x130: {  	v0 =	vmul.f32 v36, v36;
	v45 =	vmov s1;
	v54 =	vor.u32 v15, v37;
	v55 =	vld [tilespmem:s22+$0x40]  }
0x131: {  	v30 =	vadd.f32 v36, v30;
	v43 =	vadd.f32 v26, v2;
	v26 =	vld [tilespmem:s13+$0xFFFFFFF0];
	v1 =	vperm.xlane v56, v45  }
0x132: {  	s4 =	simm.s32 $0xA80;
	v9 =	vor.u32 v20, v34;
	v53 =	vadd.f32 v39, v53;
	v35 =	vor.u32 v21, v34;
	v34 =	vld.idx.msk [tilespmem:v62+s17+$0x0], $0xffff  }
0x133: {  	v39 =	vadd.f32 v0, v63;
	v0 =	vor.u32 v17, v40;
	[tilespmem:s13+$0xFFFFFFA0] =	vst v59;
	v2 =	vld [tilespmem:s4+$0x0];
	v36 =	vshll.u32 v1, $0x7  }
0x134: {  	v63 =	vld [tilespmem:s22+$0xFFFFFFB0];
	v45 =	vmul.f32 v42, v42;
	v1 =	vadd.f32 v38, v30;
	v30 =	vor.u32 v13, v36  }
0x135: {  	v56 =	vperm.xlane v56, v32;
	v44 =	vld.idx.msk [tilespmem:v54+s17+$0x0], $0xffff;
	v38 =	vadd.f32 v41, v39;
	v54 =	vadd.f32 v55, v61  }
0x136: {  	s0 =	simm.s32 $0x5A80;
	v32 =	vmul.f32 v49, v49;
	v1 =	vadd.f32 v42, v1;
	v42 =	vadd.f32 v58, v50;
	v58 =	vld [tilespmem:s4+$0xFFFFFF80]  }
0x137: {  	v49 =	vadd.f32 v51, v49;
	v51 =	vmul.f32 v51, v51;
	v61 =	vadd.f32 v54, v34;
	v34 =	vld [tilespmem:s0+$0x0]  }
0x138: {  	v38 =	vadd.f32 v45, v38;
	v45 =	vmul.f32 v47, v47;
	v55 =	vld [tilespmem:s13+$0x50];
	v54 =	vshll.u32 v56, $0x7  }
0x139: {  	v1 =	vadd.f32 v47, v1;
	v30 =	vld.idx.msk [tilespmem:v30+s17+$0x0], $0xffff;
	v47 =	vor.u32 v13, v54;
	[tilespmem:s13+$0x40] =	vst v61  }
0x13a: {  	v19 =	vmov v15;
	v41 =	vmul.f32 v52, v52;
	v38 =	vadd.f32 v45, v38;
	v56 =	vld [tilespmem:s22+$0x50]  }
0x13b: {  	v15 =	vor.u32 v16, v37;
	v32 =	vadd.f32 v51, v32;
	v1 =	vadd.f32 v52, v1;
	v31 =	vld.idx.msk [tilespmem:v0+s17+$0x0], $0xffff  }
0x13c: {  	[tilespmem:s18+$0xFFFFFFC0] =	vst v53;
	v45 =	vmul.f32 v57, v57;
	v38 =	vadd.f32 v41, v38;
	v0 =	vld [tilespmem:s0+$0xFFFFFF80];
	v2 =	vadd.f32 v34, v2  }
0x13d: {  	v48 =	vadd.f32 v42, v48;
	v52 =	vadd.s32 s3, v14;
	v1 =	vadd.f32 v57, v1;
	v57 =	vld.idx.msk [tilespmem:v60+s17+$0x0], $0xffff  }
0x13e: {  	v60 =	vor.u32 v3, v36;
	v42 =	vadd.f32 v2, v30;
	v2 =	vadd.f32 v45, v38;
	v38 =	vld.idx.msk [tilespmem:v47+s17+$0x0], $0xffff  }
0x13f: {  	v18 =	vmovc v16;
	v16 =	vmovc v14;
	v62 =	vld [tilespmem:s23+$0xFFFFFFD0];
	v49 =	vadd.f32 v59, v49;
	v47 =	vadd.s32 s3, v5;
	v30 =	vadd.f32 v56, v55  }
0x140: {  	v51 =	vld [tilespmem:s4+$0x10];
	v63 =	vadd.f32 v63, v22;
	[tilespmem:s18+$0x70] =	vst v48;
	v1 =	vadd.f32 v48, v1;
	v56 =	vmul.f32 v48, v48  }
0x141: {  	v39 =	vor.u32 v17, v37;
	v55 =	vld [tilespmem:s13+$0x60];
	v0 =	vadd.f32 v0, v58;
	[tilespmem:s4+$0x0] =	vst v42;
	v14 =	vadd.f32 v30, v31  }
0x142: {  	[tilespmem:v52+s29+$0x0] =	vst.idx.msk $0xffff, v1;
	v48 =	vor.u32 v20, v40;
	v1 =	vld [tilespmem:s0+$0x10];
	v2 =	vadd.f32 v56, v2  }
0x143: {  	v52 =	vld.idx.msk [tilespmem:v60+s17+$0x0], $0xffff;
	v56 =	vor.u32 v3, v54;
	[tilespmem:s13+$0x50] =	vst v14;
	v45 =	vadd.f32 v0, v38  }
0x144: {  	v44 =	vadd.f32 v63, v44;
	v41 =	vmul.f32 v59, v59;
	[tilespmem:v47+s29+$0x0] =	vst.idx.msk $0xffff, v2;
	v58 =	vld [tilespmem:s22+$0x60]  }
0x145: {  	v63 =	vor.u32 v4, v36;
	v59 =	vor.u32 v4, v54;
	v50 =	vor.u32 v19, v54;
	v47 =	vld [tilespmem:s4+$0xFFFFFF90];
	[tilespmem:s4+$0xFFFFFF80] =	vst v45  }
0x146: {  	v41 =	vadd.f32 v41, v32;
	v34 =	vor.u32 v20, v37;
	v60 =	vmul.f32 v53, v53;
	v32 =	vld [tilespmem:s0+$0xFFFFFF90]  }
0x147: {  	v40 =	vor.u32 v21, v40;
	v30 =	vor.u32 v21, v37;
	v48 =	vld.idx.msk [tilespmem:v48+s17+$0x0], $0xffff;
	v1 =	vadd.f32 v1, v51  }
0x148: {  	v53 =	vadd.f32 v53, v46;
	v37 =	vor.u32 v17, v54;
	v43 =	vadd.f32 v60, v43;
	v56 =	vld.idx.msk [tilespmem:v56+s17+$0x0], $0xffff  }
0x149: {  	v60 =	vld [tilespmem:s4+$0xFFFFFFA0];
	v0 =	vmul.f32 v10, v10;
	v51 =	vadd.f32 v1, v52;
	v1 =	vadd.f32 v58, v55  }
0x14a: {  	v52 =	vld [tilespmem:s4+$0xFFFFFFB0];
	v55 =	vadd.f32 v62, v7;
	v62 =	vmul.f32 v6, v6;
	v7 =	vadd.f32 v44, v49  }
0x14b: {  	v38 =	vor.u32 v18, v54;
	v58 =	vld [tilespmem:s13+$0x70];
	v6 =	vadd.f32 v10, v6;
	v32 =	vadd.f32 v32, v47  }
0x14c: {  	v10 =	vmul.f32 v11, v11;
	[tilespmem:s4+$0x10] =	vst v51;
	v31 =	vadd.f32 v1, v48;
	v1 =	vld [tilespmem:s4+$0x20];
	v0 =	vadd.f32 v0, v62  }
0x14d: {  	v48 =	vmul.f32 v44, v44;
	v2 =	vld [tilespmem:s0+$0x20];
	v55 =	vadd.f32 v55, v57;
	v56 =	vadd.f32 v32, v56  }
0x14e: {  	v57 =	vld.idx.msk [tilespmem:v63+s17+$0x0], $0xffff;
	[tilespmem:s13+$0x60] =	vst v31;
	v32 =	vadd.f32 v11, v6;
	v0 =	vadd.f32 v10, v0  }
0x14f: {  	[tilespmem:s13+$0xFFFFFFB0] =	vst v44;
	v11 =	vmul.f32 v12, v12;
	v49 =	vadd.f32 v48, v41;
	v10 =	vmul.f32 v55, v55;
	v44 =	vld [tilespmem:s22+$0x70]  }
0x150: {  	v47 =	vadd.f32 v55, v53;
	v53 =	vld.idx.msk [tilespmem:v40+s17+$0x0], $0xffff;
	[tilespmem:s4+$0xFFFFFF90] =	vst v56;
	v40 =	vadd.f32 v12, v32  }
0x151: {  	v0 =	vadd.f32 v11, v0;
	v11 =	vmul.f32 v61, v61;
	v41 =	vadd.f32 v10, v43;
	v10 =	vld [tilespmem:s0+$0xFFFFFFA0]  }
0x152: {  	v6 =	vld [tilespmem:s22+$0xFFFFFFC0];
	v63 =	vadd.f32 v56, v45;
	v45 =	vmul.f32 v45, v45;
	v2 =	vadd.f32 v2, v1  }
0x153: {  	v46 =	vld.idx.msk [tilespmem:v59+s17+$0x0], $0xffff;
	v61 =	vadd.f32 v61, v40;
	v1 =	vadd.f32 v11, v0;
	v0 =	vmul.f32 v14, v14  }
0x154: {  	v48 =	vld [tilespmem:s4+$0xFFFFFFD0];
	v59 =	vor.u32 v19, v36;
	v43 =	vadd.f32 v2, v57;
	v44 =	vadd.f32 v44, v58  }
0x155: {  	[tilespmem:s18+$0xFFFFFFD0] =	vst v55;
	v40 =	vld [tilespmem:s4+$0xFFFFFFC0];
	v11 =	vadd.f32 v14, v61;
	v61 =	vadd.s32 s8, v16;
	v0 =	vadd.f32 v0, v1  }
0x156: {  	v57 =	vld.idx.msk [tilespmem:v15+s17+$0x0], $0xffff;
	v1 =	vmul.f32 v31, v31;
	v44 =	vadd.f32 v44, v53;
	v10 =	vadd.f32 v10, v60  }
0x157: {  	v55 =	vmul.f32 v56, v56;
	v56 =	vadd.s32 s8, v5;
	[tilespmem:s4+$0x20] =	vst v43;
	v60 =	vld [tilespmem:s4+$0x30];
	v31 =	vadd.f32 v31, v11  }
0x158: {  	v62 =	vld [tilespmem:s0+$0x30];
	v2 =	vadd.f32 v1, v0;
	v1 =	vmul.f32 v44, v44;
	v46 =	vadd.f32 v10, v46  }
0x159: {  	v32 =	vor.u32 v20, v54;
	v58 =	vld.idx.msk [tilespmem:v59+s17+$0x0], $0xffff;
	v11 =	vadd.f32 v44, v31;
	v10 =	vadd.f32 v6, v8  }
0x15a: {  	v22 =	vmovc v5;
	v45 =	vadd.f32 v55, v45;
	v15 =	vmov v4;
	v0 =	vld [tilespmem:s23+$0xFFFFFFE0];
	[tilespmem:s13+$0x70] =	vst v44;
	v1 =	vadd.f32 v1, v2  }
0x15b: {  	s2 =	simm.s32 $0x6;
	v14 =	vmov v3;
	v53 =	vld [tilespmem:s4+$0xFFFFFFE0];
	v2 =	vmul.f32 v46, v46;
	[tilespmem:v61+s29+$0x0] =	vst.idx.msk $0xffff, v11;
	v11 =	vadd.f32 v10, v57  }
0x15c: {  	s8 =	sand.u32 $0x70, s2;
	v31 =	vor.u32 v21, v54;
	v54 =	vadd.f32 v46, v63;
	v63 =	vld.idx.msk [tilespmem:v9+s17+$0x0], $0xffff;
	[tilespmem:v56+s29+$0x0] =	vst.idx.msk $0xffff, v1  }
0x15d: {  	v59 =	vld [tilespmem:s8+$0x600];
	[tilespmem:s4+$0xFFFFFFA0] =	vst v46;
	v57 =	vadd.f32 v2, v45;
	v2 =	vadd.f32 v62, v60;
	v62 =	vmul.f32 v11, v11  }
0x15e: {  	s5 =	simm.s32 $0x8;
	s3 =	simm.s32 $0xA80;
	v44 =	vld [tilespmem:s4+$0xFFFFFFF0];
	v1 =	vor.u32 v18, v36;
	[tilespmem:s13+$0xFFFFFFC0] =	vst v11;
	v56 =	vadd.f32 v11, v7;
	v45 =	vmovc v42;
	v46 =	vmov v51  }
.LBB2_3:
0x15f: {  	v60 =	vmov v51;
	v61 =	vmov v42  }
0x160: {  	p0 =	slt.u32 s5, $0x4E;
	v58 =	vadd.f32 v2, v58;
	v0 =	vadd.f32 v0, v29;
	v29 =	vmov v28;
	v42 =	vld [tilespmem:s0+$0xFFFFFFB0]  }
0x161: {  	v51 =	vadd.f32 v62, v49;
	v28 =	vmov v53;
	v2 =	vld.idx.msk [tilespmem:v50+s17+$0x0], $0xffff  }
0x162: {  	s7 =	sand.u32 $0xE, s2;
	s6 =	sadd.s32 $0x1, s2;
	[tilespmem:s4+$0x30] =	vst v58;
	v49 =	vld [tilespmem:s4+$0x40]  }
0x163: {  	v53 =	vmov s6;
	v50 =	vmov s7;
	v0 =	vadd.f32 v0, v63;
	v55 =	vld [tilespmem:s0+$0x40]  }
0x164: {  	v50 =	vperm.xlane v59, v50;
	v53 =	vperm.xlane v59, v53;
	v1 =	vld.idx.msk [tilespmem:v1+s17+$0x0], $0xffff  }
0x165: {  	v3 =	vadd.f32 v0, v47;
	v42 =	vadd.f32 v42, v52;
	v52 =	vld [tilespmem:s22+$0xFFFFFFD0];
	[tilespmem:s18+$0xFFFFFFE0] =	vst v0;
	v0 =	vmul.f32 v0, v0  }
0x166: {  	v47 =	vshll.u32 v50, $0x7;
	v4 =	vshll.u32 v53, $0x7;
	v5 =	vld.idx.msk [tilespmem:v39+s17+$0x0], $0xffff;
	v39 =	vmov v37  }
0x167: {  	v6 =	vor.u32 v13, v47;
	v7 =	vor.u32 v14, v47;
	v8 =	vor.u32 v13, v4;
	v9 =	vld [tilespmem:s23+$0xFFFFFFF0];
	s23 =	smov.u32 s22;
	s22 =	smov.u32 s0  }
0x168: {  	v62 =	vor.u32 v15, v47;
	v50 =	vor.u32 v19, v47;
	v49 =	vadd.f32 v55, v49;
	v10 =	vld.idx.msk [tilespmem:v35+s17+$0x0], $0xffff  }
0x169: {  	s4 =	sadd.s32 $0x100, s4;
	v53 =	vor.u32 v18, v47;
	v2 =	vadd.f32 v42, v2;
	v42 =	vor.u32 v17, v36;
	v35 =	vmovc v30;
	v11 =	vld [tilespmem:s3+$0x50]  }
0x16a: {  	v37 =	vor.u32 v17, v47;
	s0 =	sadd.s32 $0x100, s0;
	v30 =	vmovc v31;
	v12 =	vld [tilespmem:s4+$0x0];
	v63 =	vadd.f32 v49, v1;
	v1 =	vadd.f32 v52, v33  }
0x16b: {  	v59 =	vor.u32 v20, v47;
	v31 =	vor.u32 v21, v47;
	v47 =	vmul.f32 v2, v2;
	v52 =	vld [tilespmem:s0+$0x0];
	[tilespmem:s3+$0xFFFFFFB0] =	vst v2  }
0x16c: {  	v55 =	vadd.f32 v2, v54;
	v33 =	vmov v48;
	v8 =	vld.idx.msk [tilespmem:v8+s17+$0x0], $0xffff;
	[tilespmem:s3+$0x40] =	vst v63;
	v1 =	vadd.f32 v1, v5  }
0x16d: {  	v49 =	vadd.f32 v47, v57;
	v5 =	vadd.f32 v9, v27;
	v27 =	vmovc v26;
	v26 =	vmov v44;
	v2 =	vld [tilespmem:s22+$0x50]  }
0x16e: {  	v44 =	vadd.s32 s19, v16;
	v9 =	vld.idx.msk [tilespmem:v42+s17+$0x0], $0xffff;
	[tilespmem:s13+$0xFFFFFFD0] =	vst v1;
	v47 =	vadd.f32 v1, v56;
	v1 =	vmul.f32 v1, v1  }
0x16f: {  	v0 =	vadd.f32 v0, v41;
	v5 =	vadd.f32 v5, v10;
	v48 =	vld [tilespmem:s4+$0xFFFFFF80]  }
0x170: {  	v10 =	vld [tilespmem:s0+$0xFFFFFF80];
	v12 =	vadd.f32 v52, v12;
	v41 =	vadd.f32 v1, v51;
	v1 =	vadd.s32 s19, v22;
	s19 =	smov.u32 s12;
	s12 =	smov.u32 s20;
	s20 =	smov.u32 s2  }
0x171: {  	v51 =	vor.u32 v14, v4;
	v3 =	vadd.f32 v5, v3;
	v52 =	vmul.f32 v5, v5;
	s2 =	smov.u32 s5;
	v6 =	vld.idx.msk [tilespmem:v6+s17+$0x0], $0xffff  }
0x172: {  	v54 =	vld [tilespmem:s4+$0xFFFFFF90];
	v42 =	vadd.f32 v12, v8;
	v2 =	vadd.f32 v2, v11;
	[tilespmem:s18+$0xFFFFFFF0] =	vst v5;
	s18 =	smov.u32 s13;
	s13 =	smov.u32 s3;
	s3 =	smov.u32 s4  }
0x173: {  	v5 =	vor.u32 v20, v36;
	v0 =	vadd.f32 v52, v0;
	v8 =	vld [tilespmem:s13+$0x60];
	[tilespmem:v44+s29+$0x0] =	vst.idx.msk $0xffff, v3  }
0x174: {  	[tilespmem:s4+$0x0] =	vst v42;
	v3 =	vld [tilespmem:s4+$0x10];
	v2 =	vadd.f32 v2, v9  }
0x175: {  	v9 =	vadd.f32 v10, v48;
	v10 =	vld [tilespmem:s0+$0x10];
	[tilespmem:v1+s29+$0x0] =	vst.idx.msk $0xffff, v0  }
0x176: {  	v0 =	vld.idx.msk [tilespmem:v51+s17+$0x0], $0xffff;
	[tilespmem:s13+$0x50] =	vst v2  }
0x177: {  	v1 =	vadd.f32 v9, v6;
	v6 =	vld [tilespmem:s22+$0x60]  }
0x178: {  	v5 =	vld.idx.msk [tilespmem:v5+s17+$0x0], $0xffff  }
0x179: {  	[tilespmem:s4+$0xFFFFFF80] =	vst v1;
	v9 =	vmul.f32 v1, v1;
	v11 =	vld [tilespmem:s4+$0xFFFFFFA0]  }
0x17a: {  	v12 =	vld [tilespmem:s0+$0xFFFFFF90];
	v3 =	vadd.f32 v10, v3;
	v10 =	vor.u32 v15, v4  }
0x17b: {  	v7 =	vld.idx.msk [tilespmem:v7+s17+$0x0], $0xffff  }
0x17c: {  	v52 =	vld [tilespmem:s4+$0xFFFFFFB0];
	v51 =	vadd.f32 v3, v0;
	v0 =	vadd.f32 v6, v8  }
0x17d: {  	v3 =	vor.u32 v21, v36;
	v36 =	vmov v4;
	v6 =	vld [tilespmem:s13+$0x70]  }
0x17e: {  	v44 =	vmul.f32 v60, v46;
	v8 =	vmul.f32 v61, v45;
	[tilespmem:s4+$0x10] =	vst v51;
	v4 =	vld [tilespmem:s4+$0x20];
	v0 =	vadd.f32 v0, v5  }
0x17f: {  	v5 =	vadd.f32 v12, v54;
	v10 =	vld.idx.msk [tilespmem:v10+s17+$0x0], $0xffff;
	v12 =	vadd.f32 v46, v45;
	v45 =	vmovc v42;
	v46 =	vmov v51  }
0x180: {  	v8 =	vadd.f32 v44, v8;
	v44 =	vmul.f32 v43, v43;
	v48 =	vld [tilespmem:s0+$0x20];
	[tilespmem:s13+$0x60] =	vst v0  }
0x181: {  	v5 =	vadd.f32 v5, v7;
	v7 =	vadd.f32 v43, v12;
	v12 =	vld [tilespmem:s22+$0x70]  }
0x182: {  	v8 =	vadd.f32 v44, v8;
	v43 =	vmul.f32 v58, v58;
	v3 =	vld.idx.msk [tilespmem:v3+s17+$0x0], $0xffff  }
0x183: {  	[tilespmem:s4+$0xFFFFFF90] =	vst v5;
	v1 =	vadd.f32 v5, v1;
	v5 =	vmul.f32 v5, v5;
	v44 =	vld [tilespmem:s22+$0xFFFFFFC0];
	v7 =	vadd.f32 v58, v7  }
0x184: {  	v8 =	vadd.f32 v43, v8;
	v43 =	vmul.f32 v63, v63;
	v54 =	vld [tilespmem:s0+$0xFFFFFFA0]  }
0x185: {  	v57 =	vor.u32 v19, v36;
	v56 =	vld.idx.msk [tilespmem:v62+s17+$0x0], $0xffff;
	v4 =	vadd.f32 v48, v4;
	v7 =	vadd.f32 v63, v7  }
0x186: {  	v58 =	vmul.f32 v2, v2;
	v8 =	vadd.f32 v43, v8;
	v60 =	vld [tilespmem:s4+$0xFFFFFFC0];
	v6 =	vadd.f32 v12, v6  }
0x187: {  	v43 =	vadd.f32 v4, v10;
	v4 =	vld.idx.msk [tilespmem:v38+s17+$0x0], $0xffff;
	v2 =	vadd.f32 v2, v7;
	v7 =	vadd.s32 s1, v16;
	v38 =	vmovc v53  }
0x188: {  	v8 =	vadd.f32 v58, v8;
	v10 =	vmul.f32 v0, v0;
	v48 =	vld [tilespmem:s4+$0xFFFFFFD0];
	v3 =	vadd.f32 v6, v3  }
0x189: {  	v6 =	vadd.f32 v54, v11;
	[tilespmem:s4+$0x20] =	vst v43;
	v11 =	vld [tilespmem:s4+$0x30];
	v0 =	vadd.f32 v0, v2;
	v2 =	vadd.s32 s1, v22;
	s1 =	smov.u32 s6  }
0x18a: {  	v44 =	vadd.f32 v44, v40;
	v8 =	vadd.f32 v10, v8;
	v12 =	vld [tilespmem:s0+$0x30];
	v10 =	vmul.f32 v3, v3  }
0x18b: {  	v6 =	vadd.f32 v6, v56;
	v58 =	vld.idx.msk [tilespmem:v57+s17+$0x0], $0xffff;
	v54 =	vadd.f32 v3, v0;
	v40 =	vmov v60  }
.Ltmp2:
0x18c: {  	v5 =	vadd.f32 v5, v9;
	[tilespmem:s13+$0x70] =	vst v3;
	v3 =	vadd.f32 v10, v8;
	v0 =	vld [tilespmem:s23+$0xFFFFFFE0];
	(pc) =	sbr.rel @p0 .LBB2_3-.Ltmp2, $4  }
0x18d: {  	v4 =	vadd.f32 v44, v4;
	v8 =	vmul.f32 v6, v6;
	v53 =	vld [tilespmem:s4+$0xFFFFFFE0];
	[tilespmem:v7+s29+$0x0] =	vst.idx.msk $0xffff, v54  }
0x18e: {  	v54 =	vadd.f32 v6, v1;
	[tilespmem:v2+s29+$0x0] =	vst.idx.msk $0xffff, v3;
	v63 =	vld.idx.msk [tilespmem:v34+s17+$0x0], $0xffff;
	v34 =	vmov v32;
	v32 =	vmov v59  }
0x18f: {  	s6 =	sand.u32 $0x70, s5;
	v62 =	vmul.f32 v4, v4;
	[tilespmem:s4+$0xFFFFFFA0] =	vst v6;
	v57 =	vadd.f32 v8, v5;
	v44 =	vld [tilespmem:s4+$0xFFFFFFF0];
	v2 =	vadd.f32 v12, v11  }
0x190: {  	s5 =	sadd.s32 $0x2, s5;
	v1 =	vor.u32 v18, v36;
	v56 =	vadd.f32 v4, v55;
	v59 =	vld [tilespmem:s6+$0x600];
	[tilespmem:s13+$0xFFFFFFC0] =	vst v4  }
0x191: {  	_ =	sdelay $0x1  }
0x192: {  	s6 =	sadd.s32 $0x1, s2  }
0x193: {  	v3 =	vmov s6  }
0x194: {  	v3 =	vperm.xlane v59, v3;
	_ =	sdelay $0x1  }
0x195: {  	v5 =	vld [tilespmem:s0+$0xFFFFFFB0];
	v55 =	vshll.u32 v3, $0x7  }
0x196: {  	v3 =	vor.u32 v13, v55  }
0x197: {  	s5 =	sadd.s32 $0x100, s4  }
0x198: {  	s7 =	sadd.s32 $0x100, s0;
	v4 =	vld [tilespmem:s5+$0x0]  }
0x199: {  	v60 =	vadd.f32 v2, v58;
	v2 =	vld [tilespmem:s7+$0x0]  }
0x19a: {  	[tilespmem:$0x1FEB0] =	vst v5  }
0x19b: {  	v3 =	vld.idx.msk [tilespmem:v3+s17+$0x0], $0xffff;
	_ =	sdelay $0x2  }
0x19c: {  	v6 =	vld [tilespmem:s4+$0x40];
	v2 =	vadd.f32 v2, v4  }
0x19d: {  	s8 =	sand.u32 $0xE, s2;
	v50 =	vld.idx.msk [tilespmem:v50+s17+$0x0], $0xffff  }
0x19e: {  	v7 =	vmov s8;
	[tilespmem:s4+$0x30] =	vst v60;
	v8 =	vld [tilespmem:s22+$0xFFFFFFD0];
	v4 =	vadd.f32 v2, v3  }
0x19f: {  	v7 =	vperm.xlane v59, v7;
	v9 =	vld [tilespmem:s0+$0x40];
	v59 =	vor.u32 v14, v55  }
0x1a0: {  	v1 =	vld.idx.msk [tilespmem:v1+s17+$0x0], $0xffff;
	[tilespmem:$0x1FEC0] =	vst v4  }
0x1a1: {  	v58 =	vshll.u32 v7, $0x7;
	[tilespmem:s5+$0x0] =	vst v4;
	v10 =	vld [tilespmem:s5+$0x10]  }
0x1a2: {  	v2 =	vor.u32 v13, v58;
	v11 =	vld [tilespmem:s7+$0x10]  }
0x1a3: {  	v3 =	vld [tilespmem:s5+$0xFFFFFF80]  }
0x1a4: {  	v6 =	vadd.f32 v9, v6;
	v7 =	vld.idx.msk [tilespmem:v59+s17+$0x0], $0xffff  }
0x1a5: {  	v9 =	vld [tilespmem:s7+$0xFFFFFF80]  }
0x1a6: {  	v12 =	vor.u32 v17, v36;
	v5 =	vadd.f32 v6, v1  }
0x1a7: {  	v2 =	vld.idx.msk [tilespmem:v2+s17+$0x0], $0xffff;
	v10 =	vadd.f32 v11, v10  }
0x1a8: {  	v6 =	vld [tilespmem:s3+$0x50];
	[tilespmem:s3+$0x40] =	vst v5  }
0x1a9: {  	v61 =	vld [tilespmem:s0+$0x50];
	v1 =	vadd.f32 v10, v7  }
0x1aa: {  	v59 =	vld.idx.msk [tilespmem:v39+s17+$0x0], $0xffff;
	v3 =	vadd.f32 v9, v3  }
0x1ab: {  	v9 =	vld.idx.msk [tilespmem:v12+s17+$0x0], $0xffff;
	v12 =	vor.u32 v15, v55;
	[tilespmem:$0x1FED0] =	vst v1  }
0x1ac: {  	v4 =	vadd.f32 v3, v2;
	v7 =	vor.u32 v14, v58;
	v10 =	vld [tilespmem:s5+$0xFFFFFF90]  }
0x1ad: {  	[tilespmem:s5+$0x10] =	vst v1;
	v3 =	vld [tilespmem:s5+$0x20]  }
0x1ae: {  	v0 =	vadd.f32 v0, v29;
	v6 =	vadd.f32 v61, v6;
	v61 =	vor.u32 v20, v36;
	[tilespmem:s5+$0xFFFFFF80] =	vst v4;
	v29 =	vld [tilespmem:s7+$0x20]  }
0x1af: {  	v39 =	vld [tilespmem:s7+$0xFFFFFF90]  }
0x1b0: {  	v6 =	vadd.f32 v6, v9;
	v12 =	vld.idx.msk [tilespmem:v12+s17+$0x0], $0xffff  }
0x1b1: {  	v1 =	vadd.f32 v0, v63;
	v7 =	vld.idx.msk [tilespmem:v7+s17+$0x0], $0xffff  }
0x1b2: {  	v9 =	vld [tilespmem:s3+$0x60];
	[tilespmem:s3+$0x50] =	vst v6  }
0x1b3: {  	[tilespmem:s18+$0xFFFFFFE0] =	vst v1;
	v11 =	vld.idx.msk [tilespmem:v61+s17+$0x0], $0xffff;
	v3 =	vadd.f32 v29, v3  }
0x1b4: {  	v63 =	vld [tilespmem:s23+$0xFFFFFFF0];
	v10 =	vadd.f32 v39, v10  }
0x1b5: {  	v29 =	vld [tilespmem:s0+$0x60];
	v39 =	vadd.f32 v3, v12  }
0x1b6: {  	v61 =	vor.u32 v19, v55;
	v3 =	vld [tilespmem:s5+$0xFFFFFFA0];
	v7 =	vadd.f32 v10, v7  }
0x1b7: {  	v12 =	vor.u32 v15, v58;
	v10 =	vld [tilespmem:s5+$0x30];
	[tilespmem:s5+$0x20] =	vst v39  }
0x1b8: {  	[tilespmem:s5+$0xFFFFFF90] =	vst v7;
	v0 =	vld [tilespmem:s7+$0x30]  }
0x1b9: {  	v14 =	vld [tilespmem:$0x1FEB0]  }
0x1ba: {  	v2 =	vld [tilespmem:s7+$0xFFFFFFA0]  }
0x1bb: {  	v9 =	vadd.f32 v29, v9;
	v29 =	vld.idx.msk [tilespmem:v61+s17+$0x0], $0xffff  }
0x1bc: {  	v61 =	vor.u32 v21, v36;
	v12 =	vld.idx.msk [tilespmem:v12+s17+$0x0], $0xffff  }
0x1bd: {  	v27 =	vadd.f32 v63, v27;
	v63 =	vmul.f32 v42, v45;
	v42 =	vld [tilespmem:s5+$0xFFFFFFC0];
	v9 =	vadd.f32 v9, v11  }
0x1be: {  	v11 =	vld.idx.msk [tilespmem:v35+s17+$0x0], $0xffff;
	v52 =	vadd.f32 v14, v52;
	v0 =	vadd.f32 v0, v10  }
0x1bf: {  	v8 =	vadd.f32 v8, v33;
	v10 =	vld [tilespmem:s3+$0x70];
	v2 =	vadd.f32 v2, v3  }
0x1c0: {  	[tilespmem:s3+$0x60] =	vst v9;
	v35 =	vadd.f32 v52, v50;
	v50 =	vld [tilespmem:s5+$0xFFFFFFB0];
	v52 =	vor.u32 v18, v55;
	v33 =	vadd.f32 v0, v29  }
0x1c1: {  	v36 =	vor.u32 v19, v58;
	v29 =	vld.idx.msk [tilespmem:v61+s17+$0x0], $0xffff;
	v2 =	vadd.f32 v2, v12  }
0x1c2: {  	v12 =	vadd.f32 v1, v47;
	v1 =	vmul.f32 v1, v1;
	v47 =	vld [tilespmem:s5+$0x40];
	[tilespmem:s5+$0x30] =	vst v33  }
0x1c3: {  	v8 =	vadd.f32 v8, v59;
	v3 =	vadd.f32 v62, v49;
	[tilespmem:s5+$0xFFFFFFA0] =	vst v2;
	v62 =	vld [tilespmem:s7+$0x40]  }
0x1c4: {  	v0 =	vmul.f32 v35, v35;
	v1 =	vadd.f32 v1, v41;
	v41 =	vld [tilespmem:s7+$0xFFFFFFB0]  }
0x1c5: {  	v61 =	vmul.f32 v8, v8;
	v11 =	vadd.f32 v27, v11;
	v54 =	vadd.f32 v35, v54;
	v27 =	vld.idx.msk [tilespmem:v52+s17+$0x0], $0xffff  }
0x1c6: {  	[tilespmem:s3+$0xFFFFFFB0] =	vst v35;
	v36 =	vld.idx.msk [tilespmem:v36+s17+$0x0], $0xffff;
	v0 =	vadd.f32 v0, v57;
	v57 =	vmul.f32 v51, v46  }
0x1c7: {  	v3 =	vadd.f32 v61, v3;
	v61 =	vadd.f32 v46, v45;
	v45 =	vor.u32 v17, v55;
	v46 =	vld [tilespmem:s0+$0xFFFFFFC0]  }
0x1c8: {  	[tilespmem:s13+$0xFFFFFFD0] =	vst v8;
	v49 =	vld [tilespmem:s0+$0x70];
	v35 =	vadd.f32 v57, v63;
	v47 =	vadd.f32 v62, v47;
	v62 =	vmul.f32 v43, v43  }
0x1c9: {  	v38 =	vld.idx.msk [tilespmem:v38+s17+$0x0], $0xffff;
	v51 =	vor.u32 v18, v58;
	v43 =	vadd.f32 v43, v61;
	v41 =	vadd.f32 v41, v50  }
0x1ca: {  	v34 =	vld.idx.msk [tilespmem:v34+s17+$0x0], $0xffff;
	v63 =	vmul.f32 v11, v11;
	v27 =	vadd.f32 v47, v27;
	v35 =	vadd.f32 v62, v35  }
0x1cb: {  	v61 =	vld [tilespmem:s22+$0xFFFFFFE0];
	v62 =	vmul.f32 v60, v60;
	v43 =	vadd.f32 v60, v43;
	v36 =	vadd.f32 v41, v36  }
0x1cc: {  	v1 =	vadd.f32 v63, v1;
	v40 =	vadd.f32 v46, v40;
	v41 =	vld [tilespmem:s5+$0x50];
	[tilespmem:s5+$0x40] =	vst v27  }
0x1cd: {  	v63 =	vmul.f32 v5, v5;
	v35 =	vadd.f32 v62, v35;
	v5 =	vadd.f32 v5, v43;
	[tilespmem:s5+$0xFFFFFFB0] =	vst v36;
	v43 =	vld [tilespmem:s7+$0x50]  }
0x1ce: {  	v10 =	vadd.f32 v49, v10;
	v38 =	vadd.f32 v40, v38;
	v60 =	vld [tilespmem:s7+$0xFFFFFFC0]  }
0x1cf: {  	v59 =	vmul.f32 v6, v6;
	v45 =	vld.idx.msk [tilespmem:v45+s17+$0x0], $0xffff;
	v35 =	vadd.f32 v63, v35;
	v5 =	vadd.f32 v6, v5  }
0x1d0: {  	v10 =	vadd.f32 v10, v29;
	v28 =	vadd.f32 v61, v28;
	v62 =	vld.idx.msk [tilespmem:v51+s17+$0x0], $0xffff;
	[tilespmem:s3+$0xFFFFFFC0] =	vst v38  }
0x1d1: {  	v63 =	vmul.f32 v9, v9;
	v61 =	vadd.f32 v59, v35;
	v5 =	vadd.f32 v9, v5;
	v9 =	vld [tilespmem:s0+$0xFFFFFFD0]  }
0x1d2: {  	v28 =	vadd.f32 v28, v34;
	v47 =	vadd.f32 v43, v41  }
0x1d3: {  	v37 =	vld.idx.msk [tilespmem:v37+s17+$0x0], $0xffff;
	v50 =	vadd.f32 v60, v42;
	v6 =	vadd.f32 v63, v61;
	v61 =	vadd.s32 s19, v16  }
0x1d4: {  	[tilespmem:s18+$0xFFFFFFF0] =	vst v11;
	v29 =	vor.u32 v20, v55;
	v63 =	vadd.s32 s19, v22;
	v34 =	vadd.f32 v47, v45  }
0x1d5: {  	v12 =	vadd.f32 v11, v12;
	[tilespmem:s13+$0xFFFFFFE0] =	vst v28;
	v35 =	vadd.f32 v50, v62  }
0x1d6: {  	v52 =	vadd.f32 v8, v56;
	v40 =	vld [tilespmem:s5+$0xFFFFFFD0];
	v9 =	vadd.f32 v9, v48;
	[tilespmem:s5+$0x50] =	vst v34  }
0x1d7: {  	v8 =	vor.u32 v17, v58;
	v56 =	vadd.f32 v7, v4;
	v4 =	vmul.f32 v4, v4;
	v60 =	vld [tilespmem:s5+$0x60];
	[tilespmem:s5+$0xFFFFFFC0] =	vst v35  }
0x1d8: {  	v7 =	vmul.f32 v7, v7;
	v62 =	vld [tilespmem:s7+$0x60];
	v9 =	vadd.f32 v9, v37;
	[tilespmem:v61+s29+$0x0] =	vst.idx.msk $0xffff, v12  }
0x1d9: {  	v57 =	vor.u32 v20, v58;
	v29 =	vld.idx.msk [tilespmem:v29+s17+$0x0], $0xffff;
	[tilespmem:v63+s29+$0x0] =	vst.idx.msk $0xffff, v1  }
0x1da: {  	v4 =	vadd.f32 v7, v4;
	v59 =	vmul.f32 v2, v2;
	v47 =	vor.u32 v21, v58;
	v58 =	vld [tilespmem:s7+$0xFFFFFFD0];
	[tilespmem:s3+$0xFFFFFFD0] =	vst v9  }
0x1db: {  	v2 =	vadd.f32 v2, v56;
	v56 =	vmul.f32 v38, v38;
	v38 =	vadd.f32 v38, v54;
	v14 =	vld [tilespmem:$0x1FEC0]  }
0x1dc: {  	v51 =	vmul.f32 v10, v10;
	v7 =	vadd.f32 v28, v52;
	v5 =	vadd.f32 v10, v5;
	v15 =	vld [tilespmem:$0x1FED0]  }
0x1dd: {  	v28 =	vmul.f32 v28, v28;
	v4 =	vadd.f32 v59, v4;
	v0 =	vadd.f32 v56, v0;
	v8 =	vld.idx.msk [tilespmem:v8+s17+$0x0], $0xffff  }
0x1de: {  	v43 =	vld [tilespmem:s22+$0xFFFFFFF0];
	v2 =	vadd.f32 v36, v2;
	v60 =	vadd.f32 v62, v60  }
0x1df: {  	v30 =	vld.idx.msk [tilespmem:v30+s17+$0x0], $0xffff;
	v3 =	vadd.f32 v28, v3;
	v6 =	vadd.f32 v51, v6  }
0x1e0: {  	v59 =	vmul.f32 v36, v36;
	v1 =	vld [tilespmem:s5+$0xFFFFFFE0];
	v11 =	vadd.f32 v60, v29;
	v29 =	vadd.f32 v58, v40  }
0x1e1: {  	v63 =	vld [tilespmem:s5+$0x70];
	v62 =	vor.u32 v21, v55;
	v46 =	vmul.f32 v14, v14;
	v48 =	vmul.f32 v15, v15  }
0x1e2: {  	v51 =	vmul.f32 v39, v39;
	v50 =	vld [tilespmem:s0+$0xFFFFFFE0];
	v49 =	vadd.f32 v15, v14;
	v8 =	vadd.f32 v29, v8  }
0x1e3: {  	v12 =	vadd.f32 v43, v26;
	v32 =	vld.idx.msk [tilespmem:v32+s17+$0x0], $0xffff;
	[tilespmem:s5+$0x60] =	vst v11;
	v29 =	vadd.f32 v48, v46  }
0x1e4: {  	v54 =	vadd.s32 s1, v22;
	v4 =	vadd.f32 v59, v4;
	v52 =	vld [tilespmem:s7+$0x70];
	v28 =	vadd.f32 v39, v49;
	[tilespmem:s5+$0xFFFFFFD0] =	vst v8  }
0x1e5: {  	v12 =	vadd.f32 v12, v30;
	v30 =	vmul.f32 v33, v33;
	v29 =	vadd.f32 v51, v29;
	v55 =	vld [tilespmem:s7+$0xFFFFFFE0]  }
0x1e6: {  	v2 =	vadd.f32 v35, v2;
	v61 =	vadd.s32 s1, v16;
	v56 =	vld.idx.msk [tilespmem:v62+s17+$0x0], $0xffff;
	v58 =	vadd.f32 v33, v28  }
0x1e7: {  	v59 =	vld.idx.msk [tilespmem:v57+s17+$0x0], $0xffff;
	v28 =	vadd.f32 v30, v29;
	v29 =	vmul.f32 v27, v27;
	v30 =	vadd.f32 v50, v53  }
0x1e8: {  	v26 =	vadd.f32 v9, v38;
	v9 =	vmul.f32 v9, v9;
	[tilespmem:s3+$0x70] =	vst v10;
	v10 =	vadd.f32 v27, v58  }
0x1e9: {  	v27 =	vadd.f32 v29, v28;
	v28 =	vmul.f32 v34, v34;
	v29 =	vadd.f32 v30, v32  }
0x1ea: {  	v38 =	vmul.f32 v35, v35;
	v30 =	vadd.f32 v52, v63;
	v1 =	vadd.f32 v55, v1  }
0x1eb: {  	v0 =	vadd.f32 v9, v0;
	v60 =	vadd.s32 s12, v16;
	v27 =	vadd.f32 v28, v27;
	[tilespmem:s3+$0xFFFFFFE0] =	vst v29  }
0x1ec: {  	v28 =	vmul.f32 v11, v11;
	v9 =	vadd.f32 v30, v56;
	v30 =	vld [tilespmem:s0+$0xFFFFFFF0];
	v1 =	vadd.f32 v1, v59  }
0x1ed: {  	v7 =	vadd.f32 v12, v7;
	[tilespmem:v61+s29+$0x0] =	vst.idx.msk $0xffff, v5;
	v61 =	vadd.s32 s12, v22;
	v62 =	vmul.f32 v12, v12;
	v63 =	vld [tilespmem:s5+$0xFFFFFFF0]  }
0x1ee: {  	v36 =	vadd.s32 s6, v16;
	v10 =	vadd.f32 v34, v10;
	v34 =	vadd.f32 v28, v27;
	v27 =	vld.idx.msk [tilespmem:v31+s17+$0x0], $0xffff;
	[tilespmem:s5+$0xFFFFFFE0] =	vst v1  }
0x1ef: {  	v4 =	vadd.f32 v38, v4;
	[tilespmem:v54+s29+$0x0] =	vst.idx.msk $0xffff, v6;
	v39 =	vadd.s32 s6, v22;
	v2 =	vadd.f32 v8, v2;
	v28 =	vld [tilespmem:s7+$0xFFFFFFF0]  }
0x1f0: {  	[tilespmem:s13+$0xFFFFFFF0] =	vst v12;
	v3 =	vadd.f32 v62, v3;
	v10 =	vadd.f32 v11, v10;
	v12 =	vmul.f32 v9, v9  }
0x1f1: {  	v8 =	vmul.f32 v8, v8;
	[tilespmem:v60+s29+$0x0] =	vst.idx.msk $0xffff, v7;
	v41 =	vld.idx.msk [tilespmem:v47+s17+$0x0], $0xffff;
	v40 =	vadd.f32 v30, v44  }
0x1f2: {  	v42 =	vadd.s32 s20, v16;
	[tilespmem:v61+s29+$0x0] =	vst.idx.msk $0xffff, v3;
	v37 =	vadd.f32 v9, v10;
	v3 =	vadd.f32 v12, v34  }
0x1f3: {  	[tilespmem:s5+$0x70] =	vst v9;
	v12 =	vadd.f32 v29, v26;
	v26 =	vmul.f32 v29, v29;
	v10 =	vadd.f32 v40, v27  }
0x1f4: {  	v43 =	vadd.s32 s20, v22;
	v4 =	vadd.f32 v8, v4;
	[tilespmem:v36+s29+$0x0] =	vst.idx.msk $0xffff, v37;
	v44 =	vadd.f32 v28, v63  }
0x1f5: {  	v0 =	vadd.f32 v26, v0;
	v45 =	vadd.f32 v10, v12;
	v12 =	vmul.f32 v10, v10  }
0x1f6: {  	v46 =	vadd.s32 s2, v16;
	[tilespmem:v39+s29+$0x0] =	vst.idx.msk $0xffff, v3;
	v3 =	vmul.f32 v1, v1;
	v7 =	vadd.f32 v44, v41  }
0x1f7: {  	v1 =	vadd.f32 v1, v2;
	v2 =	vadd.s32 s2, v22;
	[tilespmem:s3+$0xFFFFFFF0] =	vst v10;
	v0 =	vadd.f32 v12, v0  }
0x1f8: {  	v3 =	vadd.f32 v3, v4;
	[tilespmem:v42+s29+$0x0] =	vst.idx.msk $0xffff, v45;
	v47 =	vmul.f32 v7, v7  }
0x1f9: {  	[tilespmem:v43+s29+$0x0] =	vst.idx.msk $0xffff, v0;
	v0 =	vadd.f32 v7, v1  }
0x1fa: {  	[tilespmem:s5+$0xFFFFFFF0] =	vst v7;
	v1 =	vadd.f32 v47, v3  }
0x1fb: {  	[tilespmem:v46+s29+$0x0] =	vst.idx.msk $0xffff, v0  }
0x1fc: {  	s0 =	simm.s32 $0x0;
	[tilespmem:v2+s29+$0x0] =	vst.idx.msk $0xffff, v1  }
0x1fd: {  	v1 =	vld [tilespmem:s0+$0x1A900]  }
0x1fe: {  	v2 =	vld [tilespmem:s0+$0x1A950]  }
0x1ff: {  	v0 =	vld [tilespmem:s0+$0x1AE00]  }
0x200: {  	v48 =	vld [tilespmem:s0+$0x1A9A0]  }
0x201: {  	v3 =	vld [tilespmem:s0+$0x1AE50]  }
0x202: {  	v5 =	vld [tilespmem:s0+$0x1A9F0]  }
0x203: {  	v6 =	vld [tilespmem:s0+$0x1AEA0];
	v1 =	vadd.f32 v2, v1  }
0x204: {  	v2 =	vld [tilespmem:s0+$0x1AA40]  }
0x205: {  	v7 =	vld [tilespmem:s0+$0x1AEF0];
	v1 =	vadd.f32 v48, v1  }
0x206: {  	v0 =	vadd.f32 v3, v0;
	v3 =	vld [tilespmem:s0+$0x1AA90]  }
0x207: {  	v49 =	vld [tilespmem:s0+$0x1AF40];
	v1 =	vadd.f32 v5, v1  }
0x208: {  	v50 =	vld [tilespmem:s0+$0x1AAE0];
	v0 =	vadd.f32 v6, v0  }
0x209: {  	v51 =	vld [tilespmem:s0+$0x1AF90];
	v1 =	vadd.f32 v2, v1  }
0x20a: {  	v0 =	vadd.f32 v7, v0;
	v2 =	vld [tilespmem:s0+$0x1AB30]  }
0x20b: {  	v52 =	vld [tilespmem:s0+$0x1AFE0];
	v1 =	vadd.f32 v3, v1  }
0x20c: {  	v0 =	vadd.f32 v49, v0;
	v3 =	vld [tilespmem:s0+$0x1AB80]  }
0x20d: {  	v53 =	vld [tilespmem:s0+$0x1B030];
	v1 =	vadd.f32 v50, v1  }
0x20e: {  	v54 =	vld [tilespmem:s0+$0x1ABD0];
	v0 =	vadd.f32 v51, v0  }
0x20f: {  	v55 =	vld [tilespmem:s0+$0x1B080];
	v1 =	vadd.f32 v2, v1  }
0x210: {  	v0 =	vadd.f32 v52, v0;
	v2 =	vld [tilespmem:s0+$0x1AC20]  }
0x211: {  	v56 =	vld [tilespmem:s0+$0x1B0D0];
	v1 =	vadd.f32 v3, v1  }
0x212: {  	v0 =	vadd.f32 v53, v0;
	v3 =	vld [tilespmem:s0+$0x1AC70]  }
0x213: {  	v57 =	vld [tilespmem:s0+$0x1B120];
	v1 =	vadd.f32 v54, v1  }
0x214: {  	v58 =	vld [tilespmem:s0+$0x1ACC0];
	v0 =	vadd.f32 v55, v0  }
0x215: {  	v59 =	vld [tilespmem:s0+$0x1B170];
	v1 =	vadd.f32 v2, v1  }
0x216: {  	v0 =	vadd.f32 v56, v0;
	v2 =	vld [tilespmem:s0+$0x1AD10]  }
0x217: {  	v60 =	vld [tilespmem:s0+$0x1B1C0];
	v1 =	vadd.f32 v3, v1  }
0x218: {  	v0 =	vadd.f32 v57, v0  }
0x219: {  	v61 =	vld [tilespmem:s0+$0x1B210];
	v1 =	vadd.f32 v58, v1  }
0x21a: {  	v3 =	vld [tilespmem:s0+$0x1AD60];
	v62 =	vadd.f32 v59, v0  }
0x21b: {  	v28 =	vld [tilespmem:s0+$0x1ADB0];
	v63 =	vadd.f32 v2, v1  }
0x21c: {  	v0 =	vld [tilespmem:s0+$0x1B260];
	v5 =	vadd.f32 v60, v62  }
0x21d: {  	s1 =	simm.s32 $0x10;
	v26 =	vld [tilespmem:s0+$0x1B2B0]  }
0x21e: {  	v1 =	vld [tilespmem:s1+$0x1AE00];
	v27 =	vadd.f32 v61, v5  }
0x21f: {  	s2 =	simm.s32 $0x80;
	v2 =	vld [tilespmem:s1+$0x1A900];
	v61 =	vmovc v19;
	v62 =	vmovc v18;
	v18 =	vmov v20;
	v29 =	vadd.f32 v3, v63;
	v63 =	vmov v21  }
.LBB2_5:
0x220: {  	p0 =	sne.s32 s2, $0x100;
	v3 =	vld [tilespmem:s1+$0x1A950]  }
0x221: {  	v4 =	vld [tilespmem:s1+$0x1AE50];
	v5 =	vadd.f32 v28, v29;
	v0 =	vadd.f32 v0, v27  }
0x222: {  	v6 =	vld [tilespmem:s1+$0x1A9A0]  }
0x223: {  	v7 =	vld [tilespmem:s1+$0x1A9F0];
	v0 =	vadd.f32 v26, v0;
	v5 =	vmul.f32 $7.812500000e-03, v5  }
0x224: {  	v8 =	vld [tilespmem:s1+$0x1AEA0]  }
0x225: {  	v2 =	vadd.f32 v3, v2;
	v3 =	vld [tilespmem:s1+$0x1AA40];
	v0 =	vmul.f32 $7.812500000e-03, v0;
	v9 =	vmul.f32 v5, v5;
	[tilespmem:s0+$0x1B300] =	vst v5  }
0x226: {  	v1 =	vadd.f32 v4, v1;
	v4 =	vld [tilespmem:s1+$0x1AEF0]  }
0x227: {  	v2 =	vadd.f32 v6, v2;
	v5 =	vld [tilespmem:s1+$0x1AA90];
	v0 =	vsub.f32 v0, v9  }
0x228: {  	v6 =	vld [tilespmem:s1+$0x1AF40]  }
0x229: {  	v2 =	vadd.f32 v7, v2;
	v7 =	vld [tilespmem:s1+$0x1AAE0];
	v1 =	vadd.f32 v8, v1;
	v0 =	vmax.f32 v0, $0.0e+00  }
0x22a: {  	v8 =	vld [tilespmem:s1+$0x1AF90];
	v0 =	vadd.f32 $9.999999960e-13, v0  }
0x22b: {  	v2 =	vadd.f32 v3, v2;
	v3 =	vld [tilespmem:s1+$0x1AB30];
	v1 =	vadd.f32 v4, v1  }
0x22c: {  	v4 =	vld [tilespmem:s1+$0x1AFE0];
	v9 =	vshra.s32 v0, $0x1;
	v0 =	vmul.f32 $5.000000000e-01, v0  }
0x22d: {  	v2 =	vadd.f32 v5, v2;
	v5 =	vld [tilespmem:s1+$0x1AB80];
	v1 =	vadd.f32 v6, v1;
	v6 =	vsub.s32 $0x5F3759DF, v9  }
0x22e: {  	v9 =	vld [tilespmem:s1+$0x1B030];
	v10 =	vmul.f32 v6, v0  }
0x22f: {  	v2 =	vadd.f32 v7, v2;
	v7 =	vld [tilespmem:s1+$0x1ABD0];
	v1 =	vadd.f32 v8, v1  }
0x230: {  	v8 =	vld [tilespmem:s1+$0x1B080];
	v10 =	vmul.f32 v6, v10  }
0x231: {  	v2 =	vadd.f32 v3, v2;
	v3 =	vld [tilespmem:s1+$0x1AC20];
	v1 =	vadd.f32 v4, v1  }
0x232: {  	v4 =	vld [tilespmem:s1+$0x1B0D0];
	v10 =	vsub.f32 $1.500000000e+00, v10  }
0x233: {  	v2 =	vadd.f32 v5, v2;
	v5 =	vld [tilespmem:s1+$0x1AC70];
	v1 =	vadd.f32 v9, v1  }
0x234: {  	v9 =	vld [tilespmem:s1+$0x1B120];
	v6 =	vmul.f32 v6, v10  }
0x235: {  	v2 =	vadd.f32 v7, v2;
	v7 =	vld [tilespmem:s1+$0x1ACC0];
	v1 =	vadd.f32 v8, v1  }
0x236: {  	v8 =	vld [tilespmem:s1+$0x1B170];
	v0 =	vmul.f32 v6, v0  }
0x237: {  	v2 =	vadd.f32 v3, v2;
	v3 =	vld [tilespmem:s1+$0x1AD10];
	v1 =	vadd.f32 v4, v1  }
0x238: {  	v4 =	vld [tilespmem:s1+$0x1B1C0];
	v0 =	vmul.f32 v0, v6  }
0x239: {  	v2 =	vadd.f32 v5, v2;
	v5 =	vld [tilespmem:s1+$0x1AD60];
	v1 =	vadd.f32 v9, v1  }
0x23a: {  	v9 =	vld [tilespmem:s1+$0x1B210];
	v10 =	vsub.f32 $1.500000000e+00, v0  }
.Ltmp3:
0x23b: {  	v2 =	vadd.f32 v7, v2;
	v28 =	vld [tilespmem:s1+$0x1ADB0];
	v1 =	vadd.f32 v8, v1;
	(pc) =	sbr.rel @p0 .LBB2_5-.Ltmp3, $4  }
0x23c: {  	v0 =	vld [tilespmem:s1+$0x1B260];
	v6 =	vmul.f32 v10, v6  }
0x23d: {  	s3 =	sshra.s32 s2, $0x2;
	v3 =	vadd.f32 v3, v2;
	v4 =	vadd.f32 v4, v1;
	v26 =	vld [tilespmem:s1+$0x1B2B0]  }
0x23e: {  	v1 =	vld [tilespmem:s3+$0x1AE00];
	[tilespmem:s0+$0x1B380] =	vst v6;
	s0 =	smov.u32 s1;
	s1 =	smov.u32 s3  }
0x23f: {  	s2 =	sadd.s32 $0x40, s2;
	v2 =	vld [tilespmem:s1+$0x1A900];
	v29 =	vadd.f32 v5, v3;
	v27 =	vadd.f32 v9, v4  }
0x240: {  	v3 =	vld [tilespmem:s1+$0x1A950]  }
0x241: {  	v4 =	vld [tilespmem:s1+$0x1AE50];
	v5 =	vadd.f32 v28, v29  }
0x242: {  	v6 =	vld [tilespmem:s1+$0x1A9A0]  }
0x243: {  	v7 =	vld [tilespmem:s1+$0x1A9F0];
	v5 =	vmul.f32 $7.812500000e-03, v5  }
0x244: {  	v8 =	vld [tilespmem:s1+$0x1AEA0]  }
0x245: {  	v9 =	vld [tilespmem:s1+$0x1AA40];
	v2 =	vadd.f32 v3, v2;
	[tilespmem:s0+$0x1B300] =	vst v5  }
0x246: {  	v3 =	vld [tilespmem:s1+$0x1AEF0]  }
0x247: {  	v1 =	vadd.f32 v4, v1;
	v52 =	vld [tilespmem:s1+$0x1AA90];
	v2 =	vadd.f32 v6, v2  }
0x248: {  	v53 =	vld [tilespmem:s1+$0x1AF40]  }
0x249: {  	v54 =	vld [tilespmem:s1+$0x1AAE0];
	v1 =	vadd.f32 v8, v1;
	v2 =	vadd.f32 v7, v2  }
0x24a: {  	v55 =	vld [tilespmem:s1+$0x1AF90]  }
0x24b: {  	v56 =	vld [tilespmem:s1+$0x1AB30];
	v2 =	vadd.f32 v9, v2;
	v1 =	vadd.f32 v3, v1  }
0x24c: {  	v3 =	vld [tilespmem:s1+$0x1AFE0]  }
0x24d: {  	v57 =	vld [tilespmem:s1+$0x1AB80];
	v2 =	vadd.f32 v52, v2;
	v1 =	vadd.f32 v53, v1  }
0x24e: {  	v58 =	vld [tilespmem:s1+$0x1B030]  }
0x24f: {  	v59 =	vld [tilespmem:s1+$0x1ABD0];
	v2 =	vadd.f32 v54, v2;
	v1 =	vadd.f32 v55, v1  }
0x250: {  	v60 =	vld [tilespmem:s1+$0x1B080]  }
0x251: {  	v32 =	vld [tilespmem:s1+$0x1AC20];
	v2 =	vadd.f32 v56, v2;
	v1 =	vadd.f32 v3, v1  }
0x252: {  	v3 =	vld [tilespmem:s1+$0x1B0D0]  }
0x253: {  	v33 =	vld [tilespmem:s1+$0x1AC70];
	v2 =	vadd.f32 v57, v2;
	v1 =	vadd.f32 v58, v1  }
0x254: {  	v34 =	vld [tilespmem:s1+$0x1B120]  }
0x255: {  	v35 =	vld [tilespmem:s1+$0x1ACC0];
	v2 =	vadd.f32 v59, v2;
	v1 =	vadd.f32 v60, v1  }
0x256: {  	v36 =	vld [tilespmem:s1+$0x1B170]  }
0x257: {  	v37 =	vld [tilespmem:s1+$0x1AD10];
	v2 =	vadd.f32 v32, v2;
	v1 =	vadd.f32 v3, v1  }
0x258: {  	v3 =	vld [tilespmem:s1+$0x1B1C0]  }
0x259: {  	v38 =	vld [tilespmem:s1+$0x1AD60];
	v2 =	vadd.f32 v33, v2;
	v1 =	vadd.f32 v34, v1  }
0x25a: {  	v39 =	vld [tilespmem:s1+$0x1B210]  }
0x25b: {  	v40 =	vld [tilespmem:s1+$0x1ADB0];
	v2 =	vadd.f32 v35, v2;
	v1 =	vadd.f32 v36, v1  }
0x25c: {  	v41 =	vld [tilespmem:s1+$0x1B260]  }
0x25d: {  	v2 =	vadd.f32 v37, v2;
	v1 =	vadd.f32 v3, v1  }
0x25e: {  	v0 =	vadd.f32 v0, v27;
	v3 =	vld [tilespmem:s1+$0x1B2B0]  }
0x25f: {  	v2 =	vadd.f32 v38, v2;
	v1 =	vadd.f32 v39, v1  }
0x260: {  	v0 =	vadd.f32 v26, v0  }
0x261: {  	v2 =	vadd.f32 v40, v2;
	v1 =	vadd.f32 v41, v1  }
0x262: {  	v0 =	vmul.f32 $7.812500000e-03, v0  }
0x263: {  	v42 =	vmul.f32 v5, v5;
	v1 =	vadd.f32 v3, v1;
	v2 =	vmul.f32 $7.812500000e-03, v2;
	_ =	sdelay $0x1  }
0x264: {  	v0 =	vsub.f32 v0, v42;
	v1 =	vmul.f32 $7.812500000e-03, v1;
	v3 =	vmul.f32 v2, v2;
	_ =	sdelay $0x1  }
0x265: {  	v0 =	vmax.f32 v0, $0.0e+00;
	v1 =	vsub.f32 v1, v3  }
0x266: {  	v0 =	vadd.f32 $9.999999960e-13, v0  }
0x267: {  	v1 =	vmax.f32 v1, $0.0e+00  }
0x268: {  	v3 =	vshra.s32 v0, $0x1;
	v0 =	vmul.f32 $5.000000000e-01, v0;
	v1 =	vadd.f32 $9.999999960e-13, v1  }
0x269: {  	v3 =	vsub.s32 $0x5F3759DF, v3  }
0x26a: {  	v43 =	vmul.f32 v3, v0;
	v44 =	vshra.s32 v1, $0x1;
	v1 =	vmul.f32 $5.000000000e-01, v1  }
0x26b: {  	v5 =	vsub.s32 $0x5F3759DF, v44  }
0x26c: {  	v4 =	vmul.f32 v3, v43;
	v45 =	vmul.f32 v5, v1;
	_ =	sdelay $0x1  }
0x26d: {  	v4 =	vsub.f32 $1.500000000e+00, v4;
	v6 =	vmul.f32 v5, v45;
	_ =	sdelay $0x1  }
0x26e: {  	v3 =	vmul.f32 v3, v4;
	v46 =	vsub.f32 $1.500000000e+00, v6;
	_ =	sdelay $0x1  }
0x26f: {  	v0 =	vmul.f32 v3, v0;
	v4 =	vmul.f32 v5, v46;
	_ =	sdelay $0x1  }
0x270: {  	v0 =	vmul.f32 v0, v3;
	v1 =	vmul.f32 v4, v1;
	_ =	sdelay $0x1  }
0x271: {  	v0 =	vsub.f32 $1.500000000e+00, v0;
	v1 =	vmul.f32 v1, v4;
	_ =	sdelay $0x1  }
0x272: {  	v0 =	vmul.f32 v0, v3;
	v1 =	vsub.f32 $1.500000000e+00, v1;
	_ =	sdelay $0x1  }
0x273: {  	[tilespmem:s0+$0x1B380] =	vst v0;
	v0 =	vmul.f32 v1, v4  }
0x274: {  	[tilespmem:s1+$0x1B300] =	vst v2  }
0x275: {  	[tilespmem:s1+$0x1B380] =	vst v0;
	s1 =	simm.s32 $0x0  }
0x276: {  	v15 =	vld [tilespmem:$0x1FEF0];
	s2 =	sand.u32 $0x70, s1  }
0x277: {  	s0 =	simm.s32 $0x880;
	v3 =	vld [tilespmem:s2+$0x1B300]  }
0x278: {  	v0 =	vld [tilespmem:s0+$0xFFFFFF90]  }
0x279: {  	v48 =	vld [tilespmem:s2+$0x1B380]  }
0x27a: {  	v19 =	vld [tilespmem:$0x1FF00];
	s3 =	sand.u32 $0xE, s1  }
0x27b: {  	v20 =	vld [tilespmem:$0x1FF10];
	v50 =	vmov s3  }
0x27c: {  	v21 =	vld [tilespmem:$0x1FF20];
	v10 =	vperm.xlane v3, v50  }
0x27d: {  	v40 =	vld [tilespmem:$0x1FF70]  }
0x27e: {  	v1 =	vld [tilespmem:s0+$0xFFFFFF80];
	v7 =	vperm.xlane v48, v50;
	v0 =	vsub.f32 v0, v10  }
0x27f: {  	v11 =	vld [tilespmem:s0+$0xFFFFFFC0]  }
0x280: {  	s23 =	simm.s32 $0x1;
	v51 =	vld [tilespmem:s0+$0x20];
	v0 =	vmul.f32 v0, v7  }
0x281: {  	v47 =	vld [tilespmem:s0+$0xFFFFFFB0];
	s2 =	sand.u32 $0xF, s23  }
0x282: {  	v2 =	vld [tilespmem:s0+$0xFFFFFFF0];
	v52 =	vmov s2;
	v57 =	vmul.f32 v0, v15  }
0x283: {  	v41 =	vld [tilespmem:$0x1FF80];
	v28 =	vperm.xlane v3, v52;
	v1 =	vsub.f32 v1, v10  }
0x284: {  	v29 =	vld [tilespmem:s0+$0x0];
	v54 =	vsub.f32 v11, v10;
	v11 =	vadd.f32 v57, v40  }
0x285: {  	v49 =	vld [tilespmem:s0+$0xFFFFFFA0];
	v27 =	vperm.xlane v48, v52;
	v26 =	vmul.f32 v1, v7;
	v1 =	vsub.f32 v51, v28  }
0x286: {  	v12 =	vld [tilespmem:s0+$0xFFFFFFE0];
	v4 =	vsub.f32 v47, v10;
	[tilespmem:s0+$0xFFFFFF90] =	vst v11  }
0x287: {  	v2 =	vsub.f32 v2, v10;
	v1 =	vmul.f32 v1, v27;
	v42 =	vld [tilespmem:$0x1FF90]  }
0x288: {  	v4 =	vmul.f32 v4, v7;
	v6 =	vmul.f32 v54, v7;
	v43 =	vld [tilespmem:$0x1FFA0]  }
0x289: {  	v55 =	vld [tilespmem:s0+$0x50];
	v0 =	vmul.f32 v2, v7;
	v2 =	vsub.f32 v29, v28;
	v29 =	vmul.f32 v1, v19  }
0x28a: {  	v3 =	vld [tilespmem:s0+$0xFFFFFFD0];
	v4 =	vmul.f32 v4, v20  }
0x28b: {  	v56 =	vld [tilespmem:s0+$0x30];
	v6 =	vmul.f32 v6, v21;
	v59 =	vadd.f32 v29, v41  }
0x28c: {  	v32 =	vld [tilespmem:s0+$0x40];
	v4 =	vadd.f32 v4, v42  }
0x28d: {  	v37 =	vld [tilespmem:$0x1FF40];
	[tilespmem:s0+$0x20] =	vst v59;
	v6 =	vadd.f32 v6, v43  }
0x28e: {  	v33 =	vld [tilespmem:s0+$0x60];
	v53 =	vsub.f32 v49, v10;
	[tilespmem:s0+$0xFFFFFFB0] =	vst v4  }
0x28f: {  	v3 =	vsub.f32 v3, v10;
	v10 =	vsub.f32 v12, v10;
	v12 =	vld [tilespmem:s0+$0x10];
	[tilespmem:s0+$0xFFFFFFC0] =	vst v6  }
0x290: {  	v22 =	vld [tilespmem:$0x1FF30]  }
0x291: {  	v58 =	vmul.f32 v10, v7;
	v1 =	vld [tilespmem:s0+$0x70]  }
0x292: {  	v60 =	vsub.f32 v56, v28;
	v32 =	vsub.f32 v32, v28  }
0x293: {  	v34 =	vsub.f32 v55, v28;
	v3 =	vmul.f32 v3, v7;
	v5 =	vmul.f32 v58, v37;
	v14 =	vld [tilespmem:$0x1FEE0]  }
0x294: {  	v30 =	vmul.f32 v53, v7;
	v36 =	vmul.f32 v60, v27;
	v31 =	vsub.f32 v12, v28;
	v38 =	vld [tilespmem:$0x1FF50]  }
0x295: {  	s2 =	simm.s32 $0x980;
	v29 =	vmul.f32 v2, v27;
	v2 =	vadd.f32 v5, v24;
	v39 =	vld [tilespmem:$0x1FF60];
	v35 =	vmul.f32 v3, v22  }
.LBB2_7:
0x296: {  	v3 =	vld [tilespmem:s2+$0xFFFFFF90];
	v4 =	vmul.f32 v34, v27;
	v5 =	vsub.f32 v33, v28;
	v1 =	vsub.f32 v1, v28;
	s3 =	smov.u32 s1;
	s1 =	sadd.s32 $0x2, s1  }
0x297: {  	v8 =	vmul.f32 v32, v27;
	s4 =	sand.u32 $0x70, s1;
	v6 =	vld [tilespmem:s2+$0xFFFFFF80];
	p0 =	slt.u32 s1, $0x4E;
	v7 =	vadd.f32 v35, v23;
	[tilespmem:s0+$0xFFFFFFE0] =	vst v2;
	v2 =	vmul.f32 v36, v20  }
0x298: {  	v10 =	vmul.f32 v30, v19;
	v9 =	vld [tilespmem:s2+$0xFFFFFFF0];
	v5 =	vmul.f32 v5, v27  }
0x299: {  	v1 =	vmul.f32 v1, v27;
	v11 =	vld [tilespmem:s2+$0xFFFFFFB0];
	[tilespmem:s0+$0xFFFFFFD0] =	vst v7;
	v7 =	vmul.f32 v31, v27;
	v2 =	vadd.f32 v2, v42  }
0x29a: {  	v0 =	vmul.f32 v0, v38;
	s3 =	sadd.s32 $0x3, s3;
	v10 =	vadd.f32 v10, v41;
	v12 =	vld [tilespmem:s4+$0x1B300];
	v5 =	vmul.f32 v5, v37  }
0x29b: {  	s5 =	sand.u32 $0xE, s1;
	s3 =	sand.u32 $0xF, s3;
	v1 =	vmul.f32 v1, v38;
	v30 =	vld [tilespmem:s2+$0xFFFFFFA0];
	v7 =	vmul.f32 v7, v15;
	[tilespmem:s0+$0x30] =	vst v2  }
0x29c: {  	v0 =	vadd.f32 v0, v25;
	v31 =	vmov s3;
	v2 =	vmov s5;
	v27 =	vld [tilespmem:s4+$0x1B380];
	[tilespmem:s0+$0xFFFFFFA0] =	vst v10  }
0x29d: {  	v26 =	vmul.f32 v26, v14;
	v5 =	vadd.f32 v5, v24;
	v1 =	vadd.f32 v1, v25;
	v10 =	vld [tilespmem:s2+$0x0]  }
0x29e: {  	v4 =	vmul.f32 v4, v22;
	v7 =	vadd.f32 v7, v40;
	v32 =	vld [tilespmem:s2+$0x20];
	[tilespmem:s0+$0xFFFFFFF0] =	vst v0;
	v0 =	vmul.f32 v29, v14  }
0x29f: {  	v29 =	vperm.xlane v12, v2;
	v33 =	vld [tilespmem:s2+$0xFFFFFFC0];
	v28 =	vperm.xlane v12, v31;
	v12 =	vadd.f32 v26, v39;
	[tilespmem:s0+$0x60] =	vst v5  }
0x2a0: {  	v8 =	vmul.f32 v8, v21;
	v4 =	vadd.f32 v4, v23;
	v5 =	vld [tilespmem:s2+$0xFFFFFFD0];
	v0 =	vadd.f32 v0, v39;
	[tilespmem:s0+$0x70] =	vst v1  }
0x2a1: {  	v2 =	vperm.xlane v27, v2;
	v1 =	vsub.f32 v6, v29;
	v6 =	vsub.f32 v11, v29;
	v11 =	vld [tilespmem:s2+$0xFFFFFFE0];
	[tilespmem:s0+$0xFFFFFF80] =	vst v12  }
0x2a2: {  	v3 =	vsub.f32 v3, v29;
	v9 =	vsub.f32 v9, v29;
	v27 =	vperm.xlane v27, v31;
	[tilespmem:s0+$0x10] =	vst v7  }
0x2a3: {  	v7 =	vsub.f32 v30, v29;
	v26 =	vmul.f32 v1, v2;
	v1 =	vsub.f32 v32, v28;
	[tilespmem:s0+$0x50] =	vst v4  }
0x2a4: {  	v3 =	vmul.f32 v3, v2;
	v4 =	vsub.f32 v33, v29;
	v12 =	vld [tilespmem:s2+$0x50];
	[tilespmem:s0+$0x0] =	vst v0;
	v0 =	vadd.f32 v8, v43  }
0x2a5: {  	v6 =	vmul.f32 v6, v2;
	v5 =	vsub.f32 v5, v29;
	v1 =	vmul.f32 v1, v27;
	v8 =	vld [tilespmem:s2+$0x30]  }
0x2a6: {  	v3 =	vmul.f32 v3, v15;
	v4 =	vmul.f32 v4, v2;
	v11 =	vsub.f32 v11, v29;
	v29 =	vld [tilespmem:s2+$0x10];
	[tilespmem:s0+$0x40] =	vst v0;
	s0 =	smov.u32 s2  }
0x2a7: {  	v0 =	vmul.f32 v9, v2;
	v9 =	vsub.f32 v10, v28;
	v10 =	vmul.f32 v1, v19;
	v32 =	vld [tilespmem:s2+$0x40]  }
0x2a8: {  	v6 =	vmul.f32 v6, v20;
	v3 =	vadd.f32 v3, v40;
	v4 =	vmul.f32 v4, v21;
	v1 =	vld [tilespmem:s2+$0x70]  }
.Ltmp4:
0x2a9: {  	v30 =	vmul.f32 v7, v2;
	v7 =	vmul.f32 v11, v2;
	v10 =	vadd.f32 v10, v41;
	v33 =	vld [tilespmem:s2+$0x60];
	(pc) =	sbr.rel @p0 .LBB2_7-.Ltmp4, $4  }
0x2aa: {  	v2 =	vmul.f32 v5, v2;
	[tilespmem:s2+$0xFFFFFF90] =	vst v3;
	v3 =	vadd.f32 v6, v42;
	v4 =	vadd.f32 v4, v43  }
0x2ab: {  	v5 =	vmul.f32 v7, v37;
	v6 =	vsub.f32 v8, v28;
	v31 =	vsub.f32 v29, v28;
	[tilespmem:s2+$0x20] =	vst v10  }
0x2ac: {  	v34 =	vsub.f32 v12, v28;
	v29 =	vmul.f32 v9, v27;
	[tilespmem:s2+$0xFFFFFFB0] =	vst v3;
	v32 =	vsub.f32 v32, v28  }
0x2ad: {  	v35 =	vmul.f32 v2, v22;
	v2 =	vadd.f32 v5, v24;
	v36 =	vmul.f32 v6, v27;
	s2 =	sadd.s32 $0x100, s2;
	[tilespmem:s0+$0xFFFFFFC0] =	vst v4  }
0x2ae: {  	v6 =	vmul.f32 v30, v19  }
0x2af: {  	v3 =	vsub.f32 v33, v28;
	v0 =	vmul.f32 v0, v38;
	v5 =	vadd.f32 v35, v23  }
0x2b0: {  	v1 =	vsub.f32 v1, v28;
	v58 =	vmul.f32 v29, v14;
	[tilespmem:s0+$0xFFFFFFE0] =	vst v2;
	v53 =	vadd.f32 v6, v41  }
0x2b1: {  	v55 =	vmul.f32 v34, v27;
	v4 =	vmul.f32 v36, v20;
	v0 =	vadd.f32 v0, v25;
	[tilespmem:s0+$0xFFFFFFD0] =	vst v5  }
0x2b2: {  	v54 =	vmul.f32 v31, v27;
	v56 =	vmul.f32 v26, v14;
	v60 =	vadd.f32 v58, v39;
	[tilespmem:s0+$0xFFFFFFA0] =	vst v53  }
0x2b3: {  	v3 =	vmul.f32 v3, v27;
	v2 =	vmul.f32 v55, v22;
	v52 =	vadd.f32 v4, v42;
	[tilespmem:s0+$0xFFFFFFF0] =	vst v0  }
0x2b4: {  	v1 =	vmul.f32 v1, v27;
	v5 =	vmul.f32 v54, v15;
	v4 =	vadd.f32 v56, v39;
	[tilespmem:s0+$0x0] =	vst v60  }
0x2b5: {  	v57 =	vmul.f32 v32, v27;
	v3 =	vmul.f32 v3, v37;
	v59 =	vadd.f32 v2, v23;
	[tilespmem:s0+$0x30] =	vst v52  }
0x2b6: {  	v1 =	vmul.f32 v1, v38;
	v5 =	vadd.f32 v5, v40;
	[tilespmem:s0+$0xFFFFFF80] =	vst v4  }
0x2b7: {  	s12 =	smul.u32 $0xA0, s31;
	p0 =	seq.s32 s31, $0x27;
	v0 =	vmul.f32 v57, v21;
	v3 =	vadd.f32 v3, v24;
	[tilespmem:s0+$0x50] =	vst v59  }
.Ltmp5:
0x2b8: {  	v1 =	vadd.f32 v1, v25;
	[tilespmem:s0+$0x10] =	vst v5;
	(pc) =	sbr.rel @p0 .LBB2_10-.Ltmp5, $4  }
0x2b9: {  	s1 =	sadd.s32 s16, s12;
	v0 =	vadd.f32 v0, v43;
	[tilespmem:s0+$0x60] =	vst v3  }
0x2ba: {  	s1 =	sshll.u32 s1, $0x4;
	[tilespmem:s0+$0x70] =	vst v1  }
0x2bb: {  	s23 =	sadd.s32 s14, s1;
	[tilespmem:s0+$0x40] =	vst v0  }
0x2bc: {  	[hbm4b:s23+s15] =	stream.linear.scatter [tilespmem:s26], [sflag:$0x3], $0x2800, $0x38;
	[tilespmem:$0x1B400] =	vst v63  }
0x2bd: {  	s0 =	rddreg [dreg:$0x1d]  }
0x2be: {  	s0 =	sadd.s32 s12, s0  }
0x2bf: {  	s1 =	rddreg [dreg:$0x0];
	s0 =	sshrl.u32 s0, $0x3  }
0x2c0: {  	s20 =	rddreg [dreg:$0x1];
	s1 =	sadd.s32 s1, s0  }
0x2c1: {  	[tilespmem:s15], [sflag:$0x1] =	stream.linear.gather [hbm4b:s1+s15], $0x50, $0x38;
	[tilespmem:$0x1B400] =	vst v63  }
0x2c2: {  	s2 =	simm.s32 $0x100;
	s22 =	rddreg [dreg:$0x2];
	s1 =	sadd.s32 s20, s0  }
0x2c3: {  	[tilespmem:s2], [sflag:$0x1] =	stream.linear.gather [hbm4b:s1+s15], $0x50, $0x38;
	[tilespmem:$0x1B400] =	vst v63  }
0x2c4: {  	s23 =	simm.s32 $0x200;
	s3 =	rddreg [dreg:$0x3];
	s1 =	sadd.s32 s22, s0  }
0x2c5: {  	[tilespmem:s23], [sflag:$0x1] =	stream.linear.gather [hbm4b:s1+s15], $0x50, $0x38;
	[tilespmem:$0x1B400] =	vst v63  }
0x2c6: {  	s4 =	simm.s32 $0x300;
	s5 =	rddreg [dreg:$0x4];
	s1 =	sadd.s32 s3, s0  }
0x2c7: {  	[tilespmem:s4], [sflag:$0x1] =	stream.linear.gather [hbm4b:s1+s15], $0x50, $0x38;
	[tilespmem:$0x1B400] =	vst v63  }
0x2c8: {  	s6 =	simm.s32 $0x400;
	s7 =	rddreg [dreg:$0x5];
	s1 =	sadd.s32 s5, s0  }
0x2c9: {  	[tilespmem:s6], [sflag:$0x1] =	stream.linear.gather [hbm4b:s1+s15], $0x50, $0x38;
	[tilespmem:$0x1B400] =	vst v63  }
0x2ca: {  	s8 =	simm.s32 $0x500;
	s13 =	rddreg [dreg:$0x6];
	s1 =	sadd.s32 s7, s0  }
0x2cb: {  	[tilespmem:s8], [sflag:$0x1] =	stream.linear.gather [hbm4b:s1+s15], $0x50, $0x38;
	[tilespmem:$0x1B400] =	vst v63  }
0x2cc: {  	s18 =	simm.s32 $0x600;
	s0 =	sadd.s32 s13, s0  }
0x2cd: {  	[tilespmem:s18], [sflag:$0x1] =	stream.linear.gather [hbm4b:s0+s15], $0x50, $0x38;
	[tilespmem:$0x1B400] =	vst v63  }
0x2ce: {  	_ =	swait.ge [sflag:s24], $0x50  }
0x2cf: {  	[sflag:s24] =	ssyncset.done $0x0  }
0x2d0: {  	[sflag:s24] =	ssyncadd.s32 $0xFFFFFFB0  }
0x2d1: {  	_ =	swait.ge [sflag:s24], $0x50  }
0x2d2: {  	[sflag:s24] =	ssyncset.done $0x0  }
0x2d3: {  	[sflag:s24] =	ssyncadd.s32 $0xFFFFFFB0  }
0x2d4: {  	_ =	swait.ge [sflag:s24], $0x50  }
0x2d5: {  	[sflag:s24] =	ssyncset.done $0x0  }
0x2d6: {  	[sflag:s24] =	ssyncadd.s32 $0xFFFFFFB0  }
0x2d7: {  	_ =	swait.ge [sflag:s24], $0x50  }
0x2d8: {  	[sflag:s24] =	ssyncset.done $0x0  }
0x2d9: {  	[sflag:s24] =	ssyncadd.s32 $0xFFFFFFB0  }
0x2da: {  	_ =	swait.ge [sflag:s24], $0x50  }
0x2db: {  	[sflag:s24] =	ssyncset.done $0x0  }
0x2dc: {  	[sflag:s24] =	ssyncadd.s32 $0xFFFFFFB0  }
0x2dd: {  	_ =	swait.ge [sflag:s24], $0x50  }
0x2de: {  	[sflag:s24] =	ssyncset.done $0x0  }
0x2df: {  	[sflag:s24] =	ssyncadd.s32 $0xFFFFFFB0  }
0x2e0: {  	_ =	swait.ge [sflag:s24], $0x50  }
0x2e1: {  	[sflag:s24] =	ssyncset.done $0x0  }
0x2e2: {  	[sflag:s24] =	ssyncadd.s32 $0xFFFFFFB0  }
0x2e3: {  	v0 =	vld [tilespmem:$0x200]  }
0x2e4: {  	v1 =	vld [tilespmem:$0x300]  }
0x2e5: {  	v2 =	vld [tilespmem:$0x400]  }
0x2e6: {  	v3 =	vld [tilespmem:$0x500]  }
0x2e7: {  	v4 =	vld [tilespmem:$0x100]  }
0x2e8: {  	v5 =	vld [tilespmem:$0x210]  }
0x2e9: {  	v6 =	vld [tilespmem:$0x310]  }
0x2ea: {  	v7 =	vld [tilespmem:$0x410]  }
0x2eb: {  	v8 =	vld [tilespmem:$0x510]  }
0x2ec: {  	v9 =	vld [tilespmem:$0x110]  }
0x2ed: {  	v10 =	vld [tilespmem:$0x220]  }
0x2ee: {  	v43 =	vld [tilespmem:$0x240]  }
0x2ef: {  	v11 =	vld [tilespmem:$0x320]  }
0x2f0: {  	v44 =	vld [tilespmem:$0x340]  }
0x2f1: {  	v26 =	vld [tilespmem:$0x120];
	v0 =	vmul.u32 $0x3, v0  }
0x2f2: {  	v27 =	vld [tilespmem:$0x230]  }
0x2f3: {  	v48 =	vld [tilespmem:$0x440];
	v42 =	vmul.u32 $0x3, v5;
	v5 =	vmul.u32 $0x3, v43;
	v0 =	vadd.s32 v1, v0  }
0x2f4: {  	v12 =	vld [tilespmem:$0x420];
	v0 =	vmul.u32 $0xA, v0  }
0x2f5: {  	v28 =	vld [tilespmem:$0x330];
	v4 =	vmul.u32 $0x12C, v4;
	v5 =	vadd.s32 v44, v5  }
0x2f6: {  	v46 =	vld [tilespmem:$0x430];
	v45 =	vmul.u32 $0x3, v10;
	v5 =	vmul.u32 $0xA, v5;
	v0 =	vadd.s32 v2, v0  }
0x2f7: {  	v50 =	vld [tilespmem:$0x140];
	v47 =	vmul.u32 $0x3, v27;
	v9 =	vmul.u32 $0x12C, v9;
	v0 =	vmul.u32 $0x5, v0  }
0x2f8: {  	v51 =	vld [tilespmem:$0x540];
	v52 =	vmul.u32 $0x12C, v26;
	v2 =	vadd.s32 v6, v42;
	v5 =	vadd.s32 v48, v5  }
0x2f9: {  	v41 =	vld [tilespmem:$0x520];
	v2 =	vmul.u32 $0xA, v2;
	v0 =	vadd.s32 v3, v0;
	v3 =	vadd.s32 v11, v45  }
0x2fa: {  	v49 =	vld [tilespmem:$0x130];
	v0 =	vadd.s32 v4, v0;
	v3 =	vmul.u32 $0xA, v3;
	v4 =	vadd.s32 v28, v47  }
0x2fb: {  	v27 =	vld [tilespmem:$0x530];
	v55 =	vmul.u32 $0x5, v5;
	v2 =	vadd.s32 v7, v2;
	v4 =	vmul.u32 $0xA, v4  }
0x2fc: {  	v57 =	vmul.u32 $0x12C, v50;
	v2 =	vmul.u32 $0x5, v2;
	v3 =	vadd.s32 v12, v3  }
0x2fd: {  	v59 =	vadd.s32 v51, v55;
	v4 =	vadd.s32 v46, v4;
	v3 =	vmul.u32 $0x5, v3  }
0x2fe: {  	v60 =	vadd.s32 v57, v59;
	[tilespmem:$0x700] =	vst v0;
	v2 =	vadd.s32 v8, v2;
	v4 =	vmul.u32 $0x5, v4  }
0x2ff: {  	v54 =	vmul.u32 $0x12C, v49;
	[tilespmem:$0x740] =	vst v60;
	v2 =	vadd.s32 v9, v2;
	v53 =	vadd.s32 v41, v3  }
0x300: {  	[tilespmem:$0x710] =	vst v2;
	v0 =	vadd.s32 v52, v53;
	v56 =	vadd.s32 v27, v4  }
0x301: {  	[tilespmem:$0x720] =	vst v0;
	v58 =	vadd.s32 v54, v56  }
0x302: {  	[tilespmem:$0x730] =	vst v58  }
0x303: {  	_ =	swait.ge [sflag:s9], $0x2800  }
0x304: {  	[sflag:s9] =	ssyncset.done $0x0  }
0x305: {  	[sflag:s9] =	ssyncadd.s32 $0xFFFFD800  }
0x306: {  	s19 =	rddreg [dreg:$0x7]  }
0x307: {  	[tilespmem:s26], [sflag:$0x2] =	stream.indirect.gather [hbm4b:s19+s25], $0x80, s15, s25, $0xb8;
	[tilespmem:$0x1B400] =	vst v63  }
0x308: {  	s22 =	simm.s32 $0x700;
	s23 =	simm.s32 $0x5800;
	s20 =	rddreg [dreg:$0x8]  }
0x309: {  	[tilespmem:s23], [sflag:$0x2] =	stream.indirect.gather [hbm4b:s20+s25], $0x80, s22, s25, $0xb8;
	[tilespmem:$0x1B400] =	vst v63  }
.LBB2_10:
0x30a: {  	_ =	swait.ge [sflag:s28], $0x2800  }
0x30b: {  	[sflag:s28] =	ssyncset.done $0x0  }
0x30c: {  	[sflag:s28] =	ssyncadd.s32 $0xFFFFD800  }
0x30d: {  	_ =	swait.ge [sflag:s28], $0x2800  }
0x30e: {  	s20 =	simm.s32 $0x0;
	[sflag:s28] =	ssyncset.done $0x0  }
0x30f: {  	s0 =	sand.u32 $0x70, s20;
	[sflag:s28] =	ssyncadd.s32 $0xFFFFD800  }
0x310: {  	v0 =	vld [tilespmem:s0+$0x680];
	_ =	sdelay $0x2  }
0x311: {  	s4 =	simm.s32 $0x1  }
0x312: {  	v1 =	vmov s4  }
0x313: {  	v1 =	vperm.xlane v0, v1;
	_ =	sdelay $0x1  }
0x314: {  	v1 =	vshll.u32 v1, $0x7  }
0x315: {  	v2 =	vor.u32 v13, v1  }
0x316: {  	s19 =	simm.s32 $0x30F0  }
0x317: {  	s0 =	simm.s32 $0x80F0;
	v3 =	vld [tilespmem:s19+$0xFFFFFF90]  }
0x318: {  	v4 =	vld [tilespmem:s0+$0xFFFFFF90]  }
0x319: {  	v14 =	vld [tilespmem:$0x1FFD0]  }
0x31a: {  	v2 =	vld.idx.msk [tilespmem:v2+s17+$0x0], $0xffff;
	_ =	sdelay $0x2  }
0x31b: {  	v3 =	vadd.f32 v4, v3;
	_ =	sdelay $0x1  }
0x31c: {  	v30 =	vadd.f32 v3, v2;
	v2 =	vor.u32 v14, v1;
	_ =	sdelay $0x1  }
0x31d: {  	v3 =	vld [tilespmem:s19+$0xFFFFFFA0];
	[tilespmem:s19+$0xFFFFFF90] =	vst v30  }
0x31e: {  	v40 =	vld [tilespmem:s0+$0xFFFFFFA0]  }
0x31f: {  	v15 =	vld [tilespmem:$0x1FFE0]  }
0x320: {  	v2 =	vld.idx.msk [tilespmem:v2+s17+$0x0], $0xffff;
	_ =	sdelay $0x2  }
0x321: {  	v3 =	vadd.f32 v40, v3;
	_ =	sdelay $0x1  }
0x322: {  	v36 =	vadd.f32 v3, v2;
	v3 =	vor.u32 v15, v1;
	_ =	sdelay $0x1  }
0x323: {  	v42 =	vld [tilespmem:s19+$0xFFFFFFB0];
	[tilespmem:s19+$0xFFFFFFA0] =	vst v36  }
0x324: {  	v6 =	vld [tilespmem:s0+$0xFFFFFFB0]  }
0x325: {  	s1 =	sand.u32 $0xE, s20  }
0x326: {  	v5 =	vmov s1;
	v3 =	vld.idx.msk [tilespmem:v3+s17+$0x0], $0xffff  }
0x327: {  	s13 =	simm.s32 $0x2;
	v44 =	vld [tilespmem:s19+$0xFFFFFF20];
	v0 =	vperm.xlane v0, v5  }
0x328: {  	s3 =	sand.u32 $0x70, s13;
	v46 =	vld [tilespmem:s19+$0xFFFFFFC0]  }
0x329: {  	v8 =	vld [tilespmem:s3+$0x680];
	v34 =	vshll.u32 v0, $0x7;
	v43 =	vadd.f32 v6, v42  }
0x32a: {  	v48 =	vld [tilespmem:s19+$0xFFFFFF30];
	v0 =	vor.u32 v13, v34  }
0x32b: {  	v10 =	vld [tilespmem:s19+$0xFFFFFFD0];
	v38 =	vadd.f32 v43, v3;
	v3 =	vor.u32 v61, v1  }
0x32c: {  	v41 =	vld [tilespmem:s0+$0xFFFFFF10]  }
0x32d: {  	v2 =	vld [tilespmem:s19+$0xFFFFFF10];
	[tilespmem:s19+$0xFFFFFFB0] =	vst v38  }
0x32e: {  	v7 =	vld [tilespmem:s0+$0xFFFFFFC0]  }
0x32f: {  	v0 =	vld.idx.msk [tilespmem:v0+s17+$0x0], $0xffff  }
0x330: {  	s18 =	simm.s32 $0x31F0;
	v3 =	vld.idx.msk [tilespmem:v3+s17+$0x0], $0xffff  }
0x331: {  	s23 =	simm.s32 $0x81F0;
	v12 =	vld [tilespmem:s18+$0xFFFFFF90]  }
0x332: {  	v26 =	vld [tilespmem:s23+$0xFFFFFF90];
	v2 =	vadd.f32 v41, v2  }
0x333: {  	v29 =	vld [tilespmem:s19+$0xFFFFFF70];
	v47 =	vadd.f32 v7, v46  }
0x334: {  	s3 =	simm.s32 $0x3;
	v55 =	vld [tilespmem:s18+$0xFFFFFF10];
	v0 =	vadd.f32 v2, v0;
	v2 =	vor.u32 v14, v34  }
0x335: {  	v28 =	vld [tilespmem:s23+$0xFFFFFF10];
	v42 =	vadd.f32 v47, v3;
	v3 =	vmov s3  }
0x336: {  	v58 =	vld [tilespmem:s19+$0xFFFFFFF0];
	[tilespmem:s19+$0xFFFFFF10] =	vst v0;
	v3 =	vperm.xlane v8, v3  }
0x337: {  	v49 =	vor.u32 v62, v1;
	v45 =	vld [tilespmem:s0+$0xFFFFFF20]  }
0x338: {  	v35 =	vld [tilespmem:s18+$0xFFFFFFB0];
	v31 =	vshll.u32 v3, $0x7  }
0x339: {  	v2 =	vld.idx.msk [tilespmem:v2+s17+$0x0], $0xffff;
	[tilespmem:s19+$0xFFFFFFC0] =	vst v42;
	v11 =	vor.u32 v13, v31  }
0x33a: {  	v3 =	vld [tilespmem:s0+$0xFFFFFFD0]  }
0x33b: {  	v52 =	vadd.f32 v26, v12;
	v26 =	vld [tilespmem:s18+$0xFFFFFFA0]  }
0x33c: {  	v4 =	vadd.f32 v45, v44;
	v7 =	vld.idx.msk [tilespmem:v49+s17+$0x0], $0xffff  }
0x33d: {  	s5 =	sand.u32 $0xE, s13;
	v9 =	vor.u32 v15, v34;
	v40 =	vld [tilespmem:s19+$0xFFFFFF60]  }
0x33e: {  	v12 =	vmov s5;
	v2 =	vadd.f32 v4, v2;
	v51 =	vld.idx.msk [tilespmem:v11+s17+$0x0], $0xffff  }
0x33f: {  	v44 =	vld [tilespmem:s18+$0xFFFFFF50];
	v8 =	vperm.xlane v8, v12;
	v3 =	vadd.f32 v3, v10  }
0x340: {  	v27 =	vor.u32 v17, v1;
	v4 =	vld [tilespmem:s19+$0xFFFFFF40];
	[tilespmem:s19+$0xFFFFFF20] =	vst v2  }
0x341: {  	v50 =	vld [tilespmem:s0+$0xFFFFFF30];
	v37 =	vshll.u32 v8, $0x7;
	v47 =	vadd.f32 v3, v7  }
0x342: {  	v9 =	vld.idx.msk [tilespmem:v9+s17+$0x0], $0xffff;
	v8 =	vor.u32 v13, v37  }
0x343: {  	v54 =	vor.u32 v14, v31;
	v3 =	vld [tilespmem:s19+$0xFFFFFFE0];
	[tilespmem:s19+$0xFFFFFFD0] =	vst v47;
	v32 =	vadd.f32 v52, v51  }
0x344: {  	v12 =	vld [tilespmem:s0+$0xFFFFFFE0]  }
0x345: {  	v53 =	vld.idx.msk [tilespmem:v27+s17+$0x0], $0xffff;
	[tilespmem:s18+$0xFFFFFF90] =	vst v32  }
0x346: {  	v56 =	vld [tilespmem:s23+$0xFFFFFFA0]  }
0x347: {  	v5 =	vadd.f32 v50, v48;
	v8 =	vld.idx.msk [tilespmem:v8+s17+$0x0], $0xffff  }
0x348: {  	v6 =	vadd.f32 v28, v55;
	v28 =	vor.u32 v61, v34;
	v10 =	vld.idx.msk [tilespmem:v54+s17+$0x0], $0xffff  }
0x349: {  	v49 =	vld [tilespmem:s19+$0x0];
	v5 =	vadd.f32 v5, v9;
	v3 =	vadd.f32 v12, v3;
	v12 =	vor.u32 v18, v1  }
0x34a: {  	v48 =	vld [tilespmem:s18+$0xFFFFFF40]  }
0x34b: {  	v11 =	vld [tilespmem:s19+$0xFFFFFF50];
	[tilespmem:s19+$0xFFFFFF30] =	vst v5;
	v3 =	vadd.f32 v3, v53;
	v57 =	vadd.f32 v56, v26  }
0x34c: {  	v33 =	vld [tilespmem:s0+$0xFFFFFF40];
	v6 =	vadd.f32 v6, v8  }
0x34d: {  	v60 =	vor.u32 v15, v31;
	v28 =	vld.idx.msk [tilespmem:v28+s17+$0x0], $0xffff;
	[tilespmem:s19+$0xFFFFFFE0] =	vst v3;
	v41 =	vadd.f32 v57, v10  }
0x34e: {  	[tilespmem:s18+$0xFFFFFF10] =	vst v6;
	v45 =	vld.idx.msk [tilespmem:v12+s17+$0x0], $0xffff;
	v12 =	vor.u32 v14, v37  }
0x34f: {  	v43 =	vld [tilespmem:s23+$0xFFFFFF20];
	[tilespmem:s18+$0xFFFFFFA0] =	vst v41  }
0x350: {  	v39 =	vld [tilespmem:s23+$0xFFFFFFB0]  }
0x351: {  	v26 =	vld [tilespmem:s18+$0xFFFFFF20]  }
0x352: {  	v4 =	vadd.f32 v33, v4;
	v10 =	vld.idx.msk [tilespmem:v60+s17+$0x0], $0xffff  }
0x353: {  	v55 =	vor.u32 v62, v34;
	v46 =	vld.idx.msk [tilespmem:v12+s17+$0x0], $0xffff  }
0x354: {  	v27 =	vld [tilespmem:s19+$0xFFFFFF80];
	v4 =	vadd.f32 v4, v28  }
0x355: {  	v54 =	vld [tilespmem:s18+$0xFFFFFFC0];
	v52 =	vadd.f32 v39, v35  }
0x356: {  	[tilespmem:s19+$0xFFFFFF40] =	vst v4;
	v59 =	vld [tilespmem:s0+$0xFFFFFFF0];
	v26 =	vadd.f32 v43, v26  }
0x357: {  	v53 =	vor.u32 v61, v31;
	v50 =	vld [tilespmem:s0+$0xFFFFFF50];
	v43 =	vadd.f32 v52, v10  }
0x358: {  	v51 =	vld.idx.msk [tilespmem:v55+s17+$0x0], $0xffff;
	v9 =	vadd.f32 v26, v46  }
0x359: {  	v12 =	vld [tilespmem:s18+$0xFFFFFF30];
	v26 =	vor.u32 v15, v37;
	[tilespmem:s18+$0xFFFFFFB0] =	vst v43  }
0x35a: {  	[tilespmem:s18+$0xFFFFFF20] =	vst v9;
	v28 =	vld [tilespmem:s23+$0xFFFFFFC0]  }
0x35b: {  	v7 =	vadd.f32 v59, v58;
	v56 =	vld [tilespmem:s23+$0xFFFFFF30]  }
0x35c: {  	v1 =	vor.u32 v63, v1;
	v10 =	vld.idx.msk [tilespmem:v53+s17+$0x0], $0xffff  }
0x35d: {  	s22 =	simm.s32 $0x4;
	v33 =	vld [tilespmem:s18+$0xFFFFFF60];
	v11 =	vadd.f32 v50, v11;
	v7 =	vadd.f32 v7, v45  }
0x35e: {  	s6 =	sand.u32 $0x70, s22;
	v45 =	vmul.f32 v0, v0;
	v0 =	vadd.f32 v2, v0;
	v46 =	vmul.f32 v2, v2;
	v26 =	vld.idx.msk [tilespmem:v26+s17+$0x0], $0xffff  }
0x35f: {  	v57 =	vmul.f32 v5, v5;
	v11 =	vadd.f32 v11, v51;
	[tilespmem:s19+$0xFFFFFFF0] =	vst v7;
	v52 =	vld [tilespmem:s6+$0x680];
	v28 =	vadd.f32 v28, v54  }
0x360: {  	v58 =	vor.u32 v62, v31;
	v0 =	vadd.f32 v5, v0;
	v8 =	vld [tilespmem:s0+$0x0];
	v2 =	vadd.f32 v46, v45  }
0x361: {  	s2 =	simm.s32 $0x5;
	[tilespmem:s19+$0xFFFFFF50] =	vst v11;
	v1 =	vld.idx.msk [tilespmem:v1+s17+$0x0], $0xffff;
	v12 =	vadd.f32 v56, v12;
	v46 =	vadd.f32 v28, v10  }
0x362: {  	v59 =	vmov s2;
	v2 =	vadd.f32 v57, v2;
	v57 =	vld [tilespmem:s0+$0xFFFFFF60]  }
0x363: {  	v0 =	vadd.f32 v4, v0;
	v12 =	vadd.f32 v12, v26;
	v26 =	vmul.f32 v4, v4;
	v4 =	vld [tilespmem:s18+$0xFFFFFFD0];
	[tilespmem:s18+$0xFFFFFFC0] =	vst v46  }
0x364: {  	s5 =	simm.s32 $0x32F0;
	v60 =	vmul.f32 v38, v38;
	v55 =	vperm.xlane v52, v59;
	v50 =	vld [tilespmem:s23+$0xFFFFFFD0]  }
0x365: {  	v53 =	vmul.f32 v30, v30;
	v30 =	vadd.f32 v36, v30;
	v8 =	vadd.f32 v8, v49;
	v59 =	vld [tilespmem:s5+$0xFFFFFF90]  }
0x366: {  	s1 =	simm.s32 $0x82F0;
	v35 =	vor.u32 v63, v34;
	v54 =	vmul.f32 v36, v36;
	v36 =	vshll.u32 v55, $0x7;
	v5 =	vld.idx.msk [tilespmem:v58+s17+$0x0], $0xffff  }
0x367: {  	v30 =	vadd.f32 v38, v30;
	v1 =	vadd.f32 v8, v1;
	v8 =	vld [tilespmem:s1+$0xFFFFFF10];
	v38 =	vor.u32 v13, v36  }
0x368: {  	v45 =	vor.u32 v18, v34;
	v10 =	vor.u32 v17, v34;
	v28 =	vld [tilespmem:s18+$0xFFFFFF70];
	v34 =	vadd.f32 v54, v53  }
0x369: {  	s7 =	sand.u32 $0xE, s22;
	[tilespmem:s18+$0xFFFFFF30] =	vst v12;
	v2 =	vadd.f32 v26, v2;
	v26 =	vld [tilespmem:s18+$0xFFFFFF80];
	v4 =	vadd.f32 v50, v4  }
0x36a: {  	v30 =	vadd.f32 v42, v30;
	v54 =	vmov s7;
	v56 =	vld [tilespmem:s23+$0xFFFFFF40];
	v58 =	vor.u32 v17, v31  }
0x36b: {  	v34 =	vadd.f32 v60, v34;
	v60 =	vmul.f32 v42, v42;
	v4 =	vadd.f32 v4, v5;
	v5 =	vld [tilespmem:s1+$0xFFFFFF90]  }
0x36c: {  	v39 =	vor.u32 v61, v37;
	v0 =	vadd.f32 v11, v0;
	v51 =	vperm.xlane v52, v54;
	v38 =	vld.idx.msk [tilespmem:v38+s17+$0x0], $0xffff  }
0x36d: {  	v30 =	vadd.f32 v47, v30;
	v34 =	vadd.f32 v60, v34;
	v60 =	vmul.f32 v47, v47;
	v50 =	vld [tilespmem:s18+$0xFFFFFFE0];
	[tilespmem:s18+$0xFFFFFFD0] =	vst v4  }
0x36e: {  	v52 =	vmul.f32 v6, v6;
	v6 =	vadd.f32 v9, v6;
	v54 =	vshll.u32 v51, $0x7;
	v51 =	vld [tilespmem:s23+$0xFFFFFFE0]  }
0x36f: {  	v47 =	vor.u32 v13, v54;
	v34 =	vadd.f32 v60, v34;
	v60 =	vmul.f32 v3, v3;
	v49 =	vld.idx.msk [tilespmem:v58+s17+$0x0], $0xffff  }
0x370: {  	v53 =	vor.u32 v62, v37;
	v3 =	vadd.f32 v3, v30;
	v22 =	vld [tilespmem:$0x1FFF0];
	v5 =	vadd.f32 v5, v59  }
0x371: {  	v30 =	vadd.f32 v60, v34;
	v60 =	vmul.f32 v7, v7;
	v58 =	vadd.s32 s4, v16;
	v59 =	vld [tilespmem:s5+$0xFFFFFF10]  }
0x372: {  	v9 =	vmul.f32 v9, v9;
	v55 =	vld.idx.msk [tilespmem:v39+s17+$0x0], $0xffff;
	v3 =	vadd.f32 v7, v3;
	v42 =	vadd.f32 v5, v38  }
0x373: {  	v7 =	vld.idx.msk [tilespmem:v10+s17+$0x0], $0xffff;
	v10 =	vor.u32 v14, v36;
	v5 =	vadd.f32 v60, v30;
	v30 =	vadd.f32 v51, v50  }
0x374: {  	v9 =	vadd.f32 v9, v52;
	v3 =	vadd.f32 v1, v3;
	[tilespmem:s19+$0x0] =	vst v1;
	v38 =	vld.idx.msk [tilespmem:v47+s17+$0x0], $0xffff  }
0x375: {  	v47 =	vadd.s32 s4, v22;
	v50 =	vmul.f32 v1, v1;
	[tilespmem:s5+$0xFFFFFF90] =	vst v42;
	v60 =	vadd.f32 v30, v49;
	v49 =	vld [tilespmem:s5+$0xFFFFFFA0]  }
0x376: {  	v1 =	vor.u32 v18, v31;
	[tilespmem:v58+s29+$0x0] =	vst.idx.msk $0xffff, v3;
	v3 =	vadd.f32 v8, v59;
	v8 =	vld [tilespmem:s1+$0xFFFFFFA0]  }
0x377: {  	v39 =	vor.u32 v17, v37;
	v52 =	vld [tilespmem:s18+$0xFFFFFFF0];
	v6 =	vadd.f32 v12, v6;
	v56 =	vadd.f32 v56, v48  }
0x378: {  	v34 =	vor.u32 v18, v37;
	v5 =	vadd.f32 v50, v5;
	v10 =	vld.idx.msk [tilespmem:v10+s17+$0x0], $0xffff;
	[tilespmem:s18+$0xFFFFFFE0] =	vst v60  }
0x379: {  	v51 =	vmul.f32 v11, v11;
	v11 =	vadd.f32 v56, v55;
	v3 =	vadd.f32 v3, v38;
	v58 =	vld [tilespmem:s23+$0xFFFFFFF0]  }
0x37a: {  	v50 =	vmul.f32 v12, v12;
	v12 =	vor.u32 v14, v54;
	[tilespmem:v47+s29+$0x0] =	vst.idx.msk $0xffff, v5;
	v47 =	vld [tilespmem:s5+$0xFFFFFF20]  }
0x37b: {  	v31 =	vor.u32 v63, v31;
	v1 =	vld.idx.msk [tilespmem:v1+s17+$0x0], $0xffff;
	[tilespmem:s5+$0xFFFFFF10] =	vst v3;
	v8 =	vadd.f32 v8, v49  }
0x37c: {  	v30 =	vor.u32 v63, v37;
	v2 =	vadd.f32 v51, v2;
	v37 =	vor.u32 v17, v54;
	v48 =	vld [tilespmem:s1+$0xFFFFFF20]  }
0x37d: {  	v55 =	vld [tilespmem:s5+$0xFFFFFF30];
	v6 =	vadd.f32 v11, v6;
	v49 =	vor.u32 v15, v36;
	v51 =	vadd.f32 v8, v10  }
0x37e: {  	v56 =	vld [tilespmem:s18+$0x0];
	v10 =	vadd.f32 v57, v40;
	v40 =	vmul.f32 v32, v32;
	v57 =	vmul.f32 v41, v41  }
0x37f: {  	v38 =	vor.u32 v62, v54;
	v5 =	vadd.f32 v50, v9;
	v12 =	vld.idx.msk [tilespmem:v12+s17+$0x0], $0xffff;
	v8 =	vadd.f32 v58, v52  }
0x380: {  	v9 =	vor.u32 v15, v54;
	v32 =	vadd.f32 v41, v32;
	v52 =	vld [tilespmem:s5+$0xFFFFFF40];
	v40 =	vadd.f32 v57, v40  }
0x381: {  	[tilespmem:s5+$0xFFFFFFA0] =	vst v51;
	v57 =	vmul.f32 v43, v43;
	v1 =	vadd.f32 v8, v1;
	v47 =	vadd.f32 v48, v47;
	v48 =	vld [tilespmem:s5+$0xFFFFFFB0]  }
0x382: {  	[tilespmem:s18+$0xFFFFFF40] =	vst v11;
	v50 =	vor.u32 v61, v54;
	v7 =	vadd.f32 v10, v7;
	v8 =	vmul.f32 v11, v11;
	v58 =	vld [tilespmem:s1+$0xFFFFFFB0]  }
0x383: {  	v10 =	vld.idx.msk [tilespmem:v49+s17+$0x0], $0xffff;
	v11 =	vadd.f32 v43, v32;
	v59 =	vadd.f32 v57, v40;
	[tilespmem:s18+$0xFFFFFFF0] =	vst v1  }
0x384: {  	v57 =	vmul.f32 v46, v46;
	v12 =	vadd.f32 v47, v12;
	v49 =	vadd.f32 v8, v5;
	v43 =	vld [tilespmem:s23+$0x0]  }
0x385: {  	v47 =	vadd.f32 v7, v0;
	v0 =	vmul.f32 v7, v7;
	v8 =	vld [tilespmem:s23+$0xFFFFFF50];
	v11 =	vadd.f32 v46, v11  }
0x386: {  	v32 =	vor.u32 v18, v54;
	v5 =	vld.idx.msk [tilespmem:v31+s17+$0x0], $0xffff;
	v31 =	vadd.f32 v57, v59;
	v59 =	vmul.f32 v4, v4  }
0x387: {  	v40 =	vld [tilespmem:s5+$0xFFFFFF50];
	v46 =	vor.u32 v61, v36;
	[tilespmem:s5+$0xFFFFFF20] =	vst v12;
	v41 =	vadd.f32 v0, v2;
	v4 =	vadd.f32 v4, v11  }
0x388: {  	v0 =	vld [tilespmem:s1+$0xFFFFFF30];
	v2 =	vadd.f32 v58, v48;
	v11 =	vadd.f32 v59, v31;
	v31 =	vmul.f32 v60, v60  }
0x389: {  	[tilespmem:s19+$0xFFFFFF60] =	vst v7;
	v7 =	vadd.s32 s3, v22;
	v9 =	vld.idx.msk [tilespmem:v9+s17+$0x0], $0xffff;
	v4 =	vadd.f32 v60, v4;
	v56 =	vadd.f32 v43, v56  }
0x38a: {  	v48 =	vld [tilespmem:s5+$0xFFFFFF60];
	v11 =	vadd.f32 v31, v11;
	v31 =	vmul.f32 v1, v1;
	v8 =	vadd.f32 v8, v44  }
0x38b: {  	v21 =	vmovc v63;
	v57 =	vadd.s32 s3, v16;
	v43 =	vadd.f32 v2, v10;
	v10 =	vld.idx.msk [tilespmem:v53+s17+$0x0], $0xffff;
	v5 =	vadd.f32 v56, v5  }
0x38c: {  	v1 =	vadd.f32 v1, v4;
	v11 =	vadd.f32 v31, v11;
	v31 =	vor.u32 v63, v54;
	v63 =	vld.idx.msk [tilespmem:v45+s17+$0x0], $0xffff  }
0x38d: {  	v2 =	vadd.f32 v12, v3;
	[tilespmem:s5+$0xFFFFFFB0] =	vst v43;
	v0 =	vadd.f32 v0, v55;
	v55 =	vld [tilespmem:s5+$0xFFFFFFC0];
	v60 =	vmul.f32 v5, v5  }
0x38e: {  	v19 =	vmovc v17;
	v3 =	vmul.f32 v3, v3;
	v4 =	vmul.f32 v12, v12;
	v12 =	vld [tilespmem:s1+$0xFFFFFFC0];
	v1 =	vadd.f32 v5, v1  }
0x38f: {  	v20 =	vmov v18;
	v58 =	vld.idx.msk [tilespmem:v46+s17+$0x0], $0xffff;
	v9 =	vadd.f32 v0, v9;
	[tilespmem:s18+$0x0] =	vst v5;
	v46 =	vadd.f32 v60, v11  }
0x390: {  	v17 =	vmovc v61;
	v18 =	vmov v62;
	v45 =	vmov v42;
	v0 =	vld [tilespmem:s0+$0xFFFFFF70];
	v8 =	vadd.f32 v8, v10;
	[tilespmem:v57+s29+$0x0] =	vst.idx.msk $0xffff, v1  }
0x391: {  	s3 =	simm.s32 $0x6;
	v53 =	vld [tilespmem:s5+$0xFFFFFF70];
	v3 =	vadd.f32 v4, v3;
	v59 =	vmul.f32 v9, v9;
	v54 =	vadd.f32 v9, v2;
	[tilespmem:s5+$0xFFFFFF30] =	vst v9  }
0x392: {  	s8 =	sand.u32 $0x70, s3;
	v44 =	vld [tilespmem:s5+$0xFFFFFF80];
	v1 =	vor.u32 v18, v36;
	v62 =	vmul.f32 v8, v8;
	[tilespmem:s18+$0xFFFFFF50] =	vst v8;
	v56 =	vadd.f32 v8, v6  }
0x393: {  	s6 =	simm.s32 $0x8;
	s4 =	simm.s32 $0x32F0;
	[tilespmem:v7+s29+$0x0] =	vst.idx.msk $0xffff, v46;
	v57 =	vadd.f32 v59, v3;
	v2 =	vadd.f32 v12, v55;
	v59 =	vld [tilespmem:s8+$0x680];
	v46 =	vmov v51  }
.LBB2_11:
0x394: {  	v60 =	vmov v51;
	v61 =	vmov v42  }
0x395: {  	p1 =	slt.u32 s6, $0x4E;
	v58 =	vadd.f32 v2, v58;
	v0 =	vadd.f32 v0, v29;
	v29 =	vmov v28;
	v3 =	vld [tilespmem:s1+$0xFFFFFF40]  }
0x396: {  	v4 =	vadd.f32 v62, v49;
	v28 =	vmov v53;
	v2 =	vld.idx.msk [tilespmem:v50+s17+$0x0], $0xffff  }
0x397: {  	s8 =	sand.u32 $0xE, s3;
	s7 =	sadd.s32 $0x1, s3;
	[tilespmem:s5+$0xFFFFFFC0] =	vst v58;
	v5 =	vld [tilespmem:s5+$0xFFFFFFD0]  }
0x398: {  	v6 =	vmov s8;
	v7 =	vmov s7;
	v0 =	vadd.f32 v0, v63;
	v8 =	vld [tilespmem:s1+$0xFFFFFFD0]  }
0x399: {  	v6 =	vperm.xlane v59, v6;
	v7 =	vperm.xlane v59, v7;
	v1 =	vld.idx.msk [tilespmem:v1+s17+$0x0], $0xffff  }
0x39a: {  	v10 =	vadd.f32 v0, v47;
	v3 =	vadd.f32 v3, v52;
	v9 =	vld [tilespmem:s23+$0xFFFFFF60];
	[tilespmem:s19+$0xFFFFFF70] =	vst v0;
	v0 =	vmul.f32 v0, v0  }
0x39b: {  	v6 =	vshll.u32 v6, $0x7;
	v7 =	vshll.u32 v7, $0x7;
	v11 =	vld.idx.msk [tilespmem:v39+s17+$0x0], $0xffff;
	v39 =	vmov v37  }
0x39c: {  	v12 =	vor.u32 v13, v6;
	v51 =	vor.u32 v14, v6;
	v42 =	vor.u32 v13, v7;
	v47 =	vld [tilespmem:s0+$0xFFFFFF80];
	s0 =	smov.u32 s23;
	s23 =	smov.u32 s1  }
0x39d: {  	v62 =	vor.u32 v15, v6;
	v50 =	vor.u32 v17, v6;
	v5 =	vadd.f32 v8, v5;
	v8 =	vld.idx.msk [tilespmem:v35+s17+$0x0], $0xffff  }
0x39e: {  	s5 =	sadd.s32 $0x100, s5;
	v53 =	vor.u32 v18, v6;
	v2 =	vadd.f32 v3, v2;
	v3 =	vor.u32 v19, v36;
	v35 =	vmovc v30;
	v52 =	vld [tilespmem:s4+$0xFFFFFFE0]  }
0x39f: {  	v37 =	vor.u32 v19, v6;
	s1 =	sadd.s32 $0x100, s1;
	v30 =	vmovc v31;
	v13 =	vld [tilespmem:s5+$0xFFFFFF90];
	v63 =	vadd.f32 v5, v1;
	v1 =	vadd.f32 v9, v33  }
0x3a0: {  	v59 =	vor.u32 v20, v6;
	v31 =	vor.u32 v21, v6;
	v6 =	vmul.f32 v2, v2;
	v5 =	vld [tilespmem:s1+$0xFFFFFF90];
	[tilespmem:s4+$0xFFFFFF40] =	vst v2  }
0x3a1: {  	v55 =	vadd.f32 v2, v54;
	v33 =	vmov v48;
	v9 =	vld.idx.msk [tilespmem:v42+s17+$0x0], $0xffff;
	[tilespmem:s4+$0xFFFFFFD0] =	vst v63;
	v1 =	vadd.f32 v1, v11  }
0x3a2: {  	v49 =	vadd.f32 v6, v57;
	v6 =	vadd.f32 v47, v27;
	v27 =	vmovc v26;
	v26 =	vmov v44;
	v2 =	vld [tilespmem:s23+$0xFFFFFFE0]  }
0x3a3: {  	v11 =	vadd.s32 s20, v16;
	v3 =	vld.idx.msk [tilespmem:v3+s17+$0x0], $0xffff;
	[tilespmem:s18+$0xFFFFFF60] =	vst v1;
	v47 =	vadd.f32 v1, v56;
	v1 =	vmul.f32 v1, v1  }
0x3a4: {  	v0 =	vadd.f32 v0, v41;
	v6 =	vadd.f32 v6, v8;
	v44 =	vld [tilespmem:s5+$0xFFFFFF10]  }
0x3a5: {  	v8 =	vld [tilespmem:s1+$0xFFFFFF10];
	v5 =	vadd.f32 v5, v13;
	v41 =	vadd.f32 v1, v4;
	v1 =	vadd.s32 s20, v22;
	s20 =	smov.u32 s13;
	s13 =	smov.u32 s22;
	s22 =	smov.u32 s3  }
0x3a6: {  	v10 =	vadd.f32 v6, v10;
	v13 =	vmul.f32 v6, v6;
	s3 =	smov.u32 s6;
	v4 =	vld.idx.msk [tilespmem:v12+s17+$0x0], $0xffff;
	v12 =	vor.u32 v14, v7  }
0x3a7: {  	v48 =	vld [tilespmem:s5+$0xFFFFFF20];
	v42 =	vadd.f32 v5, v9;
	v2 =	vadd.f32 v2, v52;
	[tilespmem:s19+$0xFFFFFF80] =	vst v6;
	s19 =	smov.u32 s18;
	s18 =	smov.u32 s4;
	s4 =	smov.u32 s5  }
0x3a8: {  	v5 =	vor.u32 v20, v36;
	v0 =	vadd.f32 v13, v0;
	v6 =	vld [tilespmem:s18+$0xFFFFFFF0];
	[tilespmem:v11+s29+$0x0] =	vst.idx.msk $0xffff, v10  }
0x3a9: {  	[tilespmem:s5+$0xFFFFFF90] =	vst v42;
	v9 =	vld [tilespmem:s5+$0xFFFFFFA0];
	v2 =	vadd.f32 v2, v3  }
0x3aa: {  	v3 =	vadd.f32 v8, v44;
	v8 =	vld [tilespmem:s1+$0xFFFFFFA0];
	[tilespmem:v1+s29+$0x0] =	vst.idx.msk $0xffff, v0  }
0x3ab: {  	v0 =	vld.idx.msk [tilespmem:v12+s17+$0x0], $0xffff;
	[tilespmem:s18+$0xFFFFFFE0] =	vst v2  }
0x3ac: {  	v1 =	vadd.f32 v3, v4;
	v3 =	vld [tilespmem:s23+$0xFFFFFFF0]  }
0x3ad: {  	v4 =	vld.idx.msk [tilespmem:v5+s17+$0x0], $0xffff  }
0x3ae: {  	[tilespmem:s5+$0xFFFFFF10] =	vst v1;
	v5 =	vmul.f32 v1, v1;
	v10 =	vld [tilespmem:s5+$0xFFFFFF30]  }
0x3af: {  	v11 =	vld [tilespmem:s1+$0xFFFFFF20];
	v8 =	vadd.f32 v8, v9;
	v9 =	vor.u32 v15, v7  }
0x3b0: {  	v12 =	vld.idx.msk [tilespmem:v51+s17+$0x0], $0xffff  }
0x3b1: {  	v52 =	vld [tilespmem:s5+$0xFFFFFF40];
	v51 =	vadd.f32 v8, v0;
	v0 =	vadd.f32 v3, v6  }
0x3b2: {  	v3 =	vor.u32 v21, v36;
	v36 =	vmov v7;
	v6 =	vld [tilespmem:s18+$0x0]  }
0x3b3: {  	v13 =	vmul.f32 v60, v46;
	v8 =	vmul.f32 v61, v45;
	[tilespmem:s5+$0xFFFFFFA0] =	vst v51;
	v7 =	vld [tilespmem:s5+$0xFFFFFFB0];
	v0 =	vadd.f32 v0, v4  }
0x3b4: {  	v4 =	vadd.f32 v11, v48;
	v9 =	vld.idx.msk [tilespmem:v9+s17+$0x0], $0xffff;
	v11 =	vadd.f32 v46, v45;
	v45 =	vmovc v42;
	v46 =	vmov v51  }
0x3b5: {  	v8 =	vadd.f32 v13, v8;
	v13 =	vmul.f32 v43, v43;
	v44 =	vld [tilespmem:s1+$0xFFFFFFB0];
	[tilespmem:s18+$0xFFFFFFF0] =	vst v0  }
0x3b6: {  	v4 =	vadd.f32 v4, v12;
	v11 =	vadd.f32 v43, v11;
	v12 =	vld [tilespmem:s23+$0x0]  }
0x3b7: {  	v8 =	vadd.f32 v13, v8;
	v13 =	vmul.f32 v58, v58;
	v3 =	vld.idx.msk [tilespmem:v3+s17+$0x0], $0xffff  }
0x3b8: {  	[tilespmem:s5+$0xFFFFFF20] =	vst v4;
	v1 =	vadd.f32 v4, v1;
	v4 =	vmul.f32 v4, v4;
	v54 =	vld [tilespmem:s23+$0xFFFFFF50];
	v11 =	vadd.f32 v58, v11  }
0x3b9: {  	v8 =	vadd.f32 v13, v8;
	v13 =	vmul.f32 v63, v63;
	v56 =	vld [tilespmem:s1+$0xFFFFFF30]  }
0x3ba: {  	v57 =	vld.idx.msk [tilespmem:v62+s17+$0x0], $0xffff;
	v7 =	vadd.f32 v44, v7;
	v44 =	vor.u32 v17, v36;
	v11 =	vadd.f32 v63, v11  }
0x3bb: {  	v8 =	vadd.f32 v13, v8;
	v13 =	vmul.f32 v2, v2;
	v60 =	vld [tilespmem:s5+$0xFFFFFF50];
	v6 =	vadd.f32 v12, v6  }
0x3bc: {  	v43 =	vadd.f32 v7, v9;
	v7 =	vld.idx.msk [tilespmem:v38+s17+$0x0], $0xffff;
	v2 =	vadd.f32 v2, v11;
	v9 =	vadd.s32 s2, v16;
	v38 =	vmovc v53  }
0x3bd: {  	v8 =	vadd.f32 v13, v8;
	v11 =	vmul.f32 v0, v0;
	v48 =	vld [tilespmem:s5+$0xFFFFFF60];
	v3 =	vadd.f32 v6, v3  }
0x3be: {  	v6 =	vadd.f32 v56, v10;
	[tilespmem:s5+$0xFFFFFFB0] =	vst v43;
	v10 =	vld [tilespmem:s5+$0xFFFFFFC0];
	v0 =	vadd.f32 v0, v2;
	v2 =	vadd.s32 s2, v22;
	s2 =	smov.u32 s7  }
0x3bf: {  	v13 =	vadd.f32 v54, v40;
	v8 =	vadd.f32 v11, v8;
	v12 =	vld [tilespmem:s1+$0xFFFFFFC0];
	v11 =	vmul.f32 v3, v3  }
0x3c0: {  	v6 =	vadd.f32 v6, v57;
	v58 =	vld.idx.msk [tilespmem:v44+s17+$0x0], $0xffff;
	v44 =	vadd.f32 v3, v0;
	v40 =	vmov v60  }
.Ltmp6:
0x3c1: {  	v4 =	vadd.f32 v4, v5;
	[tilespmem:s18+$0x0] =	vst v3;
	v3 =	vadd.f32 v11, v8;
	v0 =	vld [tilespmem:s0+$0xFFFFFF70];
	(pc) =	sbr.rel @p1 .LBB2_11-.Ltmp6, $4  }
0x3c2: {  	v7 =	vadd.f32 v13, v7;
	v13 =	vlaneseq.u32;
	v5 =	vmul.f32 v6, v6;
	v53 =	vld [tilespmem:s5+$0xFFFFFF70];
	[tilespmem:v9+s29+$0x0] =	vst.idx.msk $0xffff, v44  }
0x3c3: {  	v54 =	vadd.f32 v6, v1;
	[tilespmem:v2+s29+$0x0] =	vst.idx.msk $0xffff, v3;
	v63 =	vld.idx.msk [tilespmem:v34+s17+$0x0], $0xffff;
	v34 =	vmov v32;
	v32 =	vmov v59  }
0x3c4: {  	s7 =	sand.u32 $0x70, s6;
	v62 =	vmul.f32 v7, v7;
	[tilespmem:s5+$0xFFFFFF30] =	vst v6;
	v57 =	vadd.f32 v5, v4;
	v44 =	vld [tilespmem:s5+$0xFFFFFF80];
	v2 =	vadd.f32 v12, v10  }
0x3c5: {  	s6 =	sadd.s32 $0x2, s6;
	v1 =	vor.u32 v18, v36;
	v56 =	vadd.f32 v7, v55;
	v59 =	vld [tilespmem:s7+$0x680];
	[tilespmem:s18+$0xFFFFFF50] =	vst v7  }
0x3c6: {  	_ =	sdelay $0x1  }
0x3c7: {  	s7 =	sadd.s32 $0x1, s3  }
0x3c8: {  	v3 =	vmov s7  }
0x3c9: {  	v3 =	vperm.xlane v59, v3;
	_ =	sdelay $0x1  }
0x3ca: {  	v5 =	vld [tilespmem:s1+$0xFFFFFF40];
	v55 =	vshll.u32 v3, $0x7  }
0x3cb: {  	v3 =	vor.u32 v13, v55  }
0x3cc: {  	s6 =	sadd.s32 $0x100, s5  }
0x3cd: {  	s8 =	sadd.s32 $0x100, s1;
	v4 =	vld [tilespmem:s6+$0xFFFFFF90]  }
0x3ce: {  	v60 =	vadd.f32 v2, v58;
	v2 =	vld [tilespmem:s8+$0xFFFFFF90]  }
0x3cf: {  	[tilespmem:$0x1FE90] =	vst v5  }
0x3d0: {  	v3 =	vld.idx.msk [tilespmem:v3+s17+$0x0], $0xffff;
	_ =	sdelay $0x1  }
0x3d1: {  	[tilespmem:s5+$0xFFFFFFC0] =	vst v60;
	v6 =	vld [tilespmem:s5+$0xFFFFFFD0];
	s5 =	sand.u32 $0xE, s3  }
0x3d2: {  	v2 =	vadd.f32 v2, v4;
	v7 =	vmov s5  }
0x3d3: {  	v50 =	vld.idx.msk [tilespmem:v50+s17+$0x0], $0xffff;
	v7 =	vperm.xlane v59, v7  }
0x3d4: {  	v8 =	vld [tilespmem:s23+$0xFFFFFF60];
	v4 =	vadd.f32 v2, v3  }
0x3d5: {  	v9 =	vld [tilespmem:s1+$0xFFFFFFD0];
	v58 =	vshll.u32 v7, $0x7  }
0x3d6: {  	v1 =	vld.idx.msk [tilespmem:v1+s17+$0x0], $0xffff;
	v2 =	vor.u32 v13, v58;
	[tilespmem:$0x1FEA0] =	vst v4  }
0x3d7: {  	v59 =	vor.u32 v14, v55;
	v3 =	vld [tilespmem:s6+$0xFFFFFF10]  }
0x3d8: {  	v10 =	vld [tilespmem:s6+$0xFFFFFFA0]  }
0x3d9: {  	[tilespmem:s6+$0xFFFFFF90] =	vst v4;
	v61 =	vld [tilespmem:s8+$0xFFFFFF10]  }
0x3da: {  	v6 =	vadd.f32 v9, v6;
	v11 =	vld [tilespmem:s8+$0xFFFFFFA0]  }
0x3db: {  	v12 =	vor.u32 v19, v36;
	v2 =	vld.idx.msk [tilespmem:v2+s17+$0x0], $0xffff  }
0x3dc: {  	v5 =	vadd.f32 v6, v1;
	v7 =	vld.idx.msk [tilespmem:v59+s17+$0x0], $0xffff  }
0x3dd: {  	v6 =	vld [tilespmem:s4+$0xFFFFFFE0]  }
0x3de: {  	v13 =	vld.idx.msk [tilespmem:v39+s17+$0x0], $0xffff;
	[tilespmem:s4+$0xFFFFFFD0] =	vst v5;
	v3 =	vadd.f32 v61, v3  }
0x3df: {  	v59 =	vld [tilespmem:s1+$0xFFFFFFE0];
	v10 =	vadd.f32 v11, v10  }
0x3e0: {  	v9 =	vld.idx.msk [tilespmem:v12+s17+$0x0], $0xffff;
	v61 =	vor.u32 v14, v58;
	v4 =	vadd.f32 v3, v2  }
0x3e1: {  	v12 =	vor.u32 v15, v55;
	v3 =	vld [tilespmem:s6+$0xFFFFFFB0];
	v39 =	vadd.f32 v10, v7  }
0x3e2: {  	v10 =	vld [tilespmem:s6+$0xFFFFFF20];
	[tilespmem:s6+$0xFFFFFF10] =	vst v4  }
0x3e3: {  	v0 =	vadd.f32 v0, v29;
	[tilespmem:s6+$0xFFFFFFA0] =	vst v39;
	v11 =	vld [tilespmem:s8+$0xFFFFFF20]  }
0x3e4: {  	v6 =	vadd.f32 v59, v6;
	v29 =	vld [tilespmem:s8+$0xFFFFFFB0]  }
0x3e5: {  	v1 =	vadd.f32 v0, v63;
	v59 =	vor.u32 v20, v36;
	v7 =	vld.idx.msk [tilespmem:v61+s17+$0x0], $0xffff  }
0x3e6: {  	v6 =	vadd.f32 v6, v9;
	v12 =	vld.idx.msk [tilespmem:v12+s17+$0x0], $0xffff  }
0x3e7: {  	[tilespmem:s19+$0xFFFFFF70] =	vst v1;
	v9 =	vld [tilespmem:s4+$0xFFFFFFF0]  }
0x3e8: {  	v61 =	vld [tilespmem:s0+$0xFFFFFF80];
	[tilespmem:s4+$0xFFFFFFE0] =	vst v6;
	v10 =	vadd.f32 v11, v10  }
0x3e9: {  	v63 =	vld [tilespmem:s1+$0xFFFFFFF0];
	v3 =	vadd.f32 v29, v3  }
0x3ea: {  	v11 =	vld.idx.msk [tilespmem:v59+s17+$0x0], $0xffff;
	v7 =	vadd.f32 v10, v7  }
0x3eb: {  	v59 =	vor.u32 v17, v55;
	v10 =	vld [tilespmem:s6+$0xFFFFFFC0];
	v29 =	vadd.f32 v3, v12  }
0x3ec: {  	v3 =	vor.u32 v15, v58;
	v12 =	vld [tilespmem:s6+$0xFFFFFF30];
	[tilespmem:s6+$0xFFFFFF20] =	vst v7  }
0x3ed: {  	[tilespmem:s6+$0xFFFFFFB0] =	vst v29;
	v2 =	vld [tilespmem:s8+$0xFFFFFF30]  }
0x3ee: {  	v8 =	vadd.f32 v8, v33;
	v0 =	vld [tilespmem:s8+$0xFFFFFFC0]  }
0x3ef: {  	v36 =	vor.u32 v21, v36;
	v9 =	vadd.f32 v63, v9;
	v14 =	vld [tilespmem:$0x1FE90]  }
0x3f0: {  	v8 =	vadd.f32 v8, v13;
	v59 =	vld.idx.msk [tilespmem:v59+s17+$0x0], $0xffff  }
0x3f1: {  	v9 =	vadd.f32 v9, v11;
	v3 =	vld.idx.msk [tilespmem:v3+s17+$0x0], $0xffff  }
0x3f2: {  	v11 =	vld.idx.msk [tilespmem:v35+s17+$0x0], $0xffff;
	[tilespmem:s18+$0xFFFFFF60] =	vst v8  }
0x3f3: {  	[tilespmem:s4+$0xFFFFFFF0] =	vst v9;
	v34 =	vld.idx.msk [tilespmem:v34+s17+$0x0], $0xffff;
	v0 =	vadd.f32 v0, v10  }
0x3f4: {  	v13 =	vld.idx.msk [tilespmem:v36+s17+$0x0], $0xffff;
	v2 =	vadd.f32 v2, v12;
	v52 =	vadd.f32 v14, v52  }
0x3f5: {  	v63 =	vor.u32 v18, v55;
	v12 =	vadd.f32 v62, v49;
	v49 =	vld [tilespmem:s1+$0x0];
	v33 =	vadd.f32 v0, v59  }
0x3f6: {  	v35 =	vadd.f32 v52, v50;
	v50 =	vld [tilespmem:s6+$0xFFFFFF40];
	v2 =	vadd.f32 v2, v3  }
0x3f7: {  	v36 =	vor.u32 v17, v58;
	v3 =	vadd.f32 v1, v47;
	v1 =	vmul.f32 v1, v1;
	v47 =	vld [tilespmem:s6+$0xFFFFFFD0];
	[tilespmem:s6+$0xFFFFFFC0] =	vst v33  }
0x3f8: {  	v27 =	vadd.f32 v61, v27;
	v61 =	vmul.f32 v8, v8;
	[tilespmem:s6+$0xFFFFFF30] =	vst v2;
	v62 =	vld [tilespmem:s8+$0xFFFFFFD0]  }
0x3f9: {  	v0 =	vmul.f32 v35, v35;
	v1 =	vadd.f32 v1, v41;
	v41 =	vld [tilespmem:s8+$0xFFFFFF40]  }
0x3fa: {  	v11 =	vadd.f32 v27, v11;
	v12 =	vadd.f32 v61, v12;
	[tilespmem:s4+$0xFFFFFF40] =	vst v35;
	v27 =	vld.idx.msk [tilespmem:v63+s17+$0x0], $0xffff  }
0x3fb: {  	v61 =	vadd.f32 v46, v45;
	v0 =	vadd.f32 v0, v57;
	v57 =	vmul.f32 v51, v46;
	v46 =	vld [tilespmem:s1+$0xFFFFFF50]  }
0x3fc: {  	v52 =	vadd.f32 v8, v56;
	v63 =	vmul.f32 v42, v45;
	v36 =	vld.idx.msk [tilespmem:v36+s17+$0x0], $0xffff  }
0x3fd: {  	v10 =	vld [tilespmem:s4+$0x0];
	v54 =	vadd.f32 v35, v54;
	v45 =	vor.u32 v19, v55;
	v47 =	vadd.f32 v62, v47  }
0x3fe: {  	v38 =	vld.idx.msk [tilespmem:v38+s17+$0x0], $0xffff;
	v35 =	vadd.f32 v57, v63;
	v62 =	vmul.f32 v43, v43;
	v43 =	vadd.f32 v43, v61  }
0x3ff: {  	v42 =	vld [tilespmem:s6+$0xFFFFFF50];
	v51 =	vor.u32 v18, v58;
	v41 =	vadd.f32 v41, v50;
	v27 =	vadd.f32 v47, v27  }
0x400: {  	v63 =	vmul.f32 v11, v11;
	v61 =	vld [tilespmem:s23+$0xFFFFFF70];
	v40 =	vadd.f32 v46, v40;
	v43 =	vadd.f32 v60, v43  }
0x401: {  	v35 =	vadd.f32 v62, v35;
	v62 =	vmul.f32 v60, v60;
	v36 =	vadd.f32 v41, v36;
	v41 =	vld [tilespmem:s6+$0xFFFFFFE0];
	[tilespmem:s6+$0xFFFFFFD0] =	vst v27  }
0x402: {  	v1 =	vadd.f32 v63, v1;
	v63 =	vmul.f32 v5, v5;
	v5 =	vadd.f32 v5, v43;
	v43 =	vld [tilespmem:s8+$0xFFFFFFE0]  }
0x403: {  	v38 =	vadd.f32 v40, v38;
	v35 =	vadd.f32 v62, v35;
	[tilespmem:s6+$0xFFFFFF40] =	vst v36;
	v45 =	vld.idx.msk [tilespmem:v45+s17+$0x0], $0xffff  }
0x404: {  	v56 =	vadd.f32 v7, v4;
	v10 =	vadd.f32 v49, v10;
	v60 =	vld [tilespmem:s8+$0xFFFFFF50]  }
0x405: {  	v59 =	vmul.f32 v6, v6;
	v62 =	vld.idx.msk [tilespmem:v51+s17+$0x0], $0xffff;
	[tilespmem:s4+$0xFFFFFF50] =	vst v38;
	v35 =	vadd.f32 v63, v35  }
0x406: {  	v10 =	vadd.f32 v10, v13;
	v28 =	vadd.f32 v61, v28;
	v50 =	vld [tilespmem:s1+$0xFFFFFF60]  }
0x407: {  	v5 =	vadd.f32 v6, v5;
	v63 =	vmul.f32 v9, v9;
	v61 =	vadd.f32 v59, v35  }
0x408: {  	v37 =	vld.idx.msk [tilespmem:v37+s17+$0x0], $0xffff;
	v28 =	vadd.f32 v28, v34;
	v47 =	vadd.f32 v43, v41  }
0x409: {  	v51 =	vadd.f32 v60, v42;
	v6 =	vadd.f32 v63, v61;
	v61 =	vadd.s32 s20, v16  }
0x40a: {  	[tilespmem:s19+$0xFFFFFF80] =	vst v11;
	v13 =	vor.u32 v20, v55;
	v5 =	vadd.f32 v9, v5;
	v34 =	vadd.f32 v47, v45  }
0x40b: {  	v40 =	vld [tilespmem:s6+$0xFFFFFF60];
	[tilespmem:s18+$0xFFFFFF70] =	vst v28;
	v63 =	vadd.s32 s20, v22;
	v9 =	vadd.f32 v50, v48;
	v35 =	vadd.f32 v51, v62  }
0x40c: {  	v4 =	vmul.f32 v4, v4;
	v7 =	vmul.f32 v7, v7;
	v3 =	vadd.f32 v11, v3;
	v43 =	vld [tilespmem:s23+$0xFFFFFF80];
	[tilespmem:s6+$0xFFFFFFE0] =	vst v34  }
0x40d: {  	v8 =	vor.u32 v19, v58;
	v45 =	vld [tilespmem:s6+$0xFFFFFFF0];
	v9 =	vadd.f32 v9, v37;
	[tilespmem:s6+$0xFFFFFF50] =	vst v35  }
0x40e: {  	v4 =	vadd.f32 v7, v4;
	v59 =	vmul.f32 v10, v10;
	v62 =	vld [tilespmem:s8+$0xFFFFFFF0];
	[tilespmem:v61+s29+$0x0] =	vst.idx.msk $0xffff, v3  }
0x40f: {  	v7 =	vadd.f32 v28, v52;
	v28 =	vmul.f32 v28, v28;
	v13 =	vld.idx.msk [tilespmem:v13+s17+$0x0], $0xffff;
	[tilespmem:s4+$0xFFFFFF60] =	vst v9  }
0x410: {  	v60 =	vmul.f32 v2, v2;
	v6 =	vadd.f32 v59, v6;
	v59 =	vld [tilespmem:s8+$0xFFFFFF60];
	[tilespmem:v63+s29+$0x0] =	vst.idx.msk $0xffff, v1  }
0x411: {  	v5 =	vadd.f32 v10, v5;
	v2 =	vadd.f32 v2, v56;
	v56 =	vmul.f32 v38, v38;
	v14 =	vld [tilespmem:$0x1FEA0]  }
0x412: {  	v38 =	vadd.f32 v38, v54;
	v4 =	vadd.f32 v60, v4;
	v60 =	vmul.f32 v36, v36;
	v8 =	vld.idx.msk [tilespmem:v8+s17+$0x0], $0xffff  }
0x413: {  	v49 =	vmul.f32 v39, v39;
	v12 =	vadd.f32 v28, v12;
	v61 =	vadd.f32 v62, v45  }
0x414: {  	v57 =	vor.u32 v20, v58;
	v46 =	vld [tilespmem:s6+$0x0];
	v2 =	vadd.f32 v36, v2;
	v3 =	vadd.f32 v60, v4  }
0x415: {  	v30 =	vld.idx.msk [tilespmem:v30+s17+$0x0], $0xffff;
	v54 =	vadd.s32 s2, v22;
	v4 =	vadd.f32 v61, v13;
	v13 =	vadd.f32 v59, v40  }
0x416: {  	v1 =	vld [tilespmem:s6+$0xFFFFFF70];
	v45 =	vor.u32 v21, v55;
	v48 =	vmul.f32 v14, v14;
	v39 =	vadd.f32 v39, v14  }
0x417: {  	v51 =	vmul.f32 v29, v29;
	v50 =	vld [tilespmem:s1+$0xFFFFFF70];
	v62 =	vadd.f32 v43, v26;
	v8 =	vadd.f32 v13, v8  }
0x418: {  	v63 =	vadd.s32 s2, v16;
	[tilespmem:s6+$0xFFFFFFF0] =	vst v4;
	v13 =	vadd.f32 v49, v48;
	v28 =	vadd.f32 v29, v39;
	v29 =	vld.idx.msk [tilespmem:v32+s17+$0x0], $0xffff  }
0x419: {  	v47 =	vor.u32 v21, v58;
	v0 =	vadd.f32 v56, v0;
	v2 =	vadd.f32 v35, v2;
	v52 =	vld [tilespmem:s8+$0x0];
	[tilespmem:s6+$0xFFFFFF60] =	vst v8  }
0x41a: {  	v11 =	vadd.f32 v62, v30;
	v30 =	vmul.f32 v33, v33;
	v13 =	vadd.f32 v51, v13;
	v55 =	vld [tilespmem:s8+$0xFFFFFF70]  }
0x41b: {  	[tilespmem:s4+$0x0] =	vst v10;
	v26 =	vadd.f32 v9, v38;
	v56 =	vld.idx.msk [tilespmem:v45+s17+$0x0], $0xffff;
	v58 =	vadd.f32 v33, v28  }
0x41c: {  	v28 =	vmul.f32 v27, v27;
	v59 =	vld.idx.msk [tilespmem:v57+s17+$0x0], $0xffff;
	v13 =	vadd.f32 v30, v13;
	v30 =	vadd.f32 v50, v53  }
0x41d: {  	v9 =	vmul.f32 v9, v9;
	[tilespmem:v63+s29+$0x0] =	vst.idx.msk $0xffff, v5;
	v10 =	vadd.f32 v27, v58  }
0x41e: {  	v27 =	vmul.f32 v34, v34;
	v13 =	vadd.f32 v28, v13;
	v28 =	vadd.f32 v30, v29  }
0x41f: {  	v60 =	vadd.s32 s13, v16;
	[tilespmem:v54+s29+$0x0] =	vst.idx.msk $0xffff, v6;
	v29 =	vadd.f32 v52, v46;
	v1 =	vadd.f32 v55, v1  }
0x420: {  	v36 =	vmul.f32 v35, v35;
	v0 =	vadd.f32 v9, v0;
	v13 =	vadd.f32 v27, v13;
	[tilespmem:s4+$0xFFFFFF70] =	vst v28  }
0x421: {  	v27 =	vmul.f32 v4, v4;
	v9 =	vadd.f32 v29, v56;
	v29 =	vld [tilespmem:s1+$0xFFFFFF80];
	v1 =	vadd.f32 v1, v59  }
0x422: {  	v61 =	vadd.s32 s13, v22;
	v62 =	vld [tilespmem:s6+$0xFFFFFF80];
	v7 =	vadd.f32 v11, v7;
	[tilespmem:s18+$0xFFFFFF80] =	vst v11;
	v30 =	vmul.f32 v11, v11  }
0x423: {  	v10 =	vadd.f32 v34, v10;
	v33 =	vadd.f32 v27, v13;
	v13 =	vld.idx.msk [tilespmem:v31+s17+$0x0], $0xffff;
	[tilespmem:s6+$0xFFFFFF70] =	vst v1  }
0x424: {  	v3 =	vadd.f32 v36, v3;
	v38 =	vadd.s32 s7, v22;
	[tilespmem:v60+s29+$0x0] =	vst.idx.msk $0xffff, v7;
	v34 =	vadd.s32 s7, v16;
	v27 =	vld [tilespmem:s8+$0xFFFFFF80]  }
0x425: {  	v63 =	vadd.f32 v30, v12;
	v4 =	vadd.f32 v4, v10;
	v12 =	vmul.f32 v9, v9  }
0x426: {  	v2 =	vadd.f32 v8, v2;
	v8 =	vmul.f32 v8, v8;
	v40 =	vld.idx.msk [tilespmem:v47+s17+$0x0], $0xffff;
	v39 =	vadd.f32 v29, v44  }
0x427: {  	v41 =	vadd.s32 s22, v16;
	v4 =	vadd.f32 v9, v4;
	[tilespmem:v61+s29+$0x0] =	vst.idx.msk $0xffff, v63;
	v37 =	vadd.f32 v12, v33  }
0x428: {  	[tilespmem:s6+$0x0] =	vst v9;
	v12 =	vadd.f32 v28, v26;
	v26 =	vmul.f32 v28, v28;
	v7 =	vadd.f32 v39, v13  }
0x429: {  	v42 =	vadd.s32 s22, v22;
	v3 =	vadd.f32 v8, v3;
	[tilespmem:v34+s29+$0x0] =	vst.idx.msk $0xffff, v4;
	v43 =	vadd.f32 v27, v62  }
0x42a: {  	v0 =	vadd.f32 v26, v0;
	v44 =	vadd.f32 v7, v12;
	v12 =	vmul.f32 v7, v7  }
0x42b: {  	v46 =	vadd.s32 s3, v16;
	v45 =	vmul.f32 v1, v1;
	[tilespmem:v38+s29+$0x0] =	vst.idx.msk $0xffff, v37;
	v5 =	vadd.f32 v43, v40  }
0x42c: {  	v1 =	vadd.f32 v1, v2;
	v2 =	vadd.s32 s3, v22;
	[tilespmem:s4+$0xFFFFFF80] =	vst v7;
	v0 =	vadd.f32 v12, v0  }
0x42d: {  	v3 =	vadd.f32 v45, v3;
	[tilespmem:v41+s29+$0x0] =	vst.idx.msk $0xffff, v44;
	v47 =	vmul.f32 v5, v5  }
0x42e: {  	[tilespmem:v42+s29+$0x0] =	vst.idx.msk $0xffff, v0;
	v0 =	vadd.f32 v5, v1  }
0x42f: {  	[tilespmem:s6+$0xFFFFFF80] =	vst v5;
	v1 =	vadd.f32 v47, v3  }
0x430: {  	[tilespmem:v46+s29+$0x0] =	vst.idx.msk $0xffff, v0  }
0x431: {  	s0 =	simm.s32 $0x0;
	[tilespmem:v2+s29+$0x0] =	vst.idx.msk $0xffff, v1  }
0x432: {  	v1 =	vld [tilespmem:s0+$0x1A900]  }
0x433: {  	v2 =	vld [tilespmem:s0+$0x1A950]  }
0x434: {  	v0 =	vld [tilespmem:s0+$0x1AE00]  }
0x435: {  	v4 =	vld [tilespmem:s0+$0x1A9A0]  }
0x436: {  	v3 =	vld [tilespmem:s0+$0x1AE50]  }
0x437: {  	v5 =	vld [tilespmem:s0+$0x1A9F0]  }
0x438: {  	v48 =	vld [tilespmem:s0+$0x1AEA0];
	v1 =	vadd.f32 v2, v1  }
0x439: {  	v2 =	vld [tilespmem:s0+$0x1AA40]  }
0x43a: {  	v7 =	vld [tilespmem:s0+$0x1AEF0];
	v1 =	vadd.f32 v4, v1  }
0x43b: {  	v0 =	vadd.f32 v3, v0;
	v3 =	vld [tilespmem:s0+$0x1AA90]  }
0x43c: {  	v49 =	vld [tilespmem:s0+$0x1AF40];
	v1 =	vadd.f32 v5, v1  }
0x43d: {  	v50 =	vld [tilespmem:s0+$0x1AAE0]  }
0x43e: {  	v51 =	vld [tilespmem:s0+$0x1AF90];
	v0 =	vadd.f32 v48, v0;
	v1 =	vadd.f32 v2, v1  }
0x43f: {  	v2 =	vld [tilespmem:s0+$0x1AB30]  }
0x440: {  	v52 =	vld [tilespmem:s0+$0x1AFE0];
	v0 =	vadd.f32 v7, v0;
	v1 =	vadd.f32 v3, v1  }
0x441: {  	v3 =	vld [tilespmem:s0+$0x1AB80]  }
0x442: {  	v53 =	vld [tilespmem:s0+$0x1B030];
	v0 =	vadd.f32 v49, v0;
	v1 =	vadd.f32 v50, v1  }
0x443: {  	v54 =	vld [tilespmem:s0+$0x1ABD0]  }
0x444: {  	v55 =	vld [tilespmem:s0+$0x1B080];
	v0 =	vadd.f32 v51, v0;
	v1 =	vadd.f32 v2, v1  }
0x445: {  	v2 =	vld [tilespmem:s0+$0x1AC20]  }
0x446: {  	v56 =	vld [tilespmem:s0+$0x1B0D0];
	v0 =	vadd.f32 v52, v0;
	v1 =	vadd.f32 v3, v1  }
0x447: {  	v3 =	vld [tilespmem:s0+$0x1AC70]  }
0x448: {  	v57 =	vld [tilespmem:s0+$0x1B120];
	v0 =	vadd.f32 v53, v0;
	v1 =	vadd.f32 v54, v1  }
0x449: {  	v58 =	vld [tilespmem:s0+$0x1ACC0]  }
0x44a: {  	v59 =	vld [tilespmem:s0+$0x1B170];
	v0 =	vadd.f32 v55, v0;
	v1 =	vadd.f32 v2, v1  }
0x44b: {  	v2 =	vld [tilespmem:s0+$0x1AD10]  }
0x44c: {  	v0 =	vadd.f32 v56, v0;
	v1 =	vadd.f32 v3, v1  }
0x44d: {  	v60 =	vld [tilespmem:s0+$0x1B1C0]  }
0x44e: {  	v61 =	vld [tilespmem:s0+$0x1B210];
	v0 =	vadd.f32 v57, v0;
	v1 =	vadd.f32 v58, v1  }
0x44f: {  	v3 =	vld [tilespmem:s0+$0x1AD60]  }
0x450: {  	v28 =	vld [tilespmem:s0+$0x1ADB0];
	v62 =	vadd.f32 v59, v0;
	v63 =	vadd.f32 v2, v1  }
0x451: {  	v0 =	vld [tilespmem:s0+$0x1B260]  }
0x452: {  	s1 =	simm.s32 $0x10;
	v26 =	vld [tilespmem:s0+$0x1B2B0];
	v5 =	vadd.f32 v60, v62  }
0x453: {  	v15 =	vmov v17;
	v1 =	vld [tilespmem:s1+$0x1AE00]  }
0x454: {  	s2 =	simm.s32 $0x80;
	v14 =	vmovc v16;
	v16 =	vmovc v18;
	v2 =	vld [tilespmem:s1+$0x1A900];
	v27 =	vadd.f32 v61, v5;
	v29 =	vadd.f32 v3, v63;
	v63 =	vmov v19  }
.LBB2_13:
0x455: {  	p1 =	sne.s32 s2, $0x100;
	v3 =	vld [tilespmem:s1+$0x1A950]  }
0x456: {  	v4 =	vld [tilespmem:s1+$0x1AE50];
	v5 =	vadd.f32 v28, v29;
	v0 =	vadd.f32 v0, v27  }
0x457: {  	v6 =	vld [tilespmem:s1+$0x1A9A0]  }
0x458: {  	v7 =	vld [tilespmem:s1+$0x1A9F0];
	v0 =	vadd.f32 v26, v0;
	v5 =	vmul.f32 $7.812500000e-03, v5  }
0x459: {  	v8 =	vld [tilespmem:s1+$0x1AEA0]  }
0x45a: {  	v2 =	vadd.f32 v3, v2;
	v3 =	vld [tilespmem:s1+$0x1AA40];
	v0 =	vmul.f32 $7.812500000e-03, v0;
	v9 =	vmul.f32 v5, v5;
	[tilespmem:s0+$0x1B300] =	vst v5  }
0x45b: {  	v1 =	vadd.f32 v4, v1;
	v4 =	vld [tilespmem:s1+$0x1AEF0]  }
0x45c: {  	v2 =	vadd.f32 v6, v2;
	v5 =	vld [tilespmem:s1+$0x1AA90];
	v0 =	vsub.f32 v0, v9  }
0x45d: {  	v6 =	vld [tilespmem:s1+$0x1AF40]  }
0x45e: {  	v2 =	vadd.f32 v7, v2;
	v7 =	vld [tilespmem:s1+$0x1AAE0];
	v1 =	vadd.f32 v8, v1;
	v0 =	vmax.f32 v0, $0.0e+00  }
0x45f: {  	v8 =	vld [tilespmem:s1+$0x1AF90];
	v0 =	vadd.f32 $9.999999960e-13, v0  }
0x460: {  	v2 =	vadd.f32 v3, v2;
	v3 =	vld [tilespmem:s1+$0x1AB30];
	v1 =	vadd.f32 v4, v1  }
0x461: {  	v4 =	vld [tilespmem:s1+$0x1AFE0];
	v9 =	vshra.s32 v0, $0x1;
	v0 =	vmul.f32 $5.000000000e-01, v0  }
0x462: {  	v2 =	vadd.f32 v5, v2;
	v5 =	vld [tilespmem:s1+$0x1AB80];
	v1 =	vadd.f32 v6, v1;
	v6 =	vsub.s32 $0x5F3759DF, v9  }
0x463: {  	v9 =	vld [tilespmem:s1+$0x1B030];
	v10 =	vmul.f32 v6, v0  }
0x464: {  	v2 =	vadd.f32 v7, v2;
	v7 =	vld [tilespmem:s1+$0x1ABD0];
	v1 =	vadd.f32 v8, v1  }
0x465: {  	v8 =	vld [tilespmem:s1+$0x1B080];
	v10 =	vmul.f32 v6, v10  }
0x466: {  	v2 =	vadd.f32 v3, v2;
	v3 =	vld [tilespmem:s1+$0x1AC20];
	v1 =	vadd.f32 v4, v1  }
0x467: {  	v4 =	vld [tilespmem:s1+$0x1B0D0];
	v10 =	vsub.f32 $1.500000000e+00, v10  }
0x468: {  	v2 =	vadd.f32 v5, v2;
	v5 =	vld [tilespmem:s1+$0x1AC70];
	v1 =	vadd.f32 v9, v1  }
0x469: {  	v9 =	vld [tilespmem:s1+$0x1B120];
	v6 =	vmul.f32 v6, v10  }
0x46a: {  	v2 =	vadd.f32 v7, v2;
	v7 =	vld [tilespmem:s1+$0x1ACC0];
	v1 =	vadd.f32 v8, v1  }
0x46b: {  	v8 =	vld [tilespmem:s1+$0x1B170];
	v0 =	vmul.f32 v6, v0  }
0x46c: {  	v2 =	vadd.f32 v3, v2;
	v3 =	vld [tilespmem:s1+$0x1AD10];
	v1 =	vadd.f32 v4, v1  }
0x46d: {  	v4 =	vld [tilespmem:s1+$0x1B1C0];
	v0 =	vmul.f32 v0, v6  }
0x46e: {  	v2 =	vadd.f32 v5, v2;
	v5 =	vld [tilespmem:s1+$0x1AD60];
	v1 =	vadd.f32 v9, v1  }
0x46f: {  	v9 =	vld [tilespmem:s1+$0x1B210];
	v10 =	vsub.f32 $1.500000000e+00, v0  }
.Ltmp7:
0x470: {  	v2 =	vadd.f32 v7, v2;
	v28 =	vld [tilespmem:s1+$0x1ADB0];
	v1 =	vadd.f32 v8, v1;
	(pc) =	sbr.rel @p1 .LBB2_13-.Ltmp7, $4  }
0x471: {  	v0 =	vld [tilespmem:s1+$0x1B260];
	v6 =	vmul.f32 v10, v6  }
0x472: {  	s3 =	sshra.s32 s2, $0x2;
	v3 =	vadd.f32 v3, v2;
	v4 =	vadd.f32 v4, v1;
	v26 =	vld [tilespmem:s1+$0x1B2B0]  }
0x473: {  	v1 =	vld [tilespmem:s3+$0x1AE00];
	[tilespmem:s0+$0x1B380] =	vst v6;
	s0 =	smov.u32 s1;
	s1 =	smov.u32 s3  }
0x474: {  	s2 =	sadd.s32 $0x40, s2;
	v2 =	vld [tilespmem:s1+$0x1A900];
	v29 =	vadd.f32 v5, v3;
	v27 =	vadd.f32 v9, v4  }
0x475: {  	v3 =	vld [tilespmem:s1+$0x1A950]  }
0x476: {  	v4 =	vld [tilespmem:s1+$0x1AE50];
	v5 =	vadd.f32 v28, v29  }
0x477: {  	v6 =	vld [tilespmem:s1+$0x1A9A0]  }
0x478: {  	v7 =	vld [tilespmem:s1+$0x1A9F0];
	v5 =	vmul.f32 $7.812500000e-03, v5  }
0x479: {  	v8 =	vld [tilespmem:s1+$0x1AEA0]  }
0x47a: {  	v9 =	vld [tilespmem:s1+$0x1AA40];
	v2 =	vadd.f32 v3, v2;
	[tilespmem:s0+$0x1B300] =	vst v5  }
0x47b: {  	v3 =	vld [tilespmem:s1+$0x1AEF0]  }
0x47c: {  	v1 =	vadd.f32 v4, v1;
	v56 =	vld [tilespmem:s1+$0x1AA90];
	v2 =	vadd.f32 v6, v2  }
0x47d: {  	v57 =	vld [tilespmem:s1+$0x1AF40]  }
0x47e: {  	v58 =	vld [tilespmem:s1+$0x1AAE0];
	v1 =	vadd.f32 v8, v1;
	v2 =	vadd.f32 v7, v2  }
0x47f: {  	v59 =	vld [tilespmem:s1+$0x1AF90]  }
0x480: {  	v60 =	vld [tilespmem:s1+$0x1AB30];
	v2 =	vadd.f32 v9, v2;
	v1 =	vadd.f32 v3, v1  }
0x481: {  	v3 =	vld [tilespmem:s1+$0x1AFE0]  }
0x482: {  	v61 =	vld [tilespmem:s1+$0x1AB80];
	v2 =	vadd.f32 v56, v2;
	v1 =	vadd.f32 v57, v1  }
0x483: {  	v62 =	vld [tilespmem:s1+$0x1B030]  }
0x484: {  	v32 =	vld [tilespmem:s1+$0x1ABD0];
	v2 =	vadd.f32 v58, v2;
	v1 =	vadd.f32 v59, v1  }
0x485: {  	v33 =	vld [tilespmem:s1+$0x1B080]  }
0x486: {  	v34 =	vld [tilespmem:s1+$0x1AC20];
	v2 =	vadd.f32 v60, v2;
	v1 =	vadd.f32 v3, v1  }
0x487: {  	v3 =	vld [tilespmem:s1+$0x1B0D0]  }
0x488: {  	v35 =	vld [tilespmem:s1+$0x1AC70];
	v2 =	vadd.f32 v61, v2;
	v1 =	vadd.f32 v62, v1  }
0x489: {  	v36 =	vld [tilespmem:s1+$0x1B120]  }
0x48a: {  	v37 =	vld [tilespmem:s1+$0x1ACC0];
	v2 =	vadd.f32 v32, v2;
	v1 =	vadd.f32 v33, v1  }
0x48b: {  	v38 =	vld [tilespmem:s1+$0x1B170]  }
0x48c: {  	v39 =	vld [tilespmem:s1+$0x1AD10];
	v2 =	vadd.f32 v34, v2;
	v1 =	vadd.f32 v3, v1  }
0x48d: {  	v3 =	vld [tilespmem:s1+$0x1B1C0]  }
0x48e: {  	v40 =	vld [tilespmem:s1+$0x1AD60];
	v2 =	vadd.f32 v35, v2;
	v1 =	vadd.f32 v36, v1  }
0x48f: {  	v41 =	vld [tilespmem:s1+$0x1B210]  }
0x490: {  	v42 =	vld [tilespmem:s1+$0x1ADB0];
	v2 =	vadd.f32 v37, v2;
	v1 =	vadd.f32 v38, v1  }
0x491: {  	v43 =	vld [tilespmem:s1+$0x1B260]  }
0x492: {  	v2 =	vadd.f32 v39, v2;
	v1 =	vadd.f32 v3, v1  }
0x493: {  	v0 =	vadd.f32 v0, v27;
	v3 =	vld [tilespmem:s1+$0x1B2B0]  }
0x494: {  	v2 =	vadd.f32 v40, v2;
	v1 =	vadd.f32 v41, v1  }
0x495: {  	v0 =	vadd.f32 v26, v0  }
0x496: {  	v2 =	vadd.f32 v42, v2;
	v1 =	vadd.f32 v43, v1  }
0x497: {  	v0 =	vmul.f32 $7.812500000e-03, v0  }
0x498: {  	v44 =	vmul.f32 v5, v5;
	v1 =	vadd.f32 v3, v1;
	v2 =	vmul.f32 $7.812500000e-03, v2;
	_ =	sdelay $0x1  }
0x499: {  	v0 =	vsub.f32 v0, v44;
	v1 =	vmul.f32 $7.812500000e-03, v1;
	v3 =	vmul.f32 v2, v2;
	_ =	sdelay $0x1  }
0x49a: {  	v0 =	vmax.f32 v0, $0.0e+00;
	v1 =	vsub.f32 v1, v3  }
0x49b: {  	v0 =	vadd.f32 $9.999999960e-13, v0  }
0x49c: {  	v1 =	vmax.f32 v1, $0.0e+00  }
0x49d: {  	v3 =	vshra.s32 v0, $0x1;
	v0 =	vmul.f32 $5.000000000e-01, v0;
	v1 =	vadd.f32 $9.999999960e-13, v1  }
0x49e: {  	v3 =	vsub.s32 $0x5F3759DF, v3  }
0x49f: {  	v45 =	vmul.f32 v3, v0;
	v46 =	vshra.s32 v1, $0x1;
	v1 =	vmul.f32 $5.000000000e-01, v1  }
0x4a0: {  	v5 =	vsub.s32 $0x5F3759DF, v46  }
0x4a1: {  	v4 =	vmul.f32 v3, v45;
	v47 =	vmul.f32 v5, v1;
	_ =	sdelay $0x1  }
0x4a2: {  	v4 =	vsub.f32 $1.500000000e+00, v4;
	v6 =	vmul.f32 v5, v47;
	_ =	sdelay $0x1  }
0x4a3: {  	v3 =	vmul.f32 v3, v4;
	v48 =	vsub.f32 $1.500000000e+00, v6;
	_ =	sdelay $0x1  }
0x4a4: {  	v0 =	vmul.f32 v3, v0;
	v4 =	vmul.f32 v5, v48;
	_ =	sdelay $0x1  }
0x4a5: {  	v0 =	vmul.f32 v0, v3;
	v1 =	vmul.f32 v4, v1;
	_ =	sdelay $0x1  }
0x4a6: {  	v0 =	vsub.f32 $1.500000000e+00, v0;
	v1 =	vmul.f32 v1, v4;
	_ =	sdelay $0x1  }
0x4a7: {  	v0 =	vmul.f32 v0, v3;
	v1 =	vsub.f32 $1.500000000e+00, v1;
	_ =	sdelay $0x1  }
0x4a8: {  	[tilespmem:s0+$0x1B380] =	vst v0;
	v0 =	vmul.f32 v1, v4  }
0x4a9: {  	[tilespmem:s1+$0x1B300] =	vst v2  }
0x4aa: {  	[tilespmem:s1+$0x1B380] =	vst v0;
	s1 =	simm.s32 $0x0  }
0x4ab: {  	v18 =	vld [tilespmem:$0x1FEF0];
	s2 =	sand.u32 $0x70, s1  }
0x4ac: {  	s0 =	simm.s32 $0x30F0;
	v3 =	vld [tilespmem:s2+$0x1B300]  }
0x4ad: {  	v0 =	vld [tilespmem:s0+$0xFFFFFF20]  }
0x4ae: {  	v50 =	vld [tilespmem:s2+$0x1B380]  }
0x4af: {  	v19 =	vld [tilespmem:$0x1FF00];
	s3 =	sand.u32 $0xE, s1  }
0x4b0: {  	v20 =	vld [tilespmem:$0x1FF10];
	v52 =	vmov s3  }
0x4b1: {  	v21 =	vld [tilespmem:$0x1FF20];
	v10 =	vperm.xlane v3, v52  }
0x4b2: {  	v40 =	vld [tilespmem:$0x1FF70]  }
0x4b3: {  	v1 =	vld [tilespmem:s0+$0xFFFFFF10];
	v7 =	vperm.xlane v50, v52;
	v0 =	vsub.f32 v0, v10  }
0x4b4: {  	v11 =	vld [tilespmem:s0+$0xFFFFFF50]  }
0x4b5: {  	s23 =	simm.s32 $0x1;
	v53 =	vld [tilespmem:s0+$0xFFFFFFB0];
	v0 =	vmul.f32 v0, v7  }
0x4b6: {  	v49 =	vld [tilespmem:s0+$0xFFFFFF40];
	s2 =	sand.u32 $0xF, s23  }
0x4b7: {  	v2 =	vld [tilespmem:s0+$0xFFFFFF80];
	v54 =	vmov s2;
	v59 =	vmul.f32 v0, v18  }
0x4b8: {  	v41 =	vld [tilespmem:$0x1FF80];
	v28 =	vperm.xlane v3, v54;
	v1 =	vsub.f32 v1, v10  }
0x4b9: {  	v13 =	vld [tilespmem:s0+$0xFFFFFF90];
	v56 =	vsub.f32 v11, v10;
	v11 =	vadd.f32 v59, v40  }
0x4ba: {  	v51 =	vld [tilespmem:s0+$0xFFFFFF30];
	v27 =	vperm.xlane v50, v54;
	v26 =	vmul.f32 v1, v7;
	v1 =	vsub.f32 v53, v28  }
0x4bb: {  	v12 =	vld [tilespmem:s0+$0xFFFFFF70];
	v4 =	vsub.f32 v49, v10;
	[tilespmem:s0+$0xFFFFFF20] =	vst v11  }
0x4bc: {  	v2 =	vsub.f32 v2, v10;
	v1 =	vmul.f32 v1, v27;
	v42 =	vld [tilespmem:$0x1FF90]  }
0x4bd: {  	v4 =	vmul.f32 v4, v7;
	v6 =	vmul.f32 v56, v7;
	v43 =	vld [tilespmem:$0x1FFA0]  }
0x4be: {  	v57 =	vld [tilespmem:s0+$0xFFFFFFE0];
	v0 =	vmul.f32 v2, v7;
	v2 =	vsub.f32 v13, v28;
	v13 =	vmul.f32 v1, v19  }
0x4bf: {  	v3 =	vld [tilespmem:s0+$0xFFFFFF60];
	v4 =	vmul.f32 v4, v20  }
0x4c0: {  	v58 =	vld [tilespmem:s0+$0xFFFFFFC0];
	v6 =	vmul.f32 v6, v21;
	v61 =	vadd.f32 v13, v41  }
0x4c1: {  	v32 =	vld [tilespmem:s0+$0xFFFFFFD0];
	v4 =	vadd.f32 v4, v42  }
0x4c2: {  	v37 =	vld [tilespmem:$0x1FF40];
	[tilespmem:s0+$0xFFFFFFB0] =	vst v61;
	v6 =	vadd.f32 v6, v43  }
0x4c3: {  	v33 =	vld [tilespmem:s0+$0xFFFFFFF0];
	v55 =	vsub.f32 v51, v10;
	[tilespmem:s0+$0xFFFFFF40] =	vst v4  }
0x4c4: {  	v3 =	vsub.f32 v3, v10;
	v10 =	vsub.f32 v12, v10;
	v12 =	vld [tilespmem:s0+$0xFFFFFFA0];
	[tilespmem:s0+$0xFFFFFF50] =	vst v6  }
0x4c5: {  	v22 =	vld [tilespmem:$0x1FF30]  }
0x4c6: {  	v60 =	vmul.f32 v10, v7;
	v1 =	vld [tilespmem:s0+$0x0]  }
0x4c7: {  	v62 =	vsub.f32 v58, v28;
	v30 =	vmul.f32 v55, v7  }
0x4c8: {  	v32 =	vsub.f32 v32, v28;
	v3 =	vmul.f32 v3, v7;
	v5 =	vmul.f32 v60, v37;
	v17 =	vld [tilespmem:$0x1FEE0]  }
0x4c9: {  	v34 =	vsub.f32 v57, v28;
	v36 =	vmul.f32 v62, v27;
	v29 =	vmul.f32 v2, v27;
	v38 =	vld [tilespmem:$0x1FF50]  }
0x4ca: {  	s2 =	simm.s32 $0x31F0;
	v31 =	vsub.f32 v12, v28;
	v2 =	vadd.f32 v5, v24;
	v39 =	vld [tilespmem:$0x1FF60];
	v35 =	vmul.f32 v3, v22  }
.LBB2_15:
0x4cb: {  	v3 =	vld [tilespmem:s2+$0xFFFFFF20];
	v4 =	vmul.f32 v34, v27;
	v5 =	vsub.f32 v33, v28;
	v1 =	vsub.f32 v1, v28;
	s3 =	smov.u32 s1;
	s1 =	sadd.s32 $0x2, s1  }
0x4cc: {  	v8 =	vmul.f32 v32, v27;
	s4 =	sand.u32 $0x70, s1;
	v6 =	vld [tilespmem:s2+$0xFFFFFF10];
	p1 =	slt.u32 s1, $0x4E;
	v7 =	vadd.f32 v35, v23;
	[tilespmem:s0+$0xFFFFFF70] =	vst v2;
	v2 =	vmul.f32 v36, v20  }
0x4cd: {  	v10 =	vmul.f32 v30, v19;
	v9 =	vld [tilespmem:s2+$0xFFFFFF80];
	v5 =	vmul.f32 v5, v27  }
0x4ce: {  	v1 =	vmul.f32 v1, v27;
	v11 =	vld [tilespmem:s2+$0xFFFFFF40];
	[tilespmem:s0+$0xFFFFFF60] =	vst v7;
	v7 =	vmul.f32 v31, v27;
	v2 =	vadd.f32 v2, v42  }
0x4cf: {  	v0 =	vmul.f32 v0, v38;
	s3 =	sadd.s32 $0x3, s3;
	v10 =	vadd.f32 v10, v41;
	v12 =	vld [tilespmem:s4+$0x1B300];
	v5 =	vmul.f32 v5, v37  }
0x4d0: {  	s5 =	sand.u32 $0xE, s1;
	s3 =	sand.u32 $0xF, s3;
	v1 =	vmul.f32 v1, v38;
	v13 =	vld [tilespmem:s2+$0xFFFFFF30];
	v7 =	vmul.f32 v7, v18;
	[tilespmem:s0+$0xFFFFFFC0] =	vst v2  }
0x4d1: {  	v0 =	vadd.f32 v0, v25;
	v30 =	vmov s3;
	v2 =	vmov s5;
	v27 =	vld [tilespmem:s4+$0x1B380];
	[tilespmem:s0+$0xFFFFFF30] =	vst v10  }
0x4d2: {  	v26 =	vmul.f32 v26, v17;
	v5 =	vadd.f32 v5, v24;
	v1 =	vadd.f32 v1, v25;
	v10 =	vld [tilespmem:s2+$0xFFFFFF90]  }
0x4d3: {  	v4 =	vmul.f32 v4, v22;
	v7 =	vadd.f32 v7, v40;
	v31 =	vld [tilespmem:s2+$0xFFFFFFB0];
	[tilespmem:s0+$0xFFFFFF80] =	vst v0;
	v0 =	vmul.f32 v29, v17  }
0x4d4: {  	v29 =	vperm.xlane v12, v2;
	v32 =	vld [tilespmem:s2+$0xFFFFFF50];
	v28 =	vperm.xlane v12, v30;
	v12 =	vadd.f32 v26, v39;
	[tilespmem:s0+$0xFFFFFFF0] =	vst v5  }
0x4d5: {  	v8 =	vmul.f32 v8, v21;
	v4 =	vadd.f32 v4, v23;
	v5 =	vld [tilespmem:s2+$0xFFFFFF60];
	v0 =	vadd.f32 v0, v39;
	[tilespmem:s0+$0x0] =	vst v1  }
0x4d6: {  	v2 =	vperm.xlane v27, v2;
	v1 =	vsub.f32 v6, v29;
	v6 =	vsub.f32 v11, v29;
	v11 =	vld [tilespmem:s2+$0xFFFFFF70];
	[tilespmem:s0+$0xFFFFFF10] =	vst v12  }
0x4d7: {  	v3 =	vsub.f32 v3, v29;
	v9 =	vsub.f32 v9, v29;
	v27 =	vperm.xlane v27, v30;
	[tilespmem:s0+$0xFFFFFFA0] =	vst v7  }
0x4d8: {  	v7 =	vsub.f32 v13, v29;
	v26 =	vmul.f32 v1, v2;
	v1 =	vsub.f32 v31, v28;
	[tilespmem:s0+$0xFFFFFFE0] =	vst v4  }
0x4d9: {  	v3 =	vmul.f32 v3, v2;
	v4 =	vsub.f32 v32, v29;
	v12 =	vld [tilespmem:s2+$0xFFFFFFE0];
	[tilespmem:s0+$0xFFFFFF90] =	vst v0;
	v0 =	vadd.f32 v8, v43  }
0x4da: {  	v6 =	vmul.f32 v6, v2;
	v5 =	vsub.f32 v5, v29;
	v1 =	vmul.f32 v1, v27;
	v8 =	vld [tilespmem:s2+$0xFFFFFFC0]  }
0x4db: {  	v3 =	vmul.f32 v3, v18;
	v4 =	vmul.f32 v4, v2;
	v11 =	vsub.f32 v11, v29;
	v13 =	vld [tilespmem:s2+$0xFFFFFFA0];
	[tilespmem:s0+$0xFFFFFFD0] =	vst v0;
	s0 =	smov.u32 s2  }
0x4dc: {  	v0 =	vmul.f32 v9, v2;
	v9 =	vsub.f32 v10, v28;
	v10 =	vmul.f32 v1, v19;
	v32 =	vld [tilespmem:s2+$0xFFFFFFD0]  }
0x4dd: {  	v6 =	vmul.f32 v6, v20;
	v3 =	vadd.f32 v3, v40;
	v4 =	vmul.f32 v4, v21;
	v1 =	vld [tilespmem:s2+$0x0]  }
.Ltmp8:
0x4de: {  	v30 =	vmul.f32 v7, v2;
	v7 =	vmul.f32 v11, v2;
	v10 =	vadd.f32 v10, v41;
	v33 =	vld [tilespmem:s2+$0xFFFFFFF0];
	(pc) =	sbr.rel @p1 .LBB2_15-.Ltmp8, $4  }
0x4df: {  	v2 =	vmul.f32 v5, v2;
	[tilespmem:s2+$0xFFFFFF20] =	vst v3;
	v3 =	vadd.f32 v6, v42;
	v4 =	vadd.f32 v4, v43  }
0x4e0: {  	v5 =	vmul.f32 v7, v37;
	v6 =	vsub.f32 v8, v28;
	v31 =	vsub.f32 v13, v28;
	[tilespmem:s2+$0xFFFFFFB0] =	vst v10  }
0x4e1: {  	v29 =	vmul.f32 v9, v27;
	v34 =	vsub.f32 v12, v28;
	[tilespmem:s2+$0xFFFFFF40] =	vst v3;
	v32 =	vsub.f32 v32, v28  }
0x4e2: {  	v35 =	vmul.f32 v2, v22;
	v2 =	vadd.f32 v5, v24;
	v36 =	vmul.f32 v6, v27;
	s2 =	sadd.s32 $0x100, s2;
	[tilespmem:s0+$0xFFFFFF50] =	vst v4  }
0x4e3: {  	v6 =	vmul.f32 v30, v19  }
0x4e4: {  	v3 =	vsub.f32 v33, v28;
	v0 =	vmul.f32 v0, v38;
	v5 =	vadd.f32 v35, v23  }
0x4e5: {  	v1 =	vsub.f32 v1, v28;
	v60 =	vmul.f32 v29, v17;
	[tilespmem:s0+$0xFFFFFF70] =	vst v2;
	v55 =	vadd.f32 v6, v41  }
0x4e6: {  	v57 =	vmul.f32 v34, v27;
	v4 =	vmul.f32 v36, v20;
	v0 =	vadd.f32 v0, v25;
	[tilespmem:s0+$0xFFFFFF60] =	vst v5  }
0x4e7: {  	v56 =	vmul.f32 v31, v27;
	v58 =	vmul.f32 v26, v17;
	v62 =	vadd.f32 v60, v39;
	[tilespmem:s0+$0xFFFFFF30] =	vst v55  }
0x4e8: {  	v3 =	vmul.f32 v3, v27;
	v2 =	vmul.f32 v57, v22;
	v54 =	vadd.f32 v4, v42;
	[tilespmem:s0+$0xFFFFFF80] =	vst v0  }
0x4e9: {  	v1 =	vmul.f32 v1, v27;
	v5 =	vmul.f32 v56, v18;
	v4 =	vadd.f32 v58, v39;
	[tilespmem:s0+$0xFFFFFF90] =	vst v62  }
0x4ea: {  	v59 =	vmul.f32 v32, v27;
	v3 =	vmul.f32 v3, v37;
	v61 =	vadd.f32 v2, v23;
	[tilespmem:s0+$0xFFFFFFC0] =	vst v54  }
0x4eb: {  	v1 =	vmul.f32 v1, v38;
	v5 =	vadd.f32 v5, v40;
	[tilespmem:s0+$0xFFFFFF10] =	vst v4  }
0x4ec: {  	v0 =	vmul.f32 v59, v21;
	v3 =	vadd.f32 v3, v24;
	[tilespmem:s0+$0xFFFFFFE0] =	vst v61  }
.Ltmp9:
0x4ed: {  	v1 =	vadd.f32 v1, v25;
	[tilespmem:s0+$0xFFFFFFA0] =	vst v5;
	(pc) =	sbr.rel @p0 .LBB2_18-.Ltmp9, $4  }
0x4ee: {  	s1 =	sadd.s32 s12, s10;
	v0 =	vadd.f32 v0, v43;
	[tilespmem:s0+$0xFFFFFFF0] =	vst v3  }
0x4ef: {  	s1 =	sshll.u32 s1, $0x4;
	[tilespmem:s0+$0x0] =	vst v1  }
0x4f0: {  	s23 =	sadd.s32 s14, s1;
	[tilespmem:s0+$0xFFFFFFD0] =	vst v0  }
0x4f1: {  	[hbm4b:s23+s15] =	stream.linear.scatter [tilespmem:s21], [sflag:$0x3], $0x2800, $0x38;
	[tilespmem:$0x1B400] =	vst v63  }
0x4f2: {  	s0 =	sadd.s32 s12, s11  }
0x4f3: {  	s1 =	rddreg [dreg:$0x0];
	s0 =	sshrl.u32 s0, $0x3  }
0x4f4: {  	s5 =	rddreg [dreg:$0x1];
	s1 =	sadd.s32 s1, s0  }
0x4f5: {  	[tilespmem:s30], [sflag:$0x1] =	stream.linear.gather [hbm4b:s1+s15], $0x50, $0x38;
	[tilespmem:$0x1B400] =	vst v63  }
0x4f6: {  	s2 =	simm.s32 $0x180;
	s6 =	rddreg [dreg:$0x2];
	s1 =	sadd.s32 s5, s0  }
0x4f7: {  	[tilespmem:s2], [sflag:$0x1] =	stream.linear.gather [hbm4b:s1+s15], $0x50, $0x38;
	[tilespmem:$0x1B400] =	vst v63  }
0x4f8: {  	s7 =	simm.s32 $0x280;
	s8 =	rddreg [dreg:$0x3];
	s1 =	sadd.s32 s6, s0  }
0x4f9: {  	[tilespmem:s7], [sflag:$0x1] =	stream.linear.gather [hbm4b:s1+s15], $0x50, $0x38;
	[tilespmem:$0x1B400] =	vst v63  }
0x4fa: {  	s12 =	simm.s32 $0x380;
	s13 =	rddreg [dreg:$0x4];
	s1 =	sadd.s32 s8, s0  }
0x4fb: {  	[tilespmem:s12], [sflag:$0x1] =	stream.linear.gather [hbm4b:s1+s15], $0x50, $0x38;
	[tilespmem:$0x1B400] =	vst v63  }
0x4fc: {  	s18 =	simm.s32 $0x480;
	s1 =	sadd.s32 s13, s0  }
0x4fd: {  	[tilespmem:s18], [sflag:$0x1] =	stream.linear.gather [hbm4b:s1+s15], $0x50, $0x38;
	[tilespmem:$0x1B400] =	vst v63  }
.Ltmp10:
0x4fe: {  	s19 =	rddreg [dreg:$0x5];
	(pc) =	sbr.rel .LBB2_2-.Ltmp10, $4  }
0x4ff: {  	s20 =	simm.s32 $0x580;
	s22 =	rddreg [dreg:$0x6];
	s1 =	sadd.s32 s19, s0  }
0x500: {  	v3 =	vld [tilespmem:$0x1FFD0];
	[tilespmem:s20], [sflag:$0x1] =	stream.linear.gather [hbm4b:s1+s15], $0x50, $0x38  }
0x501: {  	s23 =	simm.s32 $0x680;
	s31 =	sadd.s32 $0x1, s31;
	v4 =	vld [tilespmem:$0x1FFE0];
	s0 =	sadd.s32 s22, s0  }
0x502: {  	v13 =	vlaneseq.u32;
	v5 =	vld [tilespmem:$0x1FFF0];
	[tilespmem:s23], [sflag:$0x1] =	stream.linear.gather [hbm4b:s0+s15], $0x50, $0x38  }
.LBB2_19:
0x503: {  	_ =	sfence.sel $0x180000  }
0x504: {  	[bflag:$0x0] =	sbarrier.arrive $0xFFFF  }
0x505: {  	_ =	strace $0x90000047  }
0x506: {  	s0 =	stileid.u32;
	[bflag:$0x2] =	sbarrier.arrive $0xFFFF  }
0x507: {  	p0 =	sne.s32 s0, $0x0;
	s0 =	rddreg [dreg:$0xd]  }
0x508: {  	s0 =	sadd.s32 @!p0 $0x100000, s0  }
0x509: {  	[sflag:s0] =	ssyncadd.tile.s32 @!p0 $0x1;
	_ =	shalt  }
.Lfunc_end2:
_tile_overlayer_lowered:
.L_overlay_start_2:
0x50a: {  	(tag) =	ssettag $0x2  }
0x50b: {  	s0 =	rddreg [dreg:$0x0];
	s2 =	stileid.u32  }
0x50c: {  	s1 =	rddreg [dreg:$0x1];
	p0 =	sne.s32 s2, $0x0  }
0x50d: {  	s3 =	rddreg [dreg:$0x2];
	[bflag:$0x3] =	sbarrier.arrive $0xFFFF;
	s2 =	simm.s32 @!p0 $0x1C04  }
0x50e: {  	[timem:s3], [sflag:s2] =	dma.local @!p0 [hbm:s0], s1  }
0x50f: {  	s0 =	simm.s32 @!p0 $0x4  }
0x510: {  	_ =	swait.ge @!p0 [sflag:s0], s1  }
0x511: {  	s1 =	ssub.s32 @!p0 $0x0, s1;
	[sflag:s0] =	ssyncset.done @!p0 $0x0  }
0x512: {  	[sflag:s0] =	ssyncadd.s32 @!p0 s1  }
0x513: {  	[bflag:$0x3] =	sbarrier.arrive $0xFFFF  }
0x514: {  	_ =	shalt  }

</sc_bundles>
